<compile_context>
chip_gen: v7x
topology: tpu7x:2x2x1
jax: 0.10.2.dev20260603
libtpu: 0.0.44.dev20260713+nightly
codegen_flags: <defaults>
</compile_context>

<pallas_src>
import numpy as np
import jax
import jax.numpy as jnp
from jax import lax
from jax.experimental import pallas as pl
from jax.experimental.pallas import tpu as pltpu
from jax.experimental.pallas import tpu_sc as plsc

N = 10000
E = 320000
D = 128
HEADS = 4
HD = D // HEADS
G = 100
NPG = N // G
NC = 2
NS = 16
NW = NC * NS
EPW = E // NW
CK = 100
NCH = EPW // CK


def _knots(grid_size, order):
    h = np.float32(2.0 / grid_size)
    g = (np.arange(-order, grid_size + order + 1, dtype=np.float32) * h
         - np.float32(1.0))
    return [float(v) for v in g]


K3 = _knots(4, 3)
L1 = _knots(2, 1)



def _sc_deg_body(row_hbm, zero_hbm, out_hbm, idx_v, ones_v, tab):
    c = lax.axis_index("c")
    s = lax.axis_index("s")
    wid = c * NS + s
    pltpu.sync_copy(row_hbm.at[wid], idx_v)
    ones_v[0, :] = jnp.ones((CK,), jnp.float32)

    @pl.when(s == 0)
    def _zero():
        pltpu.sync_copy(zero_hbm, tab)
    plsc.subcore_barrier()

    def _scat(j, _):
        pltpu.sync_copy(ones_v, tab.at[idx_v.at[j]], add=True)
        return 0
    lax.fori_loop(0, NCH, _scat, 0)
    plsc.subcore_barrier()

    @pl.when(s == 0)
    def _out():
        pltpu.sync_copy(tab, out_hbm.at[c])


def _sc_scat_body(y_hbm, row_hbm, col_hbm, zero_hbm, out_hbm,
                  ridx_v, cidx_v, buf, acc, sem):
    c = lax.axis_index("c")
    s = lax.axis_index("s")
    wid = c * NS + s
    pltpu.sync_copy(row_hbm.at[wid], ridx_v)
    pltpu.sync_copy(col_hbm.at[wid], cidx_v)

    @pl.when(s == 0)
    def _zero():
        pltpu.sync_copy(zero_hbm, acc.at[0])
    plsc.subcore_barrier()

    def _step(j, _):
        pltpu.async_copy(y_hbm.at[ridx_v.at[j]], buf, sem).wait()
        pltpu.sync_copy(buf, acc.at[cidx_v.at[j]], add=True)
        return 0
    lax.fori_loop(0, NCH, _step, 0)
    plsc.subcore_barrier()

    @pl.when(s == 0)
    def _out():
        pltpu.sync_copy(acc.at[0], out_hbm.at[c])


_SC_CALLS = {}


def _sc_calls():
    if not _SC_CALLS:
        mesh = plsc.VectorSubcoreMesh(core_axis_name="c",
                                      subcore_axis_name="s")
        _SC_CALLS["deg"] = pl.kernel(
            _sc_deg_body,
            out_type=jax.ShapeDtypeStruct((NC, 1, N), jnp.float32),
            mesh=mesh,
            scratch_types=[
                pltpu.VMEM((NCH, 1, CK), jnp.int32),
                pltpu.VMEM((1, CK), jnp.float32),
                pltpu.VMEM_SHARED((1, N), jnp.float32),
            ],
        )
        _SC_CALLS["scat"] = pl.kernel(
            _sc_scat_body,
            out_type=jax.ShapeDtypeStruct((NC, N, D), jnp.float32),
            mesh=mesh,
            scratch_types=[
                pltpu.VMEM((NCH, 1, CK), jnp.int32),
                pltpu.VMEM((NCH, 1, CK), jnp.int32),
                pltpu.VMEM((1, CK, D), jnp.float32),
                pltpu.VMEM_SHARED((1, N, D), jnp.float32),
                pltpu.SemaphoreType.DMA,
            ],
        )
    return _SC_CALLS["deg"], _SC_CALLS["scat"]



RB = 1000


def _scale_body(x_ref, dp_ref, y_ref, dv_ref):
    d = dp_ref[0] + dp_ref[1]
    dinv = lax.rsqrt(d + 1.0)
    y_ref[...] = x_ref[...] * dinv
    dv_ref[...] = dinv


def _dgT(a, b):
    return lax.dot_general(a, b, (((1,), (1,)), ((), ())),
                           precision=lax.Precision.HIGHEST,
                           preferred_element_type=jnp.float32)


def _dg(a, b):
    return lax.dot_general(a, b, (((1,), (0,)), ((), ())),
                           precision=lax.Precision.HIGHEST,
                           preferred_element_type=jnp.float32)


def _bsplines(t, knots, order):
    nb = len(knots) - 1
    b = [((t >= knots[i]) & (t < knots[i + 1])).astype(t.dtype)
         for i in range(nb)]
    for j in range(1, order + 1):
        b = [(t - knots[i]) / (knots[i + j] - knots[i]) * b[i]
             + (knots[i + j + 1] - t) / (knots[i + j + 1] - knots[i + 1])
             * b[i + 1]
             for i in range(nb - j)]
    return b


def _kan_in128(t, bw_ref, sw_ref, knots, order, act):
    out = _dgT(act(t), bw_ref[...])
    for i, bi in enumerate(_bsplines(t, knots, order)):
        out = out + _dgT(bi, sw_ref[i])
    return out


def _kan_in16(t, bwt_ref, swt_ref, knots, order, act):
    out = _dg(act(t), bwt_ref[...])
    for i, bi in enumerate(_bsplines(t, knots, order)):
        out = out + _dg(bi, swt_ref[i])
    return out


def _ln(t):
    mu = jnp.mean(t, axis=-1, keepdims=True)
    tc = t - mu
    var = jnp.mean(tc * tc, axis=-1, keepdims=True)
    return tc / jnp.sqrt(var + 1e-5)


_SQRT_HD = float(np.sqrt(np.float32(HD)))


def _attn(q, k, v):
    parts = []
    for h in range(HEADS):
        qh = q[:, h * HD:(h + 1) * HD]
        kh = k[:, h * HD:(h + 1) * HD]
        vh = v[:, h * HD:(h + 1) * HD]
        sc = _dgT(qh, kh) / _SQRT_HD
        m = jnp.max(sc, axis=-1, keepdims=True)
        e = jnp.exp(sc - m)
        p = e / jnp.sum(e, axis=-1, keepdims=True)
        parts.append(_dg(p, vh))
    return jnp.concatenate(parts, axis=1)


def _silu(t):
    return t * (1.0 / (1.0 + jnp.exp(-t)))


def _ident(t):
    return t


GPB = 10
RW = GPB * NPG


def _proj_body(x_ref, qb, qs, kb, ks, vb, vs, q_ref, k_ref, v_ref):
    x = x_ref[...]
    q_ref[...] = _kan_in128(x, qb, qs, L1, 1, _ident)
    k_ref[...] = _kan_in128(x, kb, ks, L1, 1, _ident)
    v_ref[...] = _kan_in128(x, vb, vs, L1, 1, _ident)


def _attn_body(q_ref, k_ref, v_ref, o_ref):
    for g in range(GPB):
        o_ref[g] = _attn(q_ref[g], k_ref[g], v_ref[g])


def _final_body(x_ref, s_ref, dv_ref, ctx_ref,
                ob, osw, l1b, l1s, l2b, l2s, f1b, f1s, f2b, f2s,
                o_ref):
    x = x_ref[...]
    sagg = s_ref[0] + s_ref[1]
    dinv = dv_ref[...]
    agg = dinv * sagg + (dinv * dinv) * x

    t1 = _kan_in128(agg, l1b, l1s, K3, 3, _silu)
    h_local = _kan_in16(t1, l2b, l2s, K3, 3, _silu)

    h_attn = _kan_in128(ctx_ref[...], ob, osw, L1, 1, _ident)
    h1 = _ln(x + h_local)
    h = h1 + _ln(x + h_attn)
    t2 = _kan_in128(h, f1b, f1s, K3, 3, _silu)
    ffn = _kan_in16(t2, f2b, f2s, K3, 3, _silu)
    o_ref[...] = _ln(h + ffn)


def _whole(shape):
    nd = len(shape)
    return pl.BlockSpec(shape, lambda i, _nd=nd: (0,) * _nd)


_scale_call = pl.pallas_call(
    _scale_body,
    grid=(N // RB,),
    in_specs=[
        pl.BlockSpec((RB, D), lambda i: (i, 0)),
        pl.BlockSpec((NC, RB, 1), lambda i: (0, i, 0)),
    ],
    out_specs=[
        pl.BlockSpec((RB, D), lambda i: (i, 0)),
        pl.BlockSpec((RB, 1), lambda i: (i, 0)),
    ],
    out_shape=[
        jax.ShapeDtypeStruct((N, D), jnp.float32),
        jax.ShapeDtypeStruct((N, 1), jnp.float32),
    ],
)


_proj_call = pl.pallas_call(
    _proj_body,
    grid=(N // RW,),
    in_specs=[pl.BlockSpec((RW, D), lambda i: (i, 0))]
    + [_whole(shape) for shape in [(D, D), (3, D, D)] * 3],
    out_specs=[pl.BlockSpec((RW, D), lambda i: (i, 0))] * 3,
    out_shape=[jax.ShapeDtypeStruct((N, D), jnp.float32)] * 3,
)


_attn_call = pl.pallas_call(
    _attn_body,
    grid=(G // GPB,),
    in_specs=[pl.BlockSpec((GPB, NPG, D), lambda i: (i, 0, 0))] * 3,
    out_specs=pl.BlockSpec((GPB, NPG, D), lambda i: (i, 0, 0)),
    out_shape=jax.ShapeDtypeStruct((G, NPG, D), jnp.float32),
)


_final_call = pl.pallas_call(
    _final_body,
    grid=(N // RW,),
    in_specs=[
        pl.BlockSpec((RW, D), lambda i: (i, 0)),
        pl.BlockSpec((NC, RW, D), lambda i: (0, i, 0)),
        pl.BlockSpec((RW, 1), lambda i: (i, 0)),
        pl.BlockSpec((RW, D), lambda i: (i, 0)),
    ]
    + [_whole(shape) for shape in [(D, D), (3, D, D)]]
    + [_whole(shape) for shape in [(16, D), (7, 16, D), (16, D),
                                   (7, 16, D)] * 2],
    out_specs=pl.BlockSpec((RW, D), lambda i: (i, 0)),
    out_shape=jax.ShapeDtypeStruct((N, D), jnp.float32),
)


def _prep_weights(params):
    qkv, ow = [], []
    for name in ("q", "k", "v"):
        bw, sw = params[name]
        qkv += [bw, jnp.transpose(sw, (2, 0, 1))]
    bw, sw = params["o"]
    ow += [bw, jnp.transpose(sw, (2, 0, 1))]
    lf = []
    for name in ("local", "ffn"):
        (b1, s1), (b2, s2) = params[name]
        lf += [b1, jnp.transpose(s1, (2, 0, 1)),
               b2.T, jnp.transpose(s2, (2, 1, 0))]
    return qkv, ow, lf


def kernel(x, edge_index, batch, params):
    del batch
    ei = edge_index.astype(jnp.int32)
    row = ei[0].reshape(NW, NCH, 1, CK)
    col = ei[1].reshape(NW, NCH, 1, CK)
    z1 = jnp.zeros((1, N), jnp.float32)
    znd = jnp.zeros((N, D), jnp.float32)
    qkv, ow, lf = _prep_weights(params)
    deg_call, scat_call = _sc_calls()
    degp = deg_call(row, z1)
    degt = jnp.swapaxes(degp, 1, 2)
    y, dv = _scale_call(x, degt)
    sp = scat_call(y.reshape(1, N, D), row, col, znd)
    q, k, v = _proj_call(x, *qkv)
    ctx = _attn_call(q.reshape(G, NPG, D), k.reshape(G, NPG, D),
                     v.reshape(G, NPG, D))
    return _final_call(x, sp, dv, ctx.reshape(N, D), *ow, *lf)

# --- scband reference (transcript-rebuilt; emitter-appended) ---
"""Pipeline reference for scband-kangpslayer-62989990363551 (READ-ONLY COPY).

The authoritative reference and input builder live on the scoring server;
editing this copy changes nothing except your own understanding.
"""

import jax, jax.numpy as jnp
import numpy as np

N_NODES = 10000
N_EDGES = 320000
D = 128
HEADS = 4
HEAD_DIM = D // HEADS
N_GRAPHS = 100
NODES_PER_GRAPH = N_NODES // N_GRAPHS
GRID_SIZE = 4
SPLINE_ORDER = 3
HIDDEN = 16
LIN_GRID = 2
LIN_ORDER = 1


def make_grid(in_features, grid_size, spline_order, lo=-1.0, hi=1.0):
    h = (hi - lo) / grid_size
    g = (np.arange(-spline_order, grid_size + spline_order + 1) * h + lo).astype(np.float32)
    return jnp.asarray(np.tile(g, (in_features, 1)))


def b_splines(x, grid, k):
    # x: [N, in]; grid: [in, grid_size + 2k + 1] -> bases [N, in, grid_size + k]
    xe = x[..., None]
    bases = ((xe >= grid[:, :-1]) & (xe < grid[:, 1:])).astype(x.dtype)
    for j in range(1, k + 1):
        left = (xe - grid[:, :-(j + 1)]) / (grid[:, j:-1] - grid[:, :-(j + 1)])
        right = (grid[:, j + 1:] - xe) / (grid[:, j + 1:] - grid[:, 1:-j])
        bases = left * bases[..., :-1] + right * bases[..., 1:]
    return bases


def kan_layer(x, bw, sw, grid_size, k, base_act):
    # efficient-KAN layer: base path + spline path
    grid = make_grid(bw.shape[1], grid_size, k)
    base = base_act(x) @ bw.T
    sp = b_splines(x, grid, k)
    spline = sp.reshape(x.shape[0], -1) @ sw.reshape(sw.shape[0], -1).T
    return base + spline


def ekan(x, layers, grid_size, k, base_act):
    for bw, sw in layers:
        x = kan_layer(x, bw, sw, grid_size, k, base_act)
    return x


def layer_norm(x, eps=1e-5):
    mu = jnp.mean(x, axis=-1, keepdims=True)
    var = jnp.var(x, axis=-1, keepdims=True)
    return (x - mu) / jnp.sqrt(var + eps)


def _identity(t):
    return t


def forward(x, edge_index, batch, params):
    N = x.shape[0]
    # ---- local GCN-KAN message passing (add self loops, sym-normalized adjacency) ----
    sl = jnp.arange(N, dtype=edge_index.dtype)
    row = jnp.concatenate([edge_index[0], sl])
    col = jnp.concatenate([edge_index[1], sl])
    ew = jnp.ones(row.shape[0], dtype=x.dtype)
    deg = jax.ops.segment_sum(ew, row, num_segments=N)
    dinv = jnp.where(deg > 0, deg ** -0.5, 0.0)
    norm = dinv[row] * ew * dinv[col]
    agg = jax.ops.segment_sum(norm[:, None] * x[row], col, num_segments=N)
    h_local = ekan(agg, params['local'], GRID_SIZE, SPLINE_ORDER, jax.nn.silu)
    # ---- global KAN multi-head attention (dense per-graph blocks) ----
    q = ekan(x, [params['q']], LIN_GRID, LIN_ORDER, _identity)
    k = ekan(x, [params['k']], LIN_GRID, LIN_ORDER, _identity)
    v = ekan(x, [params['v']], LIN_GRID, LIN_ORDER, _identity)
    qd = q.reshape(N_GRAPHS, NODES_PER_GRAPH, HEADS, HEAD_DIM)
    kd = k.reshape(N_GRAPHS, NODES_PER_GRAPH, HEADS, HEAD_DIM)
    vd = v.reshape(N_GRAPHS, NODES_PER_GRAPH, HEADS, HEAD_DIM)
    scores = jnp.einsum('gqhd,gkhd->ghqk', qd, kd) / jnp.sqrt(jnp.asarray(HEAD_DIM, dtype=x.dtype))
    attn = jax.nn.softmax(scores, axis=-1)
    ctx = jnp.einsum('ghqk,gkhd->gqhd', attn, vd).reshape(N, D)
    h_attn = ekan(ctx, [params['o']], LIN_GRID, LIN_ORDER, _identity)
    # ---- GPS combine: residuals + norms + KAN feed-forward ----
    h1 = layer_norm(x + h_local)
    h2 = layer_norm(x + h_attn)
    h = h1 + h2
    out = layer_norm(h + ekan(h, params['ffn'], GRID_SIZE, SPLINE_ORDER, jax.nn.silu))
    return out


def _w(key, shape, scale):
    return scale * jax.random.normal(key, shape, dtype=jnp.float32)


def setup_inputs(seed: int = 0):
    key = jax.random.key(seed)
    ks = [jax.random.fold_in(key, i) for i in range(24)]
    x = jax.random.normal(ks[0], (N_NODES, D), dtype=jnp.float32)
    edge_index = jax.random.randint(ks[1], (2, N_EDGES), 0, N_NODES)
    batch = jnp.sort(jax.random.randint(ks[2], (N_NODES,), 0, N_GRAPHS))
    co = GRID_SIZE + SPLINE_ORDER
    lc = LIN_GRID + LIN_ORDER
    params = {
        'local': [(_w(ks[3], (HIDDEN, D), 0.1), _w(ks[4], (HIDDEN, D, co), 0.1)),
                  (_w(ks[5], (D, HIDDEN), 0.1), _w(ks[6], (D, HIDDEN, co), 0.1))],
        'ffn': [(_w(ks[7], (HIDDEN, D), 0.1), _w(ks[8], (HIDDEN, D, co), 0.1)),
                (_w(ks[9], (D, HIDDEN), 0.1), _w(ks[10], (D, HIDDEN, co), 0.1))],
        'q': (_w(ks[11], (D, D), 0.05), _w(ks[12], (D, D, lc), 0.05)),
        'k': (_w(ks[13], (D, D), 0.05), _w(ks[14], (D, D, lc), 0.05)),
        'v': (_w(ks[15], (D, D), 0.05), _w(ks[16], (D, D, lc), 0.05)),
        'o': (_w(ks[17], (D, D), 0.05), _w(ks[18], (D, D, lc), 0.05)),
    }
    return {'x': x, 'edge_index': edge_index, 'batch': batch, 'params': params}


def reference(x, edge_index, batch, params):
    return forward(x, edge_index, batch, params)

if __name__ == "__main__":
    import jax
    _d = setup_inputs()
    print(jax.jit(kernel)(*tuple(_d.values())))

</pallas_src>

<mosaic_0001>
#map = affine_map<(d0, d1) -> (0, 0, 0, 0)>
#map1 = affine_map<(d0, d1) -> (0, 0)>
#map2 = affine_map<(d0, d1) -> (0, 0, 0)>
module attributes {stable_mosaic.version = 14 : i64} {
  func.func @_sc_deg_body(%arg0: i32, %arg1: i32, %arg2: memref<32x100x1x100xi32, #tpu.memory_space<hbm>>, %arg3: memref<1x10000xf32, #tpu.memory_space<hbm>>, %arg4: memref<2x1x10000xf32, #tpu.memory_space<hbm>>, %arg5: memref<100x1x100xi32, #tpu.memory_space<vmem>>, %arg6: memref<1x100xf32, #tpu.memory_space<vmem>>, %arg7: memref<1x10000xf32, #tpu.memory_space<vmem_shared>>) attributes {dimension_semantics = [#tpu.dimension_semantics<core_parallel>, #tpu.dimension_semantics<subcore_parallel>], iteration_bounds = array<i64: 2, 16>, scalar_prefetch = 0 : i64, scratch_operands = 3 : i64, tpu.core_type = #tpu.core_type<sc_vector_subcore>, window_params = [{transform_indices = #map}, {transform_indices = #map1}, {transform_indices = #map2}]} {
    %mul3A = arith.constant 16 : i32
    %mul3A_0 = arith.muli %arg0, %mul3A : i32
    %add3A = arith.addi %mul3A_0, %arg1 : i32
    "tpu.region"() ({
      %run_scoped3A = tpu.sem_alloc : memref<!tpu.dma_semaphore, #tpu.memory_space<semaphore_mem>>
      %dma_start3A = arith.constant 0 : i32
      %dma_start3A_21 = arith.constant 0 : i32
      %dma_start3A_22 = arith.constant 0 : i32
      %dma_start3A_23 = tpu.memref_slice %arg2[%add3A, %dma_start3A, %dma_start3A_21, %dma_start3A_22] : memref<32x100x1x100xi32, #tpu.memory_space<hbm>> -> memref<1x100x1x100xi32, #tpu.memory_space<hbm>>
      %dma_start3A_24 = tpu.memref_squeeze %dma_start3A_23 : memref<1x100x1x100xi32, #tpu.memory_space<hbm>> -> memref<100x1x100xi32, #tpu.memory_space<hbm>>
      %dma_start3A_25 = arith.constant 0 : i32
      %dma_start3A_26 = arith.constant 0 : i32
      %dma_start3A_27 = arith.constant 0 : i32
      %dma_start3A_28 = tpu.memref_slice %arg2[%add3A, %dma_start3A_25, %dma_start3A_26, %dma_start3A_27] : memref<32x100x1x100xi32, #tpu.memory_space<hbm>> -> memref<1x100x1x100xi32, #tpu.memory_space<hbm>>
      %dma_start3A_29 = tpu.memref_squeeze %dma_start3A_28 : memref<1x100x1x100xi32, #tpu.memory_space<hbm>> -> memref<100x1x100xi32, #tpu.memory_space<hbm>>
      tpu.enqueue_dma source(%dma_start3A_29 : memref<100x1x100xi32, #tpu.memory_space<hbm>>) target(%arg5 : memref<100x1x100xi32, #tpu.memory_space<vmem>>) target_semaphore(%run_scoped3A : memref<!tpu.dma_semaphore, #tpu.memory_space<semaphore_mem>>)
      %dma_wait3A = arith.constant 0 : i32
      %dma_wait3A_30 = arith.constant 0 : i32
      %dma_wait3A_31 = arith.constant 0 : i32
      %dma_wait3A_32 = tpu.memref_slice %arg2[%add3A, %dma_wait3A, %dma_wait3A_30, %dma_wait3A_31] : memref<32x100x1x100xi32, #tpu.memory_space<hbm>> -> memref<1x100x1x100xi32, #tpu.memory_space<hbm>>
      %dma_wait3A_33 = tpu.memref_squeeze %dma_wait3A_32 : memref<1x100x1x100xi32, #tpu.memory_space<hbm>> -> memref<100x1x100xi32, #tpu.memory_space<hbm>>
      %dma_wait3A_34 = arith.constant 0 : i32
      %dma_wait3A_35 = arith.constant 0 : i32
      %dma_wait3A_36 = arith.constant 0 : i32
      %dma_wait3A_37 = tpu.memref_slice %arg2[%add3A, %dma_wait3A_34, %dma_wait3A_35, %dma_wait3A_36] : memref<32x100x1x100xi32, #tpu.memory_space<hbm>> -> memref<1x100x1x100xi32, #tpu.memory_space<hbm>>
      %dma_wait3A_38 = tpu.memref_squeeze %dma_wait3A_37 : memref<1x100x1x100xi32, #tpu.memory_space<hbm>> -> memref<100x1x100xi32, #tpu.memory_space<hbm>>
      tpu.wait_dma2 semaphore(%run_scoped3A : memref<!tpu.dma_semaphore, #tpu.memory_space<semaphore_mem>>) src(%dma_wait3A_38 : memref<100x1x100xi32, #tpu.memory_space<hbm>>) dst(%arg5 : memref<100x1x100xi32, #tpu.memory_space<vmem>>)
      tpu.yield
    }) : () -> ()
    %broadcast_in_dim3A = arith.constant 1.000000e+00 : f32
    %broadcast_in_dim3A_1 = vector.broadcast %broadcast_in_dim3A : f32 to vector<100xf32>
    %swap3A = arith.constant 0 : i32
    %swap3A_2 = arith.index_cast %swap3A : i32 to index
    %swap3A_3 = arith.constant 0 : index
    %swap3A_4 = tpu.vector_load %arg6[%swap3A_2, %swap3A_3] {strides = array<i32>} : memref<1x100xf32, #tpu.memory_space<vmem>>, vector<1x100xf32>,
    %swap3A_5 = vector.shape_cast %swap3A_4 : vector<1x100xf32> to vector<100xf32>
    %swap3A_6 = vector.shape_cast %broadcast_in_dim3A_1 : vector<100xf32> to vector<1x100xf32>
    tpu.vector_store %arg6[%swap3A_2, %swap3A_3], %swap3A_6 {strides = array<i32>} : memref<1x100xf32, #tpu.memory_space<vmem>>, vector<1x100xf32>,
    %eq3A = arith.constant 0 : i32
    %eq3A_7 = arith.cmpi eq, %arg1, %eq3A : i32
    %convert_element_type3A = arith.extui %eq3A_7 : i1 to i32
    %cond3A = arith.constant 0 : i32
    %cond3A_8 = arith.cmpi ne, %convert_element_type3A, %cond3A : i32
    scf.if %cond3A_8 {
      "tpu.region"() ({
        %run_scoped3A = tpu.sem_alloc : memref<!tpu.dma_semaphore, #tpu.memory_space<semaphore_mem>>
        tpu.enqueue_dma source(%arg3 : memref<1x10000xf32, #tpu.memory_space<hbm>>) target(%arg7 : memref<1x10000xf32, #tpu.memory_space<vmem_shared>>) target_semaphore(%run_scoped3A : memref<!tpu.dma_semaphore, #tpu.memory_space<semaphore_mem>>)
        tpu.wait_dma2 semaphore(%run_scoped3A : memref<!tpu.dma_semaphore, #tpu.memory_space<semaphore_mem>>) src(%arg3 : memref<1x10000xf32, #tpu.memory_space<hbm>>) dst(%arg7 : memref<1x10000xf32, #tpu.memory_space<vmem_shared>>)
        tpu.yield
      }) : () -> ()
    } else {
    }
    %barrier3A = arith.constant 0 : index
    tpu.barrier barrier_id(%barrier3A)
    %scan3A = arith.constant 0 : i32
    %scan3A_9 = arith.constant 0 : i32
    %scan3A_10 = arith.constant 100 : i32
    %scan3A_11 = arith.addi %scan3A_9, %scan3A_10 : i32
    %scan3A_12 = arith.constant 1 : i32
    %scan3A_13 = scf.for %scan3A_21 = %scan3A_9 to %scan3A_11 step %scan3A_12 iter_args(%scan3A_22 = %scan3A) -> (i32)  : i32 {
      "tpu.region"() ({
        %run_scoped3A = tpu.sem_alloc : memref<!tpu.dma_semaphore, #tpu.memory_space<semaphore_mem>>
        %dma_start3A = arith.constant 0 : i32
        %dma_start3A_24 = arith.constant 0 : i32
        %dma_start3A_25 = tpu.memref_slice %arg5[%scan3A_21, %dma_start3A, %dma_start3A_24] : memref<100x1x100xi32, #tpu.memory_space<vmem>> -> memref<1x1x100xi32, #tpu.memory_space<vmem>>
        %dma_start3A_26 = tpu.memref_squeeze %dma_start3A_25 : memref<1x1x100xi32, #tpu.memory_space<vmem>> -> memref<1x100xi32, #tpu.memory_space<vmem>>
        %dma_start3A_27 = arith.constant 0 : i32
        %dma_start3A_28 = arith.constant 0 : i32
        %dma_start3A_29 = tpu.memref_slice %arg7[%dma_start3A_27, %dma_start3A_28] : memref<1x10000xf32, #tpu.memory_space<vmem_shared>> -> memref<1x10000xf32, #tpu.memory_space<vmem_shared>>
        tpu.enqueue_indirect_dma source(%arg6 : memref<1x100xf32, #tpu.memory_space<vmem>>) target(%dma_start3A_29 : memref<1x10000xf32, #tpu.memory_space<vmem_shared>>) offsets(%dma_start3A_26 : memref<1x100xi32, #tpu.memory_space<vmem>>) semaphore(%run_scoped3A : memref<!tpu.dma_semaphore, #tpu.memory_space<semaphore_mem>>) {add = true}
        %dma_wait3A = arith.constant 0 : i32
        %dma_wait3A_30 = arith.constant 0 : i32
        %dma_wait3A_31 = tpu.memref_slice %arg5[%scan3A_21, %dma_wait3A, %dma_wait3A_30] : memref<100x1x100xi32, #tpu.memory_space<vmem>> -> memref<1x1x100xi32, #tpu.memory_space<vmem>>
        %dma_wait3A_32 = tpu.memref_squeeze %dma_wait3A_31 : memref<1x1x100xi32, #tpu.memory_space<vmem>> -> memref<1x100xi32, #tpu.memory_space<vmem>>
        %dma_wait3A_33 = arith.constant 0 : i32
        %dma_wait3A_34 = arith.constant 0 : i32
        %dma_wait3A_35 = tpu.memref_slice %arg7[%dma_wait3A_33, %dma_wait3A_34] : memref<1x10000xf32, #tpu.memory_space<vmem_shared>> -> memref<1x10000xf32, #tpu.memory_space<vmem_shared>>
        tpu.wait_indirect_dma semaphore(%run_scoped3A : memref<!tpu.dma_semaphore, #tpu.memory_space<semaphore_mem>>) src(%arg6 : memref<1x100xf32, #tpu.memory_space<vmem>>) dst(%dma_wait3A_35 : memref<1x10000xf32, #tpu.memory_space<vmem_shared>>)
        tpu.yield
      }) : () -> ()
      %scan3A_23 = arith.constant 0 : i32
      scf.yield %scan3A_23 : i32
    }
    %scan3A_14 = arith.constant 100 : i32
    %barrier3A_15 = arith.constant 0 : index
    tpu.barrier barrier_id(%barrier3A_15)
    %eq3A_16 = arith.constant 0 : i32
    %eq3A_17 = arith.cmpi eq, %arg1, %eq3A_16 : i32
    %convert_element_type3A_18 = arith.extui %eq3A_17 : i1 to i32
    %cond3A_19 = arith.constant 0 : i32
    %cond3A_20 = arith.cmpi ne, %convert_element_type3A_18, %cond3A_19 : i32
    scf.if %cond3A_20 {
      "tpu.region"() ({
        %run_scoped3A = tpu.sem_alloc : memref<!tpu.dma_semaphore, #tpu.memory_space<semaphore_mem>>
        %dma_start3A = arith.constant 0 : i32
        %dma_start3A_21 = arith.constant 0 : i32
        %dma_start3A_22 = tpu.memref_slice %arg4[%arg0, %dma_start3A, %dma_start3A_21] : memref<2x1x10000xf32, #tpu.memory_space<hbm>> -> memref<1x1x10000xf32, #tpu.memory_space<hbm>>
        %dma_start3A_23 = tpu.memref_squeeze %dma_start3A_22 : memref<1x1x10000xf32, #tpu.memory_space<hbm>> -> memref<1x10000xf32, #tpu.memory_space<hbm>>
        tpu.enqueue_dma source(%arg7 : memref<1x10000xf32, #tpu.memory_space<vmem_shared>>) target(%dma_start3A_23 : memref<1x10000xf32, #tpu.memory_space<hbm>>) target_semaphore(%run_scoped3A : memref<!tpu.dma_semaphore, #tpu.memory_space<semaphore_mem>>)
        %dma_wait3A = arith.constant 0 : i32
        %dma_wait3A_24 = arith.constant 0 : i32
        %dma_wait3A_25 = tpu.memref_slice %arg4[%arg0, %dma_wait3A, %dma_wait3A_24] : memref<2x1x10000xf32, #tpu.memory_space<hbm>> -> memref<1x1x10000xf32, #tpu.memory_space<hbm>>
        %dma_wait3A_26 = tpu.memref_squeeze %dma_wait3A_25 : memref<1x1x10000xf32, #tpu.memory_space<hbm>> -> memref<1x10000xf32, #tpu.memory_space<hbm>>
        tpu.wait_dma2 semaphore(%run_scoped3A : memref<!tpu.dma_semaphore, #tpu.memory_space<semaphore_mem>>) src(%arg7 : memref<1x10000xf32, #tpu.memory_space<vmem_shared>>) dst(%dma_wait3A_26 : memref<1x10000xf32, #tpu.memory_space<hbm>>)
        tpu.yield
      }) : () -> ()
    } else {
    }
    return
  }
}

#map = affine_map<(d0, d1) -> (0, 0, 0)>
#map1 = affine_map<(d0, d1) -> (0, 0, 0, 0)>
#map2 = affine_map<(d0, d1) -> (0, 0)>
module attributes {stable_mosaic.version = 14 : i64} {
  func.func @_sc_scat_body(%arg0: i32, %arg1: i32, %arg2: memref<1x10000x128xf32, #tpu.memory_space<hbm>>, %arg3: memref<32x100x1x100xi32, #tpu.memory_space<hbm>>, %arg4: memref<32x100x1x100xi32, #tpu.memory_space<hbm>>, %arg5: memref<10000x128xf32, #tpu.memory_space<hbm>>, %arg6: memref<2x10000x128xf32, #tpu.memory_space<hbm>>, %arg7: memref<100x1x100xi32, #tpu.memory_space<vmem>>, %arg8: memref<100x1x100xi32, #tpu.memory_space<vmem>>, %arg9: memref<1x100x128xf32, #tpu.memory_space<vmem>>, %arg10: memref<1x10000x128xf32, #tpu.memory_space<vmem_shared>>, %arg11: memref<!tpu.dma_semaphore, #tpu.memory_space<semaphore_mem>>) attributes {dimension_semantics = [#tpu.dimension_semantics<core_parallel>, #tpu.dimension_semantics<subcore_parallel>], iteration_bounds = array<i64: 2, 16>, scalar_prefetch = 0 : i64, scratch_operands = 5 : i64, tpu.core_type = #tpu.core_type<sc_vector_subcore>, window_params = [{transform_indices = #map}, {transform_indices = #map1}, {transform_indices = #map1}, {transform_indices = #map2}, {transform_indices = #map}]} {
    %mul3A = arith.constant 16 : i32
    %mul3A_0 = arith.muli %arg0, %mul3A : i32
    %add3A = arith.addi %mul3A_0, %arg1 : i32
    "tpu.region"() ({
      %run_scoped3A = tpu.sem_alloc : memref<!tpu.dma_semaphore, #tpu.memory_space<semaphore_mem>>
      %dma_start3A = arith.constant 0 : i32
      %dma_start3A_15 = arith.constant 0 : i32
      %dma_start3A_16 = arith.constant 0 : i32
      %dma_start3A_17 = tpu.memref_slice %arg3[%add3A, %dma_start3A, %dma_start3A_15, %dma_start3A_16] : memref<32x100x1x100xi32, #tpu.memory_space<hbm>> -> memref<1x100x1x100xi32, #tpu.memory_space<hbm>>
      %dma_start3A_18 = tpu.memref_squeeze %dma_start3A_17 : memref<1x100x1x100xi32, #tpu.memory_space<hbm>> -> memref<100x1x100xi32, #tpu.memory_space<hbm>>
      %dma_start3A_19 = arith.constant 0 : i32
      %dma_start3A_20 = arith.constant 0 : i32
      %dma_start3A_21 = arith.constant 0 : i32
      %dma_start3A_22 = tpu.memref_slice %arg3[%add3A, %dma_start3A_19, %dma_start3A_20, %dma_start3A_21] : memref<32x100x1x100xi32, #tpu.memory_space<hbm>> -> memref<1x100x1x100xi32, #tpu.memory_space<hbm>>
      %dma_start3A_23 = tpu.memref_squeeze %dma_start3A_22 : memref<1x100x1x100xi32, #tpu.memory_space<hbm>> -> memref<100x1x100xi32, #tpu.memory_space<hbm>>
      tpu.enqueue_dma source(%dma_start3A_23 : memref<100x1x100xi32, #tpu.memory_space<hbm>>) target(%arg7 : memref<100x1x100xi32, #tpu.memory_space<vmem>>) target_semaphore(%run_scoped3A : memref<!tpu.dma_semaphore, #tpu.memory_space<semaphore_mem>>)
      %dma_wait3A = arith.constant 0 : i32
      %dma_wait3A_24 = arith.constant 0 : i32
      %dma_wait3A_25 = arith.constant 0 : i32
      %dma_wait3A_26 = tpu.memref_slice %arg3[%add3A, %dma_wait3A, %dma_wait3A_24, %dma_wait3A_25] : memref<32x100x1x100xi32, #tpu.memory_space<hbm>> -> memref<1x100x1x100xi32, #tpu.memory_space<hbm>>
      %dma_wait3A_27 = tpu.memref_squeeze %dma_wait3A_26 : memref<1x100x1x100xi32, #tpu.memory_space<hbm>> -> memref<100x1x100xi32, #tpu.memory_space<hbm>>
      %dma_wait3A_28 = arith.constant 0 : i32
      %dma_wait3A_29 = arith.constant 0 : i32
      %dma_wait3A_30 = arith.constant 0 : i32
      %dma_wait3A_31 = tpu.memref_slice %arg3[%add3A, %dma_wait3A_28, %dma_wait3A_29, %dma_wait3A_30] : memref<32x100x1x100xi32, #tpu.memory_space<hbm>> -> memref<1x100x1x100xi32, #tpu.memory_space<hbm>>
      %dma_wait3A_32 = tpu.memref_squeeze %dma_wait3A_31 : memref<1x100x1x100xi32, #tpu.memory_space<hbm>> -> memref<100x1x100xi32, #tpu.memory_space<hbm>>
      tpu.wait_dma2 semaphore(%run_scoped3A : memref<!tpu.dma_semaphore, #tpu.memory_space<semaphore_mem>>) src(%dma_wait3A_32 : memref<100x1x100xi32, #tpu.memory_space<hbm>>) dst(%arg7 : memref<100x1x100xi32, #tpu.memory_space<vmem>>)
      tpu.yield
    }) : () -> ()
    "tpu.region"() ({
      %run_scoped3A = tpu.sem_alloc : memref<!tpu.dma_semaphore, #tpu.memory_space<semaphore_mem>>
      %dma_start3A = arith.constant 0 : i32
      %dma_start3A_15 = arith.constant 0 : i32
      %dma_start3A_16 = arith.constant 0 : i32
      %dma_start3A_17 = tpu.memref_slice %arg4[%add3A, %dma_start3A, %dma_start3A_15, %dma_start3A_16] : memref<32x100x1x100xi32, #tpu.memory_space<hbm>> -> memref<1x100x1x100xi32, #tpu.memory_space<hbm>>
      %dma_start3A_18 = tpu.memref_squeeze %dma_start3A_17 : memref<1x100x1x100xi32, #tpu.memory_space<hbm>> -> memref<100x1x100xi32, #tpu.memory_space<hbm>>
      %dma_start3A_19 = arith.constant 0 : i32
      %dma_start3A_20 = arith.constant 0 : i32
      %dma_start3A_21 = arith.constant 0 : i32
      %dma_start3A_22 = tpu.memref_slice %arg4[%add3A, %dma_start3A_19, %dma_start3A_20, %dma_start3A_21] : memref<32x100x1x100xi32, #tpu.memory_space<hbm>> -> memref<1x100x1x100xi32, #tpu.memory_space<hbm>>
      %dma_start3A_23 = tpu.memref_squeeze %dma_start3A_22 : memref<1x100x1x100xi32, #tpu.memory_space<hbm>> -> memref<100x1x100xi32, #tpu.memory_space<hbm>>
      tpu.enqueue_dma source(%dma_start3A_23 : memref<100x1x100xi32, #tpu.memory_space<hbm>>) target(%arg8 : memref<100x1x100xi32, #tpu.memory_space<vmem>>) target_semaphore(%run_scoped3A : memref<!tpu.dma_semaphore, #tpu.memory_space<semaphore_mem>>)
      %dma_wait3A = arith.constant 0 : i32
      %dma_wait3A_24 = arith.constant 0 : i32
      %dma_wait3A_25 = arith.constant 0 : i32
      %dma_wait3A_26 = tpu.memref_slice %arg4[%add3A, %dma_wait3A, %dma_wait3A_24, %dma_wait3A_25] : memref<32x100x1x100xi32, #tpu.memory_space<hbm>> -> memref<1x100x1x100xi32, #tpu.memory_space<hbm>>
      %dma_wait3A_27 = tpu.memref_squeeze %dma_wait3A_26 : memref<1x100x1x100xi32, #tpu.memory_space<hbm>> -> memref<100x1x100xi32, #tpu.memory_space<hbm>>
      %dma_wait3A_28 = arith.constant 0 : i32
      %dma_wait3A_29 = arith.constant 0 : i32
      %dma_wait3A_30 = arith.constant 0 : i32
      %dma_wait3A_31 = tpu.memref_slice %arg4[%add3A, %dma_wait3A_28, %dma_wait3A_29, %dma_wait3A_30] : memref<32x100x1x100xi32, #tpu.memory_space<hbm>> -> memref<1x100x1x100xi32, #tpu.memory_space<hbm>>
      %dma_wait3A_32 = tpu.memref_squeeze %dma_wait3A_31 : memref<1x100x1x100xi32, #tpu.memory_space<hbm>> -> memref<100x1x100xi32, #tpu.memory_space<hbm>>
      tpu.wait_dma2 semaphore(%run_scoped3A : memref<!tpu.dma_semaphore, #tpu.memory_space<semaphore_mem>>) src(%dma_wait3A_32 : memref<100x1x100xi32, #tpu.memory_space<hbm>>) dst(%arg8 : memref<100x1x100xi32, #tpu.memory_space<vmem>>)
      tpu.yield
    }) : () -> ()
    %eq3A = arith.constant 0 : i32
    %eq3A_1 = arith.cmpi eq, %arg1, %eq3A : i32
    %convert_element_type3A = arith.extui %eq3A_1 : i1 to i32
    %cond3A = arith.constant 0 : i32
    %cond3A_2 = arith.cmpi ne, %convert_element_type3A, %cond3A : i32
    scf.if %cond3A_2 {
      %run_scoped3A = arith.constant 0 : i32
      "tpu.region"() ({
        %run_scoped3A_15 = tpu.sem_alloc : memref<!tpu.dma_semaphore, #tpu.memory_space<semaphore_mem>>
        %dma_start3A = arith.constant 0 : i32
        %dma_start3A_16 = arith.constant 0 : i32
        %dma_start3A_17 = tpu.memref_slice %arg10[%run_scoped3A, %dma_start3A, %dma_start3A_16] : memref<1x10000x128xf32, #tpu.memory_space<vmem_shared>> -> memref<1x10000x128xf32, #tpu.memory_space<vmem_shared>>
        %dma_start3A_18 = tpu.memref_squeeze %dma_start3A_17 : memref<1x10000x128xf32, #tpu.memory_space<vmem_shared>> -> memref<10000x128xf32, #tpu.memory_space<vmem_shared>>
        tpu.enqueue_dma source(%arg5 : memref<10000x128xf32, #tpu.memory_space<hbm>>) target(%dma_start3A_18 : memref<10000x128xf32, #tpu.memory_space<vmem_shared>>) target_semaphore(%run_scoped3A_15 : memref<!tpu.dma_semaphore, #tpu.memory_space<semaphore_mem>>)
        %dma_wait3A = arith.constant 0 : i32
        %dma_wait3A_19 = arith.constant 0 : i32
        %dma_wait3A_20 = tpu.memref_slice %arg10[%run_scoped3A, %dma_wait3A, %dma_wait3A_19] : memref<1x10000x128xf32, #tpu.memory_space<vmem_shared>> -> memref<1x10000x128xf32, #tpu.memory_space<vmem_shared>>
        %dma_wait3A_21 = tpu.memref_squeeze %dma_wait3A_20 : memref<1x10000x128xf32, #tpu.memory_space<vmem_shared>> -> memref<10000x128xf32, #tpu.memory_space<vmem_shared>>
        tpu.wait_dma2 semaphore(%run_scoped3A_15 : memref<!tpu.dma_semaphore, #tpu.memory_space<semaphore_mem>>) src(%arg5 : memref<10000x128xf32, #tpu.memory_space<hbm>>) dst(%dma_wait3A_21 : memref<10000x128xf32, #tpu.memory_space<vmem_shared>>)
        tpu.yield
      }) : () -> ()
    } else {
    }
    %barrier3A = arith.constant 0 : index
    tpu.barrier barrier_id(%barrier3A)
    %scan3A = arith.constant 0 : i32
    %scan3A_3 = arith.constant 0 : i32
    %scan3A_4 = arith.constant 100 : i32
    %scan3A_5 = arith.addi %scan3A_3, %scan3A_4 : i32
    %scan3A_6 = arith.constant 1 : i32
    %scan3A_7 = scf.for %scan3A_15 = %scan3A_3 to %scan3A_5 step %scan3A_6 iter_args(%scan3A_16 = %scan3A) -> (i32)  : i32 {
      %dma_start3A = arith.constant 0 : i32
      %dma_start3A_17 = arith.constant 0 : i32
      %dma_start3A_18 = tpu.memref_slice %arg7[%scan3A_15, %dma_start3A, %dma_start3A_17] : memref<100x1x100xi32, #tpu.memory_space<vmem>> -> memref<1x1x100xi32, #tpu.memory_space<vmem>>
      %dma_start3A_19 = tpu.memref_squeeze %dma_start3A_18 : memref<1x1x100xi32, #tpu.memory_space<vmem>> -> memref<1x100xi32, #tpu.memory_space<vmem>>
      %dma_start3A_20 = arith.constant 0 : i32
      %dma_start3A_21 = arith.constant 0 : i32
      %dma_start3A_22 = arith.constant 0 : i32
      %dma_start3A_23 = tpu.memref_slice %arg2[%dma_start3A_20, %dma_start3A_21, %dma_start3A_22] : memref<1x10000x128xf32, #tpu.memory_space<hbm>> -> memref<1x10000x128xf32, #tpu.memory_space<hbm>>
      tpu.enqueue_indirect_dma source(%dma_start3A_23 : memref<1x10000x128xf32, #tpu.memory_space<hbm>>) target(%arg9 : memref<1x100x128xf32, #tpu.memory_space<vmem>>) offsets(%dma_start3A_19 : memref<1x100xi32, #tpu.memory_space<vmem>>) semaphore(%arg11 : memref<!tpu.dma_semaphore, #tpu.memory_space<semaphore_mem>>)
      %dma_wait3A = arith.constant 0 : i32
      %dma_wait3A_24 = arith.constant 0 : i32
      %dma_wait3A_25 = tpu.memref_slice %arg7[%scan3A_15, %dma_wait3A, %dma_wait3A_24] : memref<100x1x100xi32, #tpu.memory_space<vmem>> -> memref<1x1x100xi32, #tpu.memory_space<vmem>>
      %dma_wait3A_26 = tpu.memref_squeeze %dma_wait3A_25 : memref<1x1x100xi32, #tpu.memory_space<vmem>> -> memref<1x100xi32, #tpu.memory_space<vmem>>
      %dma_wait3A_27 = arith.constant 0 : i32
      %dma_wait3A_28 = arith.constant 0 : i32
      %dma_wait3A_29 = arith.constant 0 : i32
      %dma_wait3A_30 = tpu.memref_slice %arg2[%dma_wait3A_27, %dma_wait3A_28, %dma_wait3A_29] : memref<1x10000x128xf32, #tpu.memory_space<hbm>> -> memref<1x10000x128xf32, #tpu.memory_space<hbm>>
      tpu.wait_indirect_dma semaphore(%arg11 : memref<!tpu.dma_semaphore, #tpu.memory_space<semaphore_mem>>) src(%dma_wait3A_30 : memref<1x10000x128xf32, #tpu.memory_space<hbm>>) dst(%arg9 : memref<1x100x128xf32, #tpu.memory_space<vmem>>)
      "tpu.region"() ({
        %run_scoped3A = tpu.sem_alloc : memref<!tpu.dma_semaphore, #tpu.memory_space<semaphore_mem>>
        %dma_start3A_32 = arith.constant 0 : i32
        %dma_start3A_33 = arith.constant 0 : i32
        %dma_start3A_34 = tpu.memref_slice %arg8[%scan3A_15, %dma_start3A_32, %dma_start3A_33] : memref<100x1x100xi32, #tpu.memory_space<vmem>> -> memref<1x1x100xi32, #tpu.memory_space<vmem>>
        %dma_start3A_35 = tpu.memref_squeeze %dma_start3A_34 : memref<1x1x100xi32, #tpu.memory_space<vmem>> -> memref<1x100xi32, #tpu.memory_space<vmem>>
        %dma_start3A_36 = arith.constant 0 : i32
        %dma_start3A_37 = arith.constant 0 : i32
        %dma_start3A_38 = arith.constant 0 : i32
        %dma_start3A_39 = tpu.memref_slice %arg10[%dma_start3A_36, %dma_start3A_37, %dma_start3A_38] : memref<1x10000x128xf32, #tpu.memory_space<vmem_shared>> -> memref<1x10000x128xf32, #tpu.memory_space<vmem_shared>>
        tpu.enqueue_indirect_dma source(%arg9 : memref<1x100x128xf32, #tpu.memory_space<vmem>>) target(%dma_start3A_39 : memref<1x10000x128xf32, #tpu.memory_space<vmem_shared>>) offsets(%dma_start3A_35 : memref<1x100xi32, #tpu.memory_space<vmem>>) semaphore(%run_scoped3A : memref<!tpu.dma_semaphore, #tpu.memory_space<semaphore_mem>>) {add = true}
        %dma_wait3A_40 = arith.constant 0 : i32
        %dma_wait3A_41 = arith.constant 0 : i32
        %dma_wait3A_42 = tpu.memref_slice %arg8[%scan3A_15, %dma_wait3A_40, %dma_wait3A_41] : memref<100x1x100xi32, #tpu.memory_space<vmem>> -> memref<1x1x100xi32, #tpu.memory_space<vmem>>
        %dma_wait3A_43 = tpu.memref_squeeze %dma_wait3A_42 : memref<1x1x100xi32, #tpu.memory_space<vmem>> -> memref<1x100xi32, #tpu.memory_space<vmem>>
        %dma_wait3A_44 = arith.constant 0 : i32
        %dma_wait3A_45 = arith.constant 0 : i32
        %dma_wait3A_46 = arith.constant 0 : i32
        %dma_wait3A_47 = tpu.memref_slice %arg10[%dma_wait3A_44, %dma_wait3A_45, %dma_wait3A_46] : memref<1x10000x128xf32, #tpu.memory_space<vmem_shared>> -> memref<1x10000x128xf32, #tpu.memory_space<vmem_shared>>
        tpu.wait_indirect_dma semaphore(%run_scoped3A : memref<!tpu.dma_semaphore, #tpu.memory_space<semaphore_mem>>) src(%arg9 : memref<1x100x128xf32, #tpu.memory_space<vmem>>) dst(%dma_wait3A_47 : memref<1x10000x128xf32, #tpu.memory_space<vmem_shared>>)
        tpu.yield
      }) : () -> ()
      %scan3A_31 = arith.constant 0 : i32
      scf.yield %scan3A_31 : i32
    }
    %scan3A_8 = arith.constant 100 : i32
    %barrier3A_9 = arith.constant 0 : index
    tpu.barrier barrier_id(%barrier3A_9)
    %eq3A_10 = arith.constant 0 : i32
    %eq3A_11 = arith.cmpi eq, %arg1, %eq3A_10 : i32
    %convert_element_type3A_12 = arith.extui %eq3A_11 : i1 to i32
    %cond3A_13 = arith.constant 0 : i32
    %cond3A_14 = arith.cmpi ne, %convert_element_type3A_12, %cond3A_13 : i32
    scf.if %cond3A_14 {
      %run_scoped3A = arith.constant 0 : i32
      "tpu.region"() ({
        %run_scoped3A_15 = tpu.sem_alloc : memref<!tpu.dma_semaphore, #tpu.memory_space<semaphore_mem>>
        %dma_start3A = arith.constant 0 : i32
        %dma_start3A_16 = arith.constant 0 : i32
        %dma_start3A_17 = tpu.memref_slice %arg6[%arg0, %dma_start3A, %dma_start3A_16] : memref<2x10000x128xf32, #tpu.memory_space<hbm>> -> memref<1x10000x128xf32, #tpu.memory_space<hbm>>
        %dma_start3A_18 = tpu.memref_squeeze %dma_start3A_17 : memref<1x10000x128xf32, #tpu.memory_space<hbm>> -> memref<10000x128xf32, #tpu.memory_space<hbm>>
        %dma_start3A_19 = arith.constant 0 : i32
        %dma_start3A_20 = arith.constant 0 : i32
        %dma_start3A_21 = tpu.memref_slice %arg10[%run_scoped3A, %dma_start3A_19, %dma_start3A_20] : memref<1x10000x128xf32, #tpu.memory_space<vmem_shared>> -> memref<1x10000x128xf32, #tpu.memory_space<vmem_shared>>
        %dma_start3A_22 = tpu.memref_squeeze %dma_start3A_21 : memref<1x10000x128xf32, #tpu.memory_space<vmem_shared>> -> memref<10000x128xf32, #tpu.memory_space<vmem_shared>>
        tpu.enqueue_dma source(%dma_start3A_22 : memref<10000x128xf32, #tpu.memory_space<vmem_shared>>) target(%dma_start3A_18 : memref<10000x128xf32, #tpu.memory_space<hbm>>) target_semaphore(%run_scoped3A_15 : memref<!tpu.dma_semaphore, #tpu.memory_space<semaphore_mem>>)
        %dma_wait3A = arith.constant 0 : i32
        %dma_wait3A_23 = arith.constant 0 : i32
        %dma_wait3A_24 = tpu.memref_slice %arg6[%arg0, %dma_wait3A, %dma_wait3A_23] : memref<2x10000x128xf32, #tpu.memory_space<hbm>> -> memref<1x10000x128xf32, #tpu.memory_space<hbm>>
        %dma_wait3A_25 = tpu.memref_squeeze %dma_wait3A_24 : memref<1x10000x128xf32, #tpu.memory_space<hbm>> -> memref<10000x128xf32, #tpu.memory_space<hbm>>
        %dma_wait3A_26 = arith.constant 0 : i32
        %dma_wait3A_27 = arith.constant 0 : i32
        %dma_wait3A_28 = tpu.memref_slice %arg10[%run_scoped3A, %dma_wait3A_26, %dma_wait3A_27] : memref<1x10000x128xf32, #tpu.memory_space<vmem_shared>> -> memref<1x10000x128xf32, #tpu.memory_space<vmem_shared>>
        %dma_wait3A_29 = tpu.memref_squeeze %dma_wait3A_28 : memref<1x10000x128xf32, #tpu.memory_space<vmem_shared>> -> memref<10000x128xf32, #tpu.memory_space<vmem_shared>>
        tpu.wait_dma2 semaphore(%run_scoped3A_15 : memref<!tpu.dma_semaphore, #tpu.memory_space<semaphore_mem>>) src(%dma_wait3A_29 : memref<10000x128xf32, #tpu.memory_space<vmem_shared>>) dst(%dma_wait3A_25 : memref<10000x128xf32, #tpu.memory_space<hbm>>)
        tpu.yield
      }) : () -> ()
    } else {
    }
    return
  }
}

module attributes {stable_mosaic.version = 14 : i64} {
  func.func @_scale_body(%arg0: i32, %arg1: memref<1000x128xf32, #tpu.memory_space<vmem>>, %arg2: memref<2x1000x1xf32, #tpu.memory_space<vmem>>, %arg3: memref<1000x128xf32, #tpu.memory_space<vmem>>, %arg4: memref<1000x1xf32, #tpu.memory_space<vmem>>) attributes {dimension_semantics = [#tpu.dimension_semantics<arbitrary>], iteration_bounds = array<i64: 10>, scalar_prefetch = 0 : i64, scratch_operands = 0 : i64, tpu.core_type = #tpu.core_type<tc>, window_params = [{transform_indices = @transform_0, window_bounds = array<i64: 1000, 128>}, {transform_indices = @transform_1, window_bounds = array<i64: 2, 1000, 1>}, {transform_indices = @transform_2, window_bounds = array<i64: 1000, 128>}, {transform_indices = @transform_3, window_bounds = array<i64: 1000, 1>}]} {
    %get3A = arith.constant 0 : index
    %get3A_0 = arith.constant 0 : index
    %get3A_1 = arith.constant 0 : index
    %get3A_2 = vector.load %arg2[%get3A, %get3A_0, %get3A_1] : memref<2x1000x1xf32, #tpu.memory_space<vmem>>, vector<1x1000x1xf32>
    %get3A_3 = vector.shape_cast %get3A_2 : vector<1x1000x1xf32> to vector<1000x1xf32>
    %get3A_4 = arith.constant 1 : index
    %get3A_5 = arith.constant 0 : index
    %get3A_6 = arith.constant 0 : index
    %get3A_7 = vector.load %arg2[%get3A_4, %get3A_5, %get3A_6] : memref<2x1000x1xf32, #tpu.memory_space<vmem>>, vector<1x1000x1xf32>
    %get3A_8 = vector.shape_cast %get3A_7 : vector<1x1000x1xf32> to vector<1000x1xf32>
    %add3A = arith.addf %get3A_3, %get3A_8 : vector<1000x1xf32>
    %add3A_9 = arith.constant 1.000000e+00 : f32
    %add3A_10 = vector.broadcast %add3A_9 : f32 to vector<1000x1xf32>
    %add3A_11 = arith.addf %add3A, %add3A_10 : vector<1000x1xf32>
    %rsqrt3A = math.rsqrt %add3A_11 : vector<1000x1xf32>
    %get3A_12 = arith.constant 0 : index
    %get3A_13 = arith.constant 0 : index
    %get3A_14 = vector.load %arg1[%get3A_12, %get3A_13] : memref<1000x128xf32, #tpu.memory_space<vmem>>, vector<1000x128xf32>
    %mul3A = vector.broadcast %rsqrt3A : vector<1000x1xf32> to vector<1000x128xf32>
    %mul3A_15 = arith.mulf %get3A_14, %mul3A : vector<1000x128xf32>
    %swap3A = arith.constant 0 : index
    %swap3A_16 = arith.constant 0 : index
    %swap3A_17 = vector.load %arg3[%swap3A, %swap3A_16] : memref<1000x128xf32, #tpu.memory_space<vmem>>, vector<1000x128xf32>
    tpu.vector_store %arg3[%swap3A, %swap3A_16], %mul3A_15 {strides = array<i32>} : memref<1000x128xf32, #tpu.memory_space<vmem>>, vector<1000x128xf32>,
    %swap3A_18 = arith.constant 0 : index
    %swap3A_19 = arith.constant 0 : index
    %swap3A_20 = vector.load %arg4[%swap3A_18, %swap3A_19] : memref<1000x1xf32, #tpu.memory_space<vmem>>, vector<1000x1xf32>
    tpu.vector_store %arg4[%swap3A_18, %swap3A_19], %rsqrt3A {strides = array<i32>} : memref<1000x1xf32, #tpu.memory_space<vmem>>, vector<1000x1xf32>,
    return
  }
  func.func @transform_0(%arg0: i32) -> (i32, i32) {
    %c0_i32 = arith.constant 0 : i32
    %c0_i32_0 = arith.constant 0 : i32
    return %arg0, %c0_i32 : i32, i32
  }
  func.func @transform_1(%arg0: i32) -> (i32, i32, i32) {
    %c0_i32 = arith.constant 0 : i32
    %c0_i32_0 = arith.constant 0 : i32
    %c0_i32_1 = arith.constant 0 : i32
    return %c0_i32, %arg0, %c0_i32_0 : i32, i32, i32
  }
  func.func @transform_2(%arg0: i32) -> (i32, i32) {
    %c0_i32 = arith.constant 0 : i32
    %c0_i32_0 = arith.constant 0 : i32
    return %arg0, %c0_i32 : i32, i32
  }
  func.func @transform_3(%arg0: i32) -> (i32, i32) {
    %c0_i32 = arith.constant 0 : i32
    %c0_i32_0 = arith.constant 0 : i32
    return %arg0, %c0_i32 : i32, i32
  }
}

module attributes {stable_mosaic.version = 14 : i64} {
  func.func @_proj_body(%arg0: i32, %arg1: memref<1000x128xf32, #tpu.memory_space<vmem>>, %arg2: memref<128x128xf32, #tpu.memory_space<vmem>>, %arg3: memref<3x128x128xf32, #tpu.memory_space<vmem>>, %arg4: memref<128x128xf32, #tpu.memory_space<vmem>>, %arg5: memref<3x128x128xf32, #tpu.memory_space<vmem>>, %arg6: memref<128x128xf32, #tpu.memory_space<vmem>>, %arg7: memref<3x128x128xf32, #tpu.memory_space<vmem>>, %arg8: memref<1000x128xf32, #tpu.memory_space<vmem>>, %arg9: memref<1000x128xf32, #tpu.memory_space<vmem>>, %arg10: memref<1000x128xf32, #tpu.memory_space<vmem>>) attributes {dimension_semantics = [#tpu.dimension_semantics<arbitrary>], iteration_bounds = array<i64: 10>, scalar_prefetch = 0 : i64, scratch_operands = 0 : i64, tpu.core_type = #tpu.core_type<tc>, window_params = [{transform_indices = @transform_0, window_bounds = array<i64: 1000, 128>}, {pipeline_mode = #tpu.pipeline_mode<synchronous>, transform_indices = @transform_1, window_bounds = array<i64: 128, 128>}, {pipeline_mode = #tpu.pipeline_mode<synchronous>, transform_indices = @transform_2, window_bounds = array<i64: 3, 128, 128>}, {pipeline_mode = #tpu.pipeline_mode<synchronous>, transform_indices = @transform_3, window_bounds = array<i64: 128, 128>}, {pipeline_mode = #tpu.pipeline_mode<synchronous>, transform_indices = @transform_4, window_bounds = array<i64: 3, 128, 128>}, {pipeline_mode = #tpu.pipeline_mode<synchronous>, transform_indices = @transform_5, window_bounds = array<i64: 128, 128>}, {pipeline_mode = #tpu.pipeline_mode<synchronous>, transform_indices = @transform_6, window_bounds = array<i64: 3, 128, 128>}, {transform_indices = @transform_7, window_bounds = array<i64: 1000, 128>}, {transform_indices = @transform_8, window_bounds = array<i64: 1000, 128>}, {transform_indices = @transform_9, window_bounds = array<i64: 1000, 128>}]} {
    %get3A = arith.constant 0 : index
    %get3A_0 = arith.constant 0 : index
    %get3A_1 = vector.load %arg1[%get3A, %get3A_0] : memref<1000x128xf32, #tpu.memory_space<vmem>>, vector<1000x128xf32>
    %get3A_2 = arith.constant 0 : index
    %get3A_3 = arith.constant 0 : index
    %get3A_4 = vector.load %arg2[%get3A_2, %get3A_3] : memref<128x128xf32, #tpu.memory_space<vmem>>, vector<128x128xf32>
    %dot_general3A = arith.constant dense<0.000000e+00> : vector<1000x128xf32>
    %dot_general3A_5 = tpu.matmul %get3A_1, %get3A_4, %dot_general3A {dimension_numbers = #tpu.dot_dimension_numbers<[1], [1], [0], [0], [0, 0, 1, 0], [], []>, precision = #tpu.contract_precision<fp32>, transpose_lhs_hint = false} : vector<1000x128xf32>, vector<128x128xf32>, vector<1000x128xf32> -> vector<1000x128xf32>
    %ge3A = arith.constant -2.000000e+00 : f32
    %ge3A_6 = vector.broadcast %ge3A : f32 to vector<1000x128xf32>
    %ge3A_7 = arith.cmpf oge, %get3A_1, %ge3A_6 : vector<1000x128xf32>
    %lt3A = arith.constant -1.000000e+00 : f32
    %lt3A_8 = vector.broadcast %lt3A : f32 to vector<1000x128xf32>
    %lt3A_9 = arith.cmpf olt, %get3A_1, %lt3A_8 : vector<1000x128xf32>
    %and3A = arith.andi %ge3A_7, %lt3A_9 : vector<1000x128xi1>
    %convert_element_type3A = arith.extui %and3A : vector<1000x128xi1> to vector<1000x128xi32>
    %convert_element_type3A_10 = arith.sitofp %convert_element_type3A : vector<1000x128xi32> to vector<1000x128xf32>
    %ge3A_11 = arith.constant -1.000000e+00 : f32
    %ge3A_12 = vector.broadcast %ge3A_11 : f32 to vector<1000x128xf32>
    %ge3A_13 = arith.cmpf oge, %get3A_1, %ge3A_12 : vector<1000x128xf32>
    %lt3A_14 = arith.constant 0.000000e+00 : f32
    %lt3A_15 = vector.broadcast %lt3A_14 : f32 to vector<1000x128xf32>
    %lt3A_16 = arith.cmpf olt, %get3A_1, %lt3A_15 : vector<1000x128xf32>
    %and3A_17 = arith.andi %ge3A_13, %lt3A_16 : vector<1000x128xi1>
    %convert_element_type3A_18 = arith.extui %and3A_17 : vector<1000x128xi1> to vector<1000x128xi32>
    %convert_element_type3A_19 = arith.sitofp %convert_element_type3A_18 : vector<1000x128xi32> to vector<1000x128xf32>
    %ge3A_20 = arith.constant 0.000000e+00 : f32
    %ge3A_21 = vector.broadcast %ge3A_20 : f32 to vector<1000x128xf32>
    %ge3A_22 = arith.cmpf oge, %get3A_1, %ge3A_21 : vector<1000x128xf32>
    %lt3A_23 = arith.constant 1.000000e+00 : f32
    %lt3A_24 = vector.broadcast %lt3A_23 : f32 to vector<1000x128xf32>
    %lt3A_25 = arith.cmpf olt, %get3A_1, %lt3A_24 : vector<1000x128xf32>
    %and3A_26 = arith.andi %ge3A_22, %lt3A_25 : vector<1000x128xi1>
    %convert_element_type3A_27 = arith.extui %and3A_26 : vector<1000x128xi1> to vector<1000x128xi32>
    %convert_element_type3A_28 = arith.sitofp %convert_element_type3A_27 : vector<1000x128xi32> to vector<1000x128xf32>
    %ge3A_29 = arith.constant 1.000000e+00 : f32
    %ge3A_30 = vector.broadcast %ge3A_29 : f32 to vector<1000x128xf32>
    %ge3A_31 = arith.cmpf oge, %get3A_1, %ge3A_30 : vector<1000x128xf32>
    %lt3A_32 = arith.constant 2.000000e+00 : f32
    %lt3A_33 = vector.broadcast %lt3A_32 : f32 to vector<1000x128xf32>
    %lt3A_34 = arith.cmpf olt, %get3A_1, %lt3A_33 : vector<1000x128xf32>
    %and3A_35 = arith.andi %ge3A_31, %lt3A_34 : vector<1000x128xi1>
    %convert_element_type3A_36 = arith.extui %and3A_35 : vector<1000x128xi1> to vector<1000x128xi32>
    %convert_element_type3A_37 = arith.sitofp %convert_element_type3A_36 : vector<1000x128xi32> to vector<1000x128xf32>
    %sub3A = arith.constant -2.000000e+00 : f32
    %sub3A_38 = vector.broadcast %sub3A : f32 to vector<1000x128xf32>
    %sub3A_39 = arith.subf %get3A_1, %sub3A_38 : vector<1000x128xf32>
    %div3A = arith.constant 1.000000e+00 : f32
    %div3A_40 = vector.broadcast %div3A : f32 to vector<1000x128xf32>
    %div3A_41 = arith.divf %sub3A_39, %div3A_40 : vector<1000x128xf32>
    %mul3A = arith.mulf %div3A_41, %convert_element_type3A_10 : vector<1000x128xf32>
    %sub3A_42 = arith.constant 0.000000e+00 : f32
    %sub3A_43 = vector.broadcast %sub3A_42 : f32 to vector<1000x128xf32>
    %sub3A_44 = arith.subf %sub3A_43, %get3A_1 : vector<1000x128xf32>
    %div3A_45 = arith.constant 1.000000e+00 : f32
    %div3A_46 = vector.broadcast %div3A_45 : f32 to vector<1000x128xf32>
    %div3A_47 = arith.divf %sub3A_44, %div3A_46 : vector<1000x128xf32>
    %mul3A_48 = arith.mulf %div3A_47, %convert_element_type3A_19 : vector<1000x128xf32>
    %add3A = arith.addf %mul3A, %mul3A_48 : vector<1000x128xf32>
    %sub3A_49 = arith.constant -1.000000e+00 : f32
    %sub3A_50 = vector.broadcast %sub3A_49 : f32 to vector<1000x128xf32>
    %sub3A_51 = arith.subf %get3A_1, %sub3A_50 : vector<1000x128xf32>
    %div3A_52 = arith.constant 1.000000e+00 : f32
    %div3A_53 = vector.broadcast %div3A_52 : f32 to vector<1000x128xf32>
    %div3A_54 = arith.divf %sub3A_51, %div3A_53 : vector<1000x128xf32>
    %mul3A_55 = arith.mulf %div3A_54, %convert_element_type3A_19 : vector<1000x128xf32>
    %sub3A_56 = arith.constant 1.000000e+00 : f32
    %sub3A_57 = vector.broadcast %sub3A_56 : f32 to vector<1000x128xf32>
    %sub3A_58 = arith.subf %sub3A_57, %get3A_1 : vector<1000x128xf32>
    %div3A_59 = arith.constant 1.000000e+00 : f32
    %div3A_60 = vector.broadcast %div3A_59 : f32 to vector<1000x128xf32>
    %div3A_61 = arith.divf %sub3A_58, %div3A_60 : vector<1000x128xf32>
    %mul3A_62 = arith.mulf %div3A_61, %convert_element_type3A_28 : vector<1000x128xf32>
    %add3A_63 = arith.addf %mul3A_55, %mul3A_62 : vector<1000x128xf32>
    %sub3A_64 = arith.constant 0.000000e+00 : f32
    %sub3A_65 = vector.broadcast %sub3A_64 : f32 to vector<1000x128xf32>
    %sub3A_66 = arith.subf %get3A_1, %sub3A_65 : vector<1000x128xf32>
    %div3A_67 = arith.constant 1.000000e+00 : f32
    %div3A_68 = vector.broadcast %div3A_67 : f32 to vector<1000x128xf32>
    %div3A_69 = arith.divf %sub3A_66, %div3A_68 : vector<1000x128xf32>
    %mul3A_70 = arith.mulf %div3A_69, %convert_element_type3A_28 : vector<1000x128xf32>
    %sub3A_71 = arith.constant 2.000000e+00 : f32
    %sub3A_72 = vector.broadcast %sub3A_71 : f32 to vector<1000x128xf32>
    %sub3A_73 = arith.subf %sub3A_72, %get3A_1 : vector<1000x128xf32>
    %div3A_74 = arith.constant 1.000000e+00 : f32
    %div3A_75 = vector.broadcast %div3A_74 : f32 to vector<1000x128xf32>
    %div3A_76 = arith.divf %sub3A_73, %div3A_75 : vector<1000x128xf32>
    %mul3A_77 = arith.mulf %div3A_76, %convert_element_type3A_37 : vector<1000x128xf32>
    %add3A_78 = arith.addf %mul3A_70, %mul3A_77 : vector<1000x128xf32>
    %get3A_79 = arith.constant 0 : index
    %get3A_80 = arith.constant 0 : index
    %get3A_81 = arith.constant 0 : index
    %get3A_82 = vector.load %arg3[%get3A_79, %get3A_80, %get3A_81] : memref<3x128x128xf32, #tpu.memory_space<vmem>>, vector<1x128x128xf32>
    %get3A_83 = vector.shape_cast %get3A_82 : vector<1x128x128xf32> to vector<128x128xf32>
    %dot_general3A_84 = arith.constant dense<0.000000e+00> : vector<1000x128xf32>
    %dot_general3A_85 = tpu.matmul %add3A, %get3A_83, %dot_general3A_84 {dimension_numbers = #tpu.dot_dimension_numbers<[1], [1], [0], [0], [0, 0, 1, 0], [], []>, precision = #tpu.contract_precision<fp32>, transpose_lhs_hint = false} : vector<1000x128xf32>, vector<128x128xf32>, vector<1000x128xf32> -> vector<1000x128xf32>
    %add3A_86 = arith.addf %dot_general3A_5, %dot_general3A_85 : vector<1000x128xf32>
    %get3A_87 = arith.constant 1 : index
    %get3A_88 = arith.constant 0 : index
    %get3A_89 = arith.constant 0 : index
    %get3A_90 = vector.load %arg3[%get3A_87, %get3A_88, %get3A_89] : memref<3x128x128xf32, #tpu.memory_space<vmem>>, vector<1x128x128xf32>
    %get3A_91 = vector.shape_cast %get3A_90 : vector<1x128x128xf32> to vector<128x128xf32>
    %dot_general3A_92 = arith.constant dense<0.000000e+00> : vector<1000x128xf32>
    %dot_general3A_93 = tpu.matmul %add3A_63, %get3A_91, %dot_general3A_92 {dimension_numbers = #tpu.dot_dimension_numbers<[1], [1], [0], [0], [0, 0, 1, 0], [], []>, precision = #tpu.contract_precision<fp32>, transpose_lhs_hint = false} : vector<1000x128xf32>, vector<128x128xf32>, vector<1000x128xf32> -> vector<1000x128xf32>
    %add3A_94 = arith.addf %add3A_86, %dot_general3A_93 : vector<1000x128xf32>
    %get3A_95 = arith.constant 2 : index
    %get3A_96 = arith.constant 0 : index
    %get3A_97 = arith.constant 0 : index
    %get3A_98 = vector.load %arg3[%get3A_95, %get3A_96, %get3A_97] : memref<3x128x128xf32, #tpu.memory_space<vmem>>, vector<1x128x128xf32>
    %get3A_99 = vector.shape_cast %get3A_98 : vector<1x128x128xf32> to vector<128x128xf32>
    %dot_general3A_100 = arith.constant dense<0.000000e+00> : vector<1000x128xf32>
    %dot_general3A_101 = tpu.matmul %add3A_78, %get3A_99, %dot_general3A_100 {dimension_numbers = #tpu.dot_dimension_numbers<[1], [1], [0], [0], [0, 0, 1, 0], [], []>, precision = #tpu.contract_precision<fp32>, transpose_lhs_hint = false} : vector<1000x128xf32>, vector<128x128xf32>, vector<1000x128xf32> -> vector<1000x128xf32>
    %add3A_102 = arith.addf %add3A_94, %dot_general3A_101 : vector<1000x128xf32>
    %swap3A = arith.constant 0 : index
    %swap3A_103 = arith.constant 0 : index
    %swap3A_104 = vector.load %arg8[%swap3A, %swap3A_103] : memref<1000x128xf32, #tpu.memory_space<vmem>>, vector<1000x128xf32>
    tpu.vector_store %arg8[%swap3A, %swap3A_103], %add3A_102 {strides = array<i32>} : memref<1000x128xf32, #tpu.memory_space<vmem>>, vector<1000x128xf32>,
    %get3A_105 = arith.constant 0 : index
    %get3A_106 = arith.constant 0 : index
    %get3A_107 = vector.load %arg4[%get3A_105, %get3A_106] : memref<128x128xf32, #tpu.memory_space<vmem>>, vector<128x128xf32>
    %dot_general3A_108 = arith.constant dense<0.000000e+00> : vector<1000x128xf32>
    %dot_general3A_109 = tpu.matmul %get3A_1, %get3A_107, %dot_general3A_108 {dimension_numbers = #tpu.dot_dimension_numbers<[1], [1], [0], [0], [0, 0, 1, 0], [], []>, precision = #tpu.contract_precision<fp32>, transpose_lhs_hint = false} : vector<1000x128xf32>, vector<128x128xf32>, vector<1000x128xf32> -> vector<1000x128xf32>
    %ge3A_110 = arith.constant -2.000000e+00 : f32
    %ge3A_111 = vector.broadcast %ge3A_110 : f32 to vector<1000x128xf32>
    %ge3A_112 = arith.cmpf oge, %get3A_1, %ge3A_111 : vector<1000x128xf32>
    %lt3A_113 = arith.constant -1.000000e+00 : f32
    %lt3A_114 = vector.broadcast %lt3A_113 : f32 to vector<1000x128xf32>
    %lt3A_115 = arith.cmpf olt, %get3A_1, %lt3A_114 : vector<1000x128xf32>
    %and3A_116 = arith.andi %ge3A_112, %lt3A_115 : vector<1000x128xi1>
    %convert_element_type3A_117 = arith.extui %and3A_116 : vector<1000x128xi1> to vector<1000x128xi32>
    %convert_element_type3A_118 = arith.sitofp %convert_element_type3A_117 : vector<1000x128xi32> to vector<1000x128xf32>
    %ge3A_119 = arith.constant -1.000000e+00 : f32
    %ge3A_120 = vector.broadcast %ge3A_119 : f32 to vector<1000x128xf32>
    %ge3A_121 = arith.cmpf oge, %get3A_1, %ge3A_120 : vector<1000x128xf32>
    %lt3A_122 = arith.constant 0.000000e+00 : f32
    %lt3A_123 = vector.broadcast %lt3A_122 : f32 to vector<1000x128xf32>
    %lt3A_124 = arith.cmpf olt, %get3A_1, %lt3A_123 : vector<1000x128xf32>
    %and3A_125 = arith.andi %ge3A_121, %lt3A_124 : vector<1000x128xi1>
    %convert_element_type3A_126 = arith.extui %and3A_125 : vector<1000x128xi1> to vector<1000x128xi32>
    %convert_element_type3A_127 = arith.sitofp %convert_element_type3A_126 : vector<1000x128xi32> to vector<1000x128xf32>
    %ge3A_128 = arith.constant 0.000000e+00 : f32
    %ge3A_129 = vector.broadcast %ge3A_128 : f32 to vector<1000x128xf32>
    %ge3A_130 = arith.cmpf oge, %get3A_1, %ge3A_129 : vector<1000x128xf32>
    %lt3A_131 = arith.constant 1.000000e+00 : f32
    %lt3A_132 = vector.broadcast %lt3A_131 : f32 to vector<1000x128xf32>
    %lt3A_133 = arith.cmpf olt, %get3A_1, %lt3A_132 : vector<1000x128xf32>
    %and3A_134 = arith.andi %ge3A_130, %lt3A_133 : vector<1000x128xi1>
    %convert_element_type3A_135 = arith.extui %and3A_134 : vector<1000x128xi1> to vector<1000x128xi32>
    %convert_element_type3A_136 = arith.sitofp %convert_element_type3A_135 : vector<1000x128xi32> to vector<1000x128xf32>
    %ge3A_137 = arith.constant 1.000000e+00 : f32
    %ge3A_138 = vector.broadcast %ge3A_137 : f32 to vector<1000x128xf32>
    %ge3A_139 = arith.cmpf oge, %get3A_1, %ge3A_138 : vector<1000x128xf32>
    %lt3A_140 = arith.constant 2.000000e+00 : f32
    %lt3A_141 = vector.broadcast %lt3A_140 : f32 to vector<1000x128xf32>
    %lt3A_142 = arith.cmpf olt, %get3A_1, %lt3A_141 : vector<1000x128xf32>
    %and3A_143 = arith.andi %ge3A_139, %lt3A_142 : vector<1000x128xi1>
    %convert_element_type3A_144 = arith.extui %and3A_143 : vector<1000x128xi1> to vector<1000x128xi32>
    %convert_element_type3A_145 = arith.sitofp %convert_element_type3A_144 : vector<1000x128xi32> to vector<1000x128xf32>
    %sub3A_146 = arith.constant -2.000000e+00 : f32
    %sub3A_147 = vector.broadcast %sub3A_146 : f32 to vector<1000x128xf32>
    %sub3A_148 = arith.subf %get3A_1, %sub3A_147 : vector<1000x128xf32>
    %div3A_149 = arith.constant 1.000000e+00 : f32
    %div3A_150 = vector.broadcast %div3A_149 : f32 to vector<1000x128xf32>
    %div3A_151 = arith.divf %sub3A_148, %div3A_150 : vector<1000x128xf32>
    %mul3A_152 = arith.mulf %div3A_151, %convert_element_type3A_118 : vector<1000x128xf32>
    %sub3A_153 = arith.constant 0.000000e+00 : f32
    %sub3A_154 = vector.broadcast %sub3A_153 : f32 to vector<1000x128xf32>
    %sub3A_155 = arith.subf %sub3A_154, %get3A_1 : vector<1000x128xf32>
    %div3A_156 = arith.constant 1.000000e+00 : f32
    %div3A_157 = vector.broadcast %div3A_156 : f32 to vector<1000x128xf32>
    %div3A_158 = arith.divf %sub3A_155, %div3A_157 : vector<1000x128xf32>
    %mul3A_159 = arith.mulf %div3A_158, %convert_element_type3A_127 : vector<1000x128xf32>
    %add3A_160 = arith.addf %mul3A_152, %mul3A_159 : vector<1000x128xf32>
    %sub3A_161 = arith.constant -1.000000e+00 : f32
    %sub3A_162 = vector.broadcast %sub3A_161 : f32 to vector<1000x128xf32>
    %sub3A_163 = arith.subf %get3A_1, %sub3A_162 : vector<1000x128xf32>
    %div3A_164 = arith.constant 1.000000e+00 : f32
    %div3A_165 = vector.broadcast %div3A_164 : f32 to vector<1000x128xf32>
    %div3A_166 = arith.divf %sub3A_163, %div3A_165 : vector<1000x128xf32>
    %mul3A_167 = arith.mulf %div3A_166, %convert_element_type3A_127 : vector<1000x128xf32>
    %sub3A_168 = arith.constant 1.000000e+00 : f32
    %sub3A_169 = vector.broadcast %sub3A_168 : f32 to vector<1000x128xf32>
    %sub3A_170 = arith.subf %sub3A_169, %get3A_1 : vector<1000x128xf32>
    %div3A_171 = arith.constant 1.000000e+00 : f32
    %div3A_172 = vector.broadcast %div3A_171 : f32 to vector<1000x128xf32>
    %div3A_173 = arith.divf %sub3A_170, %div3A_172 : vector<1000x128xf32>
    %mul3A_174 = arith.mulf %div3A_173, %convert_element_type3A_136 : vector<1000x128xf32>
    %add3A_175 = arith.addf %mul3A_167, %mul3A_174 : vector<1000x128xf32>
    %sub3A_176 = arith.constant 0.000000e+00 : f32
    %sub3A_177 = vector.broadcast %sub3A_176 : f32 to vector<1000x128xf32>
    %sub3A_178 = arith.subf %get3A_1, %sub3A_177 : vector<1000x128xf32>
    %div3A_179 = arith.constant 1.000000e+00 : f32
    %div3A_180 = vector.broadcast %div3A_179 : f32 to vector<1000x128xf32>
    %div3A_181 = arith.divf %sub3A_178, %div3A_180 : vector<1000x128xf32>
    %mul3A_182 = arith.mulf %div3A_181, %convert_element_type3A_136 : vector<1000x128xf32>
    %sub3A_183 = arith.constant 2.000000e+00 : f32
    %sub3A_184 = vector.broadcast %sub3A_183 : f32 to vector<1000x128xf32>
    %sub3A_185 = arith.subf %sub3A_184, %get3A_1 : vector<1000x128xf32>
    %div3A_186 = arith.constant 1.000000e+00 : f32
    %div3A_187 = vector.broadcast %div3A_186 : f32 to vector<1000x128xf32>
    %div3A_188 = arith.divf %sub3A_185, %div3A_187 : vector<1000x128xf32>
    %mul3A_189 = arith.mulf %div3A_188, %convert_element_type3A_145 : vector<1000x128xf32>
    %add3A_190 = arith.addf %mul3A_182, %mul3A_189 : vector<1000x128xf32>
    %get3A_191 = arith.constant 0 : index
    %get3A_192 = arith.constant 0 : index
    %get3A_193 = arith.constant 0 : index
    %get3A_194 = vector.load %arg5[%get3A_191, %get3A_192, %get3A_193] : memref<3x128x128xf32, #tpu.memory_space<vmem>>, vector<1x128x128xf32>
    %get3A_195 = vector.shape_cast %get3A_194 : vector<1x128x128xf32> to vector<128x128xf32>
    %dot_general3A_196 = arith.constant dense<0.000000e+00> : vector<1000x128xf32>
    %dot_general3A_197 = tpu.matmul %add3A_160, %get3A_195, %dot_general3A_196 {dimension_numbers = #tpu.dot_dimension_numbers<[1], [1], [0], [0], [0, 0, 1, 0], [], []>, precision = #tpu.contract_precision<fp32>, transpose_lhs_hint = false} : vector<1000x128xf32>, vector<128x128xf32>, vector<1000x128xf32> -> vector<1000x128xf32>
    %add3A_198 = arith.addf %dot_general3A_109, %dot_general3A_197 : vector<1000x128xf32>
    %get3A_199 = arith.constant 1 : index
    %get3A_200 = arith.constant 0 : index
    %get3A_201 = arith.constant 0 : index
    %get3A_202 = vector.load %arg5[%get3A_199, %get3A_200, %get3A_201] : memref<3x128x128xf32, #tpu.memory_space<vmem>>, vector<1x128x128xf32>
    %get3A_203 = vector.shape_cast %get3A_202 : vector<1x128x128xf32> to vector<128x128xf32>
    %dot_general3A_204 = arith.constant dense<0.000000e+00> : vector<1000x128xf32>
    %dot_general3A_205 = tpu.matmul %add3A_175, %get3A_203, %dot_general3A_204 {dimension_numbers = #tpu.dot_dimension_numbers<[1], [1], [0], [0], [0, 0, 1, 0], [], []>, precision = #tpu.contract_precision<fp32>, transpose_lhs_hint = false} : vector<1000x128xf32>, vector<128x128xf32>, vector<1000x128xf32> -> vector<1000x128xf32>
    %add3A_206 = arith.addf %add3A_198, %dot_general3A_205 : vector<1000x128xf32>
    %get3A_207 = arith.constant 2 : index
    %get3A_208 = arith.constant 0 : index
    %get3A_209 = arith.constant 0 : index
    %get3A_210 = vector.load %arg5[%get3A_207, %get3A_208, %get3A_209] : memref<3x128x128xf32, #tpu.memory_space<vmem>>, vector<1x128x128xf32>
    %get3A_211 = vector.shape_cast %get3A_210 : vector<1x128x128xf32> to vector<128x128xf32>
    %dot_general3A_212 = arith.constant dense<0.000000e+00> : vector<1000x128xf32>
    %dot_general3A_213 = tpu.matmul %add3A_190, %get3A_211, %dot_general3A_212 {dimension_numbers = #tpu.dot_dimension_numbers<[1], [1], [0], [0], [0, 0, 1, 0], [], []>, precision = #tpu.contract_precision<fp32>, transpose_lhs_hint = false} : vector<1000x128xf32>, vector<128x128xf32>, vector<1000x128xf32> -> vector<1000x128xf32>
    %add3A_214 = arith.addf %add3A_206, %dot_general3A_213 : vector<1000x128xf32>
    %swap3A_215 = arith.constant 0 : index
    %swap3A_216 = arith.constant 0 : index
    %swap3A_217 = vector.load %arg9[%swap3A_215, %swap3A_216] : memref<1000x128xf32, #tpu.memory_space<vmem>>, vector<1000x128xf32>
    tpu.vector_store %arg9[%swap3A_215, %swap3A_216], %add3A_214 {strides = array<i32>} : memref<1000x128xf32, #tpu.memory_space<vmem>>, vector<1000x128xf32>,
    %get3A_218 = arith.constant 0 : index
    %get3A_219 = arith.constant 0 : index
    %get3A_220 = vector.load %arg6[%get3A_218, %get3A_219] : memref<128x128xf32, #tpu.memory_space<vmem>>, vector<128x128xf32>
    %dot_general3A_221 = arith.constant dense<0.000000e+00> : vector<1000x128xf32>
    %dot_general3A_222 = tpu.matmul %get3A_1, %get3A_220, %dot_general3A_221 {dimension_numbers = #tpu.dot_dimension_numbers<[1], [1], [0], [0], [0, 0, 1, 0], [], []>, precision = #tpu.contract_precision<fp32>, transpose_lhs_hint = false} : vector<1000x128xf32>, vector<128x128xf32>, vector<1000x128xf32> -> vector<1000x128xf32>
    %ge3A_223 = arith.constant -2.000000e+00 : f32
    %ge3A_224 = vector.broadcast %ge3A_223 : f32 to vector<1000x128xf32>
    %ge3A_225 = arith.cmpf oge, %get3A_1, %ge3A_224 : vector<1000x128xf32>
    %lt3A_226 = arith.constant -1.000000e+00 : f32
    %lt3A_227 = vector.broadcast %lt3A_226 : f32 to vector<1000x128xf32>
    %lt3A_228 = arith.cmpf olt, %get3A_1, %lt3A_227 : vector<1000x128xf32>
    %and3A_229 = arith.andi %ge3A_225, %lt3A_228 : vector<1000x128xi1>
    %convert_element_type3A_230 = arith.extui %and3A_229 : vector<1000x128xi1> to vector<1000x128xi32>
    %convert_element_type3A_231 = arith.sitofp %convert_element_type3A_230 : vector<1000x128xi32> to vector<1000x128xf32>
    %ge3A_232 = arith.constant -1.000000e+00 : f32
    %ge3A_233 = vector.broadcast %ge3A_232 : f32 to vector<1000x128xf32>
    %ge3A_234 = arith.cmpf oge, %get3A_1, %ge3A_233 : vector<1000x128xf32>
    %lt3A_235 = arith.constant 0.000000e+00 : f32
    %lt3A_236 = vector.broadcast %lt3A_235 : f32 to vector<1000x128xf32>
    %lt3A_237 = arith.cmpf olt, %get3A_1, %lt3A_236 : vector<1000x128xf32>
    %and3A_238 = arith.andi %ge3A_234, %lt3A_237 : vector<1000x128xi1>
    %convert_element_type3A_239 = arith.extui %and3A_238 : vector<1000x128xi1> to vector<1000x128xi32>
    %convert_element_type3A_240 = arith.sitofp %convert_element_type3A_239 : vector<1000x128xi32> to vector<1000x128xf32>
    %ge3A_241 = arith.constant 0.000000e+00 : f32
    %ge3A_242 = vector.broadcast %ge3A_241 : f32 to vector<1000x128xf32>
    %ge3A_243 = arith.cmpf oge, %get3A_1, %ge3A_242 : vector<1000x128xf32>
    %lt3A_244 = arith.constant 1.000000e+00 : f32
    %lt3A_245 = vector.broadcast %lt3A_244 : f32 to vector<1000x128xf32>
    %lt3A_246 = arith.cmpf olt, %get3A_1, %lt3A_245 : vector<1000x128xf32>
    %and3A_247 = arith.andi %ge3A_243, %lt3A_246 : vector<1000x128xi1>
    %convert_element_type3A_248 = arith.extui %and3A_247 : vector<1000x128xi1> to vector<1000x128xi32>
    %convert_element_type3A_249 = arith.sitofp %convert_element_type3A_248 : vector<1000x128xi32> to vector<1000x128xf32>
    %ge3A_250 = arith.constant 1.000000e+00 : f32
    %ge3A_251 = vector.broadcast %ge3A_250 : f32 to vector<1000x128xf32>
    %ge3A_252 = arith.cmpf oge, %get3A_1, %ge3A_251 : vector<1000x128xf32>
    %lt3A_253 = arith.constant 2.000000e+00 : f32
    %lt3A_254 = vector.broadcast %lt3A_253 : f32 to vector<1000x128xf32>
    %lt3A_255 = arith.cmpf olt, %get3A_1, %lt3A_254 : vector<1000x128xf32>
    %and3A_256 = arith.andi %ge3A_252, %lt3A_255 : vector<1000x128xi1>
    %convert_element_type3A_257 = arith.extui %and3A_256 : vector<1000x128xi1> to vector<1000x128xi32>
    %convert_element_type3A_258 = arith.sitofp %convert_element_type3A_257 : vector<1000x128xi32> to vector<1000x128xf32>
    %sub3A_259 = arith.constant -2.000000e+00 : f32
    %sub3A_260 = vector.broadcast %sub3A_259 : f32 to vector<1000x128xf32>
    %sub3A_261 = arith.subf %get3A_1, %sub3A_260 : vector<1000x128xf32>
    %div3A_262 = arith.constant 1.000000e+00 : f32
    %div3A_263 = vector.broadcast %div3A_262 : f32 to vector<1000x128xf32>
    %div3A_264 = arith.divf %sub3A_261, %div3A_263 : vector<1000x128xf32>
    %mul3A_265 = arith.mulf %div3A_264, %convert_element_type3A_231 : vector<1000x128xf32>
    %sub3A_266 = arith.constant 0.000000e+00 : f32
    %sub3A_267 = vector.broadcast %sub3A_266 : f32 to vector<1000x128xf32>
    %sub3A_268 = arith.subf %sub3A_267, %get3A_1 : vector<1000x128xf32>
    %div3A_269 = arith.constant 1.000000e+00 : f32
    %div3A_270 = vector.broadcast %div3A_269 : f32 to vector<1000x128xf32>
    %div3A_271 = arith.divf %sub3A_268, %div3A_270 : vector<1000x128xf32>
    %mul3A_272 = arith.mulf %div3A_271, %convert_element_type3A_240 : vector<1000x128xf32>
    %add3A_273 = arith.addf %mul3A_265, %mul3A_272 : vector<1000x128xf32>
    %sub3A_274 = arith.constant -1.000000e+00 : f32
    %sub3A_275 = vector.broadcast %sub3A_274 : f32 to vector<1000x128xf32>
    %sub3A_276 = arith.subf %get3A_1, %sub3A_275 : vector<1000x128xf32>
    %div3A_277 = arith.constant 1.000000e+00 : f32
    %div3A_278 = vector.broadcast %div3A_277 : f32 to vector<1000x128xf32>
    %div3A_279 = arith.divf %sub3A_276, %div3A_278 : vector<1000x128xf32>
    %mul3A_280 = arith.mulf %div3A_279, %convert_element_type3A_240 : vector<1000x128xf32>
    %sub3A_281 = arith.constant 1.000000e+00 : f32
    %sub3A_282 = vector.broadcast %sub3A_281 : f32 to vector<1000x128xf32>
    %sub3A_283 = arith.subf %sub3A_282, %get3A_1 : vector<1000x128xf32>
    %div3A_284 = arith.constant 1.000000e+00 : f32
    %div3A_285 = vector.broadcast %div3A_284 : f32 to vector<1000x128xf32>
    %div3A_286 = arith.divf %sub3A_283, %div3A_285 : vector<1000x128xf32>
    %mul3A_287 = arith.mulf %div3A_286, %convert_element_type3A_249 : vector<1000x128xf32>
    %add3A_288 = arith.addf %mul3A_280, %mul3A_287 : vector<1000x128xf32>
    %sub3A_289 = arith.constant 0.000000e+00 : f32
    %sub3A_290 = vector.broadcast %sub3A_289 : f32 to vector<1000x128xf32>
    %sub3A_291 = arith.subf %get3A_1, %sub3A_290 : vector<1000x128xf32>
    %div3A_292 = arith.constant 1.000000e+00 : f32
    %div3A_293 = vector.broadcast %div3A_292 : f32 to vector<1000x128xf32>
    %div3A_294 = arith.divf %sub3A_291, %div3A_293 : vector<1000x128xf32>
    %mul3A_295 = arith.mulf %div3A_294, %convert_element_type3A_249 : vector<1000x128xf32>
    %sub3A_296 = arith.constant 2.000000e+00 : f32
    %sub3A_297 = vector.broadcast %sub3A_296 : f32 to vector<1000x128xf32>
    %sub3A_298 = arith.subf %sub3A_297, %get3A_1 : vector<1000x128xf32>
    %div3A_299 = arith.constant 1.000000e+00 : f32
    %div3A_300 = vector.broadcast %div3A_299 : f32 to vector<1000x128xf32>
    %div3A_301 = arith.divf %sub3A_298, %div3A_300 : vector<1000x128xf32>
    %mul3A_302 = arith.mulf %div3A_301, %convert_element_type3A_258 : vector<1000x128xf32>
    %add3A_303 = arith.addf %mul3A_295, %mul3A_302 : vector<1000x128xf32>
    %get3A_304 = arith.constant 0 : index
    %get3A_305 = arith.constant 0 : index
    %get3A_306 = arith.constant 0 : index
    %get3A_307 = vector.load %arg7[%get3A_304, %get3A_305, %get3A_306] : memref<3x128x128xf32, #tpu.memory_space<vmem>>, vector<1x128x128xf32>
    %get3A_308 = vector.shape_cast %get3A_307 : vector<1x128x128xf32> to vector<128x128xf32>
    %dot_general3A_309 = arith.constant dense<0.000000e+00> : vector<1000x128xf32>
    %dot_general3A_310 = tpu.matmul %add3A_273, %get3A_308, %dot_general3A_309 {dimension_numbers = #tpu.dot_dimension_numbers<[1], [1], [0], [0], [0, 0, 1, 0], [], []>, precision = #tpu.contract_precision<fp32>, transpose_lhs_hint = false} : vector<1000x128xf32>, vector<128x128xf32>, vector<1000x128xf32> -> vector<1000x128xf32>
    %add3A_311 = arith.addf %dot_general3A_222, %dot_general3A_310 : vector<1000x128xf32>
    %get3A_312 = arith.constant 1 : index
    %get3A_313 = arith.constant 0 : index
    %get3A_314 = arith.constant 0 : index
    %get3A_315 = vector.load %arg7[%get3A_312, %get3A_313, %get3A_314] : memref<3x128x128xf32, #tpu.memory_space<vmem>>, vector<1x128x128xf32>
    %get3A_316 = vector.shape_cast %get3A_315 : vector<1x128x128xf32> to vector<128x128xf32>
    %dot_general3A_317 = arith.constant dense<0.000000e+00> : vector<1000x128xf32>
    %dot_general3A_318 = tpu.matmul %add3A_288, %get3A_316, %dot_general3A_317 {dimension_numbers = #tpu.dot_dimension_numbers<[1], [1], [0], [0], [0, 0, 1, 0], [], []>, precision = #tpu.contract_precision<fp32>, transpose_lhs_hint = false} : vector<1000x128xf32>, vector<128x128xf32>, vector<1000x128xf32> -> vector<1000x128xf32>
    %add3A_319 = arith.addf %add3A_311, %dot_general3A_318 : vector<1000x128xf32>
    %get3A_320 = arith.constant 2 : index
    %get3A_321 = arith.constant 0 : index
    %get3A_322 = arith.constant 0 : index
    %get3A_323 = vector.load %arg7[%get3A_320, %get3A_321, %get3A_322] : memref<3x128x128xf32, #tpu.memory_space<vmem>>, vector<1x128x128xf32>
    %get3A_324 = vector.shape_cast %get3A_323 : vector<1x128x128xf32> to vector<128x128xf32>
    %dot_general3A_325 = arith.constant dense<0.000000e+00> : vector<1000x128xf32>
    %dot_general3A_326 = tpu.matmul %add3A_303, %get3A_324, %dot_general3A_325 {dimension_numbers = #tpu.dot_dimension_numbers<[1], [1], [0], [0], [0, 0, 1, 0], [], []>, precision = #tpu.contract_precision<fp32>, transpose_lhs_hint = false} : vector<1000x128xf32>, vector<128x128xf32>, vector<1000x128xf32> -> vector<1000x128xf32>
    %add3A_327 = arith.addf %add3A_319, %dot_general3A_326 : vector<1000x128xf32>
    %swap3A_328 = arith.constant 0 : index
    %swap3A_329 = arith.constant 0 : index
    %swap3A_330 = vector.load %arg10[%swap3A_328, %swap3A_329] : memref<1000x128xf32, #tpu.memory_space<vmem>>, vector<1000x128xf32>
    tpu.vector_store %arg10[%swap3A_328, %swap3A_329], %add3A_327 {strides = array<i32>} : memref<1000x128xf32, #tpu.memory_space<vmem>>, vector<1000x128xf32>,
    return
  }
  func.func @transform_0(%arg0: i32) -> (i32, i32) {
    %c0_i32 = arith.constant 0 : i32
    %c0_i32_0 = arith.constant 0 : i32
    return %arg0, %c0_i32 : i32, i32
  }
  func.func @transform_1(%arg0: i32) -> (i32, i32) {
    %c0_i32 = arith.constant 0 : i32
    %c0_i32_0 = arith.constant 0 : i32
    %c0_i32_1 = arith.constant 0 : i32
    return %c0_i32, %c0_i32_0 : i32, i32
  }
  func.func @transform_2(%arg0: i32) -> (i32, i32, i32) {
    %c0_i32 = arith.constant 0 : i32
    %c0_i32_0 = arith.constant 0 : i32
    %c0_i32_1 = arith.constant 0 : i32
    %c0_i32_2 = arith.constant 0 : i32
    return %c0_i32, %c0_i32_0, %c0_i32_1 : i32, i32, i32
  }
  func.func @transform_3(%arg0: i32) -> (i32, i32) {
    %c0_i32 = arith.constant 0 : i32
    %c0_i32_0 = arith.constant 0 : i32
    %c0_i32_1 = arith.constant 0 : i32
    return %c0_i32, %c0_i32_0 : i32, i32
  }
  func.func @transform_4(%arg0: i32) -> (i32, i32, i32) {
    %c0_i32 = arith.constant 0 : i32
    %c0_i32_0 = arith.constant 0 : i32
    %c0_i32_1 = arith.constant 0 : i32
    %c0_i32_2 = arith.constant 0 : i32
    return %c0_i32, %c0_i32_0, %c0_i32_1 : i32, i32, i32
  }
  func.func @transform_5(%arg0: i32) -> (i32, i32) {
    %c0_i32 = arith.constant 0 : i32
    %c0_i32_0 = arith.constant 0 : i32
    %c0_i32_1 = arith.constant 0 : i32
    return %c0_i32, %c0_i32_0 : i32, i32
  }
  func.func @transform_6(%arg0: i32) -> (i32, i32, i32) {
    %c0_i32 = arith.constant 0 : i32
    %c0_i32_0 = arith.constant 0 : i32
    %c0_i32_1 = arith.constant 0 : i32
    %c0_i32_2 = arith.constant 0 : i32
    return %c0_i32, %c0_i32_0, %c0_i32_1 : i32, i32, i32
  }
  func.func @transform_7(%arg0: i32) -> (i32, i32) {
    %c0_i32 = arith.constant 0 : i32
    %c0_i32_0 = arith.constant 0 : i32
    return %arg0, %c0_i32 : i32, i32
  }
  func.func @transform_8(%arg0: i32) -> (i32, i32) {
    %c0_i32 = arith.constant 0 : i32
    %c0_i32_0 = arith.constant 0 : i32
    return %arg0, %c0_i32 : i32, i32
  }
  func.func @transform_9(%arg0: i32) -> (i32, i32) {
    %c0_i32 = arith.constant 0 : i32
    %c0_i32_0 = arith.constant 0 : i32
    return %arg0, %c0_i32 : i32, i32
  }
}

module attributes {stable_mosaic.version = 14 : i64} {
  func.func @_attn_body(%arg0: i32, %arg1: memref<10x100x128xf32, #tpu.memory_space<vmem>>, %arg2: memref<10x100x128xf32, #tpu.memory_space<vmem>>, %arg3: memref<10x100x128xf32, #tpu.memory_space<vmem>>, %arg4: memref<10x100x128xf32, #tpu.memory_space<vmem>>) attributes {dimension_semantics = [#tpu.dimension_semantics<arbitrary>], iteration_bounds = array<i64: 10>, scalar_prefetch = 0 : i64, scratch_operands = 0 : i64, tpu.core_type = #tpu.core_type<tc>, window_params = [{transform_indices = @transform_0, window_bounds = array<i64: 10, 100, 128>}, {transform_indices = @transform_1, window_bounds = array<i64: 10, 100, 128>}, {transform_indices = @transform_2, window_bounds = array<i64: 10, 100, 128>}, {transform_indices = @transform_3, window_bounds = array<i64: 10, 100, 128>}]} {
    %get3A = arith.constant 0 : index
    %get3A_0 = arith.constant 0 : index
    %get3A_1 = arith.constant 0 : index
    %get3A_2 = vector.load %arg1[%get3A, %get3A_0, %get3A_1] : memref<10x100x128xf32, #tpu.memory_space<vmem>>, vector<1x100x128xf32>
    %get3A_3 = vector.shape_cast %get3A_2 : vector<1x100x128xf32> to vector<100x128xf32>
    %get3A_4 = arith.constant 0 : index
    %get3A_5 = arith.constant 0 : index
    %get3A_6 = arith.constant 0 : index
    %get3A_7 = vector.load %arg2[%get3A_4, %get3A_5, %get3A_6] : memref<10x100x128xf32, #tpu.memory_space<vmem>>, vector<1x100x128xf32>
    %get3A_8 = vector.shape_cast %get3A_7 : vector<1x100x128xf32> to vector<100x128xf32>
    %get3A_9 = arith.constant 0 : index
    %get3A_10 = arith.constant 0 : index
    %get3A_11 = arith.constant 0 : index
    %get3A_12 = vector.load %arg3[%get3A_9, %get3A_10, %get3A_11] : memref<10x100x128xf32, #tpu.memory_space<vmem>>, vector<1x100x128xf32>
    %get3A_13 = vector.shape_cast %get3A_12 : vector<1x100x128xf32> to vector<100x128xf32>
    %slice3A = vector.extract_strided_slice %get3A_3 {offsets = [0, 0], sizes = [100, 32], strides = [1, 1]} : vector<100x128xf32> to vector<100x32xf32>
    %slice3A_14 = vector.extract_strided_slice %get3A_8 {offsets = [0, 0], sizes = [100, 32], strides = [1, 1]} : vector<100x128xf32> to vector<100x32xf32>
    %slice3A_15 = vector.extract_strided_slice %get3A_13 {offsets = [0, 0], sizes = [100, 32], strides = [1, 1]} : vector<100x128xf32> to vector<100x32xf32>
    %dot_general3A = arith.constant dense<0.000000e+00> : vector<100x100xf32>
    %dot_general3A_16 = tpu.matmul %slice3A, %slice3A_14, %dot_general3A {dimension_numbers = #tpu.dot_dimension_numbers<[1], [1], [0], [0], [0, 0, 1, 0], [], []>, precision = #tpu.contract_precision<fp32>, transpose_lhs_hint = false} : vector<100x32xf32>, vector<100x32xf32>, vector<100x100xf32> -> vector<100x100xf32>
    %div3A = arith.constant 5.65685415 : f32
    %div3A_17 = vector.broadcast %div3A : f32 to vector<100x100xf32>
    %div3A_18 = arith.divf %dot_general3A_16, %div3A_17 : vector<100x100xf32>
    %reduce_max3A = arith.constant dense<0xFF800000> : vector<100xf32>
    %reduce_max3A_19 = vector.multi_reduction <maximumf>, %div3A_18, %reduce_max3A [1] : vector<100x100xf32> to vector<100xf32>
    %broadcast_in_dim3A = vector.shape_cast %reduce_max3A_19 : vector<100xf32> to vector<100x1xf32>
    %sub3A = vector.broadcast %broadcast_in_dim3A : vector<100x1xf32> to vector<100x100xf32>
    %sub3A_20 = arith.subf %div3A_18, %sub3A : vector<100x100xf32>
    %exp3A = math.exp %sub3A_20 : vector<100x100xf32>
    %reduce_sum3A = arith.constant dense<0.000000e+00> : vector<100xf32>
    %reduce_sum3A_21 = vector.multi_reduction <add>, %exp3A, %reduce_sum3A [1] : vector<100x100xf32> to vector<100xf32>
    %broadcast_in_dim3A_22 = vector.shape_cast %reduce_sum3A_21 : vector<100xf32> to vector<100x1xf32>
    %div3A_23 = vector.broadcast %broadcast_in_dim3A_22 : vector<100x1xf32> to vector<100x100xf32>
    %div3A_24 = arith.divf %exp3A, %div3A_23 : vector<100x100xf32>
    %dot_general3A_25 = arith.constant dense<0.000000e+00> : vector<100x32xf32>
    %dot_general3A_26 = tpu.matmul %div3A_24, %slice3A_15, %dot_general3A_25 {dimension_numbers = #tpu.dot_dimension_numbers<[1], [0], [0], [1], [0, 0, 1, 1], [], []>, precision = #tpu.contract_precision<fp32>, transpose_lhs_hint = false} : vector<100x100xf32>, vector<100x32xf32>, vector<100x32xf32> -> vector<100x32xf32>
    %slice3A_27 = vector.extract_strided_slice %get3A_3 {offsets = [0, 32], sizes = [100, 32], strides = [1, 1]} : vector<100x128xf32> to vector<100x32xf32>
    %slice3A_28 = vector.extract_strided_slice %get3A_8 {offsets = [0, 32], sizes = [100, 32], strides = [1, 1]} : vector<100x128xf32> to vector<100x32xf32>
    %slice3A_29 = vector.extract_strided_slice %get3A_13 {offsets = [0, 32], sizes = [100, 32], strides = [1, 1]} : vector<100x128xf32> to vector<100x32xf32>
    %dot_general3A_30 = arith.constant dense<0.000000e+00> : vector<100x100xf32>
    %dot_general3A_31 = tpu.matmul %slice3A_27, %slice3A_28, %dot_general3A_30 {dimension_numbers = #tpu.dot_dimension_numbers<[1], [1], [0], [0], [0, 0, 1, 0], [], []>, precision = #tpu.contract_precision<fp32>, transpose_lhs_hint = false} : vector<100x32xf32>, vector<100x32xf32>, vector<100x100xf32> -> vector<100x100xf32>
    %div3A_32 = arith.constant 5.65685415 : f32
    %div3A_33 = vector.broadcast %div3A_32 : f32 to vector<100x100xf32>
    %div3A_34 = arith.divf %dot_general3A_31, %div3A_33 : vector<100x100xf32>
    %reduce_max3A_35 = arith.constant dense<0xFF800000> : vector<100xf32>
    %reduce_max3A_36 = vector.multi_reduction <maximumf>, %div3A_34, %reduce_max3A_35 [1] : vector<100x100xf32> to vector<100xf32>
    %broadcast_in_dim3A_37 = vector.shape_cast %reduce_max3A_36 : vector<100xf32> to vector<100x1xf32>
    %sub3A_38 = vector.broadcast %broadcast_in_dim3A_37 : vector<100x1xf32> to vector<100x100xf32>
    %sub3A_39 = arith.subf %div3A_34, %sub3A_38 : vector<100x100xf32>
    %exp3A_40 = math.exp %sub3A_39 : vector<100x100xf32>
    %reduce_sum3A_41 = arith.constant dense<0.000000e+00> : vector<100xf32>
    %reduce_sum3A_42 = vector.multi_reduction <add>, %exp3A_40, %reduce_sum3A_41 [1] : vector<100x100xf32> to vector<100xf32>
    %broadcast_in_dim3A_43 = vector.shape_cast %reduce_sum3A_42 : vector<100xf32> to vector<100x1xf32>
    %div3A_44 = vector.broadcast %broadcast_in_dim3A_43 : vector<100x1xf32> to vector<100x100xf32>
    %div3A_45 = arith.divf %exp3A_40, %div3A_44 : vector<100x100xf32>
    %dot_general3A_46 = arith.constant dense<0.000000e+00> : vector<100x32xf32>
    %dot_general3A_47 = tpu.matmul %div3A_45, %slice3A_29, %dot_general3A_46 {dimension_numbers = #tpu.dot_dimension_numbers<[1], [0], [0], [1], [0, 0, 1, 1], [], []>, precision = #tpu.contract_precision<fp32>, transpose_lhs_hint = false} : vector<100x100xf32>, vector<100x32xf32>, vector<100x32xf32> -> vector<100x32xf32>
    %slice3A_48 = vector.extract_strided_slice %get3A_3 {offsets = [0, 64], sizes = [100, 32], strides = [1, 1]} : vector<100x128xf32> to vector<100x32xf32>
    %slice3A_49 = vector.extract_strided_slice %get3A_8 {offsets = [0, 64], sizes = [100, 32], strides = [1, 1]} : vector<100x128xf32> to vector<100x32xf32>
    %slice3A_50 = vector.extract_strided_slice %get3A_13 {offsets = [0, 64], sizes = [100, 32], strides = [1, 1]} : vector<100x128xf32> to vector<100x32xf32>
    %dot_general3A_51 = arith.constant dense<0.000000e+00> : vector<100x100xf32>
    %dot_general3A_52 = tpu.matmul %slice3A_48, %slice3A_49, %dot_general3A_51 {dimension_numbers = #tpu.dot_dimension_numbers<[1], [1], [0], [0], [0, 0, 1, 0], [], []>, precision = #tpu.contract_precision<fp32>, transpose_lhs_hint = false} : vector<100x32xf32>, vector<100x32xf32>, vector<100x100xf32> -> vector<100x100xf32>
    %div3A_53 = arith.constant 5.65685415 : f32
    %div3A_54 = vector.broadcast %div3A_53 : f32 to vector<100x100xf32>
    %div3A_55 = arith.divf %dot_general3A_52, %div3A_54 : vector<100x100xf32>
    %reduce_max3A_56 = arith.constant dense<0xFF800000> : vector<100xf32>
    %reduce_max3A_57 = vector.multi_reduction <maximumf>, %div3A_55, %reduce_max3A_56 [1] : vector<100x100xf32> to vector<100xf32>
    %broadcast_in_dim3A_58 = vector.shape_cast %reduce_max3A_57 : vector<100xf32> to vector<100x1xf32>
    %sub3A_59 = vector.broadcast %broadcast_in_dim3A_58 : vector<100x1xf32> to vector<100x100xf32>
    %sub3A_60 = arith.subf %div3A_55, %sub3A_59 : vector<100x100xf32>
    %exp3A_61 = math.exp %sub3A_60 : vector<100x100xf32>
    %reduce_sum3A_62 = arith.constant dense<0.000000e+00> : vector<100xf32>
    %reduce_sum3A_63 = vector.multi_reduction <add>, %exp3A_61, %reduce_sum3A_62 [1] : vector<100x100xf32> to vector<100xf32>
    %broadcast_in_dim3A_64 = vector.shape_cast %reduce_sum3A_63 : vector<100xf32> to vector<100x1xf32>
    %div3A_65 = vector.broadcast %broadcast_in_dim3A_64 : vector<100x1xf32> to vector<100x100xf32>
    %div3A_66 = arith.divf %exp3A_61, %div3A_65 : vector<100x100xf32>
    %dot_general3A_67 = arith.constant dense<0.000000e+00> : vector<100x32xf32>
    %dot_general3A_68 = tpu.matmul %div3A_66, %slice3A_50, %dot_general3A_67 {dimension_numbers = #tpu.dot_dimension_numbers<[1], [0], [0], [1], [0, 0, 1, 1], [], []>, precision = #tpu.contract_precision<fp32>, transpose_lhs_hint = false} : vector<100x100xf32>, vector<100x32xf32>, vector<100x32xf32> -> vector<100x32xf32>
    %slice3A_69 = vector.extract_strided_slice %get3A_3 {offsets = [0, 96], sizes = [100, 32], strides = [1, 1]} : vector<100x128xf32> to vector<100x32xf32>
    %slice3A_70 = vector.extract_strided_slice %get3A_8 {offsets = [0, 96], sizes = [100, 32], strides = [1, 1]} : vector<100x128xf32> to vector<100x32xf32>
    %slice3A_71 = vector.extract_strided_slice %get3A_13 {offsets = [0, 96], sizes = [100, 32], strides = [1, 1]} : vector<100x128xf32> to vector<100x32xf32>
    %dot_general3A_72 = arith.constant dense<0.000000e+00> : vector<100x100xf32>
    %dot_general3A_73 = tpu.matmul %slice3A_69, %slice3A_70, %dot_general3A_72 {dimension_numbers = #tpu.dot_dimension_numbers<[1], [1], [0], [0], [0, 0, 1, 0], [], []>, precision = #tpu.contract_precision<fp32>, transpose_lhs_hint = false} : vector<100x32xf32>, vector<100x32xf32>, vector<100x100xf32> -> vector<100x100xf32>
    %div3A_74 = arith.constant 5.65685415 : f32
    %div3A_75 = vector.broadcast %div3A_74 : f32 to vector<100x100xf32>
    %div3A_76 = arith.divf %dot_general3A_73, %div3A_75 : vector<100x100xf32>
    %reduce_max3A_77 = arith.constant dense<0xFF800000> : vector<100xf32>
    %reduce_max3A_78 = vector.multi_reduction <maximumf>, %div3A_76, %reduce_max3A_77 [1] : vector<100x100xf32> to vector<100xf32>
    %broadcast_in_dim3A_79 = vector.shape_cast %reduce_max3A_78 : vector<100xf32> to vector<100x1xf32>
    %sub3A_80 = vector.broadcast %broadcast_in_dim3A_79 : vector<100x1xf32> to vector<100x100xf32>
    %sub3A_81 = arith.subf %div3A_76, %sub3A_80 : vector<100x100xf32>
    %exp3A_82 = math.exp %sub3A_81 : vector<100x100xf32>
    %reduce_sum3A_83 = arith.constant dense<0.000000e+00> : vector<100xf32>
    %reduce_sum3A_84 = vector.multi_reduction <add>, %exp3A_82, %reduce_sum3A_83 [1] : vector<100x100xf32> to vector<100xf32>
    %broadcast_in_dim3A_85 = vector.shape_cast %reduce_sum3A_84 : vector<100xf32> to vector<100x1xf32>
    %div3A_86 = vector.broadcast %broadcast_in_dim3A_85 : vector<100x1xf32> to vector<100x100xf32>
    %div3A_87 = arith.divf %exp3A_82, %div3A_86 : vector<100x100xf32>
    %dot_general3A_88 = arith.constant dense<0.000000e+00> : vector<100x32xf32>
    %dot_general3A_89 = tpu.matmul %div3A_87, %slice3A_71, %dot_general3A_88 {dimension_numbers = #tpu.dot_dimension_numbers<[1], [0], [0], [1], [0, 0, 1, 1], [], []>, precision = #tpu.contract_precision<fp32>, transpose_lhs_hint = false} : vector<100x100xf32>, vector<100x32xf32>, vector<100x32xf32> -> vector<100x32xf32>
    %concatenate3A = tpu.concatenate %dot_general3A_26, %dot_general3A_47, %dot_general3A_68, %dot_general3A_89 in 1 : vector<100x32xf32>, vector<100x32xf32>, vector<100x32xf32>, vector<100x32xf32> -> vector<100x128xf32>
    %swap3A = arith.constant 0 : index
    %swap3A_90 = arith.constant 0 : index
    %swap3A_91 = arith.constant 0 : index
    %swap3A_92 = vector.load %arg4[%swap3A, %swap3A_90, %swap3A_91] : memref<10x100x128xf32, #tpu.memory_space<vmem>>, vector<1x100x128xf32>
    %swap3A_93 = vector.shape_cast %swap3A_92 : vector<1x100x128xf32> to vector<100x128xf32>
    %swap3A_94 = vector.shape_cast %concatenate3A : vector<100x128xf32> to vector<1x100x128xf32>
    tpu.vector_store %arg4[%swap3A, %swap3A_90, %swap3A_91], %swap3A_94 {strides = array<i32>} : memref<10x100x128xf32, #tpu.memory_space<vmem>>, vector<1x100x128xf32>,
    %get3A_95 = arith.constant 1 : index
    %get3A_96 = arith.constant 0 : index
    %get3A_97 = arith.constant 0 : index
    %get3A_98 = vector.load %arg1[%get3A_95, %get3A_96, %get3A_97] : memref<10x100x128xf32, #tpu.memory_space<vmem>>, vector<1x100x128xf32>
    %get3A_99 = vector.shape_cast %get3A_98 : vector<1x100x128xf32> to vector<100x128xf32>
    %get3A_100 = arith.constant 1 : index
    %get3A_101 = arith.constant 0 : index
    %get3A_102 = arith.constant 0 : index
    %get3A_103 = vector.load %arg2[%get3A_100, %get3A_101, %get3A_102] : memref<10x100x128xf32, #tpu.memory_space<vmem>>, vector<1x100x128xf32>
    %get3A_104 = vector.shape_cast %get3A_103 : vector<1x100x128xf32> to vector<100x128xf32>
    %get3A_105 = arith.constant 1 : index
    %get3A_106 = arith.constant 0 : index
    %get3A_107 = arith.constant 0 : index
    %get3A_108 = vector.load %arg3[%get3A_105, %get3A_106, %get3A_107] : memref<10x100x128xf32, #tpu.memory_space<vmem>>, vector<1x100x128xf32>
    %get3A_109 = vector.shape_cast %get3A_108 : vector<1x100x128xf32> to vector<100x128xf32>
    %slice3A_110 = vector.extract_strided_slice %get3A_99 {offsets = [0, 0], sizes = [100, 32], strides = [1, 1]} : vector<100x128xf32> to vector<100x32xf32>
    %slice3A_111 = vector.extract_strided_slice %get3A_104 {offsets = [0, 0], sizes = [100, 32], strides = [1, 1]} : vector<100x128xf32> to vector<100x32xf32>
    %slice3A_112 = vector.extract_strided_slice %get3A_109 {offsets = [0, 0], sizes = [100, 32], strides = [1, 1]} : vector<100x128xf32> to vector<100x32xf32>
    %dot_general3A_113 = arith.constant dense<0.000000e+00> : vector<100x100xf32>
    %dot_general3A_114 = tpu.matmul %slice3A_110, %slice3A_111, %dot_general3A_113 {dimension_numbers = #tpu.dot_dimension_numbers<[1], [1], [0], [0], [0, 0, 1, 0], [], []>, precision = #tpu.contract_precision<fp32>, transpose_lhs_hint = false} : vector<100x32xf32>, vector<100x32xf32>, vector<100x100xf32> -> vector<100x100xf32>
    %div3A_115 = arith.constant 5.65685415 : f32
    %div3A_116 = vector.broadcast %div3A_115 : f32 to vector<100x100xf32>
    %div3A_117 = arith.divf %dot_general3A_114, %div3A_116 : vector<100x100xf32>
    %reduce_max3A_118 = arith.constant dense<0xFF800000> : vector<100xf32>
    %reduce_max3A_119 = vector.multi_reduction <maximumf>, %div3A_117, %reduce_max3A_118 [1] : vector<100x100xf32> to vector<100xf32>
    %broadcast_in_dim3A_120 = vector.shape_cast %reduce_max3A_119 : vector<100xf32> to vector<100x1xf32>
    %sub3A_121 = vector.broadcast %broadcast_in_dim3A_120 : vector<100x1xf32> to vector<100x100xf32>
    %sub3A_122 = arith.subf %div3A_117, %sub3A_121 : vector<100x100xf32>
    %exp3A_123 = math.exp %sub3A_122 : vector<100x100xf32>
    %reduce_sum3A_124 = arith.constant dense<0.000000e+00> : vector<100xf32>
    %reduce_sum3A_125 = vector.multi_reduction <add>, %exp3A_123, %reduce_sum3A_124 [1] : vector<100x100xf32> to vector<100xf32>
    %broadcast_in_dim3A_126 = vector.shape_cast %reduce_sum3A_125 : vector<100xf32> to vector<100x1xf32>
    %div3A_127 = vector.broadcast %broadcast_in_dim3A_126 : vector<100x1xf32> to vector<100x100xf32>
    %div3A_128 = arith.divf %exp3A_123, %div3A_127 : vector<100x100xf32>
    %dot_general3A_129 = arith.constant dense<0.000000e+00> : vector<100x32xf32>
    %dot_general3A_130 = tpu.matmul %div3A_128, %slice3A_112, %dot_general3A_129 {dimension_numbers = #tpu.dot_dimension_numbers<[1], [0], [0], [1], [0, 0, 1, 1], [], []>, precision = #tpu.contract_precision<fp32>, transpose_lhs_hint = false} : vector<100x100xf32>, vector<100x32xf32>, vector<100x32xf32> -> vector<100x32xf32>
    %slice3A_131 = vector.extract_strided_slice %get3A_99 {offsets = [0, 32], sizes = [100, 32], strides = [1, 1]} : vector<100x128xf32> to vector<100x32xf32>
    %slice3A_132 = vector.extract_strided_slice %get3A_104 {offsets = [0, 32], sizes = [100, 32], strides = [1, 1]} : vector<100x128xf32> to vector<100x32xf32>
    %slice3A_133 = vector.extract_strided_slice %get3A_109 {offsets = [0, 32], sizes = [100, 32], strides = [1, 1]} : vector<100x128xf32> to vector<100x32xf32>
    %dot_general3A_134 = arith.constant dense<0.000000e+00> : vector<100x100xf32>
    %dot_general3A_135 = tpu.matmul %slice3A_131, %slice3A_132, %dot_general3A_134 {dimension_numbers = #tpu.dot_dimension_numbers<[1], [1], [0], [0], [0, 0, 1, 0], [], []>, precision = #tpu.contract_precision<fp32>, transpose_lhs_hint = false} : vector<100x32xf32>, vector<100x32xf32>, vector<100x100xf32> -> vector<100x100xf32>
    %div3A_136 = arith.constant 5.65685415 : f32
    %div3A_137 = vector.broadcast %div3A_136 : f32 to vector<100x100xf32>
    %div3A_138 = arith.divf %dot_general3A_135, %div3A_137 : vector<100x100xf32>
    %reduce_max3A_139 = arith.constant dense<0xFF800000> : vector<100xf32>
    %reduce_max3A_140 = vector.multi_reduction <maximumf>, %div3A_138, %reduce_max3A_139 [1] : vector<100x100xf32> to vector<100xf32>
    %broadcast_in_dim3A_141 = vector.shape_cast %reduce_max3A_140 : vector<100xf32> to vector<100x1xf32>
    %sub3A_142 = vector.broadcast %broadcast_in_dim3A_141 : vector<100x1xf32> to vector<100x100xf32>
    %sub3A_143 = arith.subf %div3A_138, %sub3A_142 : vector<100x100xf32>
    %exp3A_144 = math.exp %sub3A_143 : vector<100x100xf32>
    %reduce_sum3A_145 = arith.constant dense<0.000000e+00> : vector<100xf32>
    %reduce_sum3A_146 = vector.multi_reduction <add>, %exp3A_144, %reduce_sum3A_145 [1] : vector<100x100xf32> to vector<100xf32>
    %broadcast_in_dim3A_147 = vector.shape_cast %reduce_sum3A_146 : vector<100xf32> to vector<100x1xf32>
    %div3A_148 = vector.broadcast %broadcast_in_dim3A_147 : vector<100x1xf32> to vector<100x100xf32>
    %div3A_149 = arith.divf %exp3A_144, %div3A_148 : vector<100x100xf32>
    %dot_general3A_150 = arith.constant dense<0.000000e+00> : vector<100x32xf32>
    %dot_general3A_151 = tpu.matmul %div3A_149, %slice3A_133, %dot_general3A_150 {dimension_numbers = #tpu.dot_dimension_numbers<[1], [0], [0], [1], [0, 0, 1, 1], [], []>, precision = #tpu.contract_precision<fp32>, transpose_lhs_hint = false} : vector<100x100xf32>, vector<100x32xf32>, vector<100x32xf32> -> vector<100x32xf32>
    %slice3A_152 = vector.extract_strided_slice %get3A_99 {offsets = [0, 64], sizes = [100, 32], strides = [1, 1]} : vector<100x128xf32> to vector<100x32xf32>
    %slice3A_153 = vector.extract_strided_slice %get3A_104 {offsets = [0, 64], sizes = [100, 32], strides = [1, 1]} : vector<100x128xf32> to vector<100x32xf32>
    %slice3A_154 = vector.extract_strided_slice %get3A_109 {offsets = [0, 64], sizes = [100, 32], strides = [1, 1]} : vector<100x128xf32> to vector<100x32xf32>
    %dot_general3A_155 = arith.constant dense<0.000000e+00> : vector<100x100xf32>
    %dot_general3A_156 = tpu.matmul %slice3A_152, %slice3A_153, %dot_general3A_155 {dimension_numbers = #tpu.dot_dimension_numbers<[1], [1], [0], [0], [0, 0, 1, 0], [], []>, precision = #tpu.contract_precision<fp32>, transpose_lhs_hint = false} : vector<100x32xf32>, vector<100x32xf32>, vector<100x100xf32> -> vector<100x100xf32>
    %div3A_157 = arith.constant 5.65685415 : f32
    %div3A_158 = vector.broadcast %div3A_157 : f32 to vector<100x100xf32>
    %div3A_159 = arith.divf %dot_general3A_156, %div3A_158 : vector<100x100xf32>
    %reduce_max3A_160 = arith.constant dense<0xFF800000> : vector<100xf32>
    %reduce_max3A_161 = vector.multi_reduction <maximumf>, %div3A_159, %reduce_max3A_160 [1] : vector<100x100xf32> to vector<100xf32>
    %broadcast_in_dim3A_162 = vector.shape_cast %reduce_max3A_161 : vector<100xf32> to vector<100x1xf32>
    %sub3A_163 = vector.broadcast %broadcast_in_dim3A_162 : vector<100x1xf32> to vector<100x100xf32>
    %sub3A_164 = arith.subf %div3A_159, %sub3A_163 : vector<100x100xf32>
    %exp3A_165 = math.exp %sub3A_164 : vector<100x100xf32>
    %reduce_sum3A_166 = arith.constant dense<0.000000e+00> : vector<100xf32>
    %reduce_sum3A_167 = vector.multi_reduction <add>, %exp3A_165, %reduce_sum3A_166 [1] : vector<100x100xf32> to vector<100xf32>
    %broadcast_in_dim3A_168 = vector.shape_cast %reduce_sum3A_167 : vector<100xf32> to vector<100x1xf32>
    %div3A_169 = vector.broadcast %broadcast_in_dim3A_168 : vector<100x1xf32> to vector<100x100xf32>
    %div3A_170 = arith.divf %exp3A_165, %div3A_169 : vector<100x100xf32>
    %dot_general3A_171 = arith.constant dense<0.000000e+00> : vector<100x32xf32>
    %dot_general3A_172 = tpu.matmul %div3A_170, %slice3A_154, %dot_general3A_171 {dimension_numbers = #tpu.dot_dimension_numbers<[1], [0], [0], [1], [0, 0, 1, 1], [], []>, precision = #tpu.contract_precision<fp32>, transpose_lhs_hint = false} : vector<100x100xf32>, vector<100x32xf32>, vector<100x32xf32> -> vector<100x32xf32>
    %slice3A_173 = vector.extract_strided_slice %get3A_99 {offsets = [0, 96], sizes = [100, 32], strides = [1, 1]} : vector<100x128xf32> to vector<100x32xf32>
    %slice3A_174 = vector.extract_strided_slice %get3A_104 {offsets = [0, 96], sizes = [100, 32], strides = [1, 1]} : vector<100x128xf32> to vector<100x32xf32>
    %slice3A_175 = vector.extract_strided_slice %get3A_109 {offsets = [0, 96], sizes = [100, 32], strides = [1, 1]} : vector<100x128xf32> to vector<100x32xf32>
    %dot_general3A_176 = arith.constant dense<0.000000e+00> : vector<100x100xf32>
    %dot_general3A_177 = tpu.matmul %slice3A_173, %slice3A_174, %dot_general3A_176 {dimension_numbers = #tpu.dot_dimension_numbers<[1], [1], [0], [0], [0, 0, 1, 0], [], []>, precision = #tpu.contract_precision<fp32>, transpose_lhs_hint = false} : vector<100x32xf32>, vector<100x32xf32>, vector<100x100xf32> -> vector<100x100xf32>
    %div3A_178 = arith.constant 5.65685415 : f32
    %div3A_179 = vector.broadcast %div3A_178 : f32 to vector<100x100xf32>
    %div3A_180 = arith.divf %dot_general3A_177, %div3A_179 : vector<100x100xf32>
    %reduce_max3A_181 = arith.constant dense<0xFF800000> : vector<100xf32>
    %reduce_max3A_182 = vector.multi_reduction <maximumf>, %div3A_180, %reduce_max3A_181 [1] : vector<100x100xf32> to vector<100xf32>
    %broadcast_in_dim3A_183 = vector.shape_cast %reduce_max3A_182 : vector<100xf32> to vector<100x1xf32>
    %sub3A_184 = vector.broadcast %broadcast_in_dim3A_183 : vector<100x1xf32> to vector<100x100xf32>
    %sub3A_185 = arith.subf %div3A_180, %sub3A_184 : vector<100x100xf32>
    %exp3A_186 = math.exp %sub3A_185 : vector<100x100xf32>
    %reduce_sum3A_187 = arith.constant dense<0.000000e+00> : vector<100xf32>
    %reduce_sum3A_188 = vector.multi_reduction <add>, %exp3A_186, %reduce_sum3A_187 [1] : vector<100x100xf32> to vector<100xf32>
    %broadcast_in_dim3A_189 = vector.shape_cast %reduce_sum3A_188 : vector<100xf32> to vector<100x1xf32>
    %div3A_190 = vector.broadcast %broadcast_in_dim3A_189 : vector<100x1xf32> to vector<100x100xf32>
    %div3A_191 = arith.divf %exp3A_186, %div3A_190 : vector<100x100xf32>
    %dot_general3A_192 = arith.constant dense<0.000000e+00> : vector<100x32xf32>
    %dot_general3A_193 = tpu.matmul %div3A_191, %slice3A_175, %dot_general3A_192 {dimension_numbers = #tpu.dot_dimension_numbers<[1], [0], [0], [1], [0, 0, 1, 1], [], []>, precision = #tpu.contract_precision<fp32>, transpose_lhs_hint = false} : vector<100x100xf32>, vector<100x32xf32>, vector<100x32xf32> -> vector<100x32xf32>
    %concatenate3A_194 = tpu.concatenate %dot_general3A_130, %dot_general3A_151, %dot_general3A_172, %dot_general3A_193 in 1 : vector<100x32xf32>, vector<100x32xf32>, vector<100x32xf32>, vector<100x32xf32> -> vector<100x128xf32>
    %swap3A_195 = arith.constant 1 : index
    %swap3A_196 = arith.constant 0 : index
    %swap3A_197 = arith.constant 0 : index
    %swap3A_198 = vector.load %arg4[%swap3A_195, %swap3A_196, %swap3A_197] : memref<10x100x128xf32, #tpu.memory_space<vmem>>, vector<1x100x128xf32>
    %swap3A_199 = vector.shape_cast %swap3A_198 : vector<1x100x128xf32> to vector<100x128xf32>
    %swap3A_200 = vector.shape_cast %concatenate3A_194 : vector<100x128xf32> to vector<1x100x128xf32>
    tpu.vector_store %arg4[%swap3A_195, %swap3A_196, %swap3A_197], %swap3A_200 {strides = array<i32>} : memref<10x100x128xf32, #tpu.memory_space<vmem>>, vector<1x100x128xf32>,
    %get3A_201 = arith.constant 2 : index
    %get3A_202 = arith.constant 0 : index
    %get3A_203 = arith.constant 0 : index
    %get3A_204 = vector.load %arg1[%get3A_201, %get3A_202, %get3A_203] : memref<10x100x128xf32, #tpu.memory_space<vmem>>, vector<1x100x128xf32>
    %get3A_205 = vector.shape_cast %get3A_204 : vector<1x100x128xf32> to vector<100x128xf32>
    %get3A_206 = arith.constant 2 : index
    %get3A_207 = arith.constant 0 : index
    %get3A_208 = arith.constant 0 : index
    %get3A_209 = vector.load %arg2[%get3A_206, %get3A_207, %get3A_208] : memref<10x100x128xf32, #tpu.memory_space<vmem>>, vector<1x100x128xf32>
    %get3A_210 = vector.shape_cast %get3A_209 : vector<1x100x128xf32> to vector<100x128xf32>
    %get3A_211 = arith.constant 2 : index
    %get3A_212 = arith.constant 0 : index
    %get3A_213 = arith.constant 0 : index
    %get3A_214 = vector.load %arg3[%get3A_211, %get3A_212, %get3A_213] : memref<10x100x128xf32, #tpu.memory_space<vmem>>, vector<1x100x128xf32>
    %get3A_215 = vector.shape_cast %get3A_214 : vector<1x100x128xf32> to vector<100x128xf32>
    %slice3A_216 = vector.extract_strided_slice %get3A_205 {offsets = [0, 0], sizes = [100, 32], strides = [1, 1]} : vector<100x128xf32> to vector<100x32xf32>
    %slice3A_217 = vector.extract_strided_slice %get3A_210 {offsets = [0, 0], sizes = [100, 32], strides = [1, 1]} : vector<100x128xf32> to vector<100x32xf32>
    %slice3A_218 = vector.extract_strided_slice %get3A_215 {offsets = [0, 0], sizes = [100, 32], strides = [1, 1]} : vector<100x128xf32> to vector<100x32xf32>
    %dot_general3A_219 = arith.constant dense<0.000000e+00> : vector<100x100xf32>
    %dot_general3A_220 = tpu.matmul %slice3A_216, %slice3A_217, %dot_general3A_219 {dimension_numbers = #tpu.dot_dimension_numbers<[1], [1], [0], [0], [0, 0, 1, 0], [], []>, precision = #tpu.contract_precision<fp32>, transpose_lhs_hint = false} : vector<100x32xf32>, vector<100x32xf32>, vector<100x100xf32> -> vector<100x100xf32>
    %div3A_221 = arith.constant 5.65685415 : f32
    %div3A_222 = vector.broadcast %div3A_221 : f32 to vector<100x100xf32>
    %div3A_223 = arith.divf %dot_general3A_220, %div3A_222 : vector<100x100xf32>
    %reduce_max3A_224 = arith.constant dense<0xFF800000> : vector<100xf32>
    %reduce_max3A_225 = vector.multi_reduction <maximumf>, %div3A_223, %reduce_max3A_224 [1] : vector<100x100xf32> to vector<100xf32>
    %broadcast_in_dim3A_226 = vector.shape_cast %reduce_max3A_225 : vector<100xf32> to vector<100x1xf32>
    %sub3A_227 = vector.broadcast %broadcast_in_dim3A_226 : vector<100x1xf32> to vector<100x100xf32>
    %sub3A_228 = arith.subf %div3A_223, %sub3A_227 : vector<100x100xf32>
    %exp3A_229 = math.exp %sub3A_228 : vector<100x100xf32>
    %reduce_sum3A_230 = arith.constant dense<0.000000e+00> : vector<100xf32>
    %reduce_sum3A_231 = vector.multi_reduction <add>, %exp3A_229, %reduce_sum3A_230 [1] : vector<100x100xf32> to vector<100xf32>
    %broadcast_in_dim3A_232 = vector.shape_cast %reduce_sum3A_231 : vector<100xf32> to vector<100x1xf32>
    %div3A_233 = vector.broadcast %broadcast_in_dim3A_232 : vector<100x1xf32> to vector<100x100xf32>
    %div3A_234 = arith.divf %exp3A_229, %div3A_233 : vector<100x100xf32>
    %dot_general3A_235 = arith.constant dense<0.000000e+00> : vector<100x32xf32>
    %dot_general3A_236 = tpu.matmul %div3A_234, %slice3A_218, %dot_general3A_235 {dimension_numbers = #tpu.dot_dimension_numbers<[1], [0], [0], [1], [0, 0, 1, 1], [], []>, precision = #tpu.contract_precision<fp32>, transpose_lhs_hint = false} : vector<100x100xf32>, vector<100x32xf32>, vector<100x32xf32> -> vector<100x32xf32>
    %slice3A_237 = vector.extract_strided_slice %get3A_205 {offsets = [0, 32], sizes = [100, 32], strides = [1, 1]} : vector<100x128xf32> to vector<100x32xf32>
    %slice3A_238 = vector.extract_strided_slice %get3A_210 {offsets = [0, 32], sizes = [100, 32], strides = [1, 1]} : vector<100x128xf32> to vector<100x32xf32>
    %slice3A_239 = vector.extract_strided_slice %get3A_215 {offsets = [0, 32], sizes = [100, 32], strides = [1, 1]} : vector<100x128xf32> to vector<100x32xf32>
    %dot_general3A_240 = arith.constant dense<0.000000e+00> : vector<100x100xf32>
    %dot_general3A_241 = tpu.matmul %slice3A_237, %slice3A_238, %dot_general3A_240 {dimension_numbers = #tpu.dot_dimension_numbers<[1], [1], [0], [0], [0, 0, 1, 0], [], []>, precision = #tpu.contract_precision<fp32>, transpose_lhs_hint = false} : vector<100x32xf32>, vector<100x32xf32>, vector<100x100xf32> -> vector<100x100xf32>
    %div3A_242 = arith.constant 5.65685415 : f32
    %div3A_243 = vector.broadcast %div3A_242 : f32 to vector<100x100xf32>
    %div3A_244 = arith.divf %dot_general3A_241, %div3A_243 : vector<100x100xf32>
    %reduce_max3A_245 = arith.constant dense<0xFF800000> : vector<100xf32>
    %reduce_max3A_246 = vector.multi_reduction <maximumf>, %div3A_244, %reduce_max3A_245 [1] : vector<100x100xf32> to vector<100xf32>
    %broadcast_in_dim3A_247 = vector.shape_cast %reduce_max3A_246 : vector<100xf32> to vector<100x1xf32>
    %sub3A_248 = vector.broadcast %broadcast_in_dim3A_247 : vector<100x1xf32> to vector<100x100xf32>
    %sub3A_249 = arith.subf %div3A_244, %sub3A_248 : vector<100x100xf32>
    %exp3A_250 = math.exp %sub3A_249 : vector<100x100xf32>
    %reduce_sum3A_251 = arith.constant dense<0.000000e+00> : vector<100xf32>
    %reduce_sum3A_252 = vector.multi_reduction <add>, %exp3A_250, %reduce_sum3A_251 [1] : vector<100x100xf32> to vector<100xf32>
    %broadcast_in_dim3A_253 = vector.shape_cast %reduce_sum3A_252 : vector<100xf32> to vector<100x1xf32>
    %div3A_254 = vector.broadcast %broadcast_in_dim3A_253 : vector<100x1xf32> to vector<100x100xf32>
    %div3A_255 = arith.divf %exp3A_250, %div3A_254 : vector<100x100xf32>
    %dot_general3A_256 = arith.constant dense<0.000000e+00> : vector<100x32xf32>
    %dot_general3A_257 = tpu.matmul %div3A_255, %slice3A_239, %dot_general3A_256 {dimension_numbers = #tpu.dot_dimension_numbers<[1], [0], [0], [1], [0, 0, 1, 1], [], []>, precision = #tpu.contract_precision<fp32>, transpose_lhs_hint = false} : vector<100x100xf32>, vector<100x32xf32>, vector<100x32xf32> -> vector<100x32xf32>
    %slice3A_258 = vector.extract_strided_slice %get3A_205 {offsets = [0, 64], sizes = [100, 32], strides = [1, 1]} : vector<100x128xf32> to vector<100x32xf32>
    %slice3A_259 = vector.extract_strided_slice %get3A_210 {offsets = [0, 64], sizes = [100, 32], strides = [1, 1]} : vector<100x128xf32> to vector<100x32xf32>
    %slice3A_260 = vector.extract_strided_slice %get3A_215 {offsets = [0, 64], sizes = [100, 32], strides = [1, 1]} : vector<100x128xf32> to vector<100x32xf32>
    %dot_general3A_261 = arith.constant dense<0.000000e+00> : vector<100x100xf32>
    %dot_general3A_262 = tpu.matmul %slice3A_258, %slice3A_259, %dot_general3A_261 {dimension_numbers = #tpu.dot_dimension_numbers<[1], [1], [0], [0], [0, 0, 1, 0], [], []>, precision = #tpu.contract_precision<fp32>, transpose_lhs_hint = false} : vector<100x32xf32>, vector<100x32xf32>, vector<100x100xf32> -> vector<100x100xf32>
    %div3A_263 = arith.constant 5.65685415 : f32
    %div3A_264 = vector.broadcast %div3A_263 : f32 to vector<100x100xf32>
    %div3A_265 = arith.divf %dot_general3A_262, %div3A_264 : vector<100x100xf32>
    %reduce_max3A_266 = arith.constant dense<0xFF800000> : vector<100xf32>
    %reduce_max3A_267 = vector.multi_reduction <maximumf>, %div3A_265, %reduce_max3A_266 [1] : vector<100x100xf32> to vector<100xf32>
    %broadcast_in_dim3A_268 = vector.shape_cast %reduce_max3A_267 : vector<100xf32> to vector<100x1xf32>
    %sub3A_269 = vector.broadcast %broadcast_in_dim3A_268 : vector<100x1xf32> to vector<100x100xf32>
    %sub3A_270 = arith.subf %div3A_265, %sub3A_269 : vector<100x100xf32>
    %exp3A_271 = math.exp %sub3A_270 : vector<100x100xf32>
    %reduce_sum3A_272 = arith.constant dense<0.000000e+00> : vector<100xf32>
    %reduce_sum3A_273 = vector.multi_reduction <add>, %exp3A_271, %reduce_sum3A_272 [1] : vector<100x100xf32> to vector<100xf32>
    %broadcast_in_dim3A_274 = vector.shape_cast %reduce_sum3A_273 : vector<100xf32> to vector<100x1xf32>
    %div3A_275 = vector.broadcast %broadcast_in_dim3A_274 : vector<100x1xf32> to vector<100x100xf32>
    %div3A_276 = arith.divf %exp3A_271, %div3A_275 : vector<100x100xf32>
    %dot_general3A_277 = arith.constant dense<0.000000e+00> : vector<100x32xf32>
    %dot_general3A_278 = tpu.matmul %div3A_276, %slice3A_260, %dot_general3A_277 {dimension_numbers = #tpu.dot_dimension_numbers<[1], [0], [0], [1], [0, 0, 1, 1], [], []>, precision = #tpu.contract_precision<fp32>, transpose_lhs_hint = false} : vector<100x100xf32>, vector<100x32xf32>, vector<100x32xf32> -> vector<100x32xf32>
    %slice3A_279 = vector.extract_strided_slice %get3A_205 {offsets = [0, 96], sizes = [100, 32], strides = [1, 1]} : vector<100x128xf32> to vector<100x32xf32>
    %slice3A_280 = vector.extract_strided_slice %get3A_210 {offsets = [0, 96], sizes = [100, 32], strides = [1, 1]} : vector<100x128xf32> to vector<100x32xf32>
    %slice3A_281 = vector.extract_strided_slice %get3A_215 {offsets = [0, 96], sizes = [100, 32], strides = [1, 1]} : vector<100x128xf32> to vector<100x32xf32>
    %dot_general3A_282 = arith.constant dense<0.000000e+00> : vector<100x100xf32>
    %dot_general3A_283 = tpu.matmul %slice3A_279, %slice3A_280, %dot_general3A_282 {dimension_numbers = #tpu.dot_dimension_numbers<[1], [1], [0], [0], [0, 0, 1, 0], [], []>, precision = #tpu.contract_precision<fp32>, transpose_lhs_hint = false} : vector<100x32xf32>, vector<100x32xf32>, vector<100x100xf32> -> vector<100x100xf32>
    %div3A_284 = arith.constant 5.65685415 : f32
    %div3A_285 = vector.broadcast %div3A_284 : f32 to vector<100x100xf32>
    %div3A_286 = arith.divf %dot_general3A_283, %div3A_285 : vector<100x100xf32>
    %reduce_max3A_287 = arith.constant dense<0xFF800000> : vector<100xf32>
    %reduce_max3A_288 = vector.multi_reduction <maximumf>, %div3A_286, %reduce_max3A_287 [1] : vector<100x100xf32> to vector<100xf32>
    %broadcast_in_dim3A_289 = vector.shape_cast %reduce_max3A_288 : vector<100xf32> to vector<100x1xf32>
    %sub3A_290 = vector.broadcast %broadcast_in_dim3A_289 : vector<100x1xf32> to vector<100x100xf32>
    %sub3A_291 = arith.subf %div3A_286, %sub3A_290 : vector<100x100xf32>
    %exp3A_292 = math.exp %sub3A_291 : vector<100x100xf32>
    %reduce_sum3A_293 = arith.constant dense<0.000000e+00> : vector<100xf32>
    %reduce_sum3A_294 = vector.multi_reduction <add>, %exp3A_292, %reduce_sum3A_293 [1] : vector<100x100xf32> to vector<100xf32>
    %broadcast_in_dim3A_295 = vector.shape_cast %reduce_sum3A_294 : vector<100xf32> to vector<100x1xf32>
    %div3A_296 = vector.broadcast %broadcast_in_dim3A_295 : vector<100x1xf32> to vector<100x100xf32>
    %div3A_297 = arith.divf %exp3A_292, %div3A_296 : vector<100x100xf32>
    %dot_general3A_298 = arith.constant dense<0.000000e+00> : vector<100x32xf32>
    %dot_general3A_299 = tpu.matmul %div3A_297, %slice3A_281, %dot_general3A_298 {dimension_numbers = #tpu.dot_dimension_numbers<[1], [0], [0], [1], [0, 0, 1, 1], [], []>, precision = #tpu.contract_precision<fp32>, transpose_lhs_hint = false} : vector<100x100xf32>, vector<100x32xf32>, vector<100x32xf32> -> vector<100x32xf32>
    %concatenate3A_300 = tpu.concatenate %dot_general3A_236, %dot_general3A_257, %dot_general3A_278, %dot_general3A_299 in 1 : vector<100x32xf32>, vector<100x32xf32>, vector<100x32xf32>, vector<100x32xf32> -> vector<100x128xf32>
    %swap3A_301 = arith.constant 2 : index
    %swap3A_302 = arith.constant 0 : index
    %swap3A_303 = arith.constant 0 : index
    %swap3A_304 = vector.load %arg4[%swap3A_301, %swap3A_302, %swap3A_303] : memref<10x100x128xf32, #tpu.memory_space<vmem>>, vector<1x100x128xf32>
    %swap3A_305 = vector.shape_cast %swap3A_304 : vector<1x100x128xf32> to vector<100x128xf32>
    %swap3A_306 = vector.shape_cast %concatenate3A_300 : vector<100x128xf32> to vector<1x100x128xf32>
    tpu.vector_store %arg4[%swap3A_301, %swap3A_302, %swap3A_303], %swap3A_306 {strides = array<i32>} : memref<10x100x128xf32, #tpu.memory_space<vmem>>, vector<1x100x128xf32>,
    %get3A_307 = arith.constant 3 : index
    %get3A_308 = arith.constant 0 : index
    %get3A_309 = arith.constant 0 : index
    %get3A_310 = vector.load %arg1[%get3A_307, %get3A_308, %get3A_309] : memref<10x100x128xf32, #tpu.memory_space<vmem>>, vector<1x100x128xf32>
    %get3A_311 = vector.shape_cast %get3A_310 : vector<1x100x128xf32> to vector<100x128xf32>
    %get3A_312 = arith.constant 3 : index
    %get3A_313 = arith.constant 0 : index
    %get3A_314 = arith.constant 0 : index
    %get3A_315 = vector.load %arg2[%get3A_312, %get3A_313, %get3A_314] : memref<10x100x128xf32, #tpu.memory_space<vmem>>, vector<1x100x128xf32>
    %get3A_316 = vector.shape_cast %get3A_315 : vector<1x100x128xf32> to vector<100x128xf32>
    %get3A_317 = arith.constant 3 : index
    %get3A_318 = arith.constant 0 : index
    %get3A_319 = arith.constant 0 : index
    %get3A_320 = vector.load %arg3[%get3A_317, %get3A_318, %get3A_319] : memref<10x100x128xf32, #tpu.memory_space<vmem>>, vector<1x100x128xf32>
    %get3A_321 = vector.shape_cast %get3A_320 : vector<1x100x128xf32> to vector<100x128xf32>
    %slice3A_322 = vector.extract_strided_slice %get3A_311 {offsets = [0, 0], sizes = [100, 32], strides = [1, 1]} : vector<100x128xf32> to vector<100x32xf32>
    %slice3A_323 = vector.extract_strided_slice %get3A_316 {offsets = [0, 0], sizes = [100, 32], strides = [1, 1]} : vector<100x128xf32> to vector<100x32xf32>
    %slice3A_324 = vector.extract_strided_slice %get3A_321 {offsets = [0, 0], sizes = [100, 32], strides = [1, 1]} : vector<100x128xf32> to vector<100x32xf32>
    %dot_general3A_325 = arith.constant dense<0.000000e+00> : vector<100x100xf32>
    %dot_general3A_326 = tpu.matmul %slice3A_322, %slice3A_323, %dot_general3A_325 {dimension_numbers = #tpu.dot_dimension_numbers<[1], [1], [0], [0], [0, 0, 1, 0], [], []>, precision = #tpu.contract_precision<fp32>, transpose_lhs_hint = false} : vector<100x32xf32>, vector<100x32xf32>, vector<100x100xf32> -> vector<100x100xf32>
    %div3A_327 = arith.constant 5.65685415 : f32
    %div3A_328 = vector.broadcast %div3A_327 : f32 to vector<100x100xf32>
    %div3A_329 = arith.divf %dot_general3A_326, %div3A_328 : vector<100x100xf32>
    %reduce_max3A_330 = arith.constant dense<0xFF800000> : vector<100xf32>
    %reduce_max3A_331 = vector.multi_reduction <maximumf>, %div3A_329, %reduce_max3A_330 [1] : vector<100x100xf32> to vector<100xf32>
    %broadcast_in_dim3A_332 = vector.shape_cast %reduce_max3A_331 : vector<100xf32> to vector<100x1xf32>
    %sub3A_333 = vector.broadcast %broadcast_in_dim3A_332 : vector<100x1xf32> to vector<100x100xf32>
    %sub3A_334 = arith.subf %div3A_329, %sub3A_333 : vector<100x100xf32>
    %exp3A_335 = math.exp %sub3A_334 : vector<100x100xf32>
    %reduce_sum3A_336 = arith.constant dense<0.000000e+00> : vector<100xf32>
    %reduce_sum3A_337 = vector.multi_reduction <add>, %exp3A_335, %reduce_sum3A_336 [1] : vector<100x100xf32> to vector<100xf32>
    %broadcast_in_dim3A_338 = vector.shape_cast %reduce_sum3A_337 : vector<100xf32> to vector<100x1xf32>
    %div3A_339 = vector.broadcast %broadcast_in_dim3A_338 : vector<100x1xf32> to vector<100x100xf32>
    %div3A_340 = arith.divf %exp3A_335, %div3A_339 : vector<100x100xf32>
    %dot_general3A_341 = arith.constant dense<0.000000e+00> : vector<100x32xf32>
    %dot_general3A_342 = tpu.matmul %div3A_340, %slice3A_324, %dot_general3A_341 {dimension_numbers = #tpu.dot_dimension_numbers<[1], [0], [0], [1], [0, 0, 1, 1], [], []>, precision = #tpu.contract_precision<fp32>, transpose_lhs_hint = false} : vector<100x100xf32>, vector<100x32xf32>, vector<100x32xf32> -> vector<100x32xf32>
    %slice3A_343 = vector.extract_strided_slice %get3A_311 {offsets = [0, 32], sizes = [100, 32], strides = [1, 1]} : vector<100x128xf32> to vector<100x32xf32>
    %slice3A_344 = vector.extract_strided_slice %get3A_316 {offsets = [0, 32], sizes = [100, 32], strides = [1, 1]} : vector<100x128xf32> to vector<100x32xf32>
    %slice3A_345 = vector.extract_strided_slice %get3A_321 {offsets = [0, 32], sizes = [100, 32], strides = [1, 1]} : vector<100x128xf32> to vector<100x32xf32>
    %dot_general3A_346 = arith.constant dense<0.000000e+00> : vector<100x100xf32>
    %dot_general3A_347 = tpu.matmul %slice3A_343, %slice3A_344, %dot_general3A_346 {dimension_numbers = #tpu.dot_dimension_numbers<[1], [1], [0], [0], [0, 0, 1, 0], [], []>, precision = #tpu.contract_precision<fp32>, transpose_lhs_hint = false} : vector<100x32xf32>, vector<100x32xf32>, vector<100x100xf32> -> vector<100x100xf32>
    %div3A_348 = arith.constant 5.65685415 : f32
    %div3A_349 = vector.broadcast %div3A_348 : f32 to vector<100x100xf32>
    %div3A_350 = arith.divf %dot_general3A_347, %div3A_349 : vector<100x100xf32>
    %reduce_max3A_351 = arith.constant dense<0xFF800000> : vector<100xf32>
    %reduce_max3A_352 = vector.multi_reduction <maximumf>, %div3A_350, %reduce_max3A_351 [1] : vector<100x100xf32> to vector<100xf32>
    %broadcast_in_dim3A_353 = vector.shape_cast %reduce_max3A_352 : vector<100xf32> to vector<100x1xf32>
    %sub3A_354 = vector.broadcast %broadcast_in_dim3A_353 : vector<100x1xf32> to vector<100x100xf32>
    %sub3A_355 = arith.subf %div3A_350, %sub3A_354 : vector<100x100xf32>
    %exp3A_356 = math.exp %sub3A_355 : vector<100x100xf32>
    %reduce_sum3A_357 = arith.constant dense<0.000000e+00> : vector<100xf32>
    %reduce_sum3A_358 = vector.multi_reduction <add>, %exp3A_356, %reduce_sum3A_357 [1] : vector<100x100xf32> to vector<100xf32>
    %broadcast_in_dim3A_359 = vector.shape_cast %reduce_sum3A_358 : vector<100xf32> to vector<100x1xf32>
    %div3A_360 = vector.broadcast %broadcast_in_dim3A_359 : vector<100x1xf32> to vector<100x100xf32>
    %div3A_361 = arith.divf %exp3A_356, %div3A_360 : vector<100x100xf32>
    %dot_general3A_362 = arith.constant dense<0.000000e+00> : vector<100x32xf32>
    %dot_general3A_363 = tpu.matmul %div3A_361, %slice3A_345, %dot_general3A_362 {dimension_numbers = #tpu.dot_dimension_numbers<[1], [0], [0], [1], [0, 0, 1, 1], [], []>, precision = #tpu.contract_precision<fp32>, transpose_lhs_hint = false} : vector<100x100xf32>, vector<100x32xf32>, vector<100x32xf32> -> vector<100x32xf32>
    %slice3A_364 = vector.extract_strided_slice %get3A_311 {offsets = [0, 64], sizes = [100, 32], strides = [1, 1]} : vector<100x128xf32> to vector<100x32xf32>
    %slice3A_365 = vector.extract_strided_slice %get3A_316 {offsets = [0, 64], sizes = [100, 32], strides = [1, 1]} : vector<100x128xf32> to vector<100x32xf32>
    %slice3A_366 = vector.extract_strided_slice %get3A_321 {offsets = [0, 64], sizes = [100, 32], strides = [1, 1]} : vector<100x128xf32> to vector<100x32xf32>
    %dot_general3A_367 = arith.constant dense<0.000000e+00> : vector<100x100xf32>
    %dot_general3A_368 = tpu.matmul %slice3A_364, %slice3A_365, %dot_general3A_367 {dimension_numbers = #tpu.dot_dimension_numbers<[1], [1], [0], [0], [0, 0, 1, 0], [], []>, precision = #tpu.contract_precision<fp32>, transpose_lhs_hint = false} : vector<100x32xf32>, vector<100x32xf32>, vector<100x100xf32> -> vector<100x100xf32>
    %div3A_369 = arith.constant 5.65685415 : f32
    %div3A_370 = vector.broadcast %div3A_369 : f32 to vector<100x100xf32>
    %div3A_371 = arith.divf %dot_general3A_368, %div3A_370 : vector<100x100xf32>
    %reduce_max3A_372 = arith.constant dense<0xFF800000> : vector<100xf32>
    %reduce_max3A_373 = vector.multi_reduction <maximumf>, %div3A_371, %reduce_max3A_372 [1] : vector<100x100xf32> to vector<100xf32>
    %broadcast_in_dim3A_374 = vector.shape_cast %reduce_max3A_373 : vector<100xf32> to vector<100x1xf32>
    %sub3A_375 = vector.broadcast %broadcast_in_dim3A_374 : vector<100x1xf32> to vector<100x100xf32>
    %sub3A_376 = arith.subf %div3A_371, %sub3A_375 : vector<100x100xf32>
    %exp3A_377 = math.exp %sub3A_376 : vector<100x100xf32>
    %reduce_sum3A_378 = arith.constant dense<0.000000e+00> : vector<100xf32>
    %reduce_sum3A_379 = vector.multi_reduction <add>, %exp3A_377, %reduce_sum3A_378 [1] : vector<100x100xf32> to vector<100xf32>
    %broadcast_in_dim3A_380 = vector.shape_cast %reduce_sum3A_379 : vector<100xf32> to vector<100x1xf32>
    %div3A_381 = vector.broadcast %broadcast_in_dim3A_380 : vector<100x1xf32> to vector<100x100xf32>
    %div3A_382 = arith.divf %exp3A_377, %div3A_381 : vector<100x100xf32>
    %dot_general3A_383 = arith.constant dense<0.000000e+00> : vector<100x32xf32>
    %dot_general3A_384 = tpu.matmul %div3A_382, %slice3A_366, %dot_general3A_383 {dimension_numbers = #tpu.dot_dimension_numbers<[1], [0], [0], [1], [0, 0, 1, 1], [], []>, precision = #tpu.contract_precision<fp32>, transpose_lhs_hint = false} : vector<100x100xf32>, vector<100x32xf32>, vector<100x32xf32> -> vector<100x32xf32>
    %slice3A_385 = vector.extract_strided_slice %get3A_311 {offsets = [0, 96], sizes = [100, 32], strides = [1, 1]} : vector<100x128xf32> to vector<100x32xf32>
    %slice3A_386 = vector.extract_strided_slice %get3A_316 {offsets = [0, 96], sizes = [100, 32], strides = [1, 1]} : vector<100x128xf32> to vector<100x32xf32>
    %slice3A_387 = vector.extract_strided_slice %get3A_321 {offsets = [0, 96], sizes = [100, 32], strides = [1, 1]} : vector<100x128xf32> to vector<100x32xf32>
    %dot_general3A_388 = arith.constant dense<0.000000e+00> : vector<100x100xf32>
    %dot_general3A_389 = tpu.matmul %slice3A_385, %slice3A_386, %dot_general3A_388 {dimension_numbers = #tpu.dot_dimension_numbers<[1], [1], [0], [0], [0, 0, 1, 0], [], []>, precision = #tpu.contract_precision<fp32>, transpose_lhs_hint = false} : vector<100x32xf32>, vector<100x32xf32>, vector<100x100xf32> -> vector<100x100xf32>
    %div3A_390 = arith.constant 5.65685415 : f32
    %div3A_391 = vector.broadcast %div3A_390 : f32 to vector<100x100xf32>
    %div3A_392 = arith.divf %dot_general3A_389, %div3A_391 : vector<100x100xf32>
    %reduce_max3A_393 = arith.constant dense<0xFF800000> : vector<100xf32>
    %reduce_max3A_394 = vector.multi_reduction <maximumf>, %div3A_392, %reduce_max3A_393 [1] : vector<100x100xf32> to vector<100xf32>
    %broadcast_in_dim3A_395 = vector.shape_cast %reduce_max3A_394 : vector<100xf32> to vector<100x1xf32>
    %sub3A_396 = vector.broadcast %broadcast_in_dim3A_395 : vector<100x1xf32> to vector<100x100xf32>
    %sub3A_397 = arith.subf %div3A_392, %sub3A_396 : vector<100x100xf32>
    %exp3A_398 = math.exp %sub3A_397 : vector<100x100xf32>
    %reduce_sum3A_399 = arith.constant dense<0.000000e+00> : vector<100xf32>
    %reduce_sum3A_400 = vector.multi_reduction <add>, %exp3A_398, %reduce_sum3A_399 [1] : vector<100x100xf32> to vector<100xf32>
    %broadcast_in_dim3A_401 = vector.shape_cast %reduce_sum3A_400 : vector<100xf32> to vector<100x1xf32>
    %div3A_402 = vector.broadcast %broadcast_in_dim3A_401 : vector<100x1xf32> to vector<100x100xf32>
    %div3A_403 = arith.divf %exp3A_398, %div3A_402 : vector<100x100xf32>
    %dot_general3A_404 = arith.constant dense<0.000000e+00> : vector<100x32xf32>
    %dot_general3A_405 = tpu.matmul %div3A_403, %slice3A_387, %dot_general3A_404 {dimension_numbers = #tpu.dot_dimension_numbers<[1], [0], [0], [1], [0, 0, 1, 1], [], []>, precision = #tpu.contract_precision<fp32>, transpose_lhs_hint = false} : vector<100x100xf32>, vector<100x32xf32>, vector<100x32xf32> -> vector<100x32xf32>
    %concatenate3A_406 = tpu.concatenate %dot_general3A_342, %dot_general3A_363, %dot_general3A_384, %dot_general3A_405 in 1 : vector<100x32xf32>, vector<100x32xf32>, vector<100x32xf32>, vector<100x32xf32> -> vector<100x128xf32>
    %swap3A_407 = arith.constant 3 : index
    %swap3A_408 = arith.constant 0 : index
    %swap3A_409 = arith.constant 0 : index
    %swap3A_410 = vector.load %arg4[%swap3A_407, %swap3A_408, %swap3A_409] : memref<10x100x128xf32, #tpu.memory_space<vmem>>, vector<1x100x128xf32>
    %swap3A_411 = vector.shape_cast %swap3A_410 : vector<1x100x128xf32> to vector<100x128xf32>
    %swap3A_412 = vector.shape_cast %concatenate3A_406 : vector<100x128xf32> to vector<1x100x128xf32>
    tpu.vector_store %arg4[%swap3A_407, %swap3A_408, %swap3A_409], %swap3A_412 {strides = array<i32>} : memref<10x100x128xf32, #tpu.memory_space<vmem>>, vector<1x100x128xf32>,
    %get3A_413 = arith.constant 4 : index
    %get3A_414 = arith.constant 0 : index
    %get3A_415 = arith.constant 0 : index
    %get3A_416 = vector.load %arg1[%get3A_413, %get3A_414, %get3A_415] : memref<10x100x128xf32, #tpu.memory_space<vmem>>, vector<1x100x128xf32>
    %get3A_417 = vector.shape_cast %get3A_416 : vector<1x100x128xf32> to vector<100x128xf32>
    %get3A_418 = arith.constant 4 : index
    %get3A_419 = arith.constant 0 : index
    %get3A_420 = arith.constant 0 : index
    %get3A_421 = vector.load %arg2[%get3A_418, %get3A_419, %get3A_420] : memref<10x100x128xf32, #tpu.memory_space<vmem>>, vector<1x100x128xf32>
    %get3A_422 = vector.shape_cast %get3A_421 : vector<1x100x128xf32> to vector<100x128xf32>
    %get3A_423 = arith.constant 4 : index
    %get3A_424 = arith.constant 0 : index
    %get3A_425 = arith.constant 0 : index
    %get3A_426 = vector.load %arg3[%get3A_423, %get3A_424, %get3A_425] : memref<10x100x128xf32, #tpu.memory_space<vmem>>, vector<1x100x128xf32>
    %get3A_427 = vector.shape_cast %get3A_426 : vector<1x100x128xf32> to vector<100x128xf32>
    %slice3A_428 = vector.extract_strided_slice %get3A_417 {offsets = [0, 0], sizes = [100, 32], strides = [1, 1]} : vector<100x128xf32> to vector<100x32xf32>
    %slice3A_429 = vector.extract_strided_slice %get3A_422 {offsets = [0, 0], sizes = [100, 32], strides = [1, 1]} : vector<100x128xf32> to vector<100x32xf32>
    %slice3A_430 = vector.extract_strided_slice %get3A_427 {offsets = [0, 0], sizes = [100, 32], strides = [1, 1]} : vector<100x128xf32> to vector<100x32xf32>
    %dot_general3A_431 = arith.constant dense<0.000000e+00> : vector<100x100xf32>
    %dot_general3A_432 = tpu.matmul %slice3A_428, %slice3A_429, %dot_general3A_431 {dimension_numbers = #tpu.dot_dimension_numbers<[1], [1], [0], [0], [0, 0, 1, 0], [], []>, precision = #tpu.contract_precision<fp32>, transpose_lhs_hint = false} : vector<100x32xf32>, vector<100x32xf32>, vector<100x100xf32> -> vector<100x100xf32>
    %div3A_433 = arith.constant 5.65685415 : f32
    %div3A_434 = vector.broadcast %div3A_433 : f32 to vector<100x100xf32>
    %div3A_435 = arith.divf %dot_general3A_432, %div3A_434 : vector<100x100xf32>
    %reduce_max3A_436 = arith.constant dense<0xFF800000> : vector<100xf32>
    %reduce_max3A_437 = vector.multi_reduction <maximumf>, %div3A_435, %reduce_max3A_436 [1] : vector<100x100xf32> to vector<100xf32>
    %broadcast_in_dim3A_438 = vector.shape_cast %reduce_max3A_437 : vector<100xf32> to vector<100x1xf32>
    %sub3A_439 = vector.broadcast %broadcast_in_dim3A_438 : vector<100x1xf32> to vector<100x100xf32>
    %sub3A_440 = arith.subf %div3A_435, %sub3A_439 : vector<100x100xf32>
    %exp3A_441 = math.exp %sub3A_440 : vector<100x100xf32>
    %reduce_sum3A_442 = arith.constant dense<0.000000e+00> : vector<100xf32>
    %reduce_sum3A_443 = vector.multi_reduction <add>, %exp3A_441, %reduce_sum3A_442 [1] : vector<100x100xf32> to vector<100xf32>
    %broadcast_in_dim3A_444 = vector.shape_cast %reduce_sum3A_443 : vector<100xf32> to vector<100x1xf32>
    %div3A_445 = vector.broadcast %broadcast_in_dim3A_444 : vector<100x1xf32> to vector<100x100xf32>
    %div3A_446 = arith.divf %exp3A_441, %div3A_445 : vector<100x100xf32>
    %dot_general3A_447 = arith.constant dense<0.000000e+00> : vector<100x32xf32>
    %dot_general3A_448 = tpu.matmul %div3A_446, %slice3A_430, %dot_general3A_447 {dimension_numbers = #tpu.dot_dimension_numbers<[1], [0], [0], [1], [0, 0, 1, 1], [], []>, precision = #tpu.contract_precision<fp32>, transpose_lhs_hint = false} : vector<100x100xf32>, vector<100x32xf32>, vector<100x32xf32> -> vector<100x32xf32>
    %slice3A_449 = vector.extract_strided_slice %get3A_417 {offsets = [0, 32], sizes = [100, 32], strides = [1, 1]} : vector<100x128xf32> to vector<100x32xf32>
    %slice3A_450 = vector.extract_strided_slice %get3A_422 {offsets = [0, 32], sizes = [100, 32], strides = [1, 1]} : vector<100x128xf32> to vector<100x32xf32>
    %slice3A_451 = vector.extract_strided_slice %get3A_427 {offsets = [0, 32], sizes = [100, 32], strides = [1, 1]} : vector<100x128xf32> to vector<100x32xf32>
    %dot_general3A_452 = arith.constant dense<0.000000e+00> : vector<100x100xf32>
    %dot_general3A_453 = tpu.matmul %slice3A_449, %slice3A_450, %dot_general3A_452 {dimension_numbers = #tpu.dot_dimension_numbers<[1], [1], [0], [0], [0, 0, 1, 0], [], []>, precision = #tpu.contract_precision<fp32>, transpose_lhs_hint = false} : vector<100x32xf32>, vector<100x32xf32>, vector<100x100xf32> -> vector<100x100xf32>
    %div3A_454 = arith.constant 5.65685415 : f32
    %div3A_455 = vector.broadcast %div3A_454 : f32 to vector<100x100xf32>
    %div3A_456 = arith.divf %dot_general3A_453, %div3A_455 : vector<100x100xf32>
    %reduce_max3A_457 = arith.constant dense<0xFF800000> : vector<100xf32>
    %reduce_max3A_458 = vector.multi_reduction <maximumf>, %div3A_456, %reduce_max3A_457 [1] : vector<100x100xf32> to vector<100xf32>
    %broadcast_in_dim3A_459 = vector.shape_cast %reduce_max3A_458 : vector<100xf32> to vector<100x1xf32>
    %sub3A_460 = vector.broadcast %broadcast_in_dim3A_459 : vector<100x1xf32> to vector<100x100xf32>
    %sub3A_461 = arith.subf %div3A_456, %sub3A_460 : vector<100x100xf32>
    %exp3A_462 = math.exp %sub3A_461 : vector<100x100xf32>
    %reduce_sum3A_463 = arith.constant dense<0.000000e+00> : vector<100xf32>
    %reduce_sum3A_464 = vector.multi_reduction <add>, %exp3A_462, %reduce_sum3A_463 [1] : vector<100x100xf32> to vector<100xf32>
    %broadcast_in_dim3A_465 = vector.shape_cast %reduce_sum3A_464 : vector<100xf32> to vector<100x1xf32>
    %div3A_466 = vector.broadcast %broadcast_in_dim3A_465 : vector<100x1xf32> to vector<100x100xf32>
    %div3A_467 = arith.divf %exp3A_462, %div3A_466 : vector<100x100xf32>
    %dot_general3A_468 = arith.constant dense<0.000000e+00> : vector<100x32xf32>
    %dot_general3A_469 = tpu.matmul %div3A_467, %slice3A_451, %dot_general3A_468 {dimension_numbers = #tpu.dot_dimension_numbers<[1], [0], [0], [1], [0, 0, 1, 1], [], []>, precision = #tpu.contract_precision<fp32>, transpose_lhs_hint = false} : vector<100x100xf32>, vector<100x32xf32>, vector<100x32xf32> -> vector<100x32xf32>
    %slice3A_470 = vector.extract_strided_slice %get3A_417 {offsets = [0, 64], sizes = [100, 32], strides = [1, 1]} : vector<100x128xf32> to vector<100x32xf32>
    %slice3A_471 = vector.extract_strided_slice %get3A_422 {offsets = [0, 64], sizes = [100, 32], strides = [1, 1]} : vector<100x128xf32> to vector<100x32xf32>
    %slice3A_472 = vector.extract_strided_slice %get3A_427 {offsets = [0, 64], sizes = [100, 32], strides = [1, 1]} : vector<100x128xf32> to vector<100x32xf32>
    %dot_general3A_473 = arith.constant dense<0.000000e+00> : vector<100x100xf32>
    %dot_general3A_474 = tpu.matmul %slice3A_470, %slice3A_471, %dot_general3A_473 {dimension_numbers = #tpu.dot_dimension_numbers<[1], [1], [0], [0], [0, 0, 1, 0], [], []>, precision = #tpu.contract_precision<fp32>, transpose_lhs_hint = false} : vector<100x32xf32>, vector<100x32xf32>, vector<100x100xf32> -> vector<100x100xf32>
    %div3A_475 = arith.constant 5.65685415 : f32
    %div3A_476 = vector.broadcast %div3A_475 : f32 to vector<100x100xf32>
    %div3A_477 = arith.divf %dot_general3A_474, %div3A_476 : vector<100x100xf32>
    %reduce_max3A_478 = arith.constant dense<0xFF800000> : vector<100xf32>
    %reduce_max3A_479 = vector.multi_reduction <maximumf>, %div3A_477, %reduce_max3A_478 [1] : vector<100x100xf32> to vector<100xf32>
    %broadcast_in_dim3A_480 = vector.shape_cast %reduce_max3A_479 : vector<100xf32> to vector<100x1xf32>
    %sub3A_481 = vector.broadcast %broadcast_in_dim3A_480 : vector<100x1xf32> to vector<100x100xf32>
    %sub3A_482 = arith.subf %div3A_477, %sub3A_481 : vector<100x100xf32>
    %exp3A_483 = math.exp %sub3A_482 : vector<100x100xf32>
    %reduce_sum3A_484 = arith.constant dense<0.000000e+00> : vector<100xf32>
    %reduce_sum3A_485 = vector.multi_reduction <add>, %exp3A_483, %reduce_sum3A_484 [1] : vector<100x100xf32> to vector<100xf32>
    %broadcast_in_dim3A_486 = vector.shape_cast %reduce_sum3A_485 : vector<100xf32> to vector<100x1xf32>
    %div3A_487 = vector.broadcast %broadcast_in_dim3A_486 : vector<100x1xf32> to vector<100x100xf32>
    %div3A_488 = arith.divf %exp3A_483, %div3A_487 : vector<100x100xf32>
    %dot_general3A_489 = arith.constant dense<0.000000e+00> : vector<100x32xf32>
    %dot_general3A_490 = tpu.matmul %div3A_488, %slice3A_472, %dot_general3A_489 {dimension_numbers = #tpu.dot_dimension_numbers<[1], [0], [0], [1], [0, 0, 1, 1], [], []>, precision = #tpu.contract_precision<fp32>, transpose_lhs_hint = false} : vector<100x100xf32>, vector<100x32xf32>, vector<100x32xf32> -> vector<100x32xf32>
    %slice3A_491 = vector.extract_strided_slice %get3A_417 {offsets = [0, 96], sizes = [100, 32], strides = [1, 1]} : vector<100x128xf32> to vector<100x32xf32>
    %slice3A_492 = vector.extract_strided_slice %get3A_422 {offsets = [0, 96], sizes = [100, 32], strides = [1, 1]} : vector<100x128xf32> to vector<100x32xf32>
    %slice3A_493 = vector.extract_strided_slice %get3A_427 {offsets = [0, 96], sizes = [100, 32], strides = [1, 1]} : vector<100x128xf32> to vector<100x32xf32>
    %dot_general3A_494 = arith.constant dense<0.000000e+00> : vector<100x100xf32>
    %dot_general3A_495 = tpu.matmul %slice3A_491, %slice3A_492, %dot_general3A_494 {dimension_numbers = #tpu.dot_dimension_numbers<[1], [1], [0], [0], [0, 0, 1, 0], [], []>, precision = #tpu.contract_precision<fp32>, transpose_lhs_hint = false} : vector<100x32xf32>, vector<100x32xf32>, vector<100x100xf32> -> vector<100x100xf32>
    %div3A_496 = arith.constant 5.65685415 : f32
    %div3A_497 = vector.broadcast %div3A_496 : f32 to vector<100x100xf32>
    %div3A_498 = arith.divf %dot_general3A_495, %div3A_497 : vector<100x100xf32>
    %reduce_max3A_499 = arith.constant dense<0xFF800000> : vector<100xf32>
    %reduce_max3A_500 = vector.multi_reduction <maximumf>, %div3A_498, %reduce_max3A_499 [1] : vector<100x100xf32> to vector<100xf32>
    %broadcast_in_dim3A_501 = vector.shape_cast %reduce_max3A_500 : vector<100xf32> to vector<100x1xf32>
    %sub3A_502 = vector.broadcast %broadcast_in_dim3A_501 : vector<100x1xf32> to vector<100x100xf32>
    %sub3A_503 = arith.subf %div3A_498, %sub3A_502 : vector<100x100xf32>
    %exp3A_504 = math.exp %sub3A_503 : vector<100x100xf32>
    %reduce_sum3A_505 = arith.constant dense<0.000000e+00> : vector<100xf32>
    %reduce_sum3A_506 = vector.multi_reduction <add>, %exp3A_504, %reduce_sum3A_505 [1] : vector<100x100xf32> to vector<100xf32>
    %broadcast_in_dim3A_507 = vector.shape_cast %reduce_sum3A_506 : vector<100xf32> to vector<100x1xf32>
    %div3A_508 = vector.broadcast %broadcast_in_dim3A_507 : vector<100x1xf32> to vector<100x100xf32>
    %div3A_509 = arith.divf %exp3A_504, %div3A_508 : vector<100x100xf32>
    %dot_general3A_510 = arith.constant dense<0.000000e+00> : vector<100x32xf32>
    %dot_general3A_511 = tpu.matmul %div3A_509, %slice3A_493, %dot_general3A_510 {dimension_numbers = #tpu.dot_dimension_numbers<[1], [0], [0], [1], [0, 0, 1, 1], [], []>, precision = #tpu.contract_precision<fp32>, transpose_lhs_hint = false} : vector<100x100xf32>, vector<100x32xf32>, vector<100x32xf32> -> vector<100x32xf32>
    %concatenate3A_512 = tpu.concatenate %dot_general3A_448, %dot_general3A_469, %dot_general3A_490, %dot_general3A_511 in 1 : vector<100x32xf32>, vector<100x32xf32>, vector<100x32xf32>, vector<100x32xf32> -> vector<100x128xf32>
    %swap3A_513 = arith.constant 4 : index
    %swap3A_514 = arith.constant 0 : index
    %swap3A_515 = arith.constant 0 : index
    %swap3A_516 = vector.load %arg4[%swap3A_513, %swap3A_514, %swap3A_515] : memref<10x100x128xf32, #tpu.memory_space<vmem>>, vector<1x100x128xf32>
    %swap3A_517 = vector.shape_cast %swap3A_516 : vector<1x100x128xf32> to vector<100x128xf32>
    %swap3A_518 = vector.shape_cast %concatenate3A_512 : vector<100x128xf32> to vector<1x100x128xf32>
    tpu.vector_store %arg4[%swap3A_513, %swap3A_514, %swap3A_515], %swap3A_518 {strides = array<i32>} : memref<10x100x128xf32, #tpu.memory_space<vmem>>, vector<1x100x128xf32>,
    %get3A_519 = arith.constant 5 : index
    %get3A_520 = arith.constant 0 : index
    %get3A_521 = arith.constant 0 : index
    %get3A_522 = vector.load %arg1[%get3A_519, %get3A_520, %get3A_521] : memref<10x100x128xf32, #tpu.memory_space<vmem>>, vector<1x100x128xf32>
    %get3A_523 = vector.shape_cast %get3A_522 : vector<1x100x128xf32> to vector<100x128xf32>
    %get3A_524 = arith.constant 5 : index
    %get3A_525 = arith.constant 0 : index
    %get3A_526 = arith.constant 0 : index
    %get3A_527 = vector.load %arg2[%get3A_524, %get3A_525, %get3A_526] : memref<10x100x128xf32, #tpu.memory_space<vmem>>, vector<1x100x128xf32>
    %get3A_528 = vector.shape_cast %get3A_527 : vector<1x100x128xf32> to vector<100x128xf32>
    %get3A_529 = arith.constant 5 : index
    %get3A_530 = arith.constant 0 : index
    %get3A_531 = arith.constant 0 : index
    %get3A_532 = vector.load %arg3[%get3A_529, %get3A_530, %get3A_531] : memref<10x100x128xf32, #tpu.memory_space<vmem>>, vector<1x100x128xf32>
    %get3A_533 = vector.shape_cast %get3A_532 : vector<1x100x128xf32> to vector<100x128xf32>
    %slice3A_534 = vector.extract_strided_slice %get3A_523 {offsets = [0, 0], sizes = [100, 32], strides = [1, 1]} : vector<100x128xf32> to vector<100x32xf32>
    %slice3A_535 = vector.extract_strided_slice %get3A_528 {offsets = [0, 0], sizes = [100, 32], strides = [1, 1]} : vector<100x128xf32> to vector<100x32xf32>
    %slice3A_536 = vector.extract_strided_slice %get3A_533 {offsets = [0, 0], sizes = [100, 32], strides = [1, 1]} : vector<100x128xf32> to vector<100x32xf32>
    %dot_general3A_537 = arith.constant dense<0.000000e+00> : vector<100x100xf32>
    %dot_general3A_538 = tpu.matmul %slice3A_534, %slice3A_535, %dot_general3A_537 {dimension_numbers = #tpu.dot_dimension_numbers<[1], [1], [0], [0], [0, 0, 1, 0], [], []>, precision = #tpu.contract_precision<fp32>, transpose_lhs_hint = false} : vector<100x32xf32>, vector<100x32xf32>, vector<100x100xf32> -> vector<100x100xf32>
    %div3A_539 = arith.constant 5.65685415 : f32
    %div3A_540 = vector.broadcast %div3A_539 : f32 to vector<100x100xf32>
    %div3A_541 = arith.divf %dot_general3A_538, %div3A_540 : vector<100x100xf32>
    %reduce_max3A_542 = arith.constant dense<0xFF800000> : vector<100xf32>
    %reduce_max3A_543 = vector.multi_reduction <maximumf>, %div3A_541, %reduce_max3A_542 [1] : vector<100x100xf32> to vector<100xf32>
    %broadcast_in_dim3A_544 = vector.shape_cast %reduce_max3A_543 : vector<100xf32> to vector<100x1xf32>
    %sub3A_545 = vector.broadcast %broadcast_in_dim3A_544 : vector<100x1xf32> to vector<100x100xf32>
    %sub3A_546 = arith.subf %div3A_541, %sub3A_545 : vector<100x100xf32>
    %exp3A_547 = math.exp %sub3A_546 : vector<100x100xf32>
    %reduce_sum3A_548 = arith.constant dense<0.000000e+00> : vector<100xf32>
    %reduce_sum3A_549 = vector.multi_reduction <add>, %exp3A_547, %reduce_sum3A_548 [1] : vector<100x100xf32> to vector<100xf32>
    %broadcast_in_dim3A_550 = vector.shape_cast %reduce_sum3A_549 : vector<100xf32> to vector<100x1xf32>
    %div3A_551 = vector.broadcast %broadcast_in_dim3A_550 : vector<100x1xf32> to vector<100x100xf32>
    %div3A_552 = arith.divf %exp3A_547, %div3A_551 : vector<100x100xf32>
    %dot_general3A_553 = arith.constant dense<0.000000e+00> : vector<100x32xf32>
    %dot_general3A_554 = tpu.matmul %div3A_552, %slice3A_536, %dot_general3A_553 {dimension_numbers = #tpu.dot_dimension_numbers<[1], [0], [0], [1], [0, 0, 1, 1], [], []>, precision = #tpu.contract_precision<fp32>, transpose_lhs_hint = false} : vector<100x100xf32>, vector<100x32xf32>, vector<100x32xf32> -> vector<100x32xf32>
    %slice3A_555 = vector.extract_strided_slice %get3A_523 {offsets = [0, 32], sizes = [100, 32], strides = [1, 1]} : vector<100x128xf32> to vector<100x32xf32>
    %slice3A_556 = vector.extract_strided_slice %get3A_528 {offsets = [0, 32], sizes = [100, 32], strides = [1, 1]} : vector<100x128xf32> to vector<100x32xf32>
    %slice3A_557 = vector.extract_strided_slice %get3A_533 {offsets = [0, 32], sizes = [100, 32], strides = [1, 1]} : vector<100x128xf32> to vector<100x32xf32>
    %dot_general3A_558 = arith.constant dense<0.000000e+00> : vector<100x100xf32>
    %dot_general3A_559 = tpu.matmul %slice3A_555, %slice3A_556, %dot_general3A_558 {dimension_numbers = #tpu.dot_dimension_numbers<[1], [1], [0], [0], [0, 0, 1, 0], [], []>, precision = #tpu.contract_precision<fp32>, transpose_lhs_hint = false} : vector<100x32xf32>, vector<100x32xf32>, vector<100x100xf32> -> vector<100x100xf32>
    %div3A_560 = arith.constant 5.65685415 : f32
    %div3A_561 = vector.broadcast %div3A_560 : f32 to vector<100x100xf32>
    %div3A_562 = arith.divf %dot_general3A_559, %div3A_561 : vector<100x100xf32>
    %reduce_max3A_563 = arith.constant dense<0xFF800000> : vector<100xf32>
    %reduce_max3A_564 = vector.multi_reduction <maximumf>, %div3A_562, %reduce_max3A_563 [1] : vector<100x100xf32> to vector<100xf32>
    %broadcast_in_dim3A_565 = vector.shape_cast %reduce_max3A_564 : vector<100xf32> to vector<100x1xf32>
    %sub3A_566 = vector.broadcast %broadcast_in_dim3A_565 : vector<100x1xf32> to vector<100x100xf32>
    %sub3A_567 = arith.subf %div3A_562, %sub3A_566 : vector<100x100xf32>
    %exp3A_568 = math.exp %sub3A_567 : vector<100x100xf32>
    %reduce_sum3A_569 = arith.constant dense<0.000000e+00> : vector<100xf32>
    %reduce_sum3A_570 = vector.multi_reduction <add>, %exp3A_568, %reduce_sum3A_569 [1] : vector<100x100xf32> to vector<100xf32>
    %broadcast_in_dim3A_571 = vector.shape_cast %reduce_sum3A_570 : vector<100xf32> to vector<100x1xf32>
    %div3A_572 = vector.broadcast %broadcast_in_dim3A_571 : vector<100x1xf32> to vector<100x100xf32>
    %div3A_573 = arith.divf %exp3A_568, %div3A_572 : vector<100x100xf32>
    %dot_general3A_574 = arith.constant dense<0.000000e+00> : vector<100x32xf32>
    %dot_general3A_575 = tpu.matmul %div3A_573, %slice3A_557, %dot_general3A_574 {dimension_numbers = #tpu.dot_dimension_numbers<[1], [0], [0], [1], [0, 0, 1, 1], [], []>, precision = #tpu.contract_precision<fp32>, transpose_lhs_hint = false} : vector<100x100xf32>, vector<100x32xf32>, vector<100x32xf32> -> vector<100x32xf32>
    %slice3A_576 = vector.extract_strided_slice %get3A_523 {offsets = [0, 64], sizes = [100, 32], strides = [1, 1]} : vector<100x128xf32> to vector<100x32xf32>
    %slice3A_577 = vector.extract_strided_slice %get3A_528 {offsets = [0, 64], sizes = [100, 32], strides = [1, 1]} : vector<100x128xf32> to vector<100x32xf32>
    %slice3A_578 = vector.extract_strided_slice %get3A_533 {offsets = [0, 64], sizes = [100, 32], strides = [1, 1]} : vector<100x128xf32> to vector<100x32xf32>
    %dot_general3A_579 = arith.constant dense<0.000000e+00> : vector<100x100xf32>
    %dot_general3A_580 = tpu.matmul %slice3A_576, %slice3A_577, %dot_general3A_579 {dimension_numbers = #tpu.dot_dimension_numbers<[1], [1], [0], [0], [0, 0, 1, 0], [], []>, precision = #tpu.contract_precision<fp32>, transpose_lhs_hint = false} : vector<100x32xf32>, vector<100x32xf32>, vector<100x100xf32> -> vector<100x100xf32>
    %div3A_581 = arith.constant 5.65685415 : f32
    %div3A_582 = vector.broadcast %div3A_581 : f32 to vector<100x100xf32>
    %div3A_583 = arith.divf %dot_general3A_580, %div3A_582 : vector<100x100xf32>
    %reduce_max3A_584 = arith.constant dense<0xFF800000> : vector<100xf32>
    %reduce_max3A_585 = vector.multi_reduction <maximumf>, %div3A_583, %reduce_max3A_584 [1] : vector<100x100xf32> to vector<100xf32>
    %broadcast_in_dim3A_586 = vector.shape_cast %reduce_max3A_585 : vector<100xf32> to vector<100x1xf32>
    %sub3A_587 = vector.broadcast %broadcast_in_dim3A_586 : vector<100x1xf32> to vector<100x100xf32>
    %sub3A_588 = arith.subf %div3A_583, %sub3A_587 : vector<100x100xf32>
    %exp3A_589 = math.exp %sub3A_588 : vector<100x100xf32>
    %reduce_sum3A_590 = arith.constant dense<0.000000e+00> : vector<100xf32>
    %reduce_sum3A_591 = vector.multi_reduction <add>, %exp3A_589, %reduce_sum3A_590 [1] : vector<100x100xf32> to vector<100xf32>
    %broadcast_in_dim3A_592 = vector.shape_cast %reduce_sum3A_591 : vector<100xf32> to vector<100x1xf32>
    %div3A_593 = vector.broadcast %broadcast_in_dim3A_592 : vector<100x1xf32> to vector<100x100xf32>
    %div3A_594 = arith.divf %exp3A_589, %div3A_593 : vector<100x100xf32>
    %dot_general3A_595 = arith.constant dense<0.000000e+00> : vector<100x32xf32>
    %dot_general3A_596 = tpu.matmul %div3A_594, %slice3A_578, %dot_general3A_595 {dimension_numbers = #tpu.dot_dimension_numbers<[1], [0], [0], [1], [0, 0, 1, 1], [], []>, precision = #tpu.contract_precision<fp32>, transpose_lhs_hint = false} : vector<100x100xf32>, vector<100x32xf32>, vector<100x32xf32> -> vector<100x32xf32>
    %slice3A_597 = vector.extract_strided_slice %get3A_523 {offsets = [0, 96], sizes = [100, 32], strides = [1, 1]} : vector<100x128xf32> to vector<100x32xf32>
    %slice3A_598 = vector.extract_strided_slice %get3A_528 {offsets = [0, 96], sizes = [100, 32], strides = [1, 1]} : vector<100x128xf32> to vector<100x32xf32>
    %slice3A_599 = vector.extract_strided_slice %get3A_533 {offsets = [0, 96], sizes = [100, 32], strides = [1, 1]} : vector<100x128xf32> to vector<100x32xf32>
    %dot_general3A_600 = arith.constant dense<0.000000e+00> : vector<100x100xf32>
    %dot_general3A_601 = tpu.matmul %slice3A_597, %slice3A_598, %dot_general3A_600 {dimension_numbers = #tpu.dot_dimension_numbers<[1], [1], [0], [0], [0, 0, 1, 0], [], []>, precision = #tpu.contract_precision<fp32>, transpose_lhs_hint = false} : vector<100x32xf32>, vector<100x32xf32>, vector<100x100xf32> -> vector<100x100xf32>
    %div3A_602 = arith.constant 5.65685415 : f32
    %div3A_603 = vector.broadcast %div3A_602 : f32 to vector<100x100xf32>
    %div3A_604 = arith.divf %dot_general3A_601, %div3A_603 : vector<100x100xf32>
    %reduce_max3A_605 = arith.constant dense<0xFF800000> : vector<100xf32>
    %reduce_max3A_606 = vector.multi_reduction <maximumf>, %div3A_604, %reduce_max3A_605 [1] : vector<100x100xf32> to vector<100xf32>
    %broadcast_in_dim3A_607 = vector.shape_cast %reduce_max3A_606 : vector<100xf32> to vector<100x1xf32>
    %sub3A_608 = vector.broadcast %broadcast_in_dim3A_607 : vector<100x1xf32> to vector<100x100xf32>
    %sub3A_609 = arith.subf %div3A_604, %sub3A_608 : vector<100x100xf32>
    %exp3A_610 = math.exp %sub3A_609 : vector<100x100xf32>
    %reduce_sum3A_611 = arith.constant dense<0.000000e+00> : vector<100xf32>
    %reduce_sum3A_612 = vector.multi_reduction <add>, %exp3A_610, %reduce_sum3A_611 [1] : vector<100x100xf32> to vector<100xf32>
    %broadcast_in_dim3A_613 = vector.shape_cast %reduce_sum3A_612 : vector<100xf32> to vector<100x1xf32>
    %div3A_614 = vector.broadcast %broadcast_in_dim3A_613 : vector<100x1xf32> to vector<100x100xf32>
    %div3A_615 = arith.divf %exp3A_610, %div3A_614 : vector<100x100xf32>
    %dot_general3A_616 = arith.constant dense<0.000000e+00> : vector<100x32xf32>
    %dot_general3A_617 = tpu.matmul %div3A_615, %slice3A_599, %dot_general3A_616 {dimension_numbers = #tpu.dot_dimension_numbers<[1], [0], [0], [1], [0, 0, 1, 1], [], []>, precision = #tpu.contract_precision<fp32>, transpose_lhs_hint = false} : vector<100x100xf32>, vector<100x32xf32>, vector<100x32xf32> -> vector<100x32xf32>
    %concatenate3A_618 = tpu.concatenate %dot_general3A_554, %dot_general3A_575, %dot_general3A_596, %dot_general3A_617 in 1 : vector<100x32xf32>, vector<100x32xf32>, vector<100x32xf32>, vector<100x32xf32> -> vector<100x128xf32>
    %swap3A_619 = arith.constant 5 : index
    %swap3A_620 = arith.constant 0 : index
    %swap3A_621 = arith.constant 0 : index
    %swap3A_622 = vector.load %arg4[%swap3A_619, %swap3A_620, %swap3A_621] : memref<10x100x128xf32, #tpu.memory_space<vmem>>, vector<1x100x128xf32>
    %swap3A_623 = vector.shape_cast %swap3A_622 : vector<1x100x128xf32> to vector<100x128xf32>
    %swap3A_624 = vector.shape_cast %concatenate3A_618 : vector<100x128xf32> to vector<1x100x128xf32>
    tpu.vector_store %arg4[%swap3A_619, %swap3A_620, %swap3A_621], %swap3A_624 {strides = array<i32>} : memref<10x100x128xf32, #tpu.memory_space<vmem>>, vector<1x100x128xf32>,
    %get3A_625 = arith.constant 6 : index
    %get3A_626 = arith.constant 0 : index
    %get3A_627 = arith.constant 0 : index
    %get3A_628 = vector.load %arg1[%get3A_625, %get3A_626, %get3A_627] : memref<10x100x128xf32, #tpu.memory_space<vmem>>, vector<1x100x128xf32>
    %get3A_629 = vector.shape_cast %get3A_628 : vector<1x100x128xf32> to vector<100x128xf32>
    %get3A_630 = arith.constant 6 : index
    %get3A_631 = arith.constant 0 : index
    %get3A_632 = arith.constant 0 : index
    %get3A_633 = vector.load %arg2[%get3A_630, %get3A_631, %get3A_632] : memref<10x100x128xf32, #tpu.memory_space<vmem>>, vector<1x100x128xf32>
    %get3A_634 = vector.shape_cast %get3A_633 : vector<1x100x128xf32> to vector<100x128xf32>
    %get3A_635 = arith.constant 6 : index
    %get3A_636 = arith.constant 0 : index
    %get3A_637 = arith.constant 0 : index
    %get3A_638 = vector.load %arg3[%get3A_635, %get3A_636, %get3A_637] : memref<10x100x128xf32, #tpu.memory_space<vmem>>, vector<1x100x128xf32>
    %get3A_639 = vector.shape_cast %get3A_638 : vector<1x100x128xf32> to vector<100x128xf32>
    %slice3A_640 = vector.extract_strided_slice %get3A_629 {offsets = [0, 0], sizes = [100, 32], strides = [1, 1]} : vector<100x128xf32> to vector<100x32xf32>
    %slice3A_641 = vector.extract_strided_slice %get3A_634 {offsets = [0, 0], sizes = [100, 32], strides = [1, 1]} : vector<100x128xf32> to vector<100x32xf32>
    %slice3A_642 = vector.extract_strided_slice %get3A_639 {offsets = [0, 0], sizes = [100, 32], strides = [1, 1]} : vector<100x128xf32> to vector<100x32xf32>
    %dot_general3A_643 = arith.constant dense<0.000000e+00> : vector<100x100xf32>
    %dot_general3A_644 = tpu.matmul %slice3A_640, %slice3A_641, %dot_general3A_643 {dimension_numbers = #tpu.dot_dimension_numbers<[1], [1], [0], [0], [0, 0, 1, 0], [], []>, precision = #tpu.contract_precision<fp32>, transpose_lhs_hint = false} : vector<100x32xf32>, vector<100x32xf32>, vector<100x100xf32> -> vector<100x100xf32>
    %div3A_645 = arith.constant 5.65685415 : f32
    %div3A_646 = vector.broadcast %div3A_645 : f32 to vector<100x100xf32>
    %div3A_647 = arith.divf %dot_general3A_644, %div3A_646 : vector<100x100xf32>
    %reduce_max3A_648 = arith.constant dense<0xFF800000> : vector<100xf32>
    %reduce_max3A_649 = vector.multi_reduction <maximumf>, %div3A_647, %reduce_max3A_648 [1] : vector<100x100xf32> to vector<100xf32>
    %broadcast_in_dim3A_650 = vector.shape_cast %reduce_max3A_649 : vector<100xf32> to vector<100x1xf32>
    %sub3A_651 = vector.broadcast %broadcast_in_dim3A_650 : vector<100x1xf32> to vector<100x100xf32>
    %sub3A_652 = arith.subf %div3A_647, %sub3A_651 : vector<100x100xf32>
    %exp3A_653 = math.exp %sub3A_652 : vector<100x100xf32>
    %reduce_sum3A_654 = arith.constant dense<0.000000e+00> : vector<100xf32>
    %reduce_sum3A_655 = vector.multi_reduction <add>, %exp3A_653, %reduce_sum3A_654 [1] : vector<100x100xf32> to vector<100xf32>
    %broadcast_in_dim3A_656 = vector.shape_cast %reduce_sum3A_655 : vector<100xf32> to vector<100x1xf32>
    %div3A_657 = vector.broadcast %broadcast_in_dim3A_656 : vector<100x1xf32> to vector<100x100xf32>
    %div3A_658 = arith.divf %exp3A_653, %div3A_657 : vector<100x100xf32>
    %dot_general3A_659 = arith.constant dense<0.000000e+00> : vector<100x32xf32>
    %dot_general3A_660 = tpu.matmul %div3A_658, %slice3A_642, %dot_general3A_659 {dimension_numbers = #tpu.dot_dimension_numbers<[1], [0], [0], [1], [0, 0, 1, 1], [], []>, precision = #tpu.contract_precision<fp32>, transpose_lhs_hint = false} : vector<100x100xf32>, vector<100x32xf32>, vector<100x32xf32> -> vector<100x32xf32>
    %slice3A_661 = vector.extract_strided_slice %get3A_629 {offsets = [0, 32], sizes = [100, 32], strides = [1, 1]} : vector<100x128xf32> to vector<100x32xf32>
    %slice3A_662 = vector.extract_strided_slice %get3A_634 {offsets = [0, 32], sizes = [100, 32], strides = [1, 1]} : vector<100x128xf32> to vector<100x32xf32>
    %slice3A_663 = vector.extract_strided_slice %get3A_639 {offsets = [0, 32], sizes = [100, 32], strides = [1, 1]} : vector<100x128xf32> to vector<100x32xf32>
    %dot_general3A_664 = arith.constant dense<0.000000e+00> : vector<100x100xf32>
    %dot_general3A_665 = tpu.matmul %slice3A_661, %slice3A_662, %dot_general3A_664 {dimension_numbers = #tpu.dot_dimension_numbers<[1], [1], [0], [0], [0, 0, 1, 0], [], []>, precision = #tpu.contract_precision<fp32>, transpose_lhs_hint = false} : vector<100x32xf32>, vector<100x32xf32>, vector<100x100xf32> -> vector<100x100xf32>
    %div3A_666 = arith.constant 5.65685415 : f32
    %div3A_667 = vector.broadcast %div3A_666 : f32 to vector<100x100xf32>
    %div3A_668 = arith.divf %dot_general3A_665, %div3A_667 : vector<100x100xf32>
    %reduce_max3A_669 = arith.constant dense<0xFF800000> : vector<100xf32>
    %reduce_max3A_670 = vector.multi_reduction <maximumf>, %div3A_668, %reduce_max3A_669 [1] : vector<100x100xf32> to vector<100xf32>
    %broadcast_in_dim3A_671 = vector.shape_cast %reduce_max3A_670 : vector<100xf32> to vector<100x1xf32>
    %sub3A_672 = vector.broadcast %broadcast_in_dim3A_671 : vector<100x1xf32> to vector<100x100xf32>
    %sub3A_673 = arith.subf %div3A_668, %sub3A_672 : vector<100x100xf32>
    %exp3A_674 = math.exp %sub3A_673 : vector<100x100xf32>
    %reduce_sum3A_675 = arith.constant dense<0.000000e+00> : vector<100xf32>
    %reduce_sum3A_676 = vector.multi_reduction <add>, %exp3A_674, %reduce_sum3A_675 [1] : vector<100x100xf32> to vector<100xf32>
    %broadcast_in_dim3A_677 = vector.shape_cast %reduce_sum3A_676 : vector<100xf32> to vector<100x1xf32>
    %div3A_678 = vector.broadcast %broadcast_in_dim3A_677 : vector<100x1xf32> to vector<100x100xf32>
    %div3A_679 = arith.divf %exp3A_674, %div3A_678 : vector<100x100xf32>
    %dot_general3A_680 = arith.constant dense<0.000000e+00> : vector<100x32xf32>
    %dot_general3A_681 = tpu.matmul %div3A_679, %slice3A_663, %dot_general3A_680 {dimension_numbers = #tpu.dot_dimension_numbers<[1], [0], [0], [1], [0, 0, 1, 1], [], []>, precision = #tpu.contract_precision<fp32>, transpose_lhs_hint = false} : vector<100x100xf32>, vector<100x32xf32>, vector<100x32xf32> -> vector<100x32xf32>
    %slice3A_682 = vector.extract_strided_slice %get3A_629 {offsets = [0, 64], sizes = [100, 32], strides = [1, 1]} : vector<100x128xf32> to vector<100x32xf32>
    %slice3A_683 = vector.extract_strided_slice %get3A_634 {offsets = [0, 64], sizes = [100, 32], strides = [1, 1]} : vector<100x128xf32> to vector<100x32xf32>
    %slice3A_684 = vector.extract_strided_slice %get3A_639 {offsets = [0, 64], sizes = [100, 32], strides = [1, 1]} : vector<100x128xf32> to vector<100x32xf32>
    %dot_general3A_685 = arith.constant dense<0.000000e+00> : vector<100x100xf32>
    %dot_general3A_686 = tpu.matmul %slice3A_682, %slice3A_683, %dot_general3A_685 {dimension_numbers = #tpu.dot_dimension_numbers<[1], [1], [0], [0], [0, 0, 1, 0], [], []>, precision = #tpu.contract_precision<fp32>, transpose_lhs_hint = false} : vector<100x32xf32>, vector<100x32xf32>, vector<100x100xf32> -> vector<100x100xf32>
    %div3A_687 = arith.constant 5.65685415 : f32
    %div3A_688 = vector.broadcast %div3A_687 : f32 to vector<100x100xf32>
    %div3A_689 = arith.divf %dot_general3A_686, %div3A_688 : vector<100x100xf32>
    %reduce_max3A_690 = arith.constant dense<0xFF800000> : vector<100xf32>
    %reduce_max3A_691 = vector.multi_reduction <maximumf>, %div3A_689, %reduce_max3A_690 [1] : vector<100x100xf32> to vector<100xf32>
    %broadcast_in_dim3A_692 = vector.shape_cast %reduce_max3A_691 : vector<100xf32> to vector<100x1xf32>
    %sub3A_693 = vector.broadcast %broadcast_in_dim3A_692 : vector<100x1xf32> to vector<100x100xf32>
    %sub3A_694 = arith.subf %div3A_689, %sub3A_693 : vector<100x100xf32>
    %exp3A_695 = math.exp %sub3A_694 : vector<100x100xf32>
    %reduce_sum3A_696 = arith.constant dense<0.000000e+00> : vector<100xf32>
    %reduce_sum3A_697 = vector.multi_reduction <add>, %exp3A_695, %reduce_sum3A_696 [1] : vector<100x100xf32> to vector<100xf32>
    %broadcast_in_dim3A_698 = vector.shape_cast %reduce_sum3A_697 : vector<100xf32> to vector<100x1xf32>
    %div3A_699 = vector.broadcast %broadcast_in_dim3A_698 : vector<100x1xf32> to vector<100x100xf32>
    %div3A_700 = arith.divf %exp3A_695, %div3A_699 : vector<100x100xf32>
    %dot_general3A_701 = arith.constant dense<0.000000e+00> : vector<100x32xf32>
    %dot_general3A_702 = tpu.matmul %div3A_700, %slice3A_684, %dot_general3A_701 {dimension_numbers = #tpu.dot_dimension_numbers<[1], [0], [0], [1], [0, 0, 1, 1], [], []>, precision = #tpu.contract_precision<fp32>, transpose_lhs_hint = false} : vector<100x100xf32>, vector<100x32xf32>, vector<100x32xf32> -> vector<100x32xf32>
    %slice3A_703 = vector.extract_strided_slice %get3A_629 {offsets = [0, 96], sizes = [100, 32], strides = [1, 1]} : vector<100x128xf32> to vector<100x32xf32>
    %slice3A_704 = vector.extract_strided_slice %get3A_634 {offsets = [0, 96], sizes = [100, 32], strides = [1, 1]} : vector<100x128xf32> to vector<100x32xf32>
    %slice3A_705 = vector.extract_strided_slice %get3A_639 {offsets = [0, 96], sizes = [100, 32], strides = [1, 1]} : vector<100x128xf32> to vector<100x32xf32>
    %dot_general3A_706 = arith.constant dense<0.000000e+00> : vector<100x100xf32>
    %dot_general3A_707 = tpu.matmul %slice3A_703, %slice3A_704, %dot_general3A_706 {dimension_numbers = #tpu.dot_dimension_numbers<[1], [1], [0], [0], [0, 0, 1, 0], [], []>, precision = #tpu.contract_precision<fp32>, transpose_lhs_hint = false} : vector<100x32xf32>, vector<100x32xf32>, vector<100x100xf32> -> vector<100x100xf32>
    %div3A_708 = arith.constant 5.65685415 : f32
    %div3A_709 = vector.broadcast %div3A_708 : f32 to vector<100x100xf32>
    %div3A_710 = arith.divf %dot_general3A_707, %div3A_709 : vector<100x100xf32>
    %reduce_max3A_711 = arith.constant dense<0xFF800000> : vector<100xf32>
    %reduce_max3A_712 = vector.multi_reduction <maximumf>, %div3A_710, %reduce_max3A_711 [1] : vector<100x100xf32> to vector<100xf32>
    %broadcast_in_dim3A_713 = vector.shape_cast %reduce_max3A_712 : vector<100xf32> to vector<100x1xf32>
    %sub3A_714 = vector.broadcast %broadcast_in_dim3A_713 : vector<100x1xf32> to vector<100x100xf32>
    %sub3A_715 = arith.subf %div3A_710, %sub3A_714 : vector<100x100xf32>
    %exp3A_716 = math.exp %sub3A_715 : vector<100x100xf32>
    %reduce_sum3A_717 = arith.constant dense<0.000000e+00> : vector<100xf32>
    %reduce_sum3A_718 = vector.multi_reduction <add>, %exp3A_716, %reduce_sum3A_717 [1] : vector<100x100xf32> to vector<100xf32>
    %broadcast_in_dim3A_719 = vector.shape_cast %reduce_sum3A_718 : vector<100xf32> to vector<100x1xf32>
    %div3A_720 = vector.broadcast %broadcast_in_dim3A_719 : vector<100x1xf32> to vector<100x100xf32>
    %div3A_721 = arith.divf %exp3A_716, %div3A_720 : vector<100x100xf32>
    %dot_general3A_722 = arith.constant dense<0.000000e+00> : vector<100x32xf32>
    %dot_general3A_723 = tpu.matmul %div3A_721, %slice3A_705, %dot_general3A_722 {dimension_numbers = #tpu.dot_dimension_numbers<[1], [0], [0], [1], [0, 0, 1, 1], [], []>, precision = #tpu.contract_precision<fp32>, transpose_lhs_hint = false} : vector<100x100xf32>, vector<100x32xf32>, vector<100x32xf32> -> vector<100x32xf32>
    %concatenate3A_724 = tpu.concatenate %dot_general3A_660, %dot_general3A_681, %dot_general3A_702, %dot_general3A_723 in 1 : vector<100x32xf32>, vector<100x32xf32>, vector<100x32xf32>, vector<100x32xf32> -> vector<100x128xf32>
    %swap3A_725 = arith.constant 6 : index
    %swap3A_726 = arith.constant 0 : index
    %swap3A_727 = arith.constant 0 : index
    %swap3A_728 = vector.load %arg4[%swap3A_725, %swap3A_726, %swap3A_727] : memref<10x100x128xf32, #tpu.memory_space<vmem>>, vector<1x100x128xf32>
    %swap3A_729 = vector.shape_cast %swap3A_728 : vector<1x100x128xf32> to vector<100x128xf32>
    %swap3A_730 = vector.shape_cast %concatenate3A_724 : vector<100x128xf32> to vector<1x100x128xf32>
    tpu.vector_store %arg4[%swap3A_725, %swap3A_726, %swap3A_727], %swap3A_730 {strides = array<i32>} : memref<10x100x128xf32, #tpu.memory_space<vmem>>, vector<1x100x128xf32>,
    %get3A_731 = arith.constant 7 : index
    %get3A_732 = arith.constant 0 : index
    %get3A_733 = arith.constant 0 : index
    %get3A_734 = vector.load %arg1[%get3A_731, %get3A_732, %get3A_733] : memref<10x100x128xf32, #tpu.memory_space<vmem>>, vector<1x100x128xf32>
    %get3A_735 = vector.shape_cast %get3A_734 : vector<1x100x128xf32> to vector<100x128xf32>
    %get3A_736 = arith.constant 7 : index
    %get3A_737 = arith.constant 0 : index
    %get3A_738 = arith.constant 0 : index
    %get3A_739 = vector.load %arg2[%get3A_736, %get3A_737, %get3A_738] : memref<10x100x128xf32, #tpu.memory_space<vmem>>, vector<1x100x128xf32>
    %get3A_740 = vector.shape_cast %get3A_739 : vector<1x100x128xf32> to vector<100x128xf32>
    %get3A_741 = arith.constant 7 : index
    %get3A_742 = arith.constant 0 : index
    %get3A_743 = arith.constant 0 : index
    %get3A_744 = vector.load %arg3[%get3A_741, %get3A_742, %get3A_743] : memref<10x100x128xf32, #tpu.memory_space<vmem>>, vector<1x100x128xf32>
    %get3A_745 = vector.shape_cast %get3A_744 : vector<1x100x128xf32> to vector<100x128xf32>
    %slice3A_746 = vector.extract_strided_slice %get3A_735 {offsets = [0, 0], sizes = [100, 32], strides = [1, 1]} : vector<100x128xf32> to vector<100x32xf32>
    %slice3A_747 = vector.extract_strided_slice %get3A_740 {offsets = [0, 0], sizes = [100, 32], strides = [1, 1]} : vector<100x128xf32> to vector<100x32xf32>
    %slice3A_748 = vector.extract_strided_slice %get3A_745 {offsets = [0, 0], sizes = [100, 32], strides = [1, 1]} : vector<100x128xf32> to vector<100x32xf32>
    %dot_general3A_749 = arith.constant dense<0.000000e+00> : vector<100x100xf32>
    %dot_general3A_750 = tpu.matmul %slice3A_746, %slice3A_747, %dot_general3A_749 {dimension_numbers = #tpu.dot_dimension_numbers<[1], [1], [0], [0], [0, 0, 1, 0], [], []>, precision = #tpu.contract_precision<fp32>, transpose_lhs_hint = false} : vector<100x32xf32>, vector<100x32xf32>, vector<100x100xf32> -> vector<100x100xf32>
    %div3A_751 = arith.constant 5.65685415 : f32
    %div3A_752 = vector.broadcast %div3A_751 : f32 to vector<100x100xf32>
    %div3A_753 = arith.divf %dot_general3A_750, %div3A_752 : vector<100x100xf32>
    %reduce_max3A_754 = arith.constant dense<0xFF800000> : vector<100xf32>
    %reduce_max3A_755 = vector.multi_reduction <maximumf>, %div3A_753, %reduce_max3A_754 [1] : vector<100x100xf32> to vector<100xf32>
    %broadcast_in_dim3A_756 = vector.shape_cast %reduce_max3A_755 : vector<100xf32> to vector<100x1xf32>
    %sub3A_757 = vector.broadcast %broadcast_in_dim3A_756 : vector<100x1xf32> to vector<100x100xf32>
    %sub3A_758 = arith.subf %div3A_753, %sub3A_757 : vector<100x100xf32>
    %exp3A_759 = math.exp %sub3A_758 : vector<100x100xf32>
    %reduce_sum3A_760 = arith.constant dense<0.000000e+00> : vector<100xf32>
    %reduce_sum3A_761 = vector.multi_reduction <add>, %exp3A_759, %reduce_sum3A_760 [1] : vector<100x100xf32> to vector<100xf32>
    %broadcast_in_dim3A_762 = vector.shape_cast %reduce_sum3A_761 : vector<100xf32> to vector<100x1xf32>
    %div3A_763 = vector.broadcast %broadcast_in_dim3A_762 : vector<100x1xf32> to vector<100x100xf32>
    %div3A_764 = arith.divf %exp3A_759, %div3A_763 : vector<100x100xf32>
    %dot_general3A_765 = arith.constant dense<0.000000e+00> : vector<100x32xf32>
    %dot_general3A_766 = tpu.matmul %div3A_764, %slice3A_748, %dot_general3A_765 {dimension_numbers = #tpu.dot_dimension_numbers<[1], [0], [0], [1], [0, 0, 1, 1], [], []>, precision = #tpu.contract_precision<fp32>, transpose_lhs_hint = false} : vector<100x100xf32>, vector<100x32xf32>, vector<100x32xf32> -> vector<100x32xf32>
    %slice3A_767 = vector.extract_strided_slice %get3A_735 {offsets = [0, 32], sizes = [100, 32], strides = [1, 1]} : vector<100x128xf32> to vector<100x32xf32>
    %slice3A_768 = vector.extract_strided_slice %get3A_740 {offsets = [0, 32], sizes = [100, 32], strides = [1, 1]} : vector<100x128xf32> to vector<100x32xf32>
    %slice3A_769 = vector.extract_strided_slice %get3A_745 {offsets = [0, 32], sizes = [100, 32], strides = [1, 1]} : vector<100x128xf32> to vector<100x32xf32>
    %dot_general3A_770 = arith.constant dense<0.000000e+00> : vector<100x100xf32>
    %dot_general3A_771 = tpu.matmul %slice3A_767, %slice3A_768, %dot_general3A_770 {dimension_numbers = #tpu.dot_dimension_numbers<[1], [1], [0], [0], [0, 0, 1, 0], [], []>, precision = #tpu.contract_precision<fp32>, transpose_lhs_hint = false} : vector<100x32xf32>, vector<100x32xf32>, vector<100x100xf32> -> vector<100x100xf32>
    %div3A_772 = arith.constant 5.65685415 : f32
    %div3A_773 = vector.broadcast %div3A_772 : f32 to vector<100x100xf32>
    %div3A_774 = arith.divf %dot_general3A_771, %div3A_773 : vector<100x100xf32>
    %reduce_max3A_775 = arith.constant dense<0xFF800000> : vector<100xf32>
    %reduce_max3A_776 = vector.multi_reduction <maximumf>, %div3A_774, %reduce_max3A_775 [1] : vector<100x100xf32> to vector<100xf32>
    %broadcast_in_dim3A_777 = vector.shape_cast %reduce_max3A_776 : vector<100xf32> to vector<100x1xf32>
    %sub3A_778 = vector.broadcast %broadcast_in_dim3A_777 : vector<100x1xf32> to vector<100x100xf32>
    %sub3A_779 = arith.subf %div3A_774, %sub3A_778 : vector<100x100xf32>
    %exp3A_780 = math.exp %sub3A_779 : vector<100x100xf32>
    %reduce_sum3A_781 = arith.constant dense<0.000000e+00> : vector<100xf32>
    %reduce_sum3A_782 = vector.multi_reduction <add>, %exp3A_780, %reduce_sum3A_781 [1] : vector<100x100xf32> to vector<100xf32>
    %broadcast_in_dim3A_783 = vector.shape_cast %reduce_sum3A_782 : vector<100xf32> to vector<100x1xf32>
    %div3A_784 = vector.broadcast %broadcast_in_dim3A_783 : vector<100x1xf32> to vector<100x100xf32>
    %div3A_785 = arith.divf %exp3A_780, %div3A_784 : vector<100x100xf32>
    %dot_general3A_786 = arith.constant dense<0.000000e+00> : vector<100x32xf32>
    %dot_general3A_787 = tpu.matmul %div3A_785, %slice3A_769, %dot_general3A_786 {dimension_numbers = #tpu.dot_dimension_numbers<[1], [0], [0], [1], [0, 0, 1, 1], [], []>, precision = #tpu.contract_precision<fp32>, transpose_lhs_hint = false} : vector<100x100xf32>, vector<100x32xf32>, vector<100x32xf32> -> vector<100x32xf32>
    %slice3A_788 = vector.extract_strided_slice %get3A_735 {offsets = [0, 64], sizes = [100, 32], strides = [1, 1]} : vector<100x128xf32> to vector<100x32xf32>
    %slice3A_789 = vector.extract_strided_slice %get3A_740 {offsets = [0, 64], sizes = [100, 32], strides = [1, 1]} : vector<100x128xf32> to vector<100x32xf32>
    %slice3A_790 = vector.extract_strided_slice %get3A_745 {offsets = [0, 64], sizes = [100, 32], strides = [1, 1]} : vector<100x128xf32> to vector<100x32xf32>
    %dot_general3A_791 = arith.constant dense<0.000000e+00> : vector<100x100xf32>
    %dot_general3A_792 = tpu.matmul %slice3A_788, %slice3A_789, %dot_general3A_791 {dimension_numbers = #tpu.dot_dimension_numbers<[1], [1], [0], [0], [0, 0, 1, 0], [], []>, precision = #tpu.contract_precision<fp32>, transpose_lhs_hint = false} : vector<100x32xf32>, vector<100x32xf32>, vector<100x100xf32> -> vector<100x100xf32>
    %div3A_793 = arith.constant 5.65685415 : f32
    %div3A_794 = vector.broadcast %div3A_793 : f32 to vector<100x100xf32>
    %div3A_795 = arith.divf %dot_general3A_792, %div3A_794 : vector<100x100xf32>
    %reduce_max3A_796 = arith.constant dense<0xFF800000> : vector<100xf32>
    %reduce_max3A_797 = vector.multi_reduction <maximumf>, %div3A_795, %reduce_max3A_796 [1] : vector<100x100xf32> to vector<100xf32>
    %broadcast_in_dim3A_798 = vector.shape_cast %reduce_max3A_797 : vector<100xf32> to vector<100x1xf32>
    %sub3A_799 = vector.broadcast %broadcast_in_dim3A_798 : vector<100x1xf32> to vector<100x100xf32>
    %sub3A_800 = arith.subf %div3A_795, %sub3A_799 : vector<100x100xf32>
    %exp3A_801 = math.exp %sub3A_800 : vector<100x100xf32>
    %reduce_sum3A_802 = arith.constant dense<0.000000e+00> : vector<100xf32>
    %reduce_sum3A_803 = vector.multi_reduction <add>, %exp3A_801, %reduce_sum3A_802 [1] : vector<100x100xf32> to vector<100xf32>
    %broadcast_in_dim3A_804 = vector.shape_cast %reduce_sum3A_803 : vector<100xf32> to vector<100x1xf32>
    %div3A_805 = vector.broadcast %broadcast_in_dim3A_804 : vector<100x1xf32> to vector<100x100xf32>
    %div3A_806 = arith.divf %exp3A_801, %div3A_805 : vector<100x100xf32>
    %dot_general3A_807 = arith.constant dense<0.000000e+00> : vector<100x32xf32>
    %dot_general3A_808 = tpu.matmul %div3A_806, %slice3A_790, %dot_general3A_807 {dimension_numbers = #tpu.dot_dimension_numbers<[1], [0], [0], [1], [0, 0, 1, 1], [], []>, precision = #tpu.contract_precision<fp32>, transpose_lhs_hint = false} : vector<100x100xf32>, vector<100x32xf32>, vector<100x32xf32> -> vector<100x32xf32>
    %slice3A_809 = vector.extract_strided_slice %get3A_735 {offsets = [0, 96], sizes = [100, 32], strides = [1, 1]} : vector<100x128xf32> to vector<100x32xf32>
    %slice3A_810 = vector.extract_strided_slice %get3A_740 {offsets = [0, 96], sizes = [100, 32], strides = [1, 1]} : vector<100x128xf32> to vector<100x32xf32>
    %slice3A_811 = vector.extract_strided_slice %get3A_745 {offsets = [0, 96], sizes = [100, 32], strides = [1, 1]} : vector<100x128xf32> to vector<100x32xf32>
    %dot_general3A_812 = arith.constant dense<0.000000e+00> : vector<100x100xf32>
    %dot_general3A_813 = tpu.matmul %slice3A_809, %slice3A_810, %dot_general3A_812 {dimension_numbers = #tpu.dot_dimension_numbers<[1], [1], [0], [0], [0, 0, 1, 0], [], []>, precision = #tpu.contract_precision<fp32>, transpose_lhs_hint = false} : vector<100x32xf32>, vector<100x32xf32>, vector<100x100xf32> -> vector<100x100xf32>
    %div3A_814 = arith.constant 5.65685415 : f32
    %div3A_815 = vector.broadcast %div3A_814 : f32 to vector<100x100xf32>
    %div3A_816 = arith.divf %dot_general3A_813, %div3A_815 : vector<100x100xf32>
    %reduce_max3A_817 = arith.constant dense<0xFF800000> : vector<100xf32>
    %reduce_max3A_818 = vector.multi_reduction <maximumf>, %div3A_816, %reduce_max3A_817 [1] : vector<100x100xf32> to vector<100xf32>
    %broadcast_in_dim3A_819 = vector.shape_cast %reduce_max3A_818 : vector<100xf32> to vector<100x1xf32>
    %sub3A_820 = vector.broadcast %broadcast_in_dim3A_819 : vector<100x1xf32> to vector<100x100xf32>
    %sub3A_821 = arith.subf %div3A_816, %sub3A_820 : vector<100x100xf32>
    %exp3A_822 = math.exp %sub3A_821 : vector<100x100xf32>
    %reduce_sum3A_823 = arith.constant dense<0.000000e+00> : vector<100xf32>
    %reduce_sum3A_824 = vector.multi_reduction <add>, %exp3A_822, %reduce_sum3A_823 [1] : vector<100x100xf32> to vector<100xf32>
    %broadcast_in_dim3A_825 = vector.shape_cast %reduce_sum3A_824 : vector<100xf32> to vector<100x1xf32>
    %div3A_826 = vector.broadcast %broadcast_in_dim3A_825 : vector<100x1xf32> to vector<100x100xf32>
    %div3A_827 = arith.divf %exp3A_822, %div3A_826 : vector<100x100xf32>
    %dot_general3A_828 = arith.constant dense<0.000000e+00> : vector<100x32xf32>
    %dot_general3A_829 = tpu.matmul %div3A_827, %slice3A_811, %dot_general3A_828 {dimension_numbers = #tpu.dot_dimension_numbers<[1], [0], [0], [1], [0, 0, 1, 1], [], []>, precision = #tpu.contract_precision<fp32>, transpose_lhs_hint = false} : vector<100x100xf32>, vector<100x32xf32>, vector<100x32xf32> -> vector<100x32xf32>
    %concatenate3A_830 = tpu.concatenate %dot_general3A_766, %dot_general3A_787, %dot_general3A_808, %dot_general3A_829 in 1 : vector<100x32xf32>, vector<100x32xf32>, vector<100x32xf32>, vector<100x32xf32> -> vector<100x128xf32>
    %swap3A_831 = arith.constant 7 : index
    %swap3A_832 = arith.constant 0 : index
    %swap3A_833 = arith.constant 0 : index
    %swap3A_834 = vector.load %arg4[%swap3A_831, %swap3A_832, %swap3A_833] : memref<10x100x128xf32, #tpu.memory_space<vmem>>, vector<1x100x128xf32>
    %swap3A_835 = vector.shape_cast %swap3A_834 : vector<1x100x128xf32> to vector<100x128xf32>
    %swap3A_836 = vector.shape_cast %concatenate3A_830 : vector<100x128xf32> to vector<1x100x128xf32>
    tpu.vector_store %arg4[%swap3A_831, %swap3A_832, %swap3A_833], %swap3A_836 {strides = array<i32>} : memref<10x100x128xf32, #tpu.memory_space<vmem>>, vector<1x100x128xf32>,
    %get3A_837 = arith.constant 8 : index
    %get3A_838 = arith.constant 0 : index
    %get3A_839 = arith.constant 0 : index
    %get3A_840 = vector.load %arg1[%get3A_837, %get3A_838, %get3A_839] : memref<10x100x128xf32, #tpu.memory_space<vmem>>, vector<1x100x128xf32>
    %get3A_841 = vector.shape_cast %get3A_840 : vector<1x100x128xf32> to vector<100x128xf32>
    %get3A_842 = arith.constant 8 : index
    %get3A_843 = arith.constant 0 : index
    %get3A_844 = arith.constant 0 : index
    %get3A_845 = vector.load %arg2[%get3A_842, %get3A_843, %get3A_844] : memref<10x100x128xf32, #tpu.memory_space<vmem>>, vector<1x100x128xf32>
    %get3A_846 = vector.shape_cast %get3A_845 : vector<1x100x128xf32> to vector<100x128xf32>
    %get3A_847 = arith.constant 8 : index
    %get3A_848 = arith.constant 0 : index
    %get3A_849 = arith.constant 0 : index
    %get3A_850 = vector.load %arg3[%get3A_847, %get3A_848, %get3A_849] : memref<10x100x128xf32, #tpu.memory_space<vmem>>, vector<1x100x128xf32>
    %get3A_851 = vector.shape_cast %get3A_850 : vector<1x100x128xf32> to vector<100x128xf32>
    %slice3A_852 = vector.extract_strided_slice %get3A_841 {offsets = [0, 0], sizes = [100, 32], strides = [1, 1]} : vector<100x128xf32> to vector<100x32xf32>
    %slice3A_853 = vector.extract_strided_slice %get3A_846 {offsets = [0, 0], sizes = [100, 32], strides = [1, 1]} : vector<100x128xf32> to vector<100x32xf32>
    %slice3A_854 = vector.extract_strided_slice %get3A_851 {offsets = [0, 0], sizes = [100, 32], strides = [1, 1]} : vector<100x128xf32> to vector<100x32xf32>
    %dot_general3A_855 = arith.constant dense<0.000000e+00> : vector<100x100xf32>
    %dot_general3A_856 = tpu.matmul %slice3A_852, %slice3A_853, %dot_general3A_855 {dimension_numbers = #tpu.dot_dimension_numbers<[1], [1], [0], [0], [0, 0, 1, 0], [], []>, precision = #tpu.contract_precision<fp32>, transpose_lhs_hint = false} : vector<100x32xf32>, vector<100x32xf32>, vector<100x100xf32> -> vector<100x100xf32>
    %div3A_857 = arith.constant 5.65685415 : f32
    %div3A_858 = vector.broadcast %div3A_857 : f32 to vector<100x100xf32>
    %div3A_859 = arith.divf %dot_general3A_856, %div3A_858 : vector<100x100xf32>
    %reduce_max3A_860 = arith.constant dense<0xFF800000> : vector<100xf32>
    %reduce_max3A_861 = vector.multi_reduction <maximumf>, %div3A_859, %reduce_max3A_860 [1] : vector<100x100xf32> to vector<100xf32>
    %broadcast_in_dim3A_862 = vector.shape_cast %reduce_max3A_861 : vector<100xf32> to vector<100x1xf32>
    %sub3A_863 = vector.broadcast %broadcast_in_dim3A_862 : vector<100x1xf32> to vector<100x100xf32>
    %sub3A_864 = arith.subf %div3A_859, %sub3A_863 : vector<100x100xf32>
    %exp3A_865 = math.exp %sub3A_864 : vector<100x100xf32>
    %reduce_sum3A_866 = arith.constant dense<0.000000e+00> : vector<100xf32>
    %reduce_sum3A_867 = vector.multi_reduction <add>, %exp3A_865, %reduce_sum3A_866 [1] : vector<100x100xf32> to vector<100xf32>
    %broadcast_in_dim3A_868 = vector.shape_cast %reduce_sum3A_867 : vector<100xf32> to vector<100x1xf32>
    %div3A_869 = vector.broadcast %broadcast_in_dim3A_868 : vector<100x1xf32> to vector<100x100xf32>
    %div3A_870 = arith.divf %exp3A_865, %div3A_869 : vector<100x100xf32>
    %dot_general3A_871 = arith.constant dense<0.000000e+00> : vector<100x32xf32>
    %dot_general3A_872 = tpu.matmul %div3A_870, %slice3A_854, %dot_general3A_871 {dimension_numbers = #tpu.dot_dimension_numbers<[1], [0], [0], [1], [0, 0, 1, 1], [], []>, precision = #tpu.contract_precision<fp32>, transpose_lhs_hint = false} : vector<100x100xf32>, vector<100x32xf32>, vector<100x32xf32> -> vector<100x32xf32>
    %slice3A_873 = vector.extract_strided_slice %get3A_841 {offsets = [0, 32], sizes = [100, 32], strides = [1, 1]} : vector<100x128xf32> to vector<100x32xf32>
    %slice3A_874 = vector.extract_strided_slice %get3A_846 {offsets = [0, 32], sizes = [100, 32], strides = [1, 1]} : vector<100x128xf32> to vector<100x32xf32>
    %slice3A_875 = vector.extract_strided_slice %get3A_851 {offsets = [0, 32], sizes = [100, 32], strides = [1, 1]} : vector<100x128xf32> to vector<100x32xf32>
    %dot_general3A_876 = arith.constant dense<0.000000e+00> : vector<100x100xf32>
    %dot_general3A_877 = tpu.matmul %slice3A_873, %slice3A_874, %dot_general3A_876 {dimension_numbers = #tpu.dot_dimension_numbers<[1], [1], [0], [0], [0, 0, 1, 0], [], []>, precision = #tpu.contract_precision<fp32>, transpose_lhs_hint = false} : vector<100x32xf32>, vector<100x32xf32>, vector<100x100xf32> -> vector<100x100xf32>
    %div3A_878 = arith.constant 5.65685415 : f32
    %div3A_879 = vector.broadcast %div3A_878 : f32 to vector<100x100xf32>
    %div3A_880 = arith.divf %dot_general3A_877, %div3A_879 : vector<100x100xf32>
    %reduce_max3A_881 = arith.constant dense<0xFF800000> : vector<100xf32>
    %reduce_max3A_882 = vector.multi_reduction <maximumf>, %div3A_880, %reduce_max3A_881 [1] : vector<100x100xf32> to vector<100xf32>
    %broadcast_in_dim3A_883 = vector.shape_cast %reduce_max3A_882 : vector<100xf32> to vector<100x1xf32>
    %sub3A_884 = vector.broadcast %broadcast_in_dim3A_883 : vector<100x1xf32> to vector<100x100xf32>
    %sub3A_885 = arith.subf %div3A_880, %sub3A_884 : vector<100x100xf32>
    %exp3A_886 = math.exp %sub3A_885 : vector<100x100xf32>
    %reduce_sum3A_887 = arith.constant dense<0.000000e+00> : vector<100xf32>
    %reduce_sum3A_888 = vector.multi_reduction <add>, %exp3A_886, %reduce_sum3A_887 [1] : vector<100x100xf32> to vector<100xf32>
    %broadcast_in_dim3A_889 = vector.shape_cast %reduce_sum3A_888 : vector<100xf32> to vector<100x1xf32>
    %div3A_890 = vector.broadcast %broadcast_in_dim3A_889 : vector<100x1xf32> to vector<100x100xf32>
    %div3A_891 = arith.divf %exp3A_886, %div3A_890 : vector<100x100xf32>
    %dot_general3A_892 = arith.constant dense<0.000000e+00> : vector<100x32xf32>
    %dot_general3A_893 = tpu.matmul %div3A_891, %slice3A_875, %dot_general3A_892 {dimension_numbers = #tpu.dot_dimension_numbers<[1], [0], [0], [1], [0, 0, 1, 1], [], []>, precision = #tpu.contract_precision<fp32>, transpose_lhs_hint = false} : vector<100x100xf32>, vector<100x32xf32>, vector<100x32xf32> -> vector<100x32xf32>
    %slice3A_894 = vector.extract_strided_slice %get3A_841 {offsets = [0, 64], sizes = [100, 32], strides = [1, 1]} : vector<100x128xf32> to vector<100x32xf32>
    %slice3A_895 = vector.extract_strided_slice %get3A_846 {offsets = [0, 64], sizes = [100, 32], strides = [1, 1]} : vector<100x128xf32> to vector<100x32xf32>
    %slice3A_896 = vector.extract_strided_slice %get3A_851 {offsets = [0, 64], sizes = [100, 32], strides = [1, 1]} : vector<100x128xf32> to vector<100x32xf32>
    %dot_general3A_897 = arith.constant dense<0.000000e+00> : vector<100x100xf32>
    %dot_general3A_898 = tpu.matmul %slice3A_894, %slice3A_895, %dot_general3A_897 {dimension_numbers = #tpu.dot_dimension_numbers<[1], [1], [0], [0], [0, 0, 1, 0], [], []>, precision = #tpu.contract_precision<fp32>, transpose_lhs_hint = false} : vector<100x32xf32>, vector<100x32xf32>, vector<100x100xf32> -> vector<100x100xf32>
    %div3A_899 = arith.constant 5.65685415 : f32
    %div3A_900 = vector.broadcast %div3A_899 : f32 to vector<100x100xf32>
    %div3A_901 = arith.divf %dot_general3A_898, %div3A_900 : vector<100x100xf32>
    %reduce_max3A_902 = arith.constant dense<0xFF800000> : vector<100xf32>
    %reduce_max3A_903 = vector.multi_reduction <maximumf>, %div3A_901, %reduce_max3A_902 [1] : vector<100x100xf32> to vector<100xf32>
    %broadcast_in_dim3A_904 = vector.shape_cast %reduce_max3A_903 : vector<100xf32> to vector<100x1xf32>
    %sub3A_905 = vector.broadcast %broadcast_in_dim3A_904 : vector<100x1xf32> to vector<100x100xf32>
    %sub3A_906 = arith.subf %div3A_901, %sub3A_905 : vector<100x100xf32>
    %exp3A_907 = math.exp %sub3A_906 : vector<100x100xf32>
    %reduce_sum3A_908 = arith.constant dense<0.000000e+00> : vector<100xf32>
    %reduce_sum3A_909 = vector.multi_reduction <add>, %exp3A_907, %reduce_sum3A_908 [1] : vector<100x100xf32> to vector<100xf32>
    %broadcast_in_dim3A_910 = vector.shape_cast %reduce_sum3A_909 : vector<100xf32> to vector<100x1xf32>
    %div3A_911 = vector.broadcast %broadcast_in_dim3A_910 : vector<100x1xf32> to vector<100x100xf32>
    %div3A_912 = arith.divf %exp3A_907, %div3A_911 : vector<100x100xf32>
    %dot_general3A_913 = arith.constant dense<0.000000e+00> : vector<100x32xf32>
    %dot_general3A_914 = tpu.matmul %div3A_912, %slice3A_896, %dot_general3A_913 {dimension_numbers = #tpu.dot_dimension_numbers<[1], [0], [0], [1], [0, 0, 1, 1], [], []>, precision = #tpu.contract_precision<fp32>, transpose_lhs_hint = false} : vector<100x100xf32>, vector<100x32xf32>, vector<100x32xf32> -> vector<100x32xf32>
    %slice3A_915 = vector.extract_strided_slice %get3A_841 {offsets = [0, 96], sizes = [100, 32], strides = [1, 1]} : vector<100x128xf32> to vector<100x32xf32>
    %slice3A_916 = vector.extract_strided_slice %get3A_846 {offsets = [0, 96], sizes = [100, 32], strides = [1, 1]} : vector<100x128xf32> to vector<100x32xf32>
    %slice3A_917 = vector.extract_strided_slice %get3A_851 {offsets = [0, 96], sizes = [100, 32], strides = [1, 1]} : vector<100x128xf32> to vector<100x32xf32>
    %dot_general3A_918 = arith.constant dense<0.000000e+00> : vector<100x100xf32>
    %dot_general3A_919 = tpu.matmul %slice3A_915, %slice3A_916, %dot_general3A_918 {dimension_numbers = #tpu.dot_dimension_numbers<[1], [1], [0], [0], [0, 0, 1, 0], [], []>, precision = #tpu.contract_precision<fp32>, transpose_lhs_hint = false} : vector<100x32xf32>, vector<100x32xf32>, vector<100x100xf32> -> vector<100x100xf32>
    %div3A_920 = arith.constant 5.65685415 : f32
    %div3A_921 = vector.broadcast %div3A_920 : f32 to vector<100x100xf32>
    %div3A_922 = arith.divf %dot_general3A_919, %div3A_921 : vector<100x100xf32>
    %reduce_max3A_923 = arith.constant dense<0xFF800000> : vector<100xf32>
    %reduce_max3A_924 = vector.multi_reduction <maximumf>, %div3A_922, %reduce_max3A_923 [1] : vector<100x100xf32> to vector<100xf32>
    %broadcast_in_dim3A_925 = vector.shape_cast %reduce_max3A_924 : vector<100xf32> to vector<100x1xf32>
    %sub3A_926 = vector.broadcast %broadcast_in_dim3A_925 : vector<100x1xf32> to vector<100x100xf32>
    %sub3A_927 = arith.subf %div3A_922, %sub3A_926 : vector<100x100xf32>
    %exp3A_928 = math.exp %sub3A_927 : vector<100x100xf32>
    %reduce_sum3A_929 = arith.constant dense<0.000000e+00> : vector<100xf32>
    %reduce_sum3A_930 = vector.multi_reduction <add>, %exp3A_928, %reduce_sum3A_929 [1] : vector<100x100xf32> to vector<100xf32>
    %broadcast_in_dim3A_931 = vector.shape_cast %reduce_sum3A_930 : vector<100xf32> to vector<100x1xf32>
    %div3A_932 = vector.broadcast %broadcast_in_dim3A_931 : vector<100x1xf32> to vector<100x100xf32>
    %div3A_933 = arith.divf %exp3A_928, %div3A_932 : vector<100x100xf32>
    %dot_general3A_934 = arith.constant dense<0.000000e+00> : vector<100x32xf32>
    %dot_general3A_935 = tpu.matmul %div3A_933, %slice3A_917, %dot_general3A_934 {dimension_numbers = #tpu.dot_dimension_numbers<[1], [0], [0], [1], [0, 0, 1, 1], [], []>, precision = #tpu.contract_precision<fp32>, transpose_lhs_hint = false} : vector<100x100xf32>, vector<100x32xf32>, vector<100x32xf32> -> vector<100x32xf32>
    %concatenate3A_936 = tpu.concatenate %dot_general3A_872, %dot_general3A_893, %dot_general3A_914, %dot_general3A_935 in 1 : vector<100x32xf32>, vector<100x32xf32>, vector<100x32xf32>, vector<100x32xf32> -> vector<100x128xf32>
    %swap3A_937 = arith.constant 8 : index
    %swap3A_938 = arith.constant 0 : index
    %swap3A_939 = arith.constant 0 : index
    %swap3A_940 = vector.load %arg4[%swap3A_937, %swap3A_938, %swap3A_939] : memref<10x100x128xf32, #tpu.memory_space<vmem>>, vector<1x100x128xf32>
    %swap3A_941 = vector.shape_cast %swap3A_940 : vector<1x100x128xf32> to vector<100x128xf32>
    %swap3A_942 = vector.shape_cast %concatenate3A_936 : vector<100x128xf32> to vector<1x100x128xf32>
    tpu.vector_store %arg4[%swap3A_937, %swap3A_938, %swap3A_939], %swap3A_942 {strides = array<i32>} : memref<10x100x128xf32, #tpu.memory_space<vmem>>, vector<1x100x128xf32>,
    %get3A_943 = arith.constant 9 : index
    %get3A_944 = arith.constant 0 : index
    %get3A_945 = arith.constant 0 : index
    %get3A_946 = vector.load %arg1[%get3A_943, %get3A_944, %get3A_945] : memref<10x100x128xf32, #tpu.memory_space<vmem>>, vector<1x100x128xf32>
    %get3A_947 = vector.shape_cast %get3A_946 : vector<1x100x128xf32> to vector<100x128xf32>
    %get3A_948 = arith.constant 9 : index
    %get3A_949 = arith.constant 0 : index
    %get3A_950 = arith.constant 0 : index
    %get3A_951 = vector.load %arg2[%get3A_948, %get3A_949, %get3A_950] : memref<10x100x128xf32, #tpu.memory_space<vmem>>, vector<1x100x128xf32>
    %get3A_952 = vector.shape_cast %get3A_951 : vector<1x100x128xf32> to vector<100x128xf32>
    %get3A_953 = arith.constant 9 : index
    %get3A_954 = arith.constant 0 : index
    %get3A_955 = arith.constant 0 : index
    %get3A_956 = vector.load %arg3[%get3A_953, %get3A_954, %get3A_955] : memref<10x100x128xf32, #tpu.memory_space<vmem>>, vector<1x100x128xf32>
    %get3A_957 = vector.shape_cast %get3A_956 : vector<1x100x128xf32> to vector<100x128xf32>
    %slice3A_958 = vector.extract_strided_slice %get3A_947 {offsets = [0, 0], sizes = [100, 32], strides = [1, 1]} : vector<100x128xf32> to vector<100x32xf32>
    %slice3A_959 = vector.extract_strided_slice %get3A_952 {offsets = [0, 0], sizes = [100, 32], strides = [1, 1]} : vector<100x128xf32> to vector<100x32xf32>
    %slice3A_960 = vector.extract_strided_slice %get3A_957 {offsets = [0, 0], sizes = [100, 32], strides = [1, 1]} : vector<100x128xf32> to vector<100x32xf32>
    %dot_general3A_961 = arith.constant dense<0.000000e+00> : vector<100x100xf32>
    %dot_general3A_962 = tpu.matmul %slice3A_958, %slice3A_959, %dot_general3A_961 {dimension_numbers = #tpu.dot_dimension_numbers<[1], [1], [0], [0], [0, 0, 1, 0], [], []>, precision = #tpu.contract_precision<fp32>, transpose_lhs_hint = false} : vector<100x32xf32>, vector<100x32xf32>, vector<100x100xf32> -> vector<100x100xf32>
    %div3A_963 = arith.constant 5.65685415 : f32
    %div3A_964 = vector.broadcast %div3A_963 : f32 to vector<100x100xf32>
    %div3A_965 = arith.divf %dot_general3A_962, %div3A_964 : vector<100x100xf32>
    %reduce_max3A_966 = arith.constant dense<0xFF800000> : vector<100xf32>
    %reduce_max3A_967 = vector.multi_reduction <maximumf>, %div3A_965, %reduce_max3A_966 [1] : vector<100x100xf32> to vector<100xf32>
    %broadcast_in_dim3A_968 = vector.shape_cast %reduce_max3A_967 : vector<100xf32> to vector<100x1xf32>
    %sub3A_969 = vector.broadcast %broadcast_in_dim3A_968 : vector<100x1xf32> to vector<100x100xf32>
    %sub3A_970 = arith.subf %div3A_965, %sub3A_969 : vector<100x100xf32>
    %exp3A_971 = math.exp %sub3A_970 : vector<100x100xf32>
    %reduce_sum3A_972 = arith.constant dense<0.000000e+00> : vector<100xf32>
    %reduce_sum3A_973 = vector.multi_reduction <add>, %exp3A_971, %reduce_sum3A_972 [1] : vector<100x100xf32> to vector<100xf32>
    %broadcast_in_dim3A_974 = vector.shape_cast %reduce_sum3A_973 : vector<100xf32> to vector<100x1xf32>
    %div3A_975 = vector.broadcast %broadcast_in_dim3A_974 : vector<100x1xf32> to vector<100x100xf32>
    %div3A_976 = arith.divf %exp3A_971, %div3A_975 : vector<100x100xf32>
    %dot_general3A_977 = arith.constant dense<0.000000e+00> : vector<100x32xf32>
    %dot_general3A_978 = tpu.matmul %div3A_976, %slice3A_960, %dot_general3A_977 {dimension_numbers = #tpu.dot_dimension_numbers<[1], [0], [0], [1], [0, 0, 1, 1], [], []>, precision = #tpu.contract_precision<fp32>, transpose_lhs_hint = false} : vector<100x100xf32>, vector<100x32xf32>, vector<100x32xf32> -> vector<100x32xf32>
    %slice3A_979 = vector.extract_strided_slice %get3A_947 {offsets = [0, 32], sizes = [100, 32], strides = [1, 1]} : vector<100x128xf32> to vector<100x32xf32>
    %slice3A_980 = vector.extract_strided_slice %get3A_952 {offsets = [0, 32], sizes = [100, 32], strides = [1, 1]} : vector<100x128xf32> to vector<100x32xf32>
    %slice3A_981 = vector.extract_strided_slice %get3A_957 {offsets = [0, 32], sizes = [100, 32], strides = [1, 1]} : vector<100x128xf32> to vector<100x32xf32>
    %dot_general3A_982 = arith.constant dense<0.000000e+00> : vector<100x100xf32>
    %dot_general3A_983 = tpu.matmul %slice3A_979, %slice3A_980, %dot_general3A_982 {dimension_numbers = #tpu.dot_dimension_numbers<[1], [1], [0], [0], [0, 0, 1, 0], [], []>, precision = #tpu.contract_precision<fp32>, transpose_lhs_hint = false} : vector<100x32xf32>, vector<100x32xf32>, vector<100x100xf32> -> vector<100x100xf32>
    %div3A_984 = arith.constant 5.65685415 : f32
    %div3A_985 = vector.broadcast %div3A_984 : f32 to vector<100x100xf32>
    %div3A_986 = arith.divf %dot_general3A_983, %div3A_985 : vector<100x100xf32>
    %reduce_max3A_987 = arith.constant dense<0xFF800000> : vector<100xf32>
    %reduce_max3A_988 = vector.multi_reduction <maximumf>, %div3A_986, %reduce_max3A_987 [1] : vector<100x100xf32> to vector<100xf32>
    %broadcast_in_dim3A_989 = vector.shape_cast %reduce_max3A_988 : vector<100xf32> to vector<100x1xf32>
    %sub3A_990 = vector.broadcast %broadcast_in_dim3A_989 : vector<100x1xf32> to vector<100x100xf32>
    %sub3A_991 = arith.subf %div3A_986, %sub3A_990 : vector<100x100xf32>
    %exp3A_992 = math.exp %sub3A_991 : vector<100x100xf32>
    %reduce_sum3A_993 = arith.constant dense<0.000000e+00> : vector<100xf32>
    %reduce_sum3A_994 = vector.multi_reduction <add>, %exp3A_992, %reduce_sum3A_993 [1] : vector<100x100xf32> to vector<100xf32>
    %broadcast_in_dim3A_995 = vector.shape_cast %reduce_sum3A_994 : vector<100xf32> to vector<100x1xf32>
    %div3A_996 = vector.broadcast %broadcast_in_dim3A_995 : vector<100x1xf32> to vector<100x100xf32>
    %div3A_997 = arith.divf %exp3A_992, %div3A_996 : vector<100x100xf32>
    %dot_general3A_998 = arith.constant dense<0.000000e+00> : vector<100x32xf32>
    %dot_general3A_999 = tpu.matmul %div3A_997, %slice3A_981, %dot_general3A_998 {dimension_numbers = #tpu.dot_dimension_numbers<[1], [0], [0], [1], [0, 0, 1, 1], [], []>, precision = #tpu.contract_precision<fp32>, transpose_lhs_hint = false} : vector<100x100xf32>, vector<100x32xf32>, vector<100x32xf32> -> vector<100x32xf32>
    %slice3A_1000 = vector.extract_strided_slice %get3A_947 {offsets = [0, 64], sizes = [100, 32], strides = [1, 1]} : vector<100x128xf32> to vector<100x32xf32>
    %slice3A_1001 = vector.extract_strided_slice %get3A_952 {offsets = [0, 64], sizes = [100, 32], strides = [1, 1]} : vector<100x128xf32> to vector<100x32xf32>
    %slice3A_1002 = vector.extract_strided_slice %get3A_957 {offsets = [0, 64], sizes = [100, 32], strides = [1, 1]} : vector<100x128xf32> to vector<100x32xf32>
    %dot_general3A_1003 = arith.constant dense<0.000000e+00> : vector<100x100xf32>
    %dot_general3A_1004 = tpu.matmul %slice3A_1000, %slice3A_1001, %dot_general3A_1003 {dimension_numbers = #tpu.dot_dimension_numbers<[1], [1], [0], [0], [0, 0, 1, 0], [], []>, precision = #tpu.contract_precision<fp32>, transpose_lhs_hint = false} : vector<100x32xf32>, vector<100x32xf32>, vector<100x100xf32> -> vector<100x100xf32>
    %div3A_1005 = arith.constant 5.65685415 : f32
    %div3A_1006 = vector.broadcast %div3A_1005 : f32 to vector<100x100xf32>
    %div3A_1007 = arith.divf %dot_general3A_1004, %div3A_1006 : vector<100x100xf32>
    %reduce_max3A_1008 = arith.constant dense<0xFF800000> : vector<100xf32>
    %reduce_max3A_1009 = vector.multi_reduction <maximumf>, %div3A_1007, %reduce_max3A_1008 [1] : vector<100x100xf32> to vector<100xf32>
    %broadcast_in_dim3A_1010 = vector.shape_cast %reduce_max3A_1009 : vector<100xf32> to vector<100x1xf32>
    %sub3A_1011 = vector.broadcast %broadcast_in_dim3A_1010 : vector<100x1xf32> to vector<100x100xf32>
    %sub3A_1012 = arith.subf %div3A_1007, %sub3A_1011 : vector<100x100xf32>
    %exp3A_1013 = math.exp %sub3A_1012 : vector<100x100xf32>
    %reduce_sum3A_1014 = arith.constant dense<0.000000e+00> : vector<100xf32>
    %reduce_sum3A_1015 = vector.multi_reduction <add>, %exp3A_1013, %reduce_sum3A_1014 [1] : vector<100x100xf32> to vector<100xf32>
    %broadcast_in_dim3A_1016 = vector.shape_cast %reduce_sum3A_1015 : vector<100xf32> to vector<100x1xf32>
    %div3A_1017 = vector.broadcast %broadcast_in_dim3A_1016 : vector<100x1xf32> to vector<100x100xf32>
    %div3A_1018 = arith.divf %exp3A_1013, %div3A_1017 : vector<100x100xf32>
    %dot_general3A_1019 = arith.constant dense<0.000000e+00> : vector<100x32xf32>
    %dot_general3A_1020 = tpu.matmul %div3A_1018, %slice3A_1002, %dot_general3A_1019 {dimension_numbers = #tpu.dot_dimension_numbers<[1], [0], [0], [1], [0, 0, 1, 1], [], []>, precision = #tpu.contract_precision<fp32>, transpose_lhs_hint = false} : vector<100x100xf32>, vector<100x32xf32>, vector<100x32xf32> -> vector<100x32xf32>
    %slice3A_1021 = vector.extract_strided_slice %get3A_947 {offsets = [0, 96], sizes = [100, 32], strides = [1, 1]} : vector<100x128xf32> to vector<100x32xf32>
    %slice3A_1022 = vector.extract_strided_slice %get3A_952 {offsets = [0, 96], sizes = [100, 32], strides = [1, 1]} : vector<100x128xf32> to vector<100x32xf32>
    %slice3A_1023 = vector.extract_strided_slice %get3A_957 {offsets = [0, 96], sizes = [100, 32], strides = [1, 1]} : vector<100x128xf32> to vector<100x32xf32>
    %dot_general3A_1024 = arith.constant dense<0.000000e+00> : vector<100x100xf32>
    %dot_general3A_1025 = tpu.matmul %slice3A_1021, %slice3A_1022, %dot_general3A_1024 {dimension_numbers = #tpu.dot_dimension_numbers<[1], [1], [0], [0], [0, 0, 1, 0], [], []>, precision = #tpu.contract_precision<fp32>, transpose_lhs_hint = false} : vector<100x32xf32>, vector<100x32xf32>, vector<100x100xf32> -> vector<100x100xf32>
    %div3A_1026 = arith.constant 5.65685415 : f32
    %div3A_1027 = vector.broadcast %div3A_1026 : f32 to vector<100x100xf32>
    %div3A_1028 = arith.divf %dot_general3A_1025, %div3A_1027 : vector<100x100xf32>
    %reduce_max3A_1029 = arith.constant dense<0xFF800000> : vector<100xf32>
    %reduce_max3A_1030 = vector.multi_reduction <maximumf>, %div3A_1028, %reduce_max3A_1029 [1] : vector<100x100xf32> to vector<100xf32>
    %broadcast_in_dim3A_1031 = vector.shape_cast %reduce_max3A_1030 : vector<100xf32> to vector<100x1xf32>
    %sub3A_1032 = vector.broadcast %broadcast_in_dim3A_1031 : vector<100x1xf32> to vector<100x100xf32>
    %sub3A_1033 = arith.subf %div3A_1028, %sub3A_1032 : vector<100x100xf32>
    %exp3A_1034 = math.exp %sub3A_1033 : vector<100x100xf32>
    %reduce_sum3A_1035 = arith.constant dense<0.000000e+00> : vector<100xf32>
    %reduce_sum3A_1036 = vector.multi_reduction <add>, %exp3A_1034, %reduce_sum3A_1035 [1] : vector<100x100xf32> to vector<100xf32>
    %broadcast_in_dim3A_1037 = vector.shape_cast %reduce_sum3A_1036 : vector<100xf32> to vector<100x1xf32>
    %div3A_1038 = vector.broadcast %broadcast_in_dim3A_1037 : vector<100x1xf32> to vector<100x100xf32>
    %div3A_1039 = arith.divf %exp3A_1034, %div3A_1038 : vector<100x100xf32>
    %dot_general3A_1040 = arith.constant dense<0.000000e+00> : vector<100x32xf32>
    %dot_general3A_1041 = tpu.matmul %div3A_1039, %slice3A_1023, %dot_general3A_1040 {dimension_numbers = #tpu.dot_dimension_numbers<[1], [0], [0], [1], [0, 0, 1, 1], [], []>, precision = #tpu.contract_precision<fp32>, transpose_lhs_hint = false} : vector<100x100xf32>, vector<100x32xf32>, vector<100x32xf32> -> vector<100x32xf32>
    %concatenate3A_1042 = tpu.concatenate %dot_general3A_978, %dot_general3A_999, %dot_general3A_1020, %dot_general3A_1041 in 1 : vector<100x32xf32>, vector<100x32xf32>, vector<100x32xf32>, vector<100x32xf32> -> vector<100x128xf32>
    %swap3A_1043 = arith.constant 9 : index
    %swap3A_1044 = arith.constant 0 : index
    %swap3A_1045 = arith.constant 0 : index
    %swap3A_1046 = vector.load %arg4[%swap3A_1043, %swap3A_1044, %swap3A_1045] : memref<10x100x128xf32, #tpu.memory_space<vmem>>, vector<1x100x128xf32>
    %swap3A_1047 = vector.shape_cast %swap3A_1046 : vector<1x100x128xf32> to vector<100x128xf32>
    %swap3A_1048 = vector.shape_cast %concatenate3A_1042 : vector<100x128xf32> to vector<1x100x128xf32>
    tpu.vector_store %arg4[%swap3A_1043, %swap3A_1044, %swap3A_1045], %swap3A_1048 {strides = array<i32>} : memref<10x100x128xf32, #tpu.memory_space<vmem>>, vector<1x100x128xf32>,
    return
  }
  func.func @transform_0(%arg0: i32) -> (i32, i32, i32) {
    %c0_i32 = arith.constant 0 : i32
    %c0_i32_0 = arith.constant 0 : i32
    %c0_i32_1 = arith.constant 0 : i32
    return %arg0, %c0_i32, %c0_i32_0 : i32, i32, i32
  }
  func.func @transform_1(%arg0: i32) -> (i32, i32, i32) {
    %c0_i32 = arith.constant 0 : i32
    %c0_i32_0 = arith.constant 0 : i32
    %c0_i32_1 = arith.constant 0 : i32
    return %arg0, %c0_i32, %c0_i32_0 : i32, i32, i32
  }
  func.func @transform_2(%arg0: i32) -> (i32, i32, i32) {
    %c0_i32 = arith.constant 0 : i32
    %c0_i32_0 = arith.constant 0 : i32
    %c0_i32_1 = arith.constant 0 : i32
    return %arg0, %c0_i32, %c0_i32_0 : i32, i32, i32
  }
  func.func @transform_3(%arg0: i32) -> (i32, i32, i32) {
    %c0_i32 = arith.constant 0 : i32
    %c0_i32_0 = arith.constant 0 : i32
    %c0_i32_1 = arith.constant 0 : i32
    return %arg0, %c0_i32, %c0_i32_0 : i32, i32, i32
  }
}

module attributes {stable_mosaic.version = 14 : i64} {
  func.func @_final_body(%arg0: i32, %arg1: memref<1000x128xf32, #tpu.memory_space<vmem>>, %arg2: memref<2x1000x128xf32, #tpu.memory_space<vmem>>, %arg3: memref<1000x1xf32, #tpu.memory_space<vmem>>, %arg4: memref<1000x128xf32, #tpu.memory_space<vmem>>, %arg5: memref<128x128xf32, #tpu.memory_space<vmem>>, %arg6: memref<3x128x128xf32, #tpu.memory_space<vmem>>, %arg7: memref<16x128xf32, #tpu.memory_space<vmem>>, %arg8: memref<7x16x128xf32, #tpu.memory_space<vmem>>, %arg9: memref<16x128xf32, #tpu.memory_space<vmem>>, %arg10: memref<7x16x128xf32, #tpu.memory_space<vmem>>, %arg11: memref<16x128xf32, #tpu.memory_space<vmem>>, %arg12: memref<7x16x128xf32, #tpu.memory_space<vmem>>, %arg13: memref<16x128xf32, #tpu.memory_space<vmem>>, %arg14: memref<7x16x128xf32, #tpu.memory_space<vmem>>, %arg15: memref<1000x128xf32, #tpu.memory_space<vmem>>) attributes {dimension_semantics = [#tpu.dimension_semantics<arbitrary>], iteration_bounds = array<i64: 10>, scalar_prefetch = 0 : i64, scratch_operands = 0 : i64, tpu.core_type = #tpu.core_type<tc>, window_params = [{transform_indices = @transform_0, window_bounds = array<i64: 1000, 128>}, {transform_indices = @transform_1, window_bounds = array<i64: 2, 1000, 128>}, {transform_indices = @transform_2, window_bounds = array<i64: 1000, 1>}, {transform_indices = @transform_3, window_bounds = array<i64: 1000, 128>}, {pipeline_mode = #tpu.pipeline_mode<synchronous>, transform_indices = @transform_4, window_bounds = array<i64: 128, 128>}, {pipeline_mode = #tpu.pipeline_mode<synchronous>, transform_indices = @transform_5, window_bounds = array<i64: 3, 128, 128>}, {pipeline_mode = #tpu.pipeline_mode<synchronous>, transform_indices = @transform_6, window_bounds = array<i64: 16, 128>}, {pipeline_mode = #tpu.pipeline_mode<synchronous>, transform_indices = @transform_7, window_bounds = array<i64: 7, 16, 128>}, {pipeline_mode = #tpu.pipeline_mode<synchronous>, transform_indices = @transform_8, window_bounds = array<i64: 16, 128>}, {pipeline_mode = #tpu.pipeline_mode<synchronous>, transform_indices = @transform_9, window_bounds = array<i64: 7, 16, 128>}, {pipeline_mode = #tpu.pipeline_mode<synchronous>, transform_indices = @transform_10, window_bounds = array<i64: 16, 128>}, {pipeline_mode = #tpu.pipeline_mode<synchronous>, transform_indices = @transform_11, window_bounds = array<i64: 7, 16, 128>}, {pipeline_mode = #tpu.pipeline_mode<synchronous>, transform_indices = @transform_12, window_bounds = array<i64: 16, 128>}, {pipeline_mode = #tpu.pipeline_mode<synchronous>, transform_indices = @transform_13, window_bounds = array<i64: 7, 16, 128>}, {transform_indices = @transform_14, window_bounds = array<i64: 1000, 128>}]} {
    %get3A = arith.constant 0 : index
    %get3A_0 = arith.constant 0 : index
    %get3A_1 = vector.load %arg1[%get3A, %get3A_0] : memref<1000x128xf32, #tpu.memory_space<vmem>>, vector<1000x128xf32>
    %get3A_2 = arith.constant 0 : index
    %get3A_3 = arith.constant 0 : index
    %get3A_4 = arith.constant 0 : index
    %get3A_5 = vector.load %arg2[%get3A_2, %get3A_3, %get3A_4] : memref<2x1000x128xf32, #tpu.memory_space<vmem>>, vector<1x1000x128xf32>
    %get3A_6 = vector.shape_cast %get3A_5 : vector<1x1000x128xf32> to vector<1000x128xf32>
    %get3A_7 = arith.constant 1 : index
    %get3A_8 = arith.constant 0 : index
    %get3A_9 = arith.constant 0 : index
    %get3A_10 = vector.load %arg2[%get3A_7, %get3A_8, %get3A_9] : memref<2x1000x128xf32, #tpu.memory_space<vmem>>, vector<1x1000x128xf32>
    %get3A_11 = vector.shape_cast %get3A_10 : vector<1x1000x128xf32> to vector<1000x128xf32>
    %add3A = arith.addf %get3A_6, %get3A_11 : vector<1000x128xf32>
    %get3A_12 = arith.constant 0 : index
    %get3A_13 = arith.constant 0 : index
    %get3A_14 = vector.load %arg3[%get3A_12, %get3A_13] : memref<1000x1xf32, #tpu.memory_space<vmem>>, vector<1000x1xf32>
    %mul3A = vector.broadcast %get3A_14 : vector<1000x1xf32> to vector<1000x128xf32>
    %mul3A_15 = arith.mulf %mul3A, %add3A : vector<1000x128xf32>
    %mul3A_16 = arith.mulf %get3A_14, %get3A_14 : vector<1000x1xf32>
    %mul3A_17 = vector.broadcast %mul3A_16 : vector<1000x1xf32> to vector<1000x128xf32>
    %mul3A_18 = arith.mulf %mul3A_17, %get3A_1 : vector<1000x128xf32>
    %add3A_19 = arith.addf %mul3A_15, %mul3A_18 : vector<1000x128xf32>
    %neg3A = arith.constant 0.000000e+00 : f32
    %neg3A_20 = vector.broadcast %neg3A : f32 to vector<1000x128xf32>
    %neg3A_21 = arith.subf %neg3A_20, %add3A_19 : vector<1000x128xf32>
    %exp3A = math.exp %neg3A_21 : vector<1000x128xf32>
    %add3A_22 = arith.constant 1.000000e+00 : f32
    %add3A_23 = vector.broadcast %add3A_22 : f32 to vector<1000x128xf32>
    %add3A_24 = arith.addf %add3A_23, %exp3A : vector<1000x128xf32>
    %div3A = arith.constant 1.000000e+00 : f32
    %div3A_25 = vector.broadcast %div3A : f32 to vector<1000x128xf32>
    %div3A_26 = arith.divf %div3A_25, %add3A_24 : vector<1000x128xf32>
    %mul3A_27 = arith.mulf %add3A_19, %div3A_26 : vector<1000x128xf32>
    %get3A_28 = arith.constant 0 : index
    %get3A_29 = arith.constant 0 : index
    %get3A_30 = vector.load %arg7[%get3A_28, %get3A_29] : memref<16x128xf32, #tpu.memory_space<vmem>>, vector<16x128xf32>
    %dot_general3A = arith.constant dense<0.000000e+00> : vector<1000x16xf32>
    %dot_general3A_31 = tpu.matmul %mul3A_27, %get3A_30, %dot_general3A {dimension_numbers = #tpu.dot_dimension_numbers<[1], [1], [0], [0], [0, 0, 1, 0], [], []>, precision = #tpu.contract_precision<fp32>, transpose_lhs_hint = false} : vector<1000x128xf32>, vector<16x128xf32>, vector<1000x16xf32> -> vector<1000x16xf32>
    %ge3A = arith.constant -2.500000e+00 : f32
    %ge3A_32 = vector.broadcast %ge3A : f32 to vector<1000x128xf32>
    %ge3A_33 = arith.cmpf oge, %add3A_19, %ge3A_32 : vector<1000x128xf32>
    %lt3A = arith.constant -2.000000e+00 : f32
    %lt3A_34 = vector.broadcast %lt3A : f32 to vector<1000x128xf32>
    %lt3A_35 = arith.cmpf olt, %add3A_19, %lt3A_34 : vector<1000x128xf32>
    %and3A = arith.andi %ge3A_33, %lt3A_35 : vector<1000x128xi1>
    %convert_element_type3A = arith.extui %and3A : vector<1000x128xi1> to vector<1000x128xi32>
    %convert_element_type3A_36 = arith.sitofp %convert_element_type3A : vector<1000x128xi32> to vector<1000x128xf32>
    %ge3A_37 = arith.constant -2.000000e+00 : f32
    %ge3A_38 = vector.broadcast %ge3A_37 : f32 to vector<1000x128xf32>
    %ge3A_39 = arith.cmpf oge, %add3A_19, %ge3A_38 : vector<1000x128xf32>
    %lt3A_40 = arith.constant -1.500000e+00 : f32
    %lt3A_41 = vector.broadcast %lt3A_40 : f32 to vector<1000x128xf32>
    %lt3A_42 = arith.cmpf olt, %add3A_19, %lt3A_41 : vector<1000x128xf32>
    %and3A_43 = arith.andi %ge3A_39, %lt3A_42 : vector<1000x128xi1>
    %convert_element_type3A_44 = arith.extui %and3A_43 : vector<1000x128xi1> to vector<1000x128xi32>
    %convert_element_type3A_45 = arith.sitofp %convert_element_type3A_44 : vector<1000x128xi32> to vector<1000x128xf32>
    %ge3A_46 = arith.constant -1.500000e+00 : f32
    %ge3A_47 = vector.broadcast %ge3A_46 : f32 to vector<1000x128xf32>
    %ge3A_48 = arith.cmpf oge, %add3A_19, %ge3A_47 : vector<1000x128xf32>
    %lt3A_49 = arith.constant -1.000000e+00 : f32
    %lt3A_50 = vector.broadcast %lt3A_49 : f32 to vector<1000x128xf32>
    %lt3A_51 = arith.cmpf olt, %add3A_19, %lt3A_50 : vector<1000x128xf32>
    %and3A_52 = arith.andi %ge3A_48, %lt3A_51 : vector<1000x128xi1>
    %convert_element_type3A_53 = arith.extui %and3A_52 : vector<1000x128xi1> to vector<1000x128xi32>
    %convert_element_type3A_54 = arith.sitofp %convert_element_type3A_53 : vector<1000x128xi32> to vector<1000x128xf32>
    %ge3A_55 = arith.constant -1.000000e+00 : f32
    %ge3A_56 = vector.broadcast %ge3A_55 : f32 to vector<1000x128xf32>
    %ge3A_57 = arith.cmpf oge, %add3A_19, %ge3A_56 : vector<1000x128xf32>
    %lt3A_58 = arith.constant -5.000000e-01 : f32
    %lt3A_59 = vector.broadcast %lt3A_58 : f32 to vector<1000x128xf32>
    %lt3A_60 = arith.cmpf olt, %add3A_19, %lt3A_59 : vector<1000x128xf32>
    %and3A_61 = arith.andi %ge3A_57, %lt3A_60 : vector<1000x128xi1>
    %convert_element_type3A_62 = arith.extui %and3A_61 : vector<1000x128xi1> to vector<1000x128xi32>
    %convert_element_type3A_63 = arith.sitofp %convert_element_type3A_62 : vector<1000x128xi32> to vector<1000x128xf32>
    %ge3A_64 = arith.constant -5.000000e-01 : f32
    %ge3A_65 = vector.broadcast %ge3A_64 : f32 to vector<1000x128xf32>
    %ge3A_66 = arith.cmpf oge, %add3A_19, %ge3A_65 : vector<1000x128xf32>
    %lt3A_67 = arith.constant 0.000000e+00 : f32
    %lt3A_68 = vector.broadcast %lt3A_67 : f32 to vector<1000x128xf32>
    %lt3A_69 = arith.cmpf olt, %add3A_19, %lt3A_68 : vector<1000x128xf32>
    %and3A_70 = arith.andi %ge3A_66, %lt3A_69 : vector<1000x128xi1>
    %convert_element_type3A_71 = arith.extui %and3A_70 : vector<1000x128xi1> to vector<1000x128xi32>
    %convert_element_type3A_72 = arith.sitofp %convert_element_type3A_71 : vector<1000x128xi32> to vector<1000x128xf32>
    %ge3A_73 = arith.constant 0.000000e+00 : f32
    %ge3A_74 = vector.broadcast %ge3A_73 : f32 to vector<1000x128xf32>
    %ge3A_75 = arith.cmpf oge, %add3A_19, %ge3A_74 : vector<1000x128xf32>
    %lt3A_76 = arith.constant 5.000000e-01 : f32
    %lt3A_77 = vector.broadcast %lt3A_76 : f32 to vector<1000x128xf32>
    %lt3A_78 = arith.cmpf olt, %add3A_19, %lt3A_77 : vector<1000x128xf32>
    %and3A_79 = arith.andi %ge3A_75, %lt3A_78 : vector<1000x128xi1>
    %convert_element_type3A_80 = arith.extui %and3A_79 : vector<1000x128xi1> to vector<1000x128xi32>
    %convert_element_type3A_81 = arith.sitofp %convert_element_type3A_80 : vector<1000x128xi32> to vector<1000x128xf32>
    %ge3A_82 = arith.constant 5.000000e-01 : f32
    %ge3A_83 = vector.broadcast %ge3A_82 : f32 to vector<1000x128xf32>
    %ge3A_84 = arith.cmpf oge, %add3A_19, %ge3A_83 : vector<1000x128xf32>
    %lt3A_85 = arith.constant 1.000000e+00 : f32
    %lt3A_86 = vector.broadcast %lt3A_85 : f32 to vector<1000x128xf32>
    %lt3A_87 = arith.cmpf olt, %add3A_19, %lt3A_86 : vector<1000x128xf32>
    %and3A_88 = arith.andi %ge3A_84, %lt3A_87 : vector<1000x128xi1>
    %convert_element_type3A_89 = arith.extui %and3A_88 : vector<1000x128xi1> to vector<1000x128xi32>
    %convert_element_type3A_90 = arith.sitofp %convert_element_type3A_89 : vector<1000x128xi32> to vector<1000x128xf32>
    %ge3A_91 = arith.constant 1.000000e+00 : f32
    %ge3A_92 = vector.broadcast %ge3A_91 : f32 to vector<1000x128xf32>
    %ge3A_93 = arith.cmpf oge, %add3A_19, %ge3A_92 : vector<1000x128xf32>
    %lt3A_94 = arith.constant 1.500000e+00 : f32
    %lt3A_95 = vector.broadcast %lt3A_94 : f32 to vector<1000x128xf32>
    %lt3A_96 = arith.cmpf olt, %add3A_19, %lt3A_95 : vector<1000x128xf32>
    %and3A_97 = arith.andi %ge3A_93, %lt3A_96 : vector<1000x128xi1>
    %convert_element_type3A_98 = arith.extui %and3A_97 : vector<1000x128xi1> to vector<1000x128xi32>
    %convert_element_type3A_99 = arith.sitofp %convert_element_type3A_98 : vector<1000x128xi32> to vector<1000x128xf32>
    %ge3A_100 = arith.constant 1.500000e+00 : f32
    %ge3A_101 = vector.broadcast %ge3A_100 : f32 to vector<1000x128xf32>
    %ge3A_102 = arith.cmpf oge, %add3A_19, %ge3A_101 : vector<1000x128xf32>
    %lt3A_103 = arith.constant 2.000000e+00 : f32
    %lt3A_104 = vector.broadcast %lt3A_103 : f32 to vector<1000x128xf32>
    %lt3A_105 = arith.cmpf olt, %add3A_19, %lt3A_104 : vector<1000x128xf32>
    %and3A_106 = arith.andi %ge3A_102, %lt3A_105 : vector<1000x128xi1>
    %convert_element_type3A_107 = arith.extui %and3A_106 : vector<1000x128xi1> to vector<1000x128xi32>
    %convert_element_type3A_108 = arith.sitofp %convert_element_type3A_107 : vector<1000x128xi32> to vector<1000x128xf32>
    %ge3A_109 = arith.constant 2.000000e+00 : f32
    %ge3A_110 = vector.broadcast %ge3A_109 : f32 to vector<1000x128xf32>
    %ge3A_111 = arith.cmpf oge, %add3A_19, %ge3A_110 : vector<1000x128xf32>
    %lt3A_112 = arith.constant 2.500000e+00 : f32
    %lt3A_113 = vector.broadcast %lt3A_112 : f32 to vector<1000x128xf32>
    %lt3A_114 = arith.cmpf olt, %add3A_19, %lt3A_113 : vector<1000x128xf32>
    %and3A_115 = arith.andi %ge3A_111, %lt3A_114 : vector<1000x128xi1>
    %convert_element_type3A_116 = arith.extui %and3A_115 : vector<1000x128xi1> to vector<1000x128xi32>
    %convert_element_type3A_117 = arith.sitofp %convert_element_type3A_116 : vector<1000x128xi32> to vector<1000x128xf32>
    %sub3A = arith.constant -2.500000e+00 : f32
    %sub3A_118 = vector.broadcast %sub3A : f32 to vector<1000x128xf32>
    %sub3A_119 = arith.subf %add3A_19, %sub3A_118 : vector<1000x128xf32>
    %div3A_120 = arith.constant 5.000000e-01 : f32
    %div3A_121 = vector.broadcast %div3A_120 : f32 to vector<1000x128xf32>
    %div3A_122 = arith.divf %sub3A_119, %div3A_121 : vector<1000x128xf32>
    %mul3A_123 = arith.mulf %div3A_122, %convert_element_type3A_36 : vector<1000x128xf32>
    %sub3A_124 = arith.constant -1.500000e+00 : f32
    %sub3A_125 = vector.broadcast %sub3A_124 : f32 to vector<1000x128xf32>
    %sub3A_126 = arith.subf %sub3A_125, %add3A_19 : vector<1000x128xf32>
    %div3A_127 = arith.constant 5.000000e-01 : f32
    %div3A_128 = vector.broadcast %div3A_127 : f32 to vector<1000x128xf32>
    %div3A_129 = arith.divf %sub3A_126, %div3A_128 : vector<1000x128xf32>
    %mul3A_130 = arith.mulf %div3A_129, %convert_element_type3A_45 : vector<1000x128xf32>
    %add3A_131 = arith.addf %mul3A_123, %mul3A_130 : vector<1000x128xf32>
    %sub3A_132 = arith.constant -2.000000e+00 : f32
    %sub3A_133 = vector.broadcast %sub3A_132 : f32 to vector<1000x128xf32>
    %sub3A_134 = arith.subf %add3A_19, %sub3A_133 : vector<1000x128xf32>
    %div3A_135 = arith.constant 5.000000e-01 : f32
    %div3A_136 = vector.broadcast %div3A_135 : f32 to vector<1000x128xf32>
    %div3A_137 = arith.divf %sub3A_134, %div3A_136 : vector<1000x128xf32>
    %mul3A_138 = arith.mulf %div3A_137, %convert_element_type3A_45 : vector<1000x128xf32>
    %sub3A_139 = arith.constant -1.000000e+00 : f32
    %sub3A_140 = vector.broadcast %sub3A_139 : f32 to vector<1000x128xf32>
    %sub3A_141 = arith.subf %sub3A_140, %add3A_19 : vector<1000x128xf32>
    %div3A_142 = arith.constant 5.000000e-01 : f32
    %div3A_143 = vector.broadcast %div3A_142 : f32 to vector<1000x128xf32>
    %div3A_144 = arith.divf %sub3A_141, %div3A_143 : vector<1000x128xf32>
    %mul3A_145 = arith.mulf %div3A_144, %convert_element_type3A_54 : vector<1000x128xf32>
    %add3A_146 = arith.addf %mul3A_138, %mul3A_145 : vector<1000x128xf32>
    %sub3A_147 = arith.constant -1.500000e+00 : f32
    %sub3A_148 = vector.broadcast %sub3A_147 : f32 to vector<1000x128xf32>
    %sub3A_149 = arith.subf %add3A_19, %sub3A_148 : vector<1000x128xf32>
    %div3A_150 = arith.constant 5.000000e-01 : f32
    %div3A_151 = vector.broadcast %div3A_150 : f32 to vector<1000x128xf32>
    %div3A_152 = arith.divf %sub3A_149, %div3A_151 : vector<1000x128xf32>
    %mul3A_153 = arith.mulf %div3A_152, %convert_element_type3A_54 : vector<1000x128xf32>
    %sub3A_154 = arith.constant -5.000000e-01 : f32
    %sub3A_155 = vector.broadcast %sub3A_154 : f32 to vector<1000x128xf32>
    %sub3A_156 = arith.subf %sub3A_155, %add3A_19 : vector<1000x128xf32>
    %div3A_157 = arith.constant 5.000000e-01 : f32
    %div3A_158 = vector.broadcast %div3A_157 : f32 to vector<1000x128xf32>
    %div3A_159 = arith.divf %sub3A_156, %div3A_158 : vector<1000x128xf32>
    %mul3A_160 = arith.mulf %div3A_159, %convert_element_type3A_63 : vector<1000x128xf32>
    %add3A_161 = arith.addf %mul3A_153, %mul3A_160 : vector<1000x128xf32>
    %sub3A_162 = arith.constant -1.000000e+00 : f32
    %sub3A_163 = vector.broadcast %sub3A_162 : f32 to vector<1000x128xf32>
    %sub3A_164 = arith.subf %add3A_19, %sub3A_163 : vector<1000x128xf32>
    %div3A_165 = arith.constant 5.000000e-01 : f32
    %div3A_166 = vector.broadcast %div3A_165 : f32 to vector<1000x128xf32>
    %div3A_167 = arith.divf %sub3A_164, %div3A_166 : vector<1000x128xf32>
    %mul3A_168 = arith.mulf %div3A_167, %convert_element_type3A_63 : vector<1000x128xf32>
    %sub3A_169 = arith.constant 0.000000e+00 : f32
    %sub3A_170 = vector.broadcast %sub3A_169 : f32 to vector<1000x128xf32>
    %sub3A_171 = arith.subf %sub3A_170, %add3A_19 : vector<1000x128xf32>
    %div3A_172 = arith.constant 5.000000e-01 : f32
    %div3A_173 = vector.broadcast %div3A_172 : f32 to vector<1000x128xf32>
    %div3A_174 = arith.divf %sub3A_171, %div3A_173 : vector<1000x128xf32>
    %mul3A_175 = arith.mulf %div3A_174, %convert_element_type3A_72 : vector<1000x128xf32>
    %add3A_176 = arith.addf %mul3A_168, %mul3A_175 : vector<1000x128xf32>
    %sub3A_177 = arith.constant -5.000000e-01 : f32
    %sub3A_178 = vector.broadcast %sub3A_177 : f32 to vector<1000x128xf32>
    %sub3A_179 = arith.subf %add3A_19, %sub3A_178 : vector<1000x128xf32>
    %div3A_180 = arith.constant 5.000000e-01 : f32
    %div3A_181 = vector.broadcast %div3A_180 : f32 to vector<1000x128xf32>
    %div3A_182 = arith.divf %sub3A_179, %div3A_181 : vector<1000x128xf32>
    %mul3A_183 = arith.mulf %div3A_182, %convert_element_type3A_72 : vector<1000x128xf32>
    %sub3A_184 = arith.constant 5.000000e-01 : f32
    %sub3A_185 = vector.broadcast %sub3A_184 : f32 to vector<1000x128xf32>
    %sub3A_186 = arith.subf %sub3A_185, %add3A_19 : vector<1000x128xf32>
    %div3A_187 = arith.constant 5.000000e-01 : f32
    %div3A_188 = vector.broadcast %div3A_187 : f32 to vector<1000x128xf32>
    %div3A_189 = arith.divf %sub3A_186, %div3A_188 : vector<1000x128xf32>
    %mul3A_190 = arith.mulf %div3A_189, %convert_element_type3A_81 : vector<1000x128xf32>
    %add3A_191 = arith.addf %mul3A_183, %mul3A_190 : vector<1000x128xf32>
    %sub3A_192 = arith.constant 0.000000e+00 : f32
    %sub3A_193 = vector.broadcast %sub3A_192 : f32 to vector<1000x128xf32>
    %sub3A_194 = arith.subf %add3A_19, %sub3A_193 : vector<1000x128xf32>
    %div3A_195 = arith.constant 5.000000e-01 : f32
    %div3A_196 = vector.broadcast %div3A_195 : f32 to vector<1000x128xf32>
    %div3A_197 = arith.divf %sub3A_194, %div3A_196 : vector<1000x128xf32>
    %mul3A_198 = arith.mulf %div3A_197, %convert_element_type3A_81 : vector<1000x128xf32>
    %sub3A_199 = arith.constant 1.000000e+00 : f32
    %sub3A_200 = vector.broadcast %sub3A_199 : f32 to vector<1000x128xf32>
    %sub3A_201 = arith.subf %sub3A_200, %add3A_19 : vector<1000x128xf32>
    %div3A_202 = arith.constant 5.000000e-01 : f32
    %div3A_203 = vector.broadcast %div3A_202 : f32 to vector<1000x128xf32>
    %div3A_204 = arith.divf %sub3A_201, %div3A_203 : vector<1000x128xf32>
    %mul3A_205 = arith.mulf %div3A_204, %convert_element_type3A_90 : vector<1000x128xf32>
    %add3A_206 = arith.addf %mul3A_198, %mul3A_205 : vector<1000x128xf32>
    %sub3A_207 = arith.constant 5.000000e-01 : f32
    %sub3A_208 = vector.broadcast %sub3A_207 : f32 to vector<1000x128xf32>
    %sub3A_209 = arith.subf %add3A_19, %sub3A_208 : vector<1000x128xf32>
    %div3A_210 = arith.constant 5.000000e-01 : f32
    %div3A_211 = vector.broadcast %div3A_210 : f32 to vector<1000x128xf32>
    %div3A_212 = arith.divf %sub3A_209, %div3A_211 : vector<1000x128xf32>
    %mul3A_213 = arith.mulf %div3A_212, %convert_element_type3A_90 : vector<1000x128xf32>
    %sub3A_214 = arith.constant 1.500000e+00 : f32
    %sub3A_215 = vector.broadcast %sub3A_214 : f32 to vector<1000x128xf32>
    %sub3A_216 = arith.subf %sub3A_215, %add3A_19 : vector<1000x128xf32>
    %div3A_217 = arith.constant 5.000000e-01 : f32
    %div3A_218 = vector.broadcast %div3A_217 : f32 to vector<1000x128xf32>
    %div3A_219 = arith.divf %sub3A_216, %div3A_218 : vector<1000x128xf32>
    %mul3A_220 = arith.mulf %div3A_219, %convert_element_type3A_99 : vector<1000x128xf32>
    %add3A_221 = arith.addf %mul3A_213, %mul3A_220 : vector<1000x128xf32>
    %sub3A_222 = arith.constant 1.000000e+00 : f32
    %sub3A_223 = vector.broadcast %sub3A_222 : f32 to vector<1000x128xf32>
    %sub3A_224 = arith.subf %add3A_19, %sub3A_223 : vector<1000x128xf32>
    %div3A_225 = arith.constant 5.000000e-01 : f32
    %div3A_226 = vector.broadcast %div3A_225 : f32 to vector<1000x128xf32>
    %div3A_227 = arith.divf %sub3A_224, %div3A_226 : vector<1000x128xf32>
    %mul3A_228 = arith.mulf %div3A_227, %convert_element_type3A_99 : vector<1000x128xf32>
    %sub3A_229 = arith.constant 2.000000e+00 : f32
    %sub3A_230 = vector.broadcast %sub3A_229 : f32 to vector<1000x128xf32>
    %sub3A_231 = arith.subf %sub3A_230, %add3A_19 : vector<1000x128xf32>
    %div3A_232 = arith.constant 5.000000e-01 : f32
    %div3A_233 = vector.broadcast %div3A_232 : f32 to vector<1000x128xf32>
    %div3A_234 = arith.divf %sub3A_231, %div3A_233 : vector<1000x128xf32>
    %mul3A_235 = arith.mulf %div3A_234, %convert_element_type3A_108 : vector<1000x128xf32>
    %add3A_236 = arith.addf %mul3A_228, %mul3A_235 : vector<1000x128xf32>
    %sub3A_237 = arith.constant 1.500000e+00 : f32
    %sub3A_238 = vector.broadcast %sub3A_237 : f32 to vector<1000x128xf32>
    %sub3A_239 = arith.subf %add3A_19, %sub3A_238 : vector<1000x128xf32>
    %div3A_240 = arith.constant 5.000000e-01 : f32
    %div3A_241 = vector.broadcast %div3A_240 : f32 to vector<1000x128xf32>
    %div3A_242 = arith.divf %sub3A_239, %div3A_241 : vector<1000x128xf32>
    %mul3A_243 = arith.mulf %div3A_242, %convert_element_type3A_108 : vector<1000x128xf32>
    %sub3A_244 = arith.constant 2.500000e+00 : f32
    %sub3A_245 = vector.broadcast %sub3A_244 : f32 to vector<1000x128xf32>
    %sub3A_246 = arith.subf %sub3A_245, %add3A_19 : vector<1000x128xf32>
    %div3A_247 = arith.constant 5.000000e-01 : f32
    %div3A_248 = vector.broadcast %div3A_247 : f32 to vector<1000x128xf32>
    %div3A_249 = arith.divf %sub3A_246, %div3A_248 : vector<1000x128xf32>
    %mul3A_250 = arith.mulf %div3A_249, %convert_element_type3A_117 : vector<1000x128xf32>
    %add3A_251 = arith.addf %mul3A_243, %mul3A_250 : vector<1000x128xf32>
    %sub3A_252 = arith.constant -2.500000e+00 : f32
    %sub3A_253 = vector.broadcast %sub3A_252 : f32 to vector<1000x128xf32>
    %sub3A_254 = arith.subf %add3A_19, %sub3A_253 : vector<1000x128xf32>
    %div3A_255 = arith.constant 1.000000e+00 : f32
    %div3A_256 = vector.broadcast %div3A_255 : f32 to vector<1000x128xf32>
    %div3A_257 = arith.divf %sub3A_254, %div3A_256 : vector<1000x128xf32>
    %mul3A_258 = arith.mulf %div3A_257, %add3A_131 : vector<1000x128xf32>
    %sub3A_259 = arith.constant -1.000000e+00 : f32
    %sub3A_260 = vector.broadcast %sub3A_259 : f32 to vector<1000x128xf32>
    %sub3A_261 = arith.subf %sub3A_260, %add3A_19 : vector<1000x128xf32>
    %div3A_262 = arith.constant 1.000000e+00 : f32
    %div3A_263 = vector.broadcast %div3A_262 : f32 to vector<1000x128xf32>
    %div3A_264 = arith.divf %sub3A_261, %div3A_263 : vector<1000x128xf32>
    %mul3A_265 = arith.mulf %div3A_264, %add3A_146 : vector<1000x128xf32>
    %add3A_266 = arith.addf %mul3A_258, %mul3A_265 : vector<1000x128xf32>
    %sub3A_267 = arith.constant -2.000000e+00 : f32
    %sub3A_268 = vector.broadcast %sub3A_267 : f32 to vector<1000x128xf32>
    %sub3A_269 = arith.subf %add3A_19, %sub3A_268 : vector<1000x128xf32>
    %div3A_270 = arith.constant 1.000000e+00 : f32
    %div3A_271 = vector.broadcast %div3A_270 : f32 to vector<1000x128xf32>
    %div3A_272 = arith.divf %sub3A_269, %div3A_271 : vector<1000x128xf32>
    %mul3A_273 = arith.mulf %div3A_272, %add3A_146 : vector<1000x128xf32>
    %sub3A_274 = arith.constant -5.000000e-01 : f32
    %sub3A_275 = vector.broadcast %sub3A_274 : f32 to vector<1000x128xf32>
    %sub3A_276 = arith.subf %sub3A_275, %add3A_19 : vector<1000x128xf32>
    %div3A_277 = arith.constant 1.000000e+00 : f32
    %div3A_278 = vector.broadcast %div3A_277 : f32 to vector<1000x128xf32>
    %div3A_279 = arith.divf %sub3A_276, %div3A_278 : vector<1000x128xf32>
    %mul3A_280 = arith.mulf %div3A_279, %add3A_161 : vector<1000x128xf32>
    %add3A_281 = arith.addf %mul3A_273, %mul3A_280 : vector<1000x128xf32>
    %sub3A_282 = arith.constant -1.500000e+00 : f32
    %sub3A_283 = vector.broadcast %sub3A_282 : f32 to vector<1000x128xf32>
    %sub3A_284 = arith.subf %add3A_19, %sub3A_283 : vector<1000x128xf32>
    %div3A_285 = arith.constant 1.000000e+00 : f32
    %div3A_286 = vector.broadcast %div3A_285 : f32 to vector<1000x128xf32>
    %div3A_287 = arith.divf %sub3A_284, %div3A_286 : vector<1000x128xf32>
    %mul3A_288 = arith.mulf %div3A_287, %add3A_161 : vector<1000x128xf32>
    %sub3A_289 = arith.constant 0.000000e+00 : f32
    %sub3A_290 = vector.broadcast %sub3A_289 : f32 to vector<1000x128xf32>
    %sub3A_291 = arith.subf %sub3A_290, %add3A_19 : vector<1000x128xf32>
    %div3A_292 = arith.constant 1.000000e+00 : f32
    %div3A_293 = vector.broadcast %div3A_292 : f32 to vector<1000x128xf32>
    %div3A_294 = arith.divf %sub3A_291, %div3A_293 : vector<1000x128xf32>
    %mul3A_295 = arith.mulf %div3A_294, %add3A_176 : vector<1000x128xf32>
    %add3A_296 = arith.addf %mul3A_288, %mul3A_295 : vector<1000x128xf32>
    %sub3A_297 = arith.constant -1.000000e+00 : f32
    %sub3A_298 = vector.broadcast %sub3A_297 : f32 to vector<1000x128xf32>
    %sub3A_299 = arith.subf %add3A_19, %sub3A_298 : vector<1000x128xf32>
    %div3A_300 = arith.constant 1.000000e+00 : f32
    %div3A_301 = vector.broadcast %div3A_300 : f32 to vector<1000x128xf32>
    %div3A_302 = arith.divf %sub3A_299, %div3A_301 : vector<1000x128xf32>
    %mul3A_303 = arith.mulf %div3A_302, %add3A_176 : vector<1000x128xf32>
    %sub3A_304 = arith.constant 5.000000e-01 : f32
    %sub3A_305 = vector.broadcast %sub3A_304 : f32 to vector<1000x128xf32>
    %sub3A_306 = arith.subf %sub3A_305, %add3A_19 : vector<1000x128xf32>
    %div3A_307 = arith.constant 1.000000e+00 : f32
    %div3A_308 = vector.broadcast %div3A_307 : f32 to vector<1000x128xf32>
    %div3A_309 = arith.divf %sub3A_306, %div3A_308 : vector<1000x128xf32>
    %mul3A_310 = arith.mulf %div3A_309, %add3A_191 : vector<1000x128xf32>
    %add3A_311 = arith.addf %mul3A_303, %mul3A_310 : vector<1000x128xf32>
    %sub3A_312 = arith.constant -5.000000e-01 : f32
    %sub3A_313 = vector.broadcast %sub3A_312 : f32 to vector<1000x128xf32>
    %sub3A_314 = arith.subf %add3A_19, %sub3A_313 : vector<1000x128xf32>
    %div3A_315 = arith.constant 1.000000e+00 : f32
    %div3A_316 = vector.broadcast %div3A_315 : f32 to vector<1000x128xf32>
    %div3A_317 = arith.divf %sub3A_314, %div3A_316 : vector<1000x128xf32>
    %mul3A_318 = arith.mulf %div3A_317, %add3A_191 : vector<1000x128xf32>
    %sub3A_319 = arith.constant 1.000000e+00 : f32
    %sub3A_320 = vector.broadcast %sub3A_319 : f32 to vector<1000x128xf32>
    %sub3A_321 = arith.subf %sub3A_320, %add3A_19 : vector<1000x128xf32>
    %div3A_322 = arith.constant 1.000000e+00 : f32
    %div3A_323 = vector.broadcast %div3A_322 : f32 to vector<1000x128xf32>
    %div3A_324 = arith.divf %sub3A_321, %div3A_323 : vector<1000x128xf32>
    %mul3A_325 = arith.mulf %div3A_324, %add3A_206 : vector<1000x128xf32>
    %add3A_326 = arith.addf %mul3A_318, %mul3A_325 : vector<1000x128xf32>
    %sub3A_327 = arith.constant 0.000000e+00 : f32
    %sub3A_328 = vector.broadcast %sub3A_327 : f32 to vector<1000x128xf32>
    %sub3A_329 = arith.subf %add3A_19, %sub3A_328 : vector<1000x128xf32>
    %div3A_330 = arith.constant 1.000000e+00 : f32
    %div3A_331 = vector.broadcast %div3A_330 : f32 to vector<1000x128xf32>
    %div3A_332 = arith.divf %sub3A_329, %div3A_331 : vector<1000x128xf32>
    %mul3A_333 = arith.mulf %div3A_332, %add3A_206 : vector<1000x128xf32>
    %sub3A_334 = arith.constant 1.500000e+00 : f32
    %sub3A_335 = vector.broadcast %sub3A_334 : f32 to vector<1000x128xf32>
    %sub3A_336 = arith.subf %sub3A_335, %add3A_19 : vector<1000x128xf32>
    %div3A_337 = arith.constant 1.000000e+00 : f32
    %div3A_338 = vector.broadcast %div3A_337 : f32 to vector<1000x128xf32>
    %div3A_339 = arith.divf %sub3A_336, %div3A_338 : vector<1000x128xf32>
    %mul3A_340 = arith.mulf %div3A_339, %add3A_221 : vector<1000x128xf32>
    %add3A_341 = arith.addf %mul3A_333, %mul3A_340 : vector<1000x128xf32>
    %sub3A_342 = arith.constant 5.000000e-01 : f32
    %sub3A_343 = vector.broadcast %sub3A_342 : f32 to vector<1000x128xf32>
    %sub3A_344 = arith.subf %add3A_19, %sub3A_343 : vector<1000x128xf32>
    %div3A_345 = arith.constant 1.000000e+00 : f32
    %div3A_346 = vector.broadcast %div3A_345 : f32 to vector<1000x128xf32>
    %div3A_347 = arith.divf %sub3A_344, %div3A_346 : vector<1000x128xf32>
    %mul3A_348 = arith.mulf %div3A_347, %add3A_221 : vector<1000x128xf32>
    %sub3A_349 = arith.constant 2.000000e+00 : f32
    %sub3A_350 = vector.broadcast %sub3A_349 : f32 to vector<1000x128xf32>
    %sub3A_351 = arith.subf %sub3A_350, %add3A_19 : vector<1000x128xf32>
    %div3A_352 = arith.constant 1.000000e+00 : f32
    %div3A_353 = vector.broadcast %div3A_352 : f32 to vector<1000x128xf32>
    %div3A_354 = arith.divf %sub3A_351, %div3A_353 : vector<1000x128xf32>
    %mul3A_355 = arith.mulf %div3A_354, %add3A_236 : vector<1000x128xf32>
    %add3A_356 = arith.addf %mul3A_348, %mul3A_355 : vector<1000x128xf32>
    %sub3A_357 = arith.constant 1.000000e+00 : f32
    %sub3A_358 = vector.broadcast %sub3A_357 : f32 to vector<1000x128xf32>
    %sub3A_359 = arith.subf %add3A_19, %sub3A_358 : vector<1000x128xf32>
    %div3A_360 = arith.constant 1.000000e+00 : f32
    %div3A_361 = vector.broadcast %div3A_360 : f32 to vector<1000x128xf32>
    %div3A_362 = arith.divf %sub3A_359, %div3A_361 : vector<1000x128xf32>
    %mul3A_363 = arith.mulf %div3A_362, %add3A_236 : vector<1000x128xf32>
    %sub3A_364 = arith.constant 2.500000e+00 : f32
    %sub3A_365 = vector.broadcast %sub3A_364 : f32 to vector<1000x128xf32>
    %sub3A_366 = arith.subf %sub3A_365, %add3A_19 : vector<1000x128xf32>
    %div3A_367 = arith.constant 1.000000e+00 : f32
    %div3A_368 = vector.broadcast %div3A_367 : f32 to vector<1000x128xf32>
    %div3A_369 = arith.divf %sub3A_366, %div3A_368 : vector<1000x128xf32>
    %mul3A_370 = arith.mulf %div3A_369, %add3A_251 : vector<1000x128xf32>
    %add3A_371 = arith.addf %mul3A_363, %mul3A_370 : vector<1000x128xf32>
    %sub3A_372 = arith.constant -2.500000e+00 : f32
    %sub3A_373 = vector.broadcast %sub3A_372 : f32 to vector<1000x128xf32>
    %sub3A_374 = arith.subf %add3A_19, %sub3A_373 : vector<1000x128xf32>
    %div3A_375 = arith.constant 1.500000e+00 : f32
    %div3A_376 = vector.broadcast %div3A_375 : f32 to vector<1000x128xf32>
    %div3A_377 = arith.divf %sub3A_374, %div3A_376 : vector<1000x128xf32>
    %mul3A_378 = arith.mulf %div3A_377, %add3A_266 : vector<1000x128xf32>
    %sub3A_379 = arith.constant -5.000000e-01 : f32
    %sub3A_380 = vector.broadcast %sub3A_379 : f32 to vector<1000x128xf32>
    %sub3A_381 = arith.subf %sub3A_380, %add3A_19 : vector<1000x128xf32>
    %div3A_382 = arith.constant 1.500000e+00 : f32
    %div3A_383 = vector.broadcast %div3A_382 : f32 to vector<1000x128xf32>
    %div3A_384 = arith.divf %sub3A_381, %div3A_383 : vector<1000x128xf32>
    %mul3A_385 = arith.mulf %div3A_384, %add3A_281 : vector<1000x128xf32>
    %add3A_386 = arith.addf %mul3A_378, %mul3A_385 : vector<1000x128xf32>
    %sub3A_387 = arith.constant -2.000000e+00 : f32
    %sub3A_388 = vector.broadcast %sub3A_387 : f32 to vector<1000x128xf32>
    %sub3A_389 = arith.subf %add3A_19, %sub3A_388 : vector<1000x128xf32>
    %div3A_390 = arith.constant 1.500000e+00 : f32
    %div3A_391 = vector.broadcast %div3A_390 : f32 to vector<1000x128xf32>
    %div3A_392 = arith.divf %sub3A_389, %div3A_391 : vector<1000x128xf32>
    %mul3A_393 = arith.mulf %div3A_392, %add3A_281 : vector<1000x128xf32>
    %sub3A_394 = arith.constant 0.000000e+00 : f32
    %sub3A_395 = vector.broadcast %sub3A_394 : f32 to vector<1000x128xf32>
    %sub3A_396 = arith.subf %sub3A_395, %add3A_19 : vector<1000x128xf32>
    %div3A_397 = arith.constant 1.500000e+00 : f32
    %div3A_398 = vector.broadcast %div3A_397 : f32 to vector<1000x128xf32>
    %div3A_399 = arith.divf %sub3A_396, %div3A_398 : vector<1000x128xf32>
    %mul3A_400 = arith.mulf %div3A_399, %add3A_296 : vector<1000x128xf32>
    %add3A_401 = arith.addf %mul3A_393, %mul3A_400 : vector<1000x128xf32>
    %sub3A_402 = arith.constant -1.500000e+00 : f32
    %sub3A_403 = vector.broadcast %sub3A_402 : f32 to vector<1000x128xf32>
    %sub3A_404 = arith.subf %add3A_19, %sub3A_403 : vector<1000x128xf32>
    %div3A_405 = arith.constant 1.500000e+00 : f32
    %div3A_406 = vector.broadcast %div3A_405 : f32 to vector<1000x128xf32>
    %div3A_407 = arith.divf %sub3A_404, %div3A_406 : vector<1000x128xf32>
    %mul3A_408 = arith.mulf %div3A_407, %add3A_296 : vector<1000x128xf32>
    %sub3A_409 = arith.constant 5.000000e-01 : f32
    %sub3A_410 = vector.broadcast %sub3A_409 : f32 to vector<1000x128xf32>
    %sub3A_411 = arith.subf %sub3A_410, %add3A_19 : vector<1000x128xf32>
    %div3A_412 = arith.constant 1.500000e+00 : f32
    %div3A_413 = vector.broadcast %div3A_412 : f32 to vector<1000x128xf32>
    %div3A_414 = arith.divf %sub3A_411, %div3A_413 : vector<1000x128xf32>
    %mul3A_415 = arith.mulf %div3A_414, %add3A_311 : vector<1000x128xf32>
    %add3A_416 = arith.addf %mul3A_408, %mul3A_415 : vector<1000x128xf32>
    %sub3A_417 = arith.constant -1.000000e+00 : f32
    %sub3A_418 = vector.broadcast %sub3A_417 : f32 to vector<1000x128xf32>
    %sub3A_419 = arith.subf %add3A_19, %sub3A_418 : vector<1000x128xf32>
    %div3A_420 = arith.constant 1.500000e+00 : f32
    %div3A_421 = vector.broadcast %div3A_420 : f32 to vector<1000x128xf32>
    %div3A_422 = arith.divf %sub3A_419, %div3A_421 : vector<1000x128xf32>
    %mul3A_423 = arith.mulf %div3A_422, %add3A_311 : vector<1000x128xf32>
    %sub3A_424 = arith.constant 1.000000e+00 : f32
    %sub3A_425 = vector.broadcast %sub3A_424 : f32 to vector<1000x128xf32>
    %sub3A_426 = arith.subf %sub3A_425, %add3A_19 : vector<1000x128xf32>
    %div3A_427 = arith.constant 1.500000e+00 : f32
    %div3A_428 = vector.broadcast %div3A_427 : f32 to vector<1000x128xf32>
    %div3A_429 = arith.divf %sub3A_426, %div3A_428 : vector<1000x128xf32>
    %mul3A_430 = arith.mulf %div3A_429, %add3A_326 : vector<1000x128xf32>
    %add3A_431 = arith.addf %mul3A_423, %mul3A_430 : vector<1000x128xf32>
    %sub3A_432 = arith.constant -5.000000e-01 : f32
    %sub3A_433 = vector.broadcast %sub3A_432 : f32 to vector<1000x128xf32>
    %sub3A_434 = arith.subf %add3A_19, %sub3A_433 : vector<1000x128xf32>
    %div3A_435 = arith.constant 1.500000e+00 : f32
    %div3A_436 = vector.broadcast %div3A_435 : f32 to vector<1000x128xf32>
    %div3A_437 = arith.divf %sub3A_434, %div3A_436 : vector<1000x128xf32>
    %mul3A_438 = arith.mulf %div3A_437, %add3A_326 : vector<1000x128xf32>
    %sub3A_439 = arith.constant 1.500000e+00 : f32
    %sub3A_440 = vector.broadcast %sub3A_439 : f32 to vector<1000x128xf32>
    %sub3A_441 = arith.subf %sub3A_440, %add3A_19 : vector<1000x128xf32>
    %div3A_442 = arith.constant 1.500000e+00 : f32
    %div3A_443 = vector.broadcast %div3A_442 : f32 to vector<1000x128xf32>
    %div3A_444 = arith.divf %sub3A_441, %div3A_443 : vector<1000x128xf32>
    %mul3A_445 = arith.mulf %div3A_444, %add3A_341 : vector<1000x128xf32>
    %add3A_446 = arith.addf %mul3A_438, %mul3A_445 : vector<1000x128xf32>
    %sub3A_447 = arith.constant 0.000000e+00 : f32
    %sub3A_448 = vector.broadcast %sub3A_447 : f32 to vector<1000x128xf32>
    %sub3A_449 = arith.subf %add3A_19, %sub3A_448 : vector<1000x128xf32>
    %div3A_450 = arith.constant 1.500000e+00 : f32
    %div3A_451 = vector.broadcast %div3A_450 : f32 to vector<1000x128xf32>
    %div3A_452 = arith.divf %sub3A_449, %div3A_451 : vector<1000x128xf32>
    %mul3A_453 = arith.mulf %div3A_452, %add3A_341 : vector<1000x128xf32>
    %sub3A_454 = arith.constant 2.000000e+00 : f32
    %sub3A_455 = vector.broadcast %sub3A_454 : f32 to vector<1000x128xf32>
    %sub3A_456 = arith.subf %sub3A_455, %add3A_19 : vector<1000x128xf32>
    %div3A_457 = arith.constant 1.500000e+00 : f32
    %div3A_458 = vector.broadcast %div3A_457 : f32 to vector<1000x128xf32>
    %div3A_459 = arith.divf %sub3A_456, %div3A_458 : vector<1000x128xf32>
    %mul3A_460 = arith.mulf %div3A_459, %add3A_356 : vector<1000x128xf32>
    %add3A_461 = arith.addf %mul3A_453, %mul3A_460 : vector<1000x128xf32>
    %sub3A_462 = arith.constant 5.000000e-01 : f32
    %sub3A_463 = vector.broadcast %sub3A_462 : f32 to vector<1000x128xf32>
    %sub3A_464 = arith.subf %add3A_19, %sub3A_463 : vector<1000x128xf32>
    %div3A_465 = arith.constant 1.500000e+00 : f32
    %div3A_466 = vector.broadcast %div3A_465 : f32 to vector<1000x128xf32>
    %div3A_467 = arith.divf %sub3A_464, %div3A_466 : vector<1000x128xf32>
    %mul3A_468 = arith.mulf %div3A_467, %add3A_356 : vector<1000x128xf32>
    %sub3A_469 = arith.constant 2.500000e+00 : f32
    %sub3A_470 = vector.broadcast %sub3A_469 : f32 to vector<1000x128xf32>
    %sub3A_471 = arith.subf %sub3A_470, %add3A_19 : vector<1000x128xf32>
    %div3A_472 = arith.constant 1.500000e+00 : f32
    %div3A_473 = vector.broadcast %div3A_472 : f32 to vector<1000x128xf32>
    %div3A_474 = arith.divf %sub3A_471, %div3A_473 : vector<1000x128xf32>
    %mul3A_475 = arith.mulf %div3A_474, %add3A_371 : vector<1000x128xf32>
    %add3A_476 = arith.addf %mul3A_468, %mul3A_475 : vector<1000x128xf32>
    %get3A_477 = arith.constant 0 : index
    %get3A_478 = arith.constant 0 : index
    %get3A_479 = arith.constant 0 : index
    %get3A_480 = vector.load %arg8[%get3A_477, %get3A_478, %get3A_479] : memref<7x16x128xf32, #tpu.memory_space<vmem>>, vector<1x16x128xf32>
    %get3A_481 = vector.shape_cast %get3A_480 : vector<1x16x128xf32> to vector<16x128xf32>
    %dot_general3A_482 = arith.constant dense<0.000000e+00> : vector<1000x16xf32>
    %dot_general3A_483 = tpu.matmul %add3A_386, %get3A_481, %dot_general3A_482 {dimension_numbers = #tpu.dot_dimension_numbers<[1], [1], [0], [0], [0, 0, 1, 0], [], []>, precision = #tpu.contract_precision<fp32>, transpose_lhs_hint = false} : vector<1000x128xf32>, vector<16x128xf32>, vector<1000x16xf32> -> vector<1000x16xf32>
    %add3A_484 = arith.addf %dot_general3A_31, %dot_general3A_483 : vector<1000x16xf32>
    %get3A_485 = arith.constant 1 : index
    %get3A_486 = arith.constant 0 : index
    %get3A_487 = arith.constant 0 : index
    %get3A_488 = vector.load %arg8[%get3A_485, %get3A_486, %get3A_487] : memref<7x16x128xf32, #tpu.memory_space<vmem>>, vector<1x16x128xf32>
    %get3A_489 = vector.shape_cast %get3A_488 : vector<1x16x128xf32> to vector<16x128xf32>
    %dot_general3A_490 = arith.constant dense<0.000000e+00> : vector<1000x16xf32>
    %dot_general3A_491 = tpu.matmul %add3A_401, %get3A_489, %dot_general3A_490 {dimension_numbers = #tpu.dot_dimension_numbers<[1], [1], [0], [0], [0, 0, 1, 0], [], []>, precision = #tpu.contract_precision<fp32>, transpose_lhs_hint = false} : vector<1000x128xf32>, vector<16x128xf32>, vector<1000x16xf32> -> vector<1000x16xf32>
    %add3A_492 = arith.addf %add3A_484, %dot_general3A_491 : vector<1000x16xf32>
    %get3A_493 = arith.constant 2 : index
    %get3A_494 = arith.constant 0 : index
    %get3A_495 = arith.constant 0 : index
    %get3A_496 = vector.load %arg8[%get3A_493, %get3A_494, %get3A_495] : memref<7x16x128xf32, #tpu.memory_space<vmem>>, vector<1x16x128xf32>
    %get3A_497 = vector.shape_cast %get3A_496 : vector<1x16x128xf32> to vector<16x128xf32>
    %dot_general3A_498 = arith.constant dense<0.000000e+00> : vector<1000x16xf32>
    %dot_general3A_499 = tpu.matmul %add3A_416, %get3A_497, %dot_general3A_498 {dimension_numbers = #tpu.dot_dimension_numbers<[1], [1], [0], [0], [0, 0, 1, 0], [], []>, precision = #tpu.contract_precision<fp32>, transpose_lhs_hint = false} : vector<1000x128xf32>, vector<16x128xf32>, vector<1000x16xf32> -> vector<1000x16xf32>
    %add3A_500 = arith.addf %add3A_492, %dot_general3A_499 : vector<1000x16xf32>
    %get3A_501 = arith.constant 3 : index
    %get3A_502 = arith.constant 0 : index
    %get3A_503 = arith.constant 0 : index
    %get3A_504 = vector.load %arg8[%get3A_501, %get3A_502, %get3A_503] : memref<7x16x128xf32, #tpu.memory_space<vmem>>, vector<1x16x128xf32>
    %get3A_505 = vector.shape_cast %get3A_504 : vector<1x16x128xf32> to vector<16x128xf32>
    %dot_general3A_506 = arith.constant dense<0.000000e+00> : vector<1000x16xf32>
    %dot_general3A_507 = tpu.matmul %add3A_431, %get3A_505, %dot_general3A_506 {dimension_numbers = #tpu.dot_dimension_numbers<[1], [1], [0], [0], [0, 0, 1, 0], [], []>, precision = #tpu.contract_precision<fp32>, transpose_lhs_hint = false} : vector<1000x128xf32>, vector<16x128xf32>, vector<1000x16xf32> -> vector<1000x16xf32>
    %add3A_508 = arith.addf %add3A_500, %dot_general3A_507 : vector<1000x16xf32>
    %get3A_509 = arith.constant 4 : index
    %get3A_510 = arith.constant 0 : index
    %get3A_511 = arith.constant 0 : index
    %get3A_512 = vector.load %arg8[%get3A_509, %get3A_510, %get3A_511] : memref<7x16x128xf32, #tpu.memory_space<vmem>>, vector<1x16x128xf32>
    %get3A_513 = vector.shape_cast %get3A_512 : vector<1x16x128xf32> to vector<16x128xf32>
    %dot_general3A_514 = arith.constant dense<0.000000e+00> : vector<1000x16xf32>
    %dot_general3A_515 = tpu.matmul %add3A_446, %get3A_513, %dot_general3A_514 {dimension_numbers = #tpu.dot_dimension_numbers<[1], [1], [0], [0], [0, 0, 1, 0], [], []>, precision = #tpu.contract_precision<fp32>, transpose_lhs_hint = false} : vector<1000x128xf32>, vector<16x128xf32>, vector<1000x16xf32> -> vector<1000x16xf32>
    %add3A_516 = arith.addf %add3A_508, %dot_general3A_515 : vector<1000x16xf32>
    %get3A_517 = arith.constant 5 : index
    %get3A_518 = arith.constant 0 : index
    %get3A_519 = arith.constant 0 : index
    %get3A_520 = vector.load %arg8[%get3A_517, %get3A_518, %get3A_519] : memref<7x16x128xf32, #tpu.memory_space<vmem>>, vector<1x16x128xf32>
    %get3A_521 = vector.shape_cast %get3A_520 : vector<1x16x128xf32> to vector<16x128xf32>
    %dot_general3A_522 = arith.constant dense<0.000000e+00> : vector<1000x16xf32>
    %dot_general3A_523 = tpu.matmul %add3A_461, %get3A_521, %dot_general3A_522 {dimension_numbers = #tpu.dot_dimension_numbers<[1], [1], [0], [0], [0, 0, 1, 0], [], []>, precision = #tpu.contract_precision<fp32>, transpose_lhs_hint = false} : vector<1000x128xf32>, vector<16x128xf32>, vector<1000x16xf32> -> vector<1000x16xf32>
    %add3A_524 = arith.addf %add3A_516, %dot_general3A_523 : vector<1000x16xf32>
    %get3A_525 = arith.constant 6 : index
    %get3A_526 = arith.constant 0 : index
    %get3A_527 = arith.constant 0 : index
    %get3A_528 = vector.load %arg8[%get3A_525, %get3A_526, %get3A_527] : memref<7x16x128xf32, #tpu.memory_space<vmem>>, vector<1x16x128xf32>
    %get3A_529 = vector.shape_cast %get3A_528 : vector<1x16x128xf32> to vector<16x128xf32>
    %dot_general3A_530 = arith.constant dense<0.000000e+00> : vector<1000x16xf32>
    %dot_general3A_531 = tpu.matmul %add3A_476, %get3A_529, %dot_general3A_530 {dimension_numbers = #tpu.dot_dimension_numbers<[1], [1], [0], [0], [0, 0, 1, 0], [], []>, precision = #tpu.contract_precision<fp32>, transpose_lhs_hint = false} : vector<1000x128xf32>, vector<16x128xf32>, vector<1000x16xf32> -> vector<1000x16xf32>
    %add3A_532 = arith.addf %add3A_524, %dot_general3A_531 : vector<1000x16xf32>
    %neg3A_533 = arith.constant 0.000000e+00 : f32
    %neg3A_534 = vector.broadcast %neg3A_533 : f32 to vector<1000x16xf32>
    %neg3A_535 = arith.subf %neg3A_534, %add3A_532 : vector<1000x16xf32>
    %exp3A_536 = math.exp %neg3A_535 : vector<1000x16xf32>
    %add3A_537 = arith.constant 1.000000e+00 : f32
    %add3A_538 = vector.broadcast %add3A_537 : f32 to vector<1000x16xf32>
    %add3A_539 = arith.addf %add3A_538, %exp3A_536 : vector<1000x16xf32>
    %div3A_540 = arith.constant 1.000000e+00 : f32
    %div3A_541 = vector.broadcast %div3A_540 : f32 to vector<1000x16xf32>
    %div3A_542 = arith.divf %div3A_541, %add3A_539 : vector<1000x16xf32>
    %mul3A_543 = arith.mulf %add3A_532, %div3A_542 : vector<1000x16xf32>
    %get3A_544 = arith.constant 0 : index
    %get3A_545 = arith.constant 0 : index
    %get3A_546 = vector.load %arg9[%get3A_544, %get3A_545] : memref<16x128xf32, #tpu.memory_space<vmem>>, vector<16x128xf32>
    %dot_general3A_547 = arith.constant dense<0.000000e+00> : vector<1000x128xf32>
    %dot_general3A_548 = tpu.matmul %mul3A_543, %get3A_546, %dot_general3A_547 {dimension_numbers = #tpu.dot_dimension_numbers<[1], [0], [0], [1], [0, 0, 1, 1], [], []>, precision = #tpu.contract_precision<fp32>, transpose_lhs_hint = false} : vector<1000x16xf32>, vector<16x128xf32>, vector<1000x128xf32> -> vector<1000x128xf32>
    %ge3A_549 = arith.constant -2.500000e+00 : f32
    %ge3A_550 = vector.broadcast %ge3A_549 : f32 to vector<1000x16xf32>
    %ge3A_551 = arith.cmpf oge, %add3A_532, %ge3A_550 : vector<1000x16xf32>
    %lt3A_552 = arith.constant -2.000000e+00 : f32
    %lt3A_553 = vector.broadcast %lt3A_552 : f32 to vector<1000x16xf32>
    %lt3A_554 = arith.cmpf olt, %add3A_532, %lt3A_553 : vector<1000x16xf32>
    %and3A_555 = arith.andi %ge3A_551, %lt3A_554 : vector<1000x16xi1>
    %convert_element_type3A_556 = arith.extui %and3A_555 : vector<1000x16xi1> to vector<1000x16xi32>
    %convert_element_type3A_557 = arith.sitofp %convert_element_type3A_556 : vector<1000x16xi32> to vector<1000x16xf32>
    %ge3A_558 = arith.constant -2.000000e+00 : f32
    %ge3A_559 = vector.broadcast %ge3A_558 : f32 to vector<1000x16xf32>
    %ge3A_560 = arith.cmpf oge, %add3A_532, %ge3A_559 : vector<1000x16xf32>
    %lt3A_561 = arith.constant -1.500000e+00 : f32
    %lt3A_562 = vector.broadcast %lt3A_561 : f32 to vector<1000x16xf32>
    %lt3A_563 = arith.cmpf olt, %add3A_532, %lt3A_562 : vector<1000x16xf32>
    %and3A_564 = arith.andi %ge3A_560, %lt3A_563 : vector<1000x16xi1>
    %convert_element_type3A_565 = arith.extui %and3A_564 : vector<1000x16xi1> to vector<1000x16xi32>
    %convert_element_type3A_566 = arith.sitofp %convert_element_type3A_565 : vector<1000x16xi32> to vector<1000x16xf32>
    %ge3A_567 = arith.constant -1.500000e+00 : f32
    %ge3A_568 = vector.broadcast %ge3A_567 : f32 to vector<1000x16xf32>
    %ge3A_569 = arith.cmpf oge, %add3A_532, %ge3A_568 : vector<1000x16xf32>
    %lt3A_570 = arith.constant -1.000000e+00 : f32
    %lt3A_571 = vector.broadcast %lt3A_570 : f32 to vector<1000x16xf32>
    %lt3A_572 = arith.cmpf olt, %add3A_532, %lt3A_571 : vector<1000x16xf32>
    %and3A_573 = arith.andi %ge3A_569, %lt3A_572 : vector<1000x16xi1>
    %convert_element_type3A_574 = arith.extui %and3A_573 : vector<1000x16xi1> to vector<1000x16xi32>
    %convert_element_type3A_575 = arith.sitofp %convert_element_type3A_574 : vector<1000x16xi32> to vector<1000x16xf32>
    %ge3A_576 = arith.constant -1.000000e+00 : f32
    %ge3A_577 = vector.broadcast %ge3A_576 : f32 to vector<1000x16xf32>
    %ge3A_578 = arith.cmpf oge, %add3A_532, %ge3A_577 : vector<1000x16xf32>
    %lt3A_579 = arith.constant -5.000000e-01 : f32
    %lt3A_580 = vector.broadcast %lt3A_579 : f32 to vector<1000x16xf32>
    %lt3A_581 = arith.cmpf olt, %add3A_532, %lt3A_580 : vector<1000x16xf32>
    %and3A_582 = arith.andi %ge3A_578, %lt3A_581 : vector<1000x16xi1>
    %convert_element_type3A_583 = arith.extui %and3A_582 : vector<1000x16xi1> to vector<1000x16xi32>
    %convert_element_type3A_584 = arith.sitofp %convert_element_type3A_583 : vector<1000x16xi32> to vector<1000x16xf32>
    %ge3A_585 = arith.constant -5.000000e-01 : f32
    %ge3A_586 = vector.broadcast %ge3A_585 : f32 to vector<1000x16xf32>
    %ge3A_587 = arith.cmpf oge, %add3A_532, %ge3A_586 : vector<1000x16xf32>
    %lt3A_588 = arith.constant 0.000000e+00 : f32
    %lt3A_589 = vector.broadcast %lt3A_588 : f32 to vector<1000x16xf32>
    %lt3A_590 = arith.cmpf olt, %add3A_532, %lt3A_589 : vector<1000x16xf32>
    %and3A_591 = arith.andi %ge3A_587, %lt3A_590 : vector<1000x16xi1>
    %convert_element_type3A_592 = arith.extui %and3A_591 : vector<1000x16xi1> to vector<1000x16xi32>
    %convert_element_type3A_593 = arith.sitofp %convert_element_type3A_592 : vector<1000x16xi32> to vector<1000x16xf32>
    %ge3A_594 = arith.constant 0.000000e+00 : f32
    %ge3A_595 = vector.broadcast %ge3A_594 : f32 to vector<1000x16xf32>
    %ge3A_596 = arith.cmpf oge, %add3A_532, %ge3A_595 : vector<1000x16xf32>
    %lt3A_597 = arith.constant 5.000000e-01 : f32
    %lt3A_598 = vector.broadcast %lt3A_597 : f32 to vector<1000x16xf32>
    %lt3A_599 = arith.cmpf olt, %add3A_532, %lt3A_598 : vector<1000x16xf32>
    %and3A_600 = arith.andi %ge3A_596, %lt3A_599 : vector<1000x16xi1>
    %convert_element_type3A_601 = arith.extui %and3A_600 : vector<1000x16xi1> to vector<1000x16xi32>
    %convert_element_type3A_602 = arith.sitofp %convert_element_type3A_601 : vector<1000x16xi32> to vector<1000x16xf32>
    %ge3A_603 = arith.constant 5.000000e-01 : f32
    %ge3A_604 = vector.broadcast %ge3A_603 : f32 to vector<1000x16xf32>
    %ge3A_605 = arith.cmpf oge, %add3A_532, %ge3A_604 : vector<1000x16xf32>
    %lt3A_606 = arith.constant 1.000000e+00 : f32
    %lt3A_607 = vector.broadcast %lt3A_606 : f32 to vector<1000x16xf32>
    %lt3A_608 = arith.cmpf olt, %add3A_532, %lt3A_607 : vector<1000x16xf32>
    %and3A_609 = arith.andi %ge3A_605, %lt3A_608 : vector<1000x16xi1>
    %convert_element_type3A_610 = arith.extui %and3A_609 : vector<1000x16xi1> to vector<1000x16xi32>
    %convert_element_type3A_611 = arith.sitofp %convert_element_type3A_610 : vector<1000x16xi32> to vector<1000x16xf32>
    %ge3A_612 = arith.constant 1.000000e+00 : f32
    %ge3A_613 = vector.broadcast %ge3A_612 : f32 to vector<1000x16xf32>
    %ge3A_614 = arith.cmpf oge, %add3A_532, %ge3A_613 : vector<1000x16xf32>
    %lt3A_615 = arith.constant 1.500000e+00 : f32
    %lt3A_616 = vector.broadcast %lt3A_615 : f32 to vector<1000x16xf32>
    %lt3A_617 = arith.cmpf olt, %add3A_532, %lt3A_616 : vector<1000x16xf32>
    %and3A_618 = arith.andi %ge3A_614, %lt3A_617 : vector<1000x16xi1>
    %convert_element_type3A_619 = arith.extui %and3A_618 : vector<1000x16xi1> to vector<1000x16xi32>
    %convert_element_type3A_620 = arith.sitofp %convert_element_type3A_619 : vector<1000x16xi32> to vector<1000x16xf32>
    %ge3A_621 = arith.constant 1.500000e+00 : f32
    %ge3A_622 = vector.broadcast %ge3A_621 : f32 to vector<1000x16xf32>
    %ge3A_623 = arith.cmpf oge, %add3A_532, %ge3A_622 : vector<1000x16xf32>
    %lt3A_624 = arith.constant 2.000000e+00 : f32
    %lt3A_625 = vector.broadcast %lt3A_624 : f32 to vector<1000x16xf32>
    %lt3A_626 = arith.cmpf olt, %add3A_532, %lt3A_625 : vector<1000x16xf32>
    %and3A_627 = arith.andi %ge3A_623, %lt3A_626 : vector<1000x16xi1>
    %convert_element_type3A_628 = arith.extui %and3A_627 : vector<1000x16xi1> to vector<1000x16xi32>
    %convert_element_type3A_629 = arith.sitofp %convert_element_type3A_628 : vector<1000x16xi32> to vector<1000x16xf32>
    %ge3A_630 = arith.constant 2.000000e+00 : f32
    %ge3A_631 = vector.broadcast %ge3A_630 : f32 to vector<1000x16xf32>
    %ge3A_632 = arith.cmpf oge, %add3A_532, %ge3A_631 : vector<1000x16xf32>
    %lt3A_633 = arith.constant 2.500000e+00 : f32
    %lt3A_634 = vector.broadcast %lt3A_633 : f32 to vector<1000x16xf32>
    %lt3A_635 = arith.cmpf olt, %add3A_532, %lt3A_634 : vector<1000x16xf32>
    %and3A_636 = arith.andi %ge3A_632, %lt3A_635 : vector<1000x16xi1>
    %convert_element_type3A_637 = arith.extui %and3A_636 : vector<1000x16xi1> to vector<1000x16xi32>
    %convert_element_type3A_638 = arith.sitofp %convert_element_type3A_637 : vector<1000x16xi32> to vector<1000x16xf32>
    %sub3A_639 = arith.constant -2.500000e+00 : f32
    %sub3A_640 = vector.broadcast %sub3A_639 : f32 to vector<1000x16xf32>
    %sub3A_641 = arith.subf %add3A_532, %sub3A_640 : vector<1000x16xf32>
    %div3A_642 = arith.constant 5.000000e-01 : f32
    %div3A_643 = vector.broadcast %div3A_642 : f32 to vector<1000x16xf32>
    %div3A_644 = arith.divf %sub3A_641, %div3A_643 : vector<1000x16xf32>
    %mul3A_645 = arith.mulf %div3A_644, %convert_element_type3A_557 : vector<1000x16xf32>
    %sub3A_646 = arith.constant -1.500000e+00 : f32
    %sub3A_647 = vector.broadcast %sub3A_646 : f32 to vector<1000x16xf32>
    %sub3A_648 = arith.subf %sub3A_647, %add3A_532 : vector<1000x16xf32>
    %div3A_649 = arith.constant 5.000000e-01 : f32
    %div3A_650 = vector.broadcast %div3A_649 : f32 to vector<1000x16xf32>
    %div3A_651 = arith.divf %sub3A_648, %div3A_650 : vector<1000x16xf32>
    %mul3A_652 = arith.mulf %div3A_651, %convert_element_type3A_566 : vector<1000x16xf32>
    %add3A_653 = arith.addf %mul3A_645, %mul3A_652 : vector<1000x16xf32>
    %sub3A_654 = arith.constant -2.000000e+00 : f32
    %sub3A_655 = vector.broadcast %sub3A_654 : f32 to vector<1000x16xf32>
    %sub3A_656 = arith.subf %add3A_532, %sub3A_655 : vector<1000x16xf32>
    %div3A_657 = arith.constant 5.000000e-01 : f32
    %div3A_658 = vector.broadcast %div3A_657 : f32 to vector<1000x16xf32>
    %div3A_659 = arith.divf %sub3A_656, %div3A_658 : vector<1000x16xf32>
    %mul3A_660 = arith.mulf %div3A_659, %convert_element_type3A_566 : vector<1000x16xf32>
    %sub3A_661 = arith.constant -1.000000e+00 : f32
    %sub3A_662 = vector.broadcast %sub3A_661 : f32 to vector<1000x16xf32>
    %sub3A_663 = arith.subf %sub3A_662, %add3A_532 : vector<1000x16xf32>
    %div3A_664 = arith.constant 5.000000e-01 : f32
    %div3A_665 = vector.broadcast %div3A_664 : f32 to vector<1000x16xf32>
    %div3A_666 = arith.divf %sub3A_663, %div3A_665 : vector<1000x16xf32>
    %mul3A_667 = arith.mulf %div3A_666, %convert_element_type3A_575 : vector<1000x16xf32>
    %add3A_668 = arith.addf %mul3A_660, %mul3A_667 : vector<1000x16xf32>
    %sub3A_669 = arith.constant -1.500000e+00 : f32
    %sub3A_670 = vector.broadcast %sub3A_669 : f32 to vector<1000x16xf32>
    %sub3A_671 = arith.subf %add3A_532, %sub3A_670 : vector<1000x16xf32>
    %div3A_672 = arith.constant 5.000000e-01 : f32
    %div3A_673 = vector.broadcast %div3A_672 : f32 to vector<1000x16xf32>
    %div3A_674 = arith.divf %sub3A_671, %div3A_673 : vector<1000x16xf32>
    %mul3A_675 = arith.mulf %div3A_674, %convert_element_type3A_575 : vector<1000x16xf32>
    %sub3A_676 = arith.constant -5.000000e-01 : f32
    %sub3A_677 = vector.broadcast %sub3A_676 : f32 to vector<1000x16xf32>
    %sub3A_678 = arith.subf %sub3A_677, %add3A_532 : vector<1000x16xf32>
    %div3A_679 = arith.constant 5.000000e-01 : f32
    %div3A_680 = vector.broadcast %div3A_679 : f32 to vector<1000x16xf32>
    %div3A_681 = arith.divf %sub3A_678, %div3A_680 : vector<1000x16xf32>
    %mul3A_682 = arith.mulf %div3A_681, %convert_element_type3A_584 : vector<1000x16xf32>
    %add3A_683 = arith.addf %mul3A_675, %mul3A_682 : vector<1000x16xf32>
    %sub3A_684 = arith.constant -1.000000e+00 : f32
    %sub3A_685 = vector.broadcast %sub3A_684 : f32 to vector<1000x16xf32>
    %sub3A_686 = arith.subf %add3A_532, %sub3A_685 : vector<1000x16xf32>
    %div3A_687 = arith.constant 5.000000e-01 : f32
    %div3A_688 = vector.broadcast %div3A_687 : f32 to vector<1000x16xf32>
    %div3A_689 = arith.divf %sub3A_686, %div3A_688 : vector<1000x16xf32>
    %mul3A_690 = arith.mulf %div3A_689, %convert_element_type3A_584 : vector<1000x16xf32>
    %sub3A_691 = arith.constant 0.000000e+00 : f32
    %sub3A_692 = vector.broadcast %sub3A_691 : f32 to vector<1000x16xf32>
    %sub3A_693 = arith.subf %sub3A_692, %add3A_532 : vector<1000x16xf32>
    %div3A_694 = arith.constant 5.000000e-01 : f32
    %div3A_695 = vector.broadcast %div3A_694 : f32 to vector<1000x16xf32>
    %div3A_696 = arith.divf %sub3A_693, %div3A_695 : vector<1000x16xf32>
    %mul3A_697 = arith.mulf %div3A_696, %convert_element_type3A_593 : vector<1000x16xf32>
    %add3A_698 = arith.addf %mul3A_690, %mul3A_697 : vector<1000x16xf32>
    %sub3A_699 = arith.constant -5.000000e-01 : f32
    %sub3A_700 = vector.broadcast %sub3A_699 : f32 to vector<1000x16xf32>
    %sub3A_701 = arith.subf %add3A_532, %sub3A_700 : vector<1000x16xf32>
    %div3A_702 = arith.constant 5.000000e-01 : f32
    %div3A_703 = vector.broadcast %div3A_702 : f32 to vector<1000x16xf32>
    %div3A_704 = arith.divf %sub3A_701, %div3A_703 : vector<1000x16xf32>
    %mul3A_705 = arith.mulf %div3A_704, %convert_element_type3A_593 : vector<1000x16xf32>
    %sub3A_706 = arith.constant 5.000000e-01 : f32
    %sub3A_707 = vector.broadcast %sub3A_706 : f32 to vector<1000x16xf32>
    %sub3A_708 = arith.subf %sub3A_707, %add3A_532 : vector<1000x16xf32>
    %div3A_709 = arith.constant 5.000000e-01 : f32
    %div3A_710 = vector.broadcast %div3A_709 : f32 to vector<1000x16xf32>
    %div3A_711 = arith.divf %sub3A_708, %div3A_710 : vector<1000x16xf32>
    %mul3A_712 = arith.mulf %div3A_711, %convert_element_type3A_602 : vector<1000x16xf32>
    %add3A_713 = arith.addf %mul3A_705, %mul3A_712 : vector<1000x16xf32>
    %sub3A_714 = arith.constant 0.000000e+00 : f32
    %sub3A_715 = vector.broadcast %sub3A_714 : f32 to vector<1000x16xf32>
    %sub3A_716 = arith.subf %add3A_532, %sub3A_715 : vector<1000x16xf32>
    %div3A_717 = arith.constant 5.000000e-01 : f32
    %div3A_718 = vector.broadcast %div3A_717 : f32 to vector<1000x16xf32>
    %div3A_719 = arith.divf %sub3A_716, %div3A_718 : vector<1000x16xf32>
    %mul3A_720 = arith.mulf %div3A_719, %convert_element_type3A_602 : vector<1000x16xf32>
    %sub3A_721 = arith.constant 1.000000e+00 : f32
    %sub3A_722 = vector.broadcast %sub3A_721 : f32 to vector<1000x16xf32>
    %sub3A_723 = arith.subf %sub3A_722, %add3A_532 : vector<1000x16xf32>
    %div3A_724 = arith.constant 5.000000e-01 : f32
    %div3A_725 = vector.broadcast %div3A_724 : f32 to vector<1000x16xf32>
    %div3A_726 = arith.divf %sub3A_723, %div3A_725 : vector<1000x16xf32>
    %mul3A_727 = arith.mulf %div3A_726, %convert_element_type3A_611 : vector<1000x16xf32>
    %add3A_728 = arith.addf %mul3A_720, %mul3A_727 : vector<1000x16xf32>
    %sub3A_729 = arith.constant 5.000000e-01 : f32
    %sub3A_730 = vector.broadcast %sub3A_729 : f32 to vector<1000x16xf32>
    %sub3A_731 = arith.subf %add3A_532, %sub3A_730 : vector<1000x16xf32>
    %div3A_732 = arith.constant 5.000000e-01 : f32
    %div3A_733 = vector.broadcast %div3A_732 : f32 to vector<1000x16xf32>
    %div3A_734 = arith.divf %sub3A_731, %div3A_733 : vector<1000x16xf32>
    %mul3A_735 = arith.mulf %div3A_734, %convert_element_type3A_611 : vector<1000x16xf32>
    %sub3A_736 = arith.constant 1.500000e+00 : f32
    %sub3A_737 = vector.broadcast %sub3A_736 : f32 to vector<1000x16xf32>
    %sub3A_738 = arith.subf %sub3A_737, %add3A_532 : vector<1000x16xf32>
    %div3A_739 = arith.constant 5.000000e-01 : f32
    %div3A_740 = vector.broadcast %div3A_739 : f32 to vector<1000x16xf32>
    %div3A_741 = arith.divf %sub3A_738, %div3A_740 : vector<1000x16xf32>
    %mul3A_742 = arith.mulf %div3A_741, %convert_element_type3A_620 : vector<1000x16xf32>
    %add3A_743 = arith.addf %mul3A_735, %mul3A_742 : vector<1000x16xf32>
    %sub3A_744 = arith.constant 1.000000e+00 : f32
    %sub3A_745 = vector.broadcast %sub3A_744 : f32 to vector<1000x16xf32>
    %sub3A_746 = arith.subf %add3A_532, %sub3A_745 : vector<1000x16xf32>
    %div3A_747 = arith.constant 5.000000e-01 : f32
    %div3A_748 = vector.broadcast %div3A_747 : f32 to vector<1000x16xf32>
    %div3A_749 = arith.divf %sub3A_746, %div3A_748 : vector<1000x16xf32>
    %mul3A_750 = arith.mulf %div3A_749, %convert_element_type3A_620 : vector<1000x16xf32>
    %sub3A_751 = arith.constant 2.000000e+00 : f32
    %sub3A_752 = vector.broadcast %sub3A_751 : f32 to vector<1000x16xf32>
    %sub3A_753 = arith.subf %sub3A_752, %add3A_532 : vector<1000x16xf32>
    %div3A_754 = arith.constant 5.000000e-01 : f32
    %div3A_755 = vector.broadcast %div3A_754 : f32 to vector<1000x16xf32>
    %div3A_756 = arith.divf %sub3A_753, %div3A_755 : vector<1000x16xf32>
    %mul3A_757 = arith.mulf %div3A_756, %convert_element_type3A_629 : vector<1000x16xf32>
    %add3A_758 = arith.addf %mul3A_750, %mul3A_757 : vector<1000x16xf32>
    %sub3A_759 = arith.constant 1.500000e+00 : f32
    %sub3A_760 = vector.broadcast %sub3A_759 : f32 to vector<1000x16xf32>
    %sub3A_761 = arith.subf %add3A_532, %sub3A_760 : vector<1000x16xf32>
    %div3A_762 = arith.constant 5.000000e-01 : f32
    %div3A_763 = vector.broadcast %div3A_762 : f32 to vector<1000x16xf32>
    %div3A_764 = arith.divf %sub3A_761, %div3A_763 : vector<1000x16xf32>
    %mul3A_765 = arith.mulf %div3A_764, %convert_element_type3A_629 : vector<1000x16xf32>
    %sub3A_766 = arith.constant 2.500000e+00 : f32
    %sub3A_767 = vector.broadcast %sub3A_766 : f32 to vector<1000x16xf32>
    %sub3A_768 = arith.subf %sub3A_767, %add3A_532 : vector<1000x16xf32>
    %div3A_769 = arith.constant 5.000000e-01 : f32
    %div3A_770 = vector.broadcast %div3A_769 : f32 to vector<1000x16xf32>
    %div3A_771 = arith.divf %sub3A_768, %div3A_770 : vector<1000x16xf32>
    %mul3A_772 = arith.mulf %div3A_771, %convert_element_type3A_638 : vector<1000x16xf32>
    %add3A_773 = arith.addf %mul3A_765, %mul3A_772 : vector<1000x16xf32>
    %sub3A_774 = arith.constant -2.500000e+00 : f32
    %sub3A_775 = vector.broadcast %sub3A_774 : f32 to vector<1000x16xf32>
    %sub3A_776 = arith.subf %add3A_532, %sub3A_775 : vector<1000x16xf32>
    %div3A_777 = arith.constant 1.000000e+00 : f32
    %div3A_778 = vector.broadcast %div3A_777 : f32 to vector<1000x16xf32>
    %div3A_779 = arith.divf %sub3A_776, %div3A_778 : vector<1000x16xf32>
    %mul3A_780 = arith.mulf %div3A_779, %add3A_653 : vector<1000x16xf32>
    %sub3A_781 = arith.constant -1.000000e+00 : f32
    %sub3A_782 = vector.broadcast %sub3A_781 : f32 to vector<1000x16xf32>
    %sub3A_783 = arith.subf %sub3A_782, %add3A_532 : vector<1000x16xf32>
    %div3A_784 = arith.constant 1.000000e+00 : f32
    %div3A_785 = vector.broadcast %div3A_784 : f32 to vector<1000x16xf32>
    %div3A_786 = arith.divf %sub3A_783, %div3A_785 : vector<1000x16xf32>
    %mul3A_787 = arith.mulf %div3A_786, %add3A_668 : vector<1000x16xf32>
    %add3A_788 = arith.addf %mul3A_780, %mul3A_787 : vector<1000x16xf32>
    %sub3A_789 = arith.constant -2.000000e+00 : f32
    %sub3A_790 = vector.broadcast %sub3A_789 : f32 to vector<1000x16xf32>
    %sub3A_791 = arith.subf %add3A_532, %sub3A_790 : vector<1000x16xf32>
    %div3A_792 = arith.constant 1.000000e+00 : f32
    %div3A_793 = vector.broadcast %div3A_792 : f32 to vector<1000x16xf32>
    %div3A_794 = arith.divf %sub3A_791, %div3A_793 : vector<1000x16xf32>
    %mul3A_795 = arith.mulf %div3A_794, %add3A_668 : vector<1000x16xf32>
    %sub3A_796 = arith.constant -5.000000e-01 : f32
    %sub3A_797 = vector.broadcast %sub3A_796 : f32 to vector<1000x16xf32>
    %sub3A_798 = arith.subf %sub3A_797, %add3A_532 : vector<1000x16xf32>
    %div3A_799 = arith.constant 1.000000e+00 : f32
    %div3A_800 = vector.broadcast %div3A_799 : f32 to vector<1000x16xf32>
    %div3A_801 = arith.divf %sub3A_798, %div3A_800 : vector<1000x16xf32>
    %mul3A_802 = arith.mulf %div3A_801, %add3A_683 : vector<1000x16xf32>
    %add3A_803 = arith.addf %mul3A_795, %mul3A_802 : vector<1000x16xf32>
    %sub3A_804 = arith.constant -1.500000e+00 : f32
    %sub3A_805 = vector.broadcast %sub3A_804 : f32 to vector<1000x16xf32>
    %sub3A_806 = arith.subf %add3A_532, %sub3A_805 : vector<1000x16xf32>
    %div3A_807 = arith.constant 1.000000e+00 : f32
    %div3A_808 = vector.broadcast %div3A_807 : f32 to vector<1000x16xf32>
    %div3A_809 = arith.divf %sub3A_806, %div3A_808 : vector<1000x16xf32>
    %mul3A_810 = arith.mulf %div3A_809, %add3A_683 : vector<1000x16xf32>
    %sub3A_811 = arith.constant 0.000000e+00 : f32
    %sub3A_812 = vector.broadcast %sub3A_811 : f32 to vector<1000x16xf32>
    %sub3A_813 = arith.subf %sub3A_812, %add3A_532 : vector<1000x16xf32>
    %div3A_814 = arith.constant 1.000000e+00 : f32
    %div3A_815 = vector.broadcast %div3A_814 : f32 to vector<1000x16xf32>
    %div3A_816 = arith.divf %sub3A_813, %div3A_815 : vector<1000x16xf32>
    %mul3A_817 = arith.mulf %div3A_816, %add3A_698 : vector<1000x16xf32>
    %add3A_818 = arith.addf %mul3A_810, %mul3A_817 : vector<1000x16xf32>
    %sub3A_819 = arith.constant -1.000000e+00 : f32
    %sub3A_820 = vector.broadcast %sub3A_819 : f32 to vector<1000x16xf32>
    %sub3A_821 = arith.subf %add3A_532, %sub3A_820 : vector<1000x16xf32>
    %div3A_822 = arith.constant 1.000000e+00 : f32
    %div3A_823 = vector.broadcast %div3A_822 : f32 to vector<1000x16xf32>
    %div3A_824 = arith.divf %sub3A_821, %div3A_823 : vector<1000x16xf32>
    %mul3A_825 = arith.mulf %div3A_824, %add3A_698 : vector<1000x16xf32>
    %sub3A_826 = arith.constant 5.000000e-01 : f32
    %sub3A_827 = vector.broadcast %sub3A_826 : f32 to vector<1000x16xf32>
    %sub3A_828 = arith.subf %sub3A_827, %add3A_532 : vector<1000x16xf32>
    %div3A_829 = arith.constant 1.000000e+00 : f32
    %div3A_830 = vector.broadcast %div3A_829 : f32 to vector<1000x16xf32>
    %div3A_831 = arith.divf %sub3A_828, %div3A_830 : vector<1000x16xf32>
    %mul3A_832 = arith.mulf %div3A_831, %add3A_713 : vector<1000x16xf32>
    %add3A_833 = arith.addf %mul3A_825, %mul3A_832 : vector<1000x16xf32>
    %sub3A_834 = arith.constant -5.000000e-01 : f32
    %sub3A_835 = vector.broadcast %sub3A_834 : f32 to vector<1000x16xf32>
    %sub3A_836 = arith.subf %add3A_532, %sub3A_835 : vector<1000x16xf32>
    %div3A_837 = arith.constant 1.000000e+00 : f32
    %div3A_838 = vector.broadcast %div3A_837 : f32 to vector<1000x16xf32>
    %div3A_839 = arith.divf %sub3A_836, %div3A_838 : vector<1000x16xf32>
    %mul3A_840 = arith.mulf %div3A_839, %add3A_713 : vector<1000x16xf32>
    %sub3A_841 = arith.constant 1.000000e+00 : f32
    %sub3A_842 = vector.broadcast %sub3A_841 : f32 to vector<1000x16xf32>
    %sub3A_843 = arith.subf %sub3A_842, %add3A_532 : vector<1000x16xf32>
    %div3A_844 = arith.constant 1.000000e+00 : f32
    %div3A_845 = vector.broadcast %div3A_844 : f32 to vector<1000x16xf32>
    %div3A_846 = arith.divf %sub3A_843, %div3A_845 : vector<1000x16xf32>
    %mul3A_847 = arith.mulf %div3A_846, %add3A_728 : vector<1000x16xf32>
    %add3A_848 = arith.addf %mul3A_840, %mul3A_847 : vector<1000x16xf32>
    %sub3A_849 = arith.constant 0.000000e+00 : f32
    %sub3A_850 = vector.broadcast %sub3A_849 : f32 to vector<1000x16xf32>
    %sub3A_851 = arith.subf %add3A_532, %sub3A_850 : vector<1000x16xf32>
    %div3A_852 = arith.constant 1.000000e+00 : f32
    %div3A_853 = vector.broadcast %div3A_852 : f32 to vector<1000x16xf32>
    %div3A_854 = arith.divf %sub3A_851, %div3A_853 : vector<1000x16xf32>
    %mul3A_855 = arith.mulf %div3A_854, %add3A_728 : vector<1000x16xf32>
    %sub3A_856 = arith.constant 1.500000e+00 : f32
    %sub3A_857 = vector.broadcast %sub3A_856 : f32 to vector<1000x16xf32>
    %sub3A_858 = arith.subf %sub3A_857, %add3A_532 : vector<1000x16xf32>
    %div3A_859 = arith.constant 1.000000e+00 : f32
    %div3A_860 = vector.broadcast %div3A_859 : f32 to vector<1000x16xf32>
    %div3A_861 = arith.divf %sub3A_858, %div3A_860 : vector<1000x16xf32>
    %mul3A_862 = arith.mulf %div3A_861, %add3A_743 : vector<1000x16xf32>
    %add3A_863 = arith.addf %mul3A_855, %mul3A_862 : vector<1000x16xf32>
    %sub3A_864 = arith.constant 5.000000e-01 : f32
    %sub3A_865 = vector.broadcast %sub3A_864 : f32 to vector<1000x16xf32>
    %sub3A_866 = arith.subf %add3A_532, %sub3A_865 : vector<1000x16xf32>
    %div3A_867 = arith.constant 1.000000e+00 : f32
    %div3A_868 = vector.broadcast %div3A_867 : f32 to vector<1000x16xf32>
    %div3A_869 = arith.divf %sub3A_866, %div3A_868 : vector<1000x16xf32>
    %mul3A_870 = arith.mulf %div3A_869, %add3A_743 : vector<1000x16xf32>
    %sub3A_871 = arith.constant 2.000000e+00 : f32
    %sub3A_872 = vector.broadcast %sub3A_871 : f32 to vector<1000x16xf32>
    %sub3A_873 = arith.subf %sub3A_872, %add3A_532 : vector<1000x16xf32>
    %div3A_874 = arith.constant 1.000000e+00 : f32
    %div3A_875 = vector.broadcast %div3A_874 : f32 to vector<1000x16xf32>
    %div3A_876 = arith.divf %sub3A_873, %div3A_875 : vector<1000x16xf32>
    %mul3A_877 = arith.mulf %div3A_876, %add3A_758 : vector<1000x16xf32>
    %add3A_878 = arith.addf %mul3A_870, %mul3A_877 : vector<1000x16xf32>
    %sub3A_879 = arith.constant 1.000000e+00 : f32
    %sub3A_880 = vector.broadcast %sub3A_879 : f32 to vector<1000x16xf32>
    %sub3A_881 = arith.subf %add3A_532, %sub3A_880 : vector<1000x16xf32>
    %div3A_882 = arith.constant 1.000000e+00 : f32
    %div3A_883 = vector.broadcast %div3A_882 : f32 to vector<1000x16xf32>
    %div3A_884 = arith.divf %sub3A_881, %div3A_883 : vector<1000x16xf32>
    %mul3A_885 = arith.mulf %div3A_884, %add3A_758 : vector<1000x16xf32>
    %sub3A_886 = arith.constant 2.500000e+00 : f32
    %sub3A_887 = vector.broadcast %sub3A_886 : f32 to vector<1000x16xf32>
    %sub3A_888 = arith.subf %sub3A_887, %add3A_532 : vector<1000x16xf32>
    %div3A_889 = arith.constant 1.000000e+00 : f32
    %div3A_890 = vector.broadcast %div3A_889 : f32 to vector<1000x16xf32>
    %div3A_891 = arith.divf %sub3A_888, %div3A_890 : vector<1000x16xf32>
    %mul3A_892 = arith.mulf %div3A_891, %add3A_773 : vector<1000x16xf32>
    %add3A_893 = arith.addf %mul3A_885, %mul3A_892 : vector<1000x16xf32>
    %sub3A_894 = arith.constant -2.500000e+00 : f32
    %sub3A_895 = vector.broadcast %sub3A_894 : f32 to vector<1000x16xf32>
    %sub3A_896 = arith.subf %add3A_532, %sub3A_895 : vector<1000x16xf32>
    %div3A_897 = arith.constant 1.500000e+00 : f32
    %div3A_898 = vector.broadcast %div3A_897 : f32 to vector<1000x16xf32>
    %div3A_899 = arith.divf %sub3A_896, %div3A_898 : vector<1000x16xf32>
    %mul3A_900 = arith.mulf %div3A_899, %add3A_788 : vector<1000x16xf32>
    %sub3A_901 = arith.constant -5.000000e-01 : f32
    %sub3A_902 = vector.broadcast %sub3A_901 : f32 to vector<1000x16xf32>
    %sub3A_903 = arith.subf %sub3A_902, %add3A_532 : vector<1000x16xf32>
    %div3A_904 = arith.constant 1.500000e+00 : f32
    %div3A_905 = vector.broadcast %div3A_904 : f32 to vector<1000x16xf32>
    %div3A_906 = arith.divf %sub3A_903, %div3A_905 : vector<1000x16xf32>
    %mul3A_907 = arith.mulf %div3A_906, %add3A_803 : vector<1000x16xf32>
    %add3A_908 = arith.addf %mul3A_900, %mul3A_907 : vector<1000x16xf32>
    %sub3A_909 = arith.constant -2.000000e+00 : f32
    %sub3A_910 = vector.broadcast %sub3A_909 : f32 to vector<1000x16xf32>
    %sub3A_911 = arith.subf %add3A_532, %sub3A_910 : vector<1000x16xf32>
    %div3A_912 = arith.constant 1.500000e+00 : f32
    %div3A_913 = vector.broadcast %div3A_912 : f32 to vector<1000x16xf32>
    %div3A_914 = arith.divf %sub3A_911, %div3A_913 : vector<1000x16xf32>
    %mul3A_915 = arith.mulf %div3A_914, %add3A_803 : vector<1000x16xf32>
    %sub3A_916 = arith.constant 0.000000e+00 : f32
    %sub3A_917 = vector.broadcast %sub3A_916 : f32 to vector<1000x16xf32>
    %sub3A_918 = arith.subf %sub3A_917, %add3A_532 : vector<1000x16xf32>
    %div3A_919 = arith.constant 1.500000e+00 : f32
    %div3A_920 = vector.broadcast %div3A_919 : f32 to vector<1000x16xf32>
    %div3A_921 = arith.divf %sub3A_918, %div3A_920 : vector<1000x16xf32>
    %mul3A_922 = arith.mulf %div3A_921, %add3A_818 : vector<1000x16xf32>
    %add3A_923 = arith.addf %mul3A_915, %mul3A_922 : vector<1000x16xf32>
    %sub3A_924 = arith.constant -1.500000e+00 : f32
    %sub3A_925 = vector.broadcast %sub3A_924 : f32 to vector<1000x16xf32>
    %sub3A_926 = arith.subf %add3A_532, %sub3A_925 : vector<1000x16xf32>
    %div3A_927 = arith.constant 1.500000e+00 : f32
    %div3A_928 = vector.broadcast %div3A_927 : f32 to vector<1000x16xf32>
    %div3A_929 = arith.divf %sub3A_926, %div3A_928 : vector<1000x16xf32>
    %mul3A_930 = arith.mulf %div3A_929, %add3A_818 : vector<1000x16xf32>
    %sub3A_931 = arith.constant 5.000000e-01 : f32
    %sub3A_932 = vector.broadcast %sub3A_931 : f32 to vector<1000x16xf32>
    %sub3A_933 = arith.subf %sub3A_932, %add3A_532 : vector<1000x16xf32>
    %div3A_934 = arith.constant 1.500000e+00 : f32
    %div3A_935 = vector.broadcast %div3A_934 : f32 to vector<1000x16xf32>
    %div3A_936 = arith.divf %sub3A_933, %div3A_935 : vector<1000x16xf32>
    %mul3A_937 = arith.mulf %div3A_936, %add3A_833 : vector<1000x16xf32>
    %add3A_938 = arith.addf %mul3A_930, %mul3A_937 : vector<1000x16xf32>
    %sub3A_939 = arith.constant -1.000000e+00 : f32
    %sub3A_940 = vector.broadcast %sub3A_939 : f32 to vector<1000x16xf32>
    %sub3A_941 = arith.subf %add3A_532, %sub3A_940 : vector<1000x16xf32>
    %div3A_942 = arith.constant 1.500000e+00 : f32
    %div3A_943 = vector.broadcast %div3A_942 : f32 to vector<1000x16xf32>
    %div3A_944 = arith.divf %sub3A_941, %div3A_943 : vector<1000x16xf32>
    %mul3A_945 = arith.mulf %div3A_944, %add3A_833 : vector<1000x16xf32>
    %sub3A_946 = arith.constant 1.000000e+00 : f32
    %sub3A_947 = vector.broadcast %sub3A_946 : f32 to vector<1000x16xf32>
    %sub3A_948 = arith.subf %sub3A_947, %add3A_532 : vector<1000x16xf32>
    %div3A_949 = arith.constant 1.500000e+00 : f32
    %div3A_950 = vector.broadcast %div3A_949 : f32 to vector<1000x16xf32>
    %div3A_951 = arith.divf %sub3A_948, %div3A_950 : vector<1000x16xf32>
    %mul3A_952 = arith.mulf %div3A_951, %add3A_848 : vector<1000x16xf32>
    %add3A_953 = arith.addf %mul3A_945, %mul3A_952 : vector<1000x16xf32>
    %sub3A_954 = arith.constant -5.000000e-01 : f32
    %sub3A_955 = vector.broadcast %sub3A_954 : f32 to vector<1000x16xf32>
    %sub3A_956 = arith.subf %add3A_532, %sub3A_955 : vector<1000x16xf32>
    %div3A_957 = arith.constant 1.500000e+00 : f32
    %div3A_958 = vector.broadcast %div3A_957 : f32 to vector<1000x16xf32>
    %div3A_959 = arith.divf %sub3A_956, %div3A_958 : vector<1000x16xf32>
    %mul3A_960 = arith.mulf %div3A_959, %add3A_848 : vector<1000x16xf32>
    %sub3A_961 = arith.constant 1.500000e+00 : f32
    %sub3A_962 = vector.broadcast %sub3A_961 : f32 to vector<1000x16xf32>
    %sub3A_963 = arith.subf %sub3A_962, %add3A_532 : vector<1000x16xf32>
    %div3A_964 = arith.constant 1.500000e+00 : f32
    %div3A_965 = vector.broadcast %div3A_964 : f32 to vector<1000x16xf32>
    %div3A_966 = arith.divf %sub3A_963, %div3A_965 : vector<1000x16xf32>
    %mul3A_967 = arith.mulf %div3A_966, %add3A_863 : vector<1000x16xf32>
    %add3A_968 = arith.addf %mul3A_960, %mul3A_967 : vector<1000x16xf32>
    %sub3A_969 = arith.constant 0.000000e+00 : f32
    %sub3A_970 = vector.broadcast %sub3A_969 : f32 to vector<1000x16xf32>
    %sub3A_971 = arith.subf %add3A_532, %sub3A_970 : vector<1000x16xf32>
    %div3A_972 = arith.constant 1.500000e+00 : f32
    %div3A_973 = vector.broadcast %div3A_972 : f32 to vector<1000x16xf32>
    %div3A_974 = arith.divf %sub3A_971, %div3A_973 : vector<1000x16xf32>
    %mul3A_975 = arith.mulf %div3A_974, %add3A_863 : vector<1000x16xf32>
    %sub3A_976 = arith.constant 2.000000e+00 : f32
    %sub3A_977 = vector.broadcast %sub3A_976 : f32 to vector<1000x16xf32>
    %sub3A_978 = arith.subf %sub3A_977, %add3A_532 : vector<1000x16xf32>
    %div3A_979 = arith.constant 1.500000e+00 : f32
    %div3A_980 = vector.broadcast %div3A_979 : f32 to vector<1000x16xf32>
    %div3A_981 = arith.divf %sub3A_978, %div3A_980 : vector<1000x16xf32>
    %mul3A_982 = arith.mulf %div3A_981, %add3A_878 : vector<1000x16xf32>
    %add3A_983 = arith.addf %mul3A_975, %mul3A_982 : vector<1000x16xf32>
    %sub3A_984 = arith.constant 5.000000e-01 : f32
    %sub3A_985 = vector.broadcast %sub3A_984 : f32 to vector<1000x16xf32>
    %sub3A_986 = arith.subf %add3A_532, %sub3A_985 : vector<1000x16xf32>
    %div3A_987 = arith.constant 1.500000e+00 : f32
    %div3A_988 = vector.broadcast %div3A_987 : f32 to vector<1000x16xf32>
    %div3A_989 = arith.divf %sub3A_986, %div3A_988 : vector<1000x16xf32>
    %mul3A_990 = arith.mulf %div3A_989, %add3A_878 : vector<1000x16xf32>
    %sub3A_991 = arith.constant 2.500000e+00 : f32
    %sub3A_992 = vector.broadcast %sub3A_991 : f32 to vector<1000x16xf32>
    %sub3A_993 = arith.subf %sub3A_992, %add3A_532 : vector<1000x16xf32>
    %div3A_994 = arith.constant 1.500000e+00 : f32
    %div3A_995 = vector.broadcast %div3A_994 : f32 to vector<1000x16xf32>
    %div3A_996 = arith.divf %sub3A_993, %div3A_995 : vector<1000x16xf32>
    %mul3A_997 = arith.mulf %div3A_996, %add3A_893 : vector<1000x16xf32>
    %add3A_998 = arith.addf %mul3A_990, %mul3A_997 : vector<1000x16xf32>
    %get3A_999 = arith.constant 0 : index
    %get3A_1000 = arith.constant 0 : index
    %get3A_1001 = arith.constant 0 : index
    %get3A_1002 = vector.load %arg10[%get3A_999, %get3A_1000, %get3A_1001] : memref<7x16x128xf32, #tpu.memory_space<vmem>>, vector<1x16x128xf32>
    %get3A_1003 = vector.shape_cast %get3A_1002 : vector<1x16x128xf32> to vector<16x128xf32>
    %dot_general3A_1004 = arith.constant dense<0.000000e+00> : vector<1000x128xf32>
    %dot_general3A_1005 = tpu.matmul %add3A_908, %get3A_1003, %dot_general3A_1004 {dimension_numbers = #tpu.dot_dimension_numbers<[1], [0], [0], [1], [0, 0, 1, 1], [], []>, precision = #tpu.contract_precision<fp32>, transpose_lhs_hint = false} : vector<1000x16xf32>, vector<16x128xf32>, vector<1000x128xf32> -> vector<1000x128xf32>
    %add3A_1006 = arith.addf %dot_general3A_548, %dot_general3A_1005 : vector<1000x128xf32>
    %get3A_1007 = arith.constant 1 : index
    %get3A_1008 = arith.constant 0 : index
    %get3A_1009 = arith.constant 0 : index
    %get3A_1010 = vector.load %arg10[%get3A_1007, %get3A_1008, %get3A_1009] : memref<7x16x128xf32, #tpu.memory_space<vmem>>, vector<1x16x128xf32>
    %get3A_1011 = vector.shape_cast %get3A_1010 : vector<1x16x128xf32> to vector<16x128xf32>
    %dot_general3A_1012 = arith.constant dense<0.000000e+00> : vector<1000x128xf32>
    %dot_general3A_1013 = tpu.matmul %add3A_923, %get3A_1011, %dot_general3A_1012 {dimension_numbers = #tpu.dot_dimension_numbers<[1], [0], [0], [1], [0, 0, 1, 1], [], []>, precision = #tpu.contract_precision<fp32>, transpose_lhs_hint = false} : vector<1000x16xf32>, vector<16x128xf32>, vector<1000x128xf32> -> vector<1000x128xf32>
    %add3A_1014 = arith.addf %add3A_1006, %dot_general3A_1013 : vector<1000x128xf32>
    %get3A_1015 = arith.constant 2 : index
    %get3A_1016 = arith.constant 0 : index
    %get3A_1017 = arith.constant 0 : index
    %get3A_1018 = vector.load %arg10[%get3A_1015, %get3A_1016, %get3A_1017] : memref<7x16x128xf32, #tpu.memory_space<vmem>>, vector<1x16x128xf32>
    %get3A_1019 = vector.shape_cast %get3A_1018 : vector<1x16x128xf32> to vector<16x128xf32>
    %dot_general3A_1020 = arith.constant dense<0.000000e+00> : vector<1000x128xf32>
    %dot_general3A_1021 = tpu.matmul %add3A_938, %get3A_1019, %dot_general3A_1020 {dimension_numbers = #tpu.dot_dimension_numbers<[1], [0], [0], [1], [0, 0, 1, 1], [], []>, precision = #tpu.contract_precision<fp32>, transpose_lhs_hint = false} : vector<1000x16xf32>, vector<16x128xf32>, vector<1000x128xf32> -> vector<1000x128xf32>
    %add3A_1022 = arith.addf %add3A_1014, %dot_general3A_1021 : vector<1000x128xf32>
    %get3A_1023 = arith.constant 3 : index
    %get3A_1024 = arith.constant 0 : index
    %get3A_1025 = arith.constant 0 : index
    %get3A_1026 = vector.load %arg10[%get3A_1023, %get3A_1024, %get3A_1025] : memref<7x16x128xf32, #tpu.memory_space<vmem>>, vector<1x16x128xf32>
    %get3A_1027 = vector.shape_cast %get3A_1026 : vector<1x16x128xf32> to vector<16x128xf32>
    %dot_general3A_1028 = arith.constant dense<0.000000e+00> : vector<1000x128xf32>
    %dot_general3A_1029 = tpu.matmul %add3A_953, %get3A_1027, %dot_general3A_1028 {dimension_numbers = #tpu.dot_dimension_numbers<[1], [0], [0], [1], [0, 0, 1, 1], [], []>, precision = #tpu.contract_precision<fp32>, transpose_lhs_hint = false} : vector<1000x16xf32>, vector<16x128xf32>, vector<1000x128xf32> -> vector<1000x128xf32>
    %add3A_1030 = arith.addf %add3A_1022, %dot_general3A_1029 : vector<1000x128xf32>
    %get3A_1031 = arith.constant 4 : index
    %get3A_1032 = arith.constant 0 : index
    %get3A_1033 = arith.constant 0 : index
    %get3A_1034 = vector.load %arg10[%get3A_1031, %get3A_1032, %get3A_1033] : memref<7x16x128xf32, #tpu.memory_space<vmem>>, vector<1x16x128xf32>
    %get3A_1035 = vector.shape_cast %get3A_1034 : vector<1x16x128xf32> to vector<16x128xf32>
    %dot_general3A_1036 = arith.constant dense<0.000000e+00> : vector<1000x128xf32>
    %dot_general3A_1037 = tpu.matmul %add3A_968, %get3A_1035, %dot_general3A_1036 {dimension_numbers = #tpu.dot_dimension_numbers<[1], [0], [0], [1], [0, 0, 1, 1], [], []>, precision = #tpu.contract_precision<fp32>, transpose_lhs_hint = false} : vector<1000x16xf32>, vector<16x128xf32>, vector<1000x128xf32> -> vector<1000x128xf32>
    %add3A_1038 = arith.addf %add3A_1030, %dot_general3A_1037 : vector<1000x128xf32>
    %get3A_1039 = arith.constant 5 : index
    %get3A_1040 = arith.constant 0 : index
    %get3A_1041 = arith.constant 0 : index
    %get3A_1042 = vector.load %arg10[%get3A_1039, %get3A_1040, %get3A_1041] : memref<7x16x128xf32, #tpu.memory_space<vmem>>, vector<1x16x128xf32>
    %get3A_1043 = vector.shape_cast %get3A_1042 : vector<1x16x128xf32> to vector<16x128xf32>
    %dot_general3A_1044 = arith.constant dense<0.000000e+00> : vector<1000x128xf32>
    %dot_general3A_1045 = tpu.matmul %add3A_983, %get3A_1043, %dot_general3A_1044 {dimension_numbers = #tpu.dot_dimension_numbers<[1], [0], [0], [1], [0, 0, 1, 1], [], []>, precision = #tpu.contract_precision<fp32>, transpose_lhs_hint = false} : vector<1000x16xf32>, vector<16x128xf32>, vector<1000x128xf32> -> vector<1000x128xf32>
    %add3A_1046 = arith.addf %add3A_1038, %dot_general3A_1045 : vector<1000x128xf32>
    %get3A_1047 = arith.constant 6 : index
    %get3A_1048 = arith.constant 0 : index
    %get3A_1049 = arith.constant 0 : index
    %get3A_1050 = vector.load %arg10[%get3A_1047, %get3A_1048, %get3A_1049] : memref<7x16x128xf32, #tpu.memory_space<vmem>>, vector<1x16x128xf32>
    %get3A_1051 = vector.shape_cast %get3A_1050 : vector<1x16x128xf32> to vector<16x128xf32>
    %dot_general3A_1052 = arith.constant dense<0.000000e+00> : vector<1000x128xf32>
    %dot_general3A_1053 = tpu.matmul %add3A_998, %get3A_1051, %dot_general3A_1052 {dimension_numbers = #tpu.dot_dimension_numbers<[1], [0], [0], [1], [0, 0, 1, 1], [], []>, precision = #tpu.contract_precision<fp32>, transpose_lhs_hint = false} : vector<1000x16xf32>, vector<16x128xf32>, vector<1000x128xf32> -> vector<1000x128xf32>
    %add3A_1054 = arith.addf %add3A_1046, %dot_general3A_1053 : vector<1000x128xf32>
    %get3A_1055 = arith.constant 0 : index
    %get3A_1056 = arith.constant 0 : index
    %get3A_1057 = vector.load %arg4[%get3A_1055, %get3A_1056] : memref<1000x128xf32, #tpu.memory_space<vmem>>, vector<1000x128xf32>
    %get3A_1058 = arith.constant 0 : index
    %get3A_1059 = arith.constant 0 : index
    %get3A_1060 = vector.load %arg5[%get3A_1058, %get3A_1059] : memref<128x128xf32, #tpu.memory_space<vmem>>, vector<128x128xf32>
    %dot_general3A_1061 = arith.constant dense<0.000000e+00> : vector<1000x128xf32>
    %dot_general3A_1062 = tpu.matmul %get3A_1057, %get3A_1060, %dot_general3A_1061 {dimension_numbers = #tpu.dot_dimension_numbers<[1], [1], [0], [0], [0, 0, 1, 0], [], []>, precision = #tpu.contract_precision<fp32>, transpose_lhs_hint = false} : vector<1000x128xf32>, vector<128x128xf32>, vector<1000x128xf32> -> vector<1000x128xf32>
    %ge3A_1063 = arith.constant -2.000000e+00 : f32
    %ge3A_1064 = vector.broadcast %ge3A_1063 : f32 to vector<1000x128xf32>
    %ge3A_1065 = arith.cmpf oge, %get3A_1057, %ge3A_1064 : vector<1000x128xf32>
    %lt3A_1066 = arith.constant -1.000000e+00 : f32
    %lt3A_1067 = vector.broadcast %lt3A_1066 : f32 to vector<1000x128xf32>
    %lt3A_1068 = arith.cmpf olt, %get3A_1057, %lt3A_1067 : vector<1000x128xf32>
    %and3A_1069 = arith.andi %ge3A_1065, %lt3A_1068 : vector<1000x128xi1>
    %convert_element_type3A_1070 = arith.extui %and3A_1069 : vector<1000x128xi1> to vector<1000x128xi32>
    %convert_element_type3A_1071 = arith.sitofp %convert_element_type3A_1070 : vector<1000x128xi32> to vector<1000x128xf32>
    %ge3A_1072 = arith.constant -1.000000e+00 : f32
    %ge3A_1073 = vector.broadcast %ge3A_1072 : f32 to vector<1000x128xf32>
    %ge3A_1074 = arith.cmpf oge, %get3A_1057, %ge3A_1073 : vector<1000x128xf32>
    %lt3A_1075 = arith.constant 0.000000e+00 : f32
    %lt3A_1076 = vector.broadcast %lt3A_1075 : f32 to vector<1000x128xf32>
    %lt3A_1077 = arith.cmpf olt, %get3A_1057, %lt3A_1076 : vector<1000x128xf32>
    %and3A_1078 = arith.andi %ge3A_1074, %lt3A_1077 : vector<1000x128xi1>
    %convert_element_type3A_1079 = arith.extui %and3A_1078 : vector<1000x128xi1> to vector<1000x128xi32>
    %convert_element_type3A_1080 = arith.sitofp %convert_element_type3A_1079 : vector<1000x128xi32> to vector<1000x128xf32>
    %ge3A_1081 = arith.constant 0.000000e+00 : f32
    %ge3A_1082 = vector.broadcast %ge3A_1081 : f32 to vector<1000x128xf32>
    %ge3A_1083 = arith.cmpf oge, %get3A_1057, %ge3A_1082 : vector<1000x128xf32>
    %lt3A_1084 = arith.constant 1.000000e+00 : f32
    %lt3A_1085 = vector.broadcast %lt3A_1084 : f32 to vector<1000x128xf32>
    %lt3A_1086 = arith.cmpf olt, %get3A_1057, %lt3A_1085 : vector<1000x128xf32>
    %and3A_1087 = arith.andi %ge3A_1083, %lt3A_1086 : vector<1000x128xi1>
    %convert_element_type3A_1088 = arith.extui %and3A_1087 : vector<1000x128xi1> to vector<1000x128xi32>
    %convert_element_type3A_1089 = arith.sitofp %convert_element_type3A_1088 : vector<1000x128xi32> to vector<1000x128xf32>
    %ge3A_1090 = arith.constant 1.000000e+00 : f32
    %ge3A_1091 = vector.broadcast %ge3A_1090 : f32 to vector<1000x128xf32>
    %ge3A_1092 = arith.cmpf oge, %get3A_1057, %ge3A_1091 : vector<1000x128xf32>
    %lt3A_1093 = arith.constant 2.000000e+00 : f32
    %lt3A_1094 = vector.broadcast %lt3A_1093 : f32 to vector<1000x128xf32>
    %lt3A_1095 = arith.cmpf olt, %get3A_1057, %lt3A_1094 : vector<1000x128xf32>
    %and3A_1096 = arith.andi %ge3A_1092, %lt3A_1095 : vector<1000x128xi1>
    %convert_element_type3A_1097 = arith.extui %and3A_1096 : vector<1000x128xi1> to vector<1000x128xi32>
    %convert_element_type3A_1098 = arith.sitofp %convert_element_type3A_1097 : vector<1000x128xi32> to vector<1000x128xf32>
    %sub3A_1099 = arith.constant -2.000000e+00 : f32
    %sub3A_1100 = vector.broadcast %sub3A_1099 : f32 to vector<1000x128xf32>
    %sub3A_1101 = arith.subf %get3A_1057, %sub3A_1100 : vector<1000x128xf32>
    %div3A_1102 = arith.constant 1.000000e+00 : f32
    %div3A_1103 = vector.broadcast %div3A_1102 : f32 to vector<1000x128xf32>
    %div3A_1104 = arith.divf %sub3A_1101, %div3A_1103 : vector<1000x128xf32>
    %mul3A_1105 = arith.mulf %div3A_1104, %convert_element_type3A_1071 : vector<1000x128xf32>
    %sub3A_1106 = arith.constant 0.000000e+00 : f32
    %sub3A_1107 = vector.broadcast %sub3A_1106 : f32 to vector<1000x128xf32>
    %sub3A_1108 = arith.subf %sub3A_1107, %get3A_1057 : vector<1000x128xf32>
    %div3A_1109 = arith.constant 1.000000e+00 : f32
    %div3A_1110 = vector.broadcast %div3A_1109 : f32 to vector<1000x128xf32>
    %div3A_1111 = arith.divf %sub3A_1108, %div3A_1110 : vector<1000x128xf32>
    %mul3A_1112 = arith.mulf %div3A_1111, %convert_element_type3A_1080 : vector<1000x128xf32>
    %add3A_1113 = arith.addf %mul3A_1105, %mul3A_1112 : vector<1000x128xf32>
    %sub3A_1114 = arith.constant -1.000000e+00 : f32
    %sub3A_1115 = vector.broadcast %sub3A_1114 : f32 to vector<1000x128xf32>
    %sub3A_1116 = arith.subf %get3A_1057, %sub3A_1115 : vector<1000x128xf32>
    %div3A_1117 = arith.constant 1.000000e+00 : f32
    %div3A_1118 = vector.broadcast %div3A_1117 : f32 to vector<1000x128xf32>
    %div3A_1119 = arith.divf %sub3A_1116, %div3A_1118 : vector<1000x128xf32>
    %mul3A_1120 = arith.mulf %div3A_1119, %convert_element_type3A_1080 : vector<1000x128xf32>
    %sub3A_1121 = arith.constant 1.000000e+00 : f32
    %sub3A_1122 = vector.broadcast %sub3A_1121 : f32 to vector<1000x128xf32>
    %sub3A_1123 = arith.subf %sub3A_1122, %get3A_1057 : vector<1000x128xf32>
    %div3A_1124 = arith.constant 1.000000e+00 : f32
    %div3A_1125 = vector.broadcast %div3A_1124 : f32 to vector<1000x128xf32>
    %div3A_1126 = arith.divf %sub3A_1123, %div3A_1125 : vector<1000x128xf32>
    %mul3A_1127 = arith.mulf %div3A_1126, %convert_element_type3A_1089 : vector<1000x128xf32>
    %add3A_1128 = arith.addf %mul3A_1120, %mul3A_1127 : vector<1000x128xf32>
    %sub3A_1129 = arith.constant 0.000000e+00 : f32
    %sub3A_1130 = vector.broadcast %sub3A_1129 : f32 to vector<1000x128xf32>
    %sub3A_1131 = arith.subf %get3A_1057, %sub3A_1130 : vector<1000x128xf32>
    %div3A_1132 = arith.constant 1.000000e+00 : f32
    %div3A_1133 = vector.broadcast %div3A_1132 : f32 to vector<1000x128xf32>
    %div3A_1134 = arith.divf %sub3A_1131, %div3A_1133 : vector<1000x128xf32>
    %mul3A_1135 = arith.mulf %div3A_1134, %convert_element_type3A_1089 : vector<1000x128xf32>
    %sub3A_1136 = arith.constant 2.000000e+00 : f32
    %sub3A_1137 = vector.broadcast %sub3A_1136 : f32 to vector<1000x128xf32>
    %sub3A_1138 = arith.subf %sub3A_1137, %get3A_1057 : vector<1000x128xf32>
    %div3A_1139 = arith.constant 1.000000e+00 : f32
    %div3A_1140 = vector.broadcast %div3A_1139 : f32 to vector<1000x128xf32>
    %div3A_1141 = arith.divf %sub3A_1138, %div3A_1140 : vector<1000x128xf32>
    %mul3A_1142 = arith.mulf %div3A_1141, %convert_element_type3A_1098 : vector<1000x128xf32>
    %add3A_1143 = arith.addf %mul3A_1135, %mul3A_1142 : vector<1000x128xf32>
    %get3A_1144 = arith.constant 0 : index
    %get3A_1145 = arith.constant 0 : index
    %get3A_1146 = arith.constant 0 : index
    %get3A_1147 = vector.load %arg6[%get3A_1144, %get3A_1145, %get3A_1146] : memref<3x128x128xf32, #tpu.memory_space<vmem>>, vector<1x128x128xf32>
    %get3A_1148 = vector.shape_cast %get3A_1147 : vector<1x128x128xf32> to vector<128x128xf32>
    %dot_general3A_1149 = arith.constant dense<0.000000e+00> : vector<1000x128xf32>
    %dot_general3A_1150 = tpu.matmul %add3A_1113, %get3A_1148, %dot_general3A_1149 {dimension_numbers = #tpu.dot_dimension_numbers<[1], [1], [0], [0], [0, 0, 1, 0], [], []>, precision = #tpu.contract_precision<fp32>, transpose_lhs_hint = false} : vector<1000x128xf32>, vector<128x128xf32>, vector<1000x128xf32> -> vector<1000x128xf32>
    %add3A_1151 = arith.addf %dot_general3A_1062, %dot_general3A_1150 : vector<1000x128xf32>
    %get3A_1152 = arith.constant 1 : index
    %get3A_1153 = arith.constant 0 : index
    %get3A_1154 = arith.constant 0 : index
    %get3A_1155 = vector.load %arg6[%get3A_1152, %get3A_1153, %get3A_1154] : memref<3x128x128xf32, #tpu.memory_space<vmem>>, vector<1x128x128xf32>
    %get3A_1156 = vector.shape_cast %get3A_1155 : vector<1x128x128xf32> to vector<128x128xf32>
    %dot_general3A_1157 = arith.constant dense<0.000000e+00> : vector<1000x128xf32>
    %dot_general3A_1158 = tpu.matmul %add3A_1128, %get3A_1156, %dot_general3A_1157 {dimension_numbers = #tpu.dot_dimension_numbers<[1], [1], [0], [0], [0, 0, 1, 0], [], []>, precision = #tpu.contract_precision<fp32>, transpose_lhs_hint = false} : vector<1000x128xf32>, vector<128x128xf32>, vector<1000x128xf32> -> vector<1000x128xf32>
    %add3A_1159 = arith.addf %add3A_1151, %dot_general3A_1158 : vector<1000x128xf32>
    %get3A_1160 = arith.constant 2 : index
    %get3A_1161 = arith.constant 0 : index
    %get3A_1162 = arith.constant 0 : index
    %get3A_1163 = vector.load %arg6[%get3A_1160, %get3A_1161, %get3A_1162] : memref<3x128x128xf32, #tpu.memory_space<vmem>>, vector<1x128x128xf32>
    %get3A_1164 = vector.shape_cast %get3A_1163 : vector<1x128x128xf32> to vector<128x128xf32>
    %dot_general3A_1165 = arith.constant dense<0.000000e+00> : vector<1000x128xf32>
    %dot_general3A_1166 = tpu.matmul %add3A_1143, %get3A_1164, %dot_general3A_1165 {dimension_numbers = #tpu.dot_dimension_numbers<[1], [1], [0], [0], [0, 0, 1, 0], [], []>, precision = #tpu.contract_precision<fp32>, transpose_lhs_hint = false} : vector<1000x128xf32>, vector<128x128xf32>, vector<1000x128xf32> -> vector<1000x128xf32>
    %add3A_1167 = arith.addf %add3A_1159, %dot_general3A_1166 : vector<1000x128xf32>
    %add3A_1168 = arith.addf %get3A_1, %add3A_1054 : vector<1000x128xf32>
    %reduce_sum3A = arith.constant dense<0.000000e+00> : vector<1000xf32>
    %reduce_sum3A_1169 = vector.multi_reduction <add>, %add3A_1168, %reduce_sum3A [1] : vector<1000x128xf32> to vector<1000xf32>
    %broadcast_in_dim3A = vector.shape_cast %reduce_sum3A_1169 : vector<1000xf32> to vector<1000x1xf32>
    %div3A_1170 = arith.constant 1.280000e+02 : f32
    %div3A_1171 = vector.broadcast %div3A_1170 : f32 to vector<1000x1xf32>
    %div3A_1172 = arith.divf %broadcast_in_dim3A, %div3A_1171 : vector<1000x1xf32>
    %sub3A_1173 = vector.broadcast %div3A_1172 : vector<1000x1xf32> to vector<1000x128xf32>
    %sub3A_1174 = arith.subf %add3A_1168, %sub3A_1173 : vector<1000x128xf32>
    %mul3A_1175 = arith.mulf %sub3A_1174, %sub3A_1174 : vector<1000x128xf32>
    %reduce_sum3A_1176 = arith.constant dense<0.000000e+00> : vector<1000xf32>
    %reduce_sum3A_1177 = vector.multi_reduction <add>, %mul3A_1175, %reduce_sum3A_1176 [1] : vector<1000x128xf32> to vector<1000xf32>
    %broadcast_in_dim3A_1178 = vector.shape_cast %reduce_sum3A_1177 : vector<1000xf32> to vector<1000x1xf32>
    %div3A_1179 = arith.constant 1.280000e+02 : f32
    %div3A_1180 = vector.broadcast %div3A_1179 : f32 to vector<1000x1xf32>
    %div3A_1181 = arith.divf %broadcast_in_dim3A_1178, %div3A_1180 : vector<1000x1xf32>
    %add3A_1182 = arith.constant 9.99999974E-6 : f32
    %add3A_1183 = vector.broadcast %add3A_1182 : f32 to vector<1000x1xf32>
    %add3A_1184 = arith.addf %div3A_1181, %add3A_1183 : vector<1000x1xf32>
    %sqrt3A = math.sqrt %add3A_1184 : vector<1000x1xf32>
    %div3A_1185 = vector.broadcast %sqrt3A : vector<1000x1xf32> to vector<1000x128xf32>
    %div3A_1186 = arith.divf %sub3A_1174, %div3A_1185 : vector<1000x128xf32>
    %add3A_1187 = arith.addf %get3A_1, %add3A_1167 : vector<1000x128xf32>
    %reduce_sum3A_1188 = arith.constant dense<0.000000e+00> : vector<1000xf32>
    %reduce_sum3A_1189 = vector.multi_reduction <add>, %add3A_1187, %reduce_sum3A_1188 [1] : vector<1000x128xf32> to vector<1000xf32>
    %broadcast_in_dim3A_1190 = vector.shape_cast %reduce_sum3A_1189 : vector<1000xf32> to vector<1000x1xf32>
    %div3A_1191 = arith.constant 1.280000e+02 : f32
    %div3A_1192 = vector.broadcast %div3A_1191 : f32 to vector<1000x1xf32>
    %div3A_1193 = arith.divf %broadcast_in_dim3A_1190, %div3A_1192 : vector<1000x1xf32>
    %sub3A_1194 = vector.broadcast %div3A_1193 : vector<1000x1xf32> to vector<1000x128xf32>
    %sub3A_1195 = arith.subf %add3A_1187, %sub3A_1194 : vector<1000x128xf32>
    %mul3A_1196 = arith.mulf %sub3A_1195, %sub3A_1195 : vector<1000x128xf32>
    %reduce_sum3A_1197 = arith.constant dense<0.000000e+00> : vector<1000xf32>
    %reduce_sum3A_1198 = vector.multi_reduction <add>, %mul3A_1196, %reduce_sum3A_1197 [1] : vector<1000x128xf32> to vector<1000xf32>
    %broadcast_in_dim3A_1199 = vector.shape_cast %reduce_sum3A_1198 : vector<1000xf32> to vector<1000x1xf32>
    %div3A_1200 = arith.constant 1.280000e+02 : f32
    %div3A_1201 = vector.broadcast %div3A_1200 : f32 to vector<1000x1xf32>
    %div3A_1202 = arith.divf %broadcast_in_dim3A_1199, %div3A_1201 : vector<1000x1xf32>
    %add3A_1203 = arith.constant 9.99999974E-6 : f32
    %add3A_1204 = vector.broadcast %add3A_1203 : f32 to vector<1000x1xf32>
    %add3A_1205 = arith.addf %div3A_1202, %add3A_1204 : vector<1000x1xf32>
    %sqrt3A_1206 = math.sqrt %add3A_1205 : vector<1000x1xf32>
    %div3A_1207 = vector.broadcast %sqrt3A_1206 : vector<1000x1xf32> to vector<1000x128xf32>
    %div3A_1208 = arith.divf %sub3A_1195, %div3A_1207 : vector<1000x128xf32>
    %add3A_1209 = arith.addf %div3A_1186, %div3A_1208 : vector<1000x128xf32>
    %neg3A_1210 = arith.constant 0.000000e+00 : f32
    %neg3A_1211 = vector.broadcast %neg3A_1210 : f32 to vector<1000x128xf32>
    %neg3A_1212 = arith.subf %neg3A_1211, %add3A_1209 : vector<1000x128xf32>
    %exp3A_1213 = math.exp %neg3A_1212 : vector<1000x128xf32>
    %add3A_1214 = arith.constant 1.000000e+00 : f32
    %add3A_1215 = vector.broadcast %add3A_1214 : f32 to vector<1000x128xf32>
    %add3A_1216 = arith.addf %add3A_1215, %exp3A_1213 : vector<1000x128xf32>
    %div3A_1217 = arith.constant 1.000000e+00 : f32
    %div3A_1218 = vector.broadcast %div3A_1217 : f32 to vector<1000x128xf32>
    %div3A_1219 = arith.divf %div3A_1218, %add3A_1216 : vector<1000x128xf32>
    %mul3A_1220 = arith.mulf %add3A_1209, %div3A_1219 : vector<1000x128xf32>
    %get3A_1221 = arith.constant 0 : index
    %get3A_1222 = arith.constant 0 : index
    %get3A_1223 = vector.load %arg11[%get3A_1221, %get3A_1222] : memref<16x128xf32, #tpu.memory_space<vmem>>, vector<16x128xf32>
    %dot_general3A_1224 = arith.constant dense<0.000000e+00> : vector<1000x16xf32>
    %dot_general3A_1225 = tpu.matmul %mul3A_1220, %get3A_1223, %dot_general3A_1224 {dimension_numbers = #tpu.dot_dimension_numbers<[1], [1], [0], [0], [0, 0, 1, 0], [], []>, precision = #tpu.contract_precision<fp32>, transpose_lhs_hint = false} : vector<1000x128xf32>, vector<16x128xf32>, vector<1000x16xf32> -> vector<1000x16xf32>
    %ge3A_1226 = arith.constant -2.500000e+00 : f32
    %ge3A_1227 = vector.broadcast %ge3A_1226 : f32 to vector<1000x128xf32>
    %ge3A_1228 = arith.cmpf oge, %add3A_1209, %ge3A_1227 : vector<1000x128xf32>
    %lt3A_1229 = arith.constant -2.000000e+00 : f32
    %lt3A_1230 = vector.broadcast %lt3A_1229 : f32 to vector<1000x128xf32>
    %lt3A_1231 = arith.cmpf olt, %add3A_1209, %lt3A_1230 : vector<1000x128xf32>
    %and3A_1232 = arith.andi %ge3A_1228, %lt3A_1231 : vector<1000x128xi1>
    %convert_element_type3A_1233 = arith.extui %and3A_1232 : vector<1000x128xi1> to vector<1000x128xi32>
    %convert_element_type3A_1234 = arith.sitofp %convert_element_type3A_1233 : vector<1000x128xi32> to vector<1000x128xf32>
    %ge3A_1235 = arith.constant -2.000000e+00 : f32
    %ge3A_1236 = vector.broadcast %ge3A_1235 : f32 to vector<1000x128xf32>
    %ge3A_1237 = arith.cmpf oge, %add3A_1209, %ge3A_1236 : vector<1000x128xf32>
    %lt3A_1238 = arith.constant -1.500000e+00 : f32
    %lt3A_1239 = vector.broadcast %lt3A_1238 : f32 to vector<1000x128xf32>
    %lt3A_1240 = arith.cmpf olt, %add3A_1209, %lt3A_1239 : vector<1000x128xf32>
    %and3A_1241 = arith.andi %ge3A_1237, %lt3A_1240 : vector<1000x128xi1>
    %convert_element_type3A_1242 = arith.extui %and3A_1241 : vector<1000x128xi1> to vector<1000x128xi32>
    %convert_element_type3A_1243 = arith.sitofp %convert_element_type3A_1242 : vector<1000x128xi32> to vector<1000x128xf32>
    %ge3A_1244 = arith.constant -1.500000e+00 : f32
    %ge3A_1245 = vector.broadcast %ge3A_1244 : f32 to vector<1000x128xf32>
    %ge3A_1246 = arith.cmpf oge, %add3A_1209, %ge3A_1245 : vector<1000x128xf32>
    %lt3A_1247 = arith.constant -1.000000e+00 : f32
    %lt3A_1248 = vector.broadcast %lt3A_1247 : f32 to vector<1000x128xf32>
    %lt3A_1249 = arith.cmpf olt, %add3A_1209, %lt3A_1248 : vector<1000x128xf32>
    %and3A_1250 = arith.andi %ge3A_1246, %lt3A_1249 : vector<1000x128xi1>
    %convert_element_type3A_1251 = arith.extui %and3A_1250 : vector<1000x128xi1> to vector<1000x128xi32>
    %convert_element_type3A_1252 = arith.sitofp %convert_element_type3A_1251 : vector<1000x128xi32> to vector<1000x128xf32>
    %ge3A_1253 = arith.constant -1.000000e+00 : f32
    %ge3A_1254 = vector.broadcast %ge3A_1253 : f32 to vector<1000x128xf32>
    %ge3A_1255 = arith.cmpf oge, %add3A_1209, %ge3A_1254 : vector<1000x128xf32>
    %lt3A_1256 = arith.constant -5.000000e-01 : f32
    %lt3A_1257 = vector.broadcast %lt3A_1256 : f32 to vector<1000x128xf32>
    %lt3A_1258 = arith.cmpf olt, %add3A_1209, %lt3A_1257 : vector<1000x128xf32>
    %and3A_1259 = arith.andi %ge3A_1255, %lt3A_1258 : vector<1000x128xi1>
    %convert_element_type3A_1260 = arith.extui %and3A_1259 : vector<1000x128xi1> to vector<1000x128xi32>
    %convert_element_type3A_1261 = arith.sitofp %convert_element_type3A_1260 : vector<1000x128xi32> to vector<1000x128xf32>
    %ge3A_1262 = arith.constant -5.000000e-01 : f32
    %ge3A_1263 = vector.broadcast %ge3A_1262 : f32 to vector<1000x128xf32>
    %ge3A_1264 = arith.cmpf oge, %add3A_1209, %ge3A_1263 : vector<1000x128xf32>
    %lt3A_1265 = arith.constant 0.000000e+00 : f32
    %lt3A_1266 = vector.broadcast %lt3A_1265 : f32 to vector<1000x128xf32>
    %lt3A_1267 = arith.cmpf olt, %add3A_1209, %lt3A_1266 : vector<1000x128xf32>
    %and3A_1268 = arith.andi %ge3A_1264, %lt3A_1267 : vector<1000x128xi1>
    %convert_element_type3A_1269 = arith.extui %and3A_1268 : vector<1000x128xi1> to vector<1000x128xi32>
    %convert_element_type3A_1270 = arith.sitofp %convert_element_type3A_1269 : vector<1000x128xi32> to vector<1000x128xf32>
    %ge3A_1271 = arith.constant 0.000000e+00 : f32
    %ge3A_1272 = vector.broadcast %ge3A_1271 : f32 to vector<1000x128xf32>
    %ge3A_1273 = arith.cmpf oge, %add3A_1209, %ge3A_1272 : vector<1000x128xf32>
    %lt3A_1274 = arith.constant 5.000000e-01 : f32
    %lt3A_1275 = vector.broadcast %lt3A_1274 : f32 to vector<1000x128xf32>
    %lt3A_1276 = arith.cmpf olt, %add3A_1209, %lt3A_1275 : vector<1000x128xf32>
    %and3A_1277 = arith.andi %ge3A_1273, %lt3A_1276 : vector<1000x128xi1>
    %convert_element_type3A_1278 = arith.extui %and3A_1277 : vector<1000x128xi1> to vector<1000x128xi32>
    %convert_element_type3A_1279 = arith.sitofp %convert_element_type3A_1278 : vector<1000x128xi32> to vector<1000x128xf32>
    %ge3A_1280 = arith.constant 5.000000e-01 : f32
    %ge3A_1281 = vector.broadcast %ge3A_1280 : f32 to vector<1000x128xf32>
    %ge3A_1282 = arith.cmpf oge, %add3A_1209, %ge3A_1281 : vector<1000x128xf32>
    %lt3A_1283 = arith.constant 1.000000e+00 : f32
    %lt3A_1284 = vector.broadcast %lt3A_1283 : f32 to vector<1000x128xf32>
    %lt3A_1285 = arith.cmpf olt, %add3A_1209, %lt3A_1284 : vector<1000x128xf32>
    %and3A_1286 = arith.andi %ge3A_1282, %lt3A_1285 : vector<1000x128xi1>
    %convert_element_type3A_1287 = arith.extui %and3A_1286 : vector<1000x128xi1> to vector<1000x128xi32>
    %convert_element_type3A_1288 = arith.sitofp %convert_element_type3A_1287 : vector<1000x128xi32> to vector<1000x128xf32>
    %ge3A_1289 = arith.constant 1.000000e+00 : f32
    %ge3A_1290 = vector.broadcast %ge3A_1289 : f32 to vector<1000x128xf32>
    %ge3A_1291 = arith.cmpf oge, %add3A_1209, %ge3A_1290 : vector<1000x128xf32>
    %lt3A_1292 = arith.constant 1.500000e+00 : f32
    %lt3A_1293 = vector.broadcast %lt3A_1292 : f32 to vector<1000x128xf32>
    %lt3A_1294 = arith.cmpf olt, %add3A_1209, %lt3A_1293 : vector<1000x128xf32>
    %and3A_1295 = arith.andi %ge3A_1291, %lt3A_1294 : vector<1000x128xi1>
    %convert_element_type3A_1296 = arith.extui %and3A_1295 : vector<1000x128xi1> to vector<1000x128xi32>
    %convert_element_type3A_1297 = arith.sitofp %convert_element_type3A_1296 : vector<1000x128xi32> to vector<1000x128xf32>
    %ge3A_1298 = arith.constant 1.500000e+00 : f32
    %ge3A_1299 = vector.broadcast %ge3A_1298 : f32 to vector<1000x128xf32>
    %ge3A_1300 = arith.cmpf oge, %add3A_1209, %ge3A_1299 : vector<1000x128xf32>
    %lt3A_1301 = arith.constant 2.000000e+00 : f32
    %lt3A_1302 = vector.broadcast %lt3A_1301 : f32 to vector<1000x128xf32>
    %lt3A_1303 = arith.cmpf olt, %add3A_1209, %lt3A_1302 : vector<1000x128xf32>
    %and3A_1304 = arith.andi %ge3A_1300, %lt3A_1303 : vector<1000x128xi1>
    %convert_element_type3A_1305 = arith.extui %and3A_1304 : vector<1000x128xi1> to vector<1000x128xi32>
    %convert_element_type3A_1306 = arith.sitofp %convert_element_type3A_1305 : vector<1000x128xi32> to vector<1000x128xf32>
    %ge3A_1307 = arith.constant 2.000000e+00 : f32
    %ge3A_1308 = vector.broadcast %ge3A_1307 : f32 to vector<1000x128xf32>
    %ge3A_1309 = arith.cmpf oge, %add3A_1209, %ge3A_1308 : vector<1000x128xf32>
    %lt3A_1310 = arith.constant 2.500000e+00 : f32
    %lt3A_1311 = vector.broadcast %lt3A_1310 : f32 to vector<1000x128xf32>
    %lt3A_1312 = arith.cmpf olt, %add3A_1209, %lt3A_1311 : vector<1000x128xf32>
    %and3A_1313 = arith.andi %ge3A_1309, %lt3A_1312 : vector<1000x128xi1>
    %convert_element_type3A_1314 = arith.extui %and3A_1313 : vector<1000x128xi1> to vector<1000x128xi32>
    %convert_element_type3A_1315 = arith.sitofp %convert_element_type3A_1314 : vector<1000x128xi32> to vector<1000x128xf32>
    %sub3A_1316 = arith.constant -2.500000e+00 : f32
    %sub3A_1317 = vector.broadcast %sub3A_1316 : f32 to vector<1000x128xf32>
    %sub3A_1318 = arith.subf %add3A_1209, %sub3A_1317 : vector<1000x128xf32>
    %div3A_1319 = arith.constant 5.000000e-01 : f32
    %div3A_1320 = vector.broadcast %div3A_1319 : f32 to vector<1000x128xf32>
    %div3A_1321 = arith.divf %sub3A_1318, %div3A_1320 : vector<1000x128xf32>
    %mul3A_1322 = arith.mulf %div3A_1321, %convert_element_type3A_1234 : vector<1000x128xf32>
    %sub3A_1323 = arith.constant -1.500000e+00 : f32
    %sub3A_1324 = vector.broadcast %sub3A_1323 : f32 to vector<1000x128xf32>
    %sub3A_1325 = arith.subf %sub3A_1324, %add3A_1209 : vector<1000x128xf32>
    %div3A_1326 = arith.constant 5.000000e-01 : f32
    %div3A_1327 = vector.broadcast %div3A_1326 : f32 to vector<1000x128xf32>
    %div3A_1328 = arith.divf %sub3A_1325, %div3A_1327 : vector<1000x128xf32>
    %mul3A_1329 = arith.mulf %div3A_1328, %convert_element_type3A_1243 : vector<1000x128xf32>
    %add3A_1330 = arith.addf %mul3A_1322, %mul3A_1329 : vector<1000x128xf32>
    %sub3A_1331 = arith.constant -2.000000e+00 : f32
    %sub3A_1332 = vector.broadcast %sub3A_1331 : f32 to vector<1000x128xf32>
    %sub3A_1333 = arith.subf %add3A_1209, %sub3A_1332 : vector<1000x128xf32>
    %div3A_1334 = arith.constant 5.000000e-01 : f32
    %div3A_1335 = vector.broadcast %div3A_1334 : f32 to vector<1000x128xf32>
    %div3A_1336 = arith.divf %sub3A_1333, %div3A_1335 : vector<1000x128xf32>
    %mul3A_1337 = arith.mulf %div3A_1336, %convert_element_type3A_1243 : vector<1000x128xf32>
    %sub3A_1338 = arith.constant -1.000000e+00 : f32
    %sub3A_1339 = vector.broadcast %sub3A_1338 : f32 to vector<1000x128xf32>
    %sub3A_1340 = arith.subf %sub3A_1339, %add3A_1209 : vector<1000x128xf32>
    %div3A_1341 = arith.constant 5.000000e-01 : f32
    %div3A_1342 = vector.broadcast %div3A_1341 : f32 to vector<1000x128xf32>
    %div3A_1343 = arith.divf %sub3A_1340, %div3A_1342 : vector<1000x128xf32>
    %mul3A_1344 = arith.mulf %div3A_1343, %convert_element_type3A_1252 : vector<1000x128xf32>
    %add3A_1345 = arith.addf %mul3A_1337, %mul3A_1344 : vector<1000x128xf32>
    %sub3A_1346 = arith.constant -1.500000e+00 : f32
    %sub3A_1347 = vector.broadcast %sub3A_1346 : f32 to vector<1000x128xf32>
    %sub3A_1348 = arith.subf %add3A_1209, %sub3A_1347 : vector<1000x128xf32>
    %div3A_1349 = arith.constant 5.000000e-01 : f32
    %div3A_1350 = vector.broadcast %div3A_1349 : f32 to vector<1000x128xf32>
    %div3A_1351 = arith.divf %sub3A_1348, %div3A_1350 : vector<1000x128xf32>
    %mul3A_1352 = arith.mulf %div3A_1351, %convert_element_type3A_1252 : vector<1000x128xf32>
    %sub3A_1353 = arith.constant -5.000000e-01 : f32
    %sub3A_1354 = vector.broadcast %sub3A_1353 : f32 to vector<1000x128xf32>
    %sub3A_1355 = arith.subf %sub3A_1354, %add3A_1209 : vector<1000x128xf32>
    %div3A_1356 = arith.constant 5.000000e-01 : f32
    %div3A_1357 = vector.broadcast %div3A_1356 : f32 to vector<1000x128xf32>
    %div3A_1358 = arith.divf %sub3A_1355, %div3A_1357 : vector<1000x128xf32>
    %mul3A_1359 = arith.mulf %div3A_1358, %convert_element_type3A_1261 : vector<1000x128xf32>
    %add3A_1360 = arith.addf %mul3A_1352, %mul3A_1359 : vector<1000x128xf32>
    %sub3A_1361 = arith.constant -1.000000e+00 : f32
    %sub3A_1362 = vector.broadcast %sub3A_1361 : f32 to vector<1000x128xf32>
    %sub3A_1363 = arith.subf %add3A_1209, %sub3A_1362 : vector<1000x128xf32>
    %div3A_1364 = arith.constant 5.000000e-01 : f32
    %div3A_1365 = vector.broadcast %div3A_1364 : f32 to vector<1000x128xf32>
    %div3A_1366 = arith.divf %sub3A_1363, %div3A_1365 : vector<1000x128xf32>
    %mul3A_1367 = arith.mulf %div3A_1366, %convert_element_type3A_1261 : vector<1000x128xf32>
    %sub3A_1368 = arith.constant 0.000000e+00 : f32
    %sub3A_1369 = vector.broadcast %sub3A_1368 : f32 to vector<1000x128xf32>
    %sub3A_1370 = arith.subf %sub3A_1369, %add3A_1209 : vector<1000x128xf32>
    %div3A_1371 = arith.constant 5.000000e-01 : f32
    %div3A_1372 = vector.broadcast %div3A_1371 : f32 to vector<1000x128xf32>
    %div3A_1373 = arith.divf %sub3A_1370, %div3A_1372 : vector<1000x128xf32>
    %mul3A_1374 = arith.mulf %div3A_1373, %convert_element_type3A_1270 : vector<1000x128xf32>
    %add3A_1375 = arith.addf %mul3A_1367, %mul3A_1374 : vector<1000x128xf32>
    %sub3A_1376 = arith.constant -5.000000e-01 : f32
    %sub3A_1377 = vector.broadcast %sub3A_1376 : f32 to vector<1000x128xf32>
    %sub3A_1378 = arith.subf %add3A_1209, %sub3A_1377 : vector<1000x128xf32>
    %div3A_1379 = arith.constant 5.000000e-01 : f32
    %div3A_1380 = vector.broadcast %div3A_1379 : f32 to vector<1000x128xf32>
    %div3A_1381 = arith.divf %sub3A_1378, %div3A_1380 : vector<1000x128xf32>
    %mul3A_1382 = arith.mulf %div3A_1381, %convert_element_type3A_1270 : vector<1000x128xf32>
    %sub3A_1383 = arith.constant 5.000000e-01 : f32
    %sub3A_1384 = vector.broadcast %sub3A_1383 : f32 to vector<1000x128xf32>
    %sub3A_1385 = arith.subf %sub3A_1384, %add3A_1209 : vector<1000x128xf32>
    %div3A_1386 = arith.constant 5.000000e-01 : f32
    %div3A_1387 = vector.broadcast %div3A_1386 : f32 to vector<1000x128xf32>
    %div3A_1388 = arith.divf %sub3A_1385, %div3A_1387 : vector<1000x128xf32>
    %mul3A_1389 = arith.mulf %div3A_1388, %convert_element_type3A_1279 : vector<1000x128xf32>
    %add3A_1390 = arith.addf %mul3A_1382, %mul3A_1389 : vector<1000x128xf32>
    %sub3A_1391 = arith.constant 0.000000e+00 : f32
    %sub3A_1392 = vector.broadcast %sub3A_1391 : f32 to vector<1000x128xf32>
    %sub3A_1393 = arith.subf %add3A_1209, %sub3A_1392 : vector<1000x128xf32>
    %div3A_1394 = arith.constant 5.000000e-01 : f32
    %div3A_1395 = vector.broadcast %div3A_1394 : f32 to vector<1000x128xf32>
    %div3A_1396 = arith.divf %sub3A_1393, %div3A_1395 : vector<1000x128xf32>
    %mul3A_1397 = arith.mulf %div3A_1396, %convert_element_type3A_1279 : vector<1000x128xf32>
    %sub3A_1398 = arith.constant 1.000000e+00 : f32
    %sub3A_1399 = vector.broadcast %sub3A_1398 : f32 to vector<1000x128xf32>
    %sub3A_1400 = arith.subf %sub3A_1399, %add3A_1209 : vector<1000x128xf32>
    %div3A_1401 = arith.constant 5.000000e-01 : f32
    %div3A_1402 = vector.broadcast %div3A_1401 : f32 to vector<1000x128xf32>
    %div3A_1403 = arith.divf %sub3A_1400, %div3A_1402 : vector<1000x128xf32>
    %mul3A_1404 = arith.mulf %div3A_1403, %convert_element_type3A_1288 : vector<1000x128xf32>
    %add3A_1405 = arith.addf %mul3A_1397, %mul3A_1404 : vector<1000x128xf32>
    %sub3A_1406 = arith.constant 5.000000e-01 : f32
    %sub3A_1407 = vector.broadcast %sub3A_1406 : f32 to vector<1000x128xf32>
    %sub3A_1408 = arith.subf %add3A_1209, %sub3A_1407 : vector<1000x128xf32>
    %div3A_1409 = arith.constant 5.000000e-01 : f32
    %div3A_1410 = vector.broadcast %div3A_1409 : f32 to vector<1000x128xf32>
    %div3A_1411 = arith.divf %sub3A_1408, %div3A_1410 : vector<1000x128xf32>
    %mul3A_1412 = arith.mulf %div3A_1411, %convert_element_type3A_1288 : vector<1000x128xf32>
    %sub3A_1413 = arith.constant 1.500000e+00 : f32
    %sub3A_1414 = vector.broadcast %sub3A_1413 : f32 to vector<1000x128xf32>
    %sub3A_1415 = arith.subf %sub3A_1414, %add3A_1209 : vector<1000x128xf32>
    %div3A_1416 = arith.constant 5.000000e-01 : f32
    %div3A_1417 = vector.broadcast %div3A_1416 : f32 to vector<1000x128xf32>
    %div3A_1418 = arith.divf %sub3A_1415, %div3A_1417 : vector<1000x128xf32>
    %mul3A_1419 = arith.mulf %div3A_1418, %convert_element_type3A_1297 : vector<1000x128xf32>
    %add3A_1420 = arith.addf %mul3A_1412, %mul3A_1419 : vector<1000x128xf32>
    %sub3A_1421 = arith.constant 1.000000e+00 : f32
    %sub3A_1422 = vector.broadcast %sub3A_1421 : f32 to vector<1000x128xf32>
    %sub3A_1423 = arith.subf %add3A_1209, %sub3A_1422 : vector<1000x128xf32>
    %div3A_1424 = arith.constant 5.000000e-01 : f32
    %div3A_1425 = vector.broadcast %div3A_1424 : f32 to vector<1000x128xf32>
    %div3A_1426 = arith.divf %sub3A_1423, %div3A_1425 : vector<1000x128xf32>
    %mul3A_1427 = arith.mulf %div3A_1426, %convert_element_type3A_1297 : vector<1000x128xf32>
    %sub3A_1428 = arith.constant 2.000000e+00 : f32
    %sub3A_1429 = vector.broadcast %sub3A_1428 : f32 to vector<1000x128xf32>
    %sub3A_1430 = arith.subf %sub3A_1429, %add3A_1209 : vector<1000x128xf32>
    %div3A_1431 = arith.constant 5.000000e-01 : f32
    %div3A_1432 = vector.broadcast %div3A_1431 : f32 to vector<1000x128xf32>
    %div3A_1433 = arith.divf %sub3A_1430, %div3A_1432 : vector<1000x128xf32>
    %mul3A_1434 = arith.mulf %div3A_1433, %convert_element_type3A_1306 : vector<1000x128xf32>
    %add3A_1435 = arith.addf %mul3A_1427, %mul3A_1434 : vector<1000x128xf32>
    %sub3A_1436 = arith.constant 1.500000e+00 : f32
    %sub3A_1437 = vector.broadcast %sub3A_1436 : f32 to vector<1000x128xf32>
    %sub3A_1438 = arith.subf %add3A_1209, %sub3A_1437 : vector<1000x128xf32>
    %div3A_1439 = arith.constant 5.000000e-01 : f32
    %div3A_1440 = vector.broadcast %div3A_1439 : f32 to vector<1000x128xf32>
    %div3A_1441 = arith.divf %sub3A_1438, %div3A_1440 : vector<1000x128xf32>
    %mul3A_1442 = arith.mulf %div3A_1441, %convert_element_type3A_1306 : vector<1000x128xf32>
    %sub3A_1443 = arith.constant 2.500000e+00 : f32
    %sub3A_1444 = vector.broadcast %sub3A_1443 : f32 to vector<1000x128xf32>
    %sub3A_1445 = arith.subf %sub3A_1444, %add3A_1209 : vector<1000x128xf32>
    %div3A_1446 = arith.constant 5.000000e-01 : f32
    %div3A_1447 = vector.broadcast %div3A_1446 : f32 to vector<1000x128xf32>
    %div3A_1448 = arith.divf %sub3A_1445, %div3A_1447 : vector<1000x128xf32>
    %mul3A_1449 = arith.mulf %div3A_1448, %convert_element_type3A_1315 : vector<1000x128xf32>
    %add3A_1450 = arith.addf %mul3A_1442, %mul3A_1449 : vector<1000x128xf32>
    %sub3A_1451 = arith.constant -2.500000e+00 : f32
    %sub3A_1452 = vector.broadcast %sub3A_1451 : f32 to vector<1000x128xf32>
    %sub3A_1453 = arith.subf %add3A_1209, %sub3A_1452 : vector<1000x128xf32>
    %div3A_1454 = arith.constant 1.000000e+00 : f32
    %div3A_1455 = vector.broadcast %div3A_1454 : f32 to vector<1000x128xf32>
    %div3A_1456 = arith.divf %sub3A_1453, %div3A_1455 : vector<1000x128xf32>
    %mul3A_1457 = arith.mulf %div3A_1456, %add3A_1330 : vector<1000x128xf32>
    %sub3A_1458 = arith.constant -1.000000e+00 : f32
    %sub3A_1459 = vector.broadcast %sub3A_1458 : f32 to vector<1000x128xf32>
    %sub3A_1460 = arith.subf %sub3A_1459, %add3A_1209 : vector<1000x128xf32>
    %div3A_1461 = arith.constant 1.000000e+00 : f32
    %div3A_1462 = vector.broadcast %div3A_1461 : f32 to vector<1000x128xf32>
    %div3A_1463 = arith.divf %sub3A_1460, %div3A_1462 : vector<1000x128xf32>
    %mul3A_1464 = arith.mulf %div3A_1463, %add3A_1345 : vector<1000x128xf32>
    %add3A_1465 = arith.addf %mul3A_1457, %mul3A_1464 : vector<1000x128xf32>
    %sub3A_1466 = arith.constant -2.000000e+00 : f32
    %sub3A_1467 = vector.broadcast %sub3A_1466 : f32 to vector<1000x128xf32>
    %sub3A_1468 = arith.subf %add3A_1209, %sub3A_1467 : vector<1000x128xf32>
    %div3A_1469 = arith.constant 1.000000e+00 : f32
    %div3A_1470 = vector.broadcast %div3A_1469 : f32 to vector<1000x128xf32>
    %div3A_1471 = arith.divf %sub3A_1468, %div3A_1470 : vector<1000x128xf32>
    %mul3A_1472 = arith.mulf %div3A_1471, %add3A_1345 : vector<1000x128xf32>
    %sub3A_1473 = arith.constant -5.000000e-01 : f32
    %sub3A_1474 = vector.broadcast %sub3A_1473 : f32 to vector<1000x128xf32>
    %sub3A_1475 = arith.subf %sub3A_1474, %add3A_1209 : vector<1000x128xf32>
    %div3A_1476 = arith.constant 1.000000e+00 : f32
    %div3A_1477 = vector.broadcast %div3A_1476 : f32 to vector<1000x128xf32>
    %div3A_1478 = arith.divf %sub3A_1475, %div3A_1477 : vector<1000x128xf32>
    %mul3A_1479 = arith.mulf %div3A_1478, %add3A_1360 : vector<1000x128xf32>
    %add3A_1480 = arith.addf %mul3A_1472, %mul3A_1479 : vector<1000x128xf32>
    %sub3A_1481 = arith.constant -1.500000e+00 : f32
    %sub3A_1482 = vector.broadcast %sub3A_1481 : f32 to vector<1000x128xf32>
    %sub3A_1483 = arith.subf %add3A_1209, %sub3A_1482 : vector<1000x128xf32>
    %div3A_1484 = arith.constant 1.000000e+00 : f32
    %div3A_1485 = vector.broadcast %div3A_1484 : f32 to vector<1000x128xf32>
    %div3A_1486 = arith.divf %sub3A_1483, %div3A_1485 : vector<1000x128xf32>
    %mul3A_1487 = arith.mulf %div3A_1486, %add3A_1360 : vector<1000x128xf32>
    %sub3A_1488 = arith.constant 0.000000e+00 : f32
    %sub3A_1489 = vector.broadcast %sub3A_1488 : f32 to vector<1000x128xf32>
    %sub3A_1490 = arith.subf %sub3A_1489, %add3A_1209 : vector<1000x128xf32>
    %div3A_1491 = arith.constant 1.000000e+00 : f32
    %div3A_1492 = vector.broadcast %div3A_1491 : f32 to vector<1000x128xf32>
    %div3A_1493 = arith.divf %sub3A_1490, %div3A_1492 : vector<1000x128xf32>
    %mul3A_1494 = arith.mulf %div3A_1493, %add3A_1375 : vector<1000x128xf32>
    %add3A_1495 = arith.addf %mul3A_1487, %mul3A_1494 : vector<1000x128xf32>
    %sub3A_1496 = arith.constant -1.000000e+00 : f32
    %sub3A_1497 = vector.broadcast %sub3A_1496 : f32 to vector<1000x128xf32>
    %sub3A_1498 = arith.subf %add3A_1209, %sub3A_1497 : vector<1000x128xf32>
    %div3A_1499 = arith.constant 1.000000e+00 : f32
    %div3A_1500 = vector.broadcast %div3A_1499 : f32 to vector<1000x128xf32>
    %div3A_1501 = arith.divf %sub3A_1498, %div3A_1500 : vector<1000x128xf32>
    %mul3A_1502 = arith.mulf %div3A_1501, %add3A_1375 : vector<1000x128xf32>
    %sub3A_1503 = arith.constant 5.000000e-01 : f32
    %sub3A_1504 = vector.broadcast %sub3A_1503 : f32 to vector<1000x128xf32>
    %sub3A_1505 = arith.subf %sub3A_1504, %add3A_1209 : vector<1000x128xf32>
    %div3A_1506 = arith.constant 1.000000e+00 : f32
    %div3A_1507 = vector.broadcast %div3A_1506 : f32 to vector<1000x128xf32>
    %div3A_1508 = arith.divf %sub3A_1505, %div3A_1507 : vector<1000x128xf32>
    %mul3A_1509 = arith.mulf %div3A_1508, %add3A_1390 : vector<1000x128xf32>
    %add3A_1510 = arith.addf %mul3A_1502, %mul3A_1509 : vector<1000x128xf32>
    %sub3A_1511 = arith.constant -5.000000e-01 : f32
    %sub3A_1512 = vector.broadcast %sub3A_1511 : f32 to vector<1000x128xf32>
    %sub3A_1513 = arith.subf %add3A_1209, %sub3A_1512 : vector<1000x128xf32>
    %div3A_1514 = arith.constant 1.000000e+00 : f32
    %div3A_1515 = vector.broadcast %div3A_1514 : f32 to vector<1000x128xf32>
    %div3A_1516 = arith.divf %sub3A_1513, %div3A_1515 : vector<1000x128xf32>
    %mul3A_1517 = arith.mulf %div3A_1516, %add3A_1390 : vector<1000x128xf32>
    %sub3A_1518 = arith.constant 1.000000e+00 : f32
    %sub3A_1519 = vector.broadcast %sub3A_1518 : f32 to vector<1000x128xf32>
    %sub3A_1520 = arith.subf %sub3A_1519, %add3A_1209 : vector<1000x128xf32>
    %div3A_1521 = arith.constant 1.000000e+00 : f32
    %div3A_1522 = vector.broadcast %div3A_1521 : f32 to vector<1000x128xf32>
    %div3A_1523 = arith.divf %sub3A_1520, %div3A_1522 : vector<1000x128xf32>
    %mul3A_1524 = arith.mulf %div3A_1523, %add3A_1405 : vector<1000x128xf32>
    %add3A_1525 = arith.addf %mul3A_1517, %mul3A_1524 : vector<1000x128xf32>
    %sub3A_1526 = arith.constant 0.000000e+00 : f32
    %sub3A_1527 = vector.broadcast %sub3A_1526 : f32 to vector<1000x128xf32>
    %sub3A_1528 = arith.subf %add3A_1209, %sub3A_1527 : vector<1000x128xf32>
    %div3A_1529 = arith.constant 1.000000e+00 : f32
    %div3A_1530 = vector.broadcast %div3A_1529 : f32 to vector<1000x128xf32>
    %div3A_1531 = arith.divf %sub3A_1528, %div3A_1530 : vector<1000x128xf32>
    %mul3A_1532 = arith.mulf %div3A_1531, %add3A_1405 : vector<1000x128xf32>
    %sub3A_1533 = arith.constant 1.500000e+00 : f32
    %sub3A_1534 = vector.broadcast %sub3A_1533 : f32 to vector<1000x128xf32>
    %sub3A_1535 = arith.subf %sub3A_1534, %add3A_1209 : vector<1000x128xf32>
    %div3A_1536 = arith.constant 1.000000e+00 : f32
    %div3A_1537 = vector.broadcast %div3A_1536 : f32 to vector<1000x128xf32>
    %div3A_1538 = arith.divf %sub3A_1535, %div3A_1537 : vector<1000x128xf32>
    %mul3A_1539 = arith.mulf %div3A_1538, %add3A_1420 : vector<1000x128xf32>
    %add3A_1540 = arith.addf %mul3A_1532, %mul3A_1539 : vector<1000x128xf32>
    %sub3A_1541 = arith.constant 5.000000e-01 : f32
    %sub3A_1542 = vector.broadcast %sub3A_1541 : f32 to vector<1000x128xf32>
    %sub3A_1543 = arith.subf %add3A_1209, %sub3A_1542 : vector<1000x128xf32>
    %div3A_1544 = arith.constant 1.000000e+00 : f32
    %div3A_1545 = vector.broadcast %div3A_1544 : f32 to vector<1000x128xf32>
    %div3A_1546 = arith.divf %sub3A_1543, %div3A_1545 : vector<1000x128xf32>
    %mul3A_1547 = arith.mulf %div3A_1546, %add3A_1420 : vector<1000x128xf32>
    %sub3A_1548 = arith.constant 2.000000e+00 : f32
    %sub3A_1549 = vector.broadcast %sub3A_1548 : f32 to vector<1000x128xf32>
    %sub3A_1550 = arith.subf %sub3A_1549, %add3A_1209 : vector<1000x128xf32>
    %div3A_1551 = arith.constant 1.000000e+00 : f32
    %div3A_1552 = vector.broadcast %div3A_1551 : f32 to vector<1000x128xf32>
    %div3A_1553 = arith.divf %sub3A_1550, %div3A_1552 : vector<1000x128xf32>
    %mul3A_1554 = arith.mulf %div3A_1553, %add3A_1435 : vector<1000x128xf32>
    %add3A_1555 = arith.addf %mul3A_1547, %mul3A_1554 : vector<1000x128xf32>
    %sub3A_1556 = arith.constant 1.000000e+00 : f32
    %sub3A_1557 = vector.broadcast %sub3A_1556 : f32 to vector<1000x128xf32>
    %sub3A_1558 = arith.subf %add3A_1209, %sub3A_1557 : vector<1000x128xf32>
    %div3A_1559 = arith.constant 1.000000e+00 : f32
    %div3A_1560 = vector.broadcast %div3A_1559 : f32 to vector<1000x128xf32>
    %div3A_1561 = arith.divf %sub3A_1558, %div3A_1560 : vector<1000x128xf32>
    %mul3A_1562 = arith.mulf %div3A_1561, %add3A_1435 : vector<1000x128xf32>
    %sub3A_1563 = arith.constant 2.500000e+00 : f32
    %sub3A_1564 = vector.broadcast %sub3A_1563 : f32 to vector<1000x128xf32>
    %sub3A_1565 = arith.subf %sub3A_1564, %add3A_1209 : vector<1000x128xf32>
    %div3A_1566 = arith.constant 1.000000e+00 : f32
    %div3A_1567 = vector.broadcast %div3A_1566 : f32 to vector<1000x128xf32>
    %div3A_1568 = arith.divf %sub3A_1565, %div3A_1567 : vector<1000x128xf32>
    %mul3A_1569 = arith.mulf %div3A_1568, %add3A_1450 : vector<1000x128xf32>
    %add3A_1570 = arith.addf %mul3A_1562, %mul3A_1569 : vector<1000x128xf32>
    %sub3A_1571 = arith.constant -2.500000e+00 : f32
    %sub3A_1572 = vector.broadcast %sub3A_1571 : f32 to vector<1000x128xf32>
    %sub3A_1573 = arith.subf %add3A_1209, %sub3A_1572 : vector<1000x128xf32>
    %div3A_1574 = arith.constant 1.500000e+00 : f32
    %div3A_1575 = vector.broadcast %div3A_1574 : f32 to vector<1000x128xf32>
    %div3A_1576 = arith.divf %sub3A_1573, %div3A_1575 : vector<1000x128xf32>
    %mul3A_1577 = arith.mulf %div3A_1576, %add3A_1465 : vector<1000x128xf32>
    %sub3A_1578 = arith.constant -5.000000e-01 : f32
    %sub3A_1579 = vector.broadcast %sub3A_1578 : f32 to vector<1000x128xf32>
    %sub3A_1580 = arith.subf %sub3A_1579, %add3A_1209 : vector<1000x128xf32>
    %div3A_1581 = arith.constant 1.500000e+00 : f32
    %div3A_1582 = vector.broadcast %div3A_1581 : f32 to vector<1000x128xf32>
    %div3A_1583 = arith.divf %sub3A_1580, %div3A_1582 : vector<1000x128xf32>
    %mul3A_1584 = arith.mulf %div3A_1583, %add3A_1480 : vector<1000x128xf32>
    %add3A_1585 = arith.addf %mul3A_1577, %mul3A_1584 : vector<1000x128xf32>
    %sub3A_1586 = arith.constant -2.000000e+00 : f32
    %sub3A_1587 = vector.broadcast %sub3A_1586 : f32 to vector<1000x128xf32>
    %sub3A_1588 = arith.subf %add3A_1209, %sub3A_1587 : vector<1000x128xf32>
    %div3A_1589 = arith.constant 1.500000e+00 : f32
    %div3A_1590 = vector.broadcast %div3A_1589 : f32 to vector<1000x128xf32>
    %div3A_1591 = arith.divf %sub3A_1588, %div3A_1590 : vector<1000x128xf32>
    %mul3A_1592 = arith.mulf %div3A_1591, %add3A_1480 : vector<1000x128xf32>
    %sub3A_1593 = arith.constant 0.000000e+00 : f32
    %sub3A_1594 = vector.broadcast %sub3A_1593 : f32 to vector<1000x128xf32>
    %sub3A_1595 = arith.subf %sub3A_1594, %add3A_1209 : vector<1000x128xf32>
    %div3A_1596 = arith.constant 1.500000e+00 : f32
    %div3A_1597 = vector.broadcast %div3A_1596 : f32 to vector<1000x128xf32>
    %div3A_1598 = arith.divf %sub3A_1595, %div3A_1597 : vector<1000x128xf32>
    %mul3A_1599 = arith.mulf %div3A_1598, %add3A_1495 : vector<1000x128xf32>
    %add3A_1600 = arith.addf %mul3A_1592, %mul3A_1599 : vector<1000x128xf32>
    %sub3A_1601 = arith.constant -1.500000e+00 : f32
    %sub3A_1602 = vector.broadcast %sub3A_1601 : f32 to vector<1000x128xf32>
    %sub3A_1603 = arith.subf %add3A_1209, %sub3A_1602 : vector<1000x128xf32>
    %div3A_1604 = arith.constant 1.500000e+00 : f32
    %div3A_1605 = vector.broadcast %div3A_1604 : f32 to vector<1000x128xf32>
    %div3A_1606 = arith.divf %sub3A_1603, %div3A_1605 : vector<1000x128xf32>
    %mul3A_1607 = arith.mulf %div3A_1606, %add3A_1495 : vector<1000x128xf32>
    %sub3A_1608 = arith.constant 5.000000e-01 : f32
    %sub3A_1609 = vector.broadcast %sub3A_1608 : f32 to vector<1000x128xf32>
    %sub3A_1610 = arith.subf %sub3A_1609, %add3A_1209 : vector<1000x128xf32>
    %div3A_1611 = arith.constant 1.500000e+00 : f32
    %div3A_1612 = vector.broadcast %div3A_1611 : f32 to vector<1000x128xf32>
    %div3A_1613 = arith.divf %sub3A_1610, %div3A_1612 : vector<1000x128xf32>
    %mul3A_1614 = arith.mulf %div3A_1613, %add3A_1510 : vector<1000x128xf32>
    %add3A_1615 = arith.addf %mul3A_1607, %mul3A_1614 : vector<1000x128xf32>
    %sub3A_1616 = arith.constant -1.000000e+00 : f32
    %sub3A_1617 = vector.broadcast %sub3A_1616 : f32 to vector<1000x128xf32>
    %sub3A_1618 = arith.subf %add3A_1209, %sub3A_1617 : vector<1000x128xf32>
    %div3A_1619 = arith.constant 1.500000e+00 : f32
    %div3A_1620 = vector.broadcast %div3A_1619 : f32 to vector<1000x128xf32>
    %div3A_1621 = arith.divf %sub3A_1618, %div3A_1620 : vector<1000x128xf32>
    %mul3A_1622 = arith.mulf %div3A_1621, %add3A_1510 : vector<1000x128xf32>
    %sub3A_1623 = arith.constant 1.000000e+00 : f32
    %sub3A_1624 = vector.broadcast %sub3A_1623 : f32 to vector<1000x128xf32>
    %sub3A_1625 = arith.subf %sub3A_1624, %add3A_1209 : vector<1000x128xf32>
    %div3A_1626 = arith.constant 1.500000e+00 : f32
    %div3A_1627 = vector.broadcast %div3A_1626 : f32 to vector<1000x128xf32>
    %div3A_1628 = arith.divf %sub3A_1625, %div3A_1627 : vector<1000x128xf32>
    %mul3A_1629 = arith.mulf %div3A_1628, %add3A_1525 : vector<1000x128xf32>
    %add3A_1630 = arith.addf %mul3A_1622, %mul3A_1629 : vector<1000x128xf32>
    %sub3A_1631 = arith.constant -5.000000e-01 : f32
    %sub3A_1632 = vector.broadcast %sub3A_1631 : f32 to vector<1000x128xf32>
    %sub3A_1633 = arith.subf %add3A_1209, %sub3A_1632 : vector<1000x128xf32>
    %div3A_1634 = arith.constant 1.500000e+00 : f32
    %div3A_1635 = vector.broadcast %div3A_1634 : f32 to vector<1000x128xf32>
    %div3A_1636 = arith.divf %sub3A_1633, %div3A_1635 : vector<1000x128xf32>
    %mul3A_1637 = arith.mulf %div3A_1636, %add3A_1525 : vector<1000x128xf32>
    %sub3A_1638 = arith.constant 1.500000e+00 : f32
    %sub3A_1639 = vector.broadcast %sub3A_1638 : f32 to vector<1000x128xf32>
    %sub3A_1640 = arith.subf %sub3A_1639, %add3A_1209 : vector<1000x128xf32>
    %div3A_1641 = arith.constant 1.500000e+00 : f32
    %div3A_1642 = vector.broadcast %div3A_1641 : f32 to vector<1000x128xf32>
    %div3A_1643 = arith.divf %sub3A_1640, %div3A_1642 : vector<1000x128xf32>
    %mul3A_1644 = arith.mulf %div3A_1643, %add3A_1540 : vector<1000x128xf32>
    %add3A_1645 = arith.addf %mul3A_1637, %mul3A_1644 : vector<1000x128xf32>
    %sub3A_1646 = arith.constant 0.000000e+00 : f32
    %sub3A_1647 = vector.broadcast %sub3A_1646 : f32 to vector<1000x128xf32>
    %sub3A_1648 = arith.subf %add3A_1209, %sub3A_1647 : vector<1000x128xf32>
    %div3A_1649 = arith.constant 1.500000e+00 : f32
    %div3A_1650 = vector.broadcast %div3A_1649 : f32 to vector<1000x128xf32>
    %div3A_1651 = arith.divf %sub3A_1648, %div3A_1650 : vector<1000x128xf32>
    %mul3A_1652 = arith.mulf %div3A_1651, %add3A_1540 : vector<1000x128xf32>
    %sub3A_1653 = arith.constant 2.000000e+00 : f32
    %sub3A_1654 = vector.broadcast %sub3A_1653 : f32 to vector<1000x128xf32>
    %sub3A_1655 = arith.subf %sub3A_1654, %add3A_1209 : vector<1000x128xf32>
    %div3A_1656 = arith.constant 1.500000e+00 : f32
    %div3A_1657 = vector.broadcast %div3A_1656 : f32 to vector<1000x128xf32>
    %div3A_1658 = arith.divf %sub3A_1655, %div3A_1657 : vector<1000x128xf32>
    %mul3A_1659 = arith.mulf %div3A_1658, %add3A_1555 : vector<1000x128xf32>
    %add3A_1660 = arith.addf %mul3A_1652, %mul3A_1659 : vector<1000x128xf32>
    %sub3A_1661 = arith.constant 5.000000e-01 : f32
    %sub3A_1662 = vector.broadcast %sub3A_1661 : f32 to vector<1000x128xf32>
    %sub3A_1663 = arith.subf %add3A_1209, %sub3A_1662 : vector<1000x128xf32>
    %div3A_1664 = arith.constant 1.500000e+00 : f32
    %div3A_1665 = vector.broadcast %div3A_1664 : f32 to vector<1000x128xf32>
    %div3A_1666 = arith.divf %sub3A_1663, %div3A_1665 : vector<1000x128xf32>
    %mul3A_1667 = arith.mulf %div3A_1666, %add3A_1555 : vector<1000x128xf32>
    %sub3A_1668 = arith.constant 2.500000e+00 : f32
    %sub3A_1669 = vector.broadcast %sub3A_1668 : f32 to vector<1000x128xf32>
    %sub3A_1670 = arith.subf %sub3A_1669, %add3A_1209 : vector<1000x128xf32>
    %div3A_1671 = arith.constant 1.500000e+00 : f32
    %div3A_1672 = vector.broadcast %div3A_1671 : f32 to vector<1000x128xf32>
    %div3A_1673 = arith.divf %sub3A_1670, %div3A_1672 : vector<1000x128xf32>
    %mul3A_1674 = arith.mulf %div3A_1673, %add3A_1570 : vector<1000x128xf32>
    %add3A_1675 = arith.addf %mul3A_1667, %mul3A_1674 : vector<1000x128xf32>
    %get3A_1676 = arith.constant 0 : index
    %get3A_1677 = arith.constant 0 : index
    %get3A_1678 = arith.constant 0 : index
    %get3A_1679 = vector.load %arg12[%get3A_1676, %get3A_1677, %get3A_1678] : memref<7x16x128xf32, #tpu.memory_space<vmem>>, vector<1x16x128xf32>
    %get3A_1680 = vector.shape_cast %get3A_1679 : vector<1x16x128xf32> to vector<16x128xf32>
    %dot_general3A_1681 = arith.constant dense<0.000000e+00> : vector<1000x16xf32>
    %dot_general3A_1682 = tpu.matmul %add3A_1585, %get3A_1680, %dot_general3A_1681 {dimension_numbers = #tpu.dot_dimension_numbers<[1], [1], [0], [0], [0, 0, 1, 0], [], []>, precision = #tpu.contract_precision<fp32>, transpose_lhs_hint = false} : vector<1000x128xf32>, vector<16x128xf32>, vector<1000x16xf32> -> vector<1000x16xf32>
    %add3A_1683 = arith.addf %dot_general3A_1225, %dot_general3A_1682 : vector<1000x16xf32>
    %get3A_1684 = arith.constant 1 : index
    %get3A_1685 = arith.constant 0 : index
    %get3A_1686 = arith.constant 0 : index
    %get3A_1687 = vector.load %arg12[%get3A_1684, %get3A_1685, %get3A_1686] : memref<7x16x128xf32, #tpu.memory_space<vmem>>, vector<1x16x128xf32>
    %get3A_1688 = vector.shape_cast %get3A_1687 : vector<1x16x128xf32> to vector<16x128xf32>
    %dot_general3A_1689 = arith.constant dense<0.000000e+00> : vector<1000x16xf32>
    %dot_general3A_1690 = tpu.matmul %add3A_1600, %get3A_1688, %dot_general3A_1689 {dimension_numbers = #tpu.dot_dimension_numbers<[1], [1], [0], [0], [0, 0, 1, 0], [], []>, precision = #tpu.contract_precision<fp32>, transpose_lhs_hint = false} : vector<1000x128xf32>, vector<16x128xf32>, vector<1000x16xf32> -> vector<1000x16xf32>
    %add3A_1691 = arith.addf %add3A_1683, %dot_general3A_1690 : vector<1000x16xf32>
    %get3A_1692 = arith.constant 2 : index
    %get3A_1693 = arith.constant 0 : index
    %get3A_1694 = arith.constant 0 : index
    %get3A_1695 = vector.load %arg12[%get3A_1692, %get3A_1693, %get3A_1694] : memref<7x16x128xf32, #tpu.memory_space<vmem>>, vector<1x16x128xf32>
    %get3A_1696 = vector.shape_cast %get3A_1695 : vector<1x16x128xf32> to vector<16x128xf32>
    %dot_general3A_1697 = arith.constant dense<0.000000e+00> : vector<1000x16xf32>
    %dot_general3A_1698 = tpu.matmul %add3A_1615, %get3A_1696, %dot_general3A_1697 {dimension_numbers = #tpu.dot_dimension_numbers<[1], [1], [0], [0], [0, 0, 1, 0], [], []>, precision = #tpu.contract_precision<fp32>, transpose_lhs_hint = false} : vector<1000x128xf32>, vector<16x128xf32>, vector<1000x16xf32> -> vector<1000x16xf32>
    %add3A_1699 = arith.addf %add3A_1691, %dot_general3A_1698 : vector<1000x16xf32>
    %get3A_1700 = arith.constant 3 : index
    %get3A_1701 = arith.constant 0 : index
    %get3A_1702 = arith.constant 0 : index
    %get3A_1703 = vector.load %arg12[%get3A_1700, %get3A_1701, %get3A_1702] : memref<7x16x128xf32, #tpu.memory_space<vmem>>, vector<1x16x128xf32>
    %get3A_1704 = vector.shape_cast %get3A_1703 : vector<1x16x128xf32> to vector<16x128xf32>
    %dot_general3A_1705 = arith.constant dense<0.000000e+00> : vector<1000x16xf32>
    %dot_general3A_1706 = tpu.matmul %add3A_1630, %get3A_1704, %dot_general3A_1705 {dimension_numbers = #tpu.dot_dimension_numbers<[1], [1], [0], [0], [0, 0, 1, 0], [], []>, precision = #tpu.contract_precision<fp32>, transpose_lhs_hint = false} : vector<1000x128xf32>, vector<16x128xf32>, vector<1000x16xf32> -> vector<1000x16xf32>
    %add3A_1707 = arith.addf %add3A_1699, %dot_general3A_1706 : vector<1000x16xf32>
    %get3A_1708 = arith.constant 4 : index
    %get3A_1709 = arith.constant 0 : index
    %get3A_1710 = arith.constant 0 : index
    %get3A_1711 = vector.load %arg12[%get3A_1708, %get3A_1709, %get3A_1710] : memref<7x16x128xf32, #tpu.memory_space<vmem>>, vector<1x16x128xf32>
    %get3A_1712 = vector.shape_cast %get3A_1711 : vector<1x16x128xf32> to vector<16x128xf32>
    %dot_general3A_1713 = arith.constant dense<0.000000e+00> : vector<1000x16xf32>
    %dot_general3A_1714 = tpu.matmul %add3A_1645, %get3A_1712, %dot_general3A_1713 {dimension_numbers = #tpu.dot_dimension_numbers<[1], [1], [0], [0], [0, 0, 1, 0], [], []>, precision = #tpu.contract_precision<fp32>, transpose_lhs_hint = false} : vector<1000x128xf32>, vector<16x128xf32>, vector<1000x16xf32> -> vector<1000x16xf32>
    %add3A_1715 = arith.addf %add3A_1707, %dot_general3A_1714 : vector<1000x16xf32>
    %get3A_1716 = arith.constant 5 : index
    %get3A_1717 = arith.constant 0 : index
    %get3A_1718 = arith.constant 0 : index
    %get3A_1719 = vector.load %arg12[%get3A_1716, %get3A_1717, %get3A_1718] : memref<7x16x128xf32, #tpu.memory_space<vmem>>, vector<1x16x128xf32>
    %get3A_1720 = vector.shape_cast %get3A_1719 : vector<1x16x128xf32> to vector<16x128xf32>
    %dot_general3A_1721 = arith.constant dense<0.000000e+00> : vector<1000x16xf32>
    %dot_general3A_1722 = tpu.matmul %add3A_1660, %get3A_1720, %dot_general3A_1721 {dimension_numbers = #tpu.dot_dimension_numbers<[1], [1], [0], [0], [0, 0, 1, 0], [], []>, precision = #tpu.contract_precision<fp32>, transpose_lhs_hint = false} : vector<1000x128xf32>, vector<16x128xf32>, vector<1000x16xf32> -> vector<1000x16xf32>
    %add3A_1723 = arith.addf %add3A_1715, %dot_general3A_1722 : vector<1000x16xf32>
    %get3A_1724 = arith.constant 6 : index
    %get3A_1725 = arith.constant 0 : index
    %get3A_1726 = arith.constant 0 : index
    %get3A_1727 = vector.load %arg12[%get3A_1724, %get3A_1725, %get3A_1726] : memref<7x16x128xf32, #tpu.memory_space<vmem>>, vector<1x16x128xf32>
    %get3A_1728 = vector.shape_cast %get3A_1727 : vector<1x16x128xf32> to vector<16x128xf32>
    %dot_general3A_1729 = arith.constant dense<0.000000e+00> : vector<1000x16xf32>
    %dot_general3A_1730 = tpu.matmul %add3A_1675, %get3A_1728, %dot_general3A_1729 {dimension_numbers = #tpu.dot_dimension_numbers<[1], [1], [0], [0], [0, 0, 1, 0], [], []>, precision = #tpu.contract_precision<fp32>, transpose_lhs_hint = false} : vector<1000x128xf32>, vector<16x128xf32>, vector<1000x16xf32> -> vector<1000x16xf32>
    %add3A_1731 = arith.addf %add3A_1723, %dot_general3A_1730 : vector<1000x16xf32>
    %neg3A_1732 = arith.constant 0.000000e+00 : f32
    %neg3A_1733 = vector.broadcast %neg3A_1732 : f32 to vector<1000x16xf32>
    %neg3A_1734 = arith.subf %neg3A_1733, %add3A_1731 : vector<1000x16xf32>
    %exp3A_1735 = math.exp %neg3A_1734 : vector<1000x16xf32>
    %add3A_1736 = arith.constant 1.000000e+00 : f32
    %add3A_1737 = vector.broadcast %add3A_1736 : f32 to vector<1000x16xf32>
    %add3A_1738 = arith.addf %add3A_1737, %exp3A_1735 : vector<1000x16xf32>
    %div3A_1739 = arith.constant 1.000000e+00 : f32
    %div3A_1740 = vector.broadcast %div3A_1739 : f32 to vector<1000x16xf32>
    %div3A_1741 = arith.divf %div3A_1740, %add3A_1738 : vector<1000x16xf32>
    %mul3A_1742 = arith.mulf %add3A_1731, %div3A_1741 : vector<1000x16xf32>
    %get3A_1743 = arith.constant 0 : index
    %get3A_1744 = arith.constant 0 : index
    %get3A_1745 = vector.load %arg13[%get3A_1743, %get3A_1744] : memref<16x128xf32, #tpu.memory_space<vmem>>, vector<16x128xf32>
    %dot_general3A_1746 = arith.constant dense<0.000000e+00> : vector<1000x128xf32>
    %dot_general3A_1747 = tpu.matmul %mul3A_1742, %get3A_1745, %dot_general3A_1746 {dimension_numbers = #tpu.dot_dimension_numbers<[1], [0], [0], [1], [0, 0, 1, 1], [], []>, precision = #tpu.contract_precision<fp32>, transpose_lhs_hint = false} : vector<1000x16xf32>, vector<16x128xf32>, vector<1000x128xf32> -> vector<1000x128xf32>
    %ge3A_1748 = arith.constant -2.500000e+00 : f32
    %ge3A_1749 = vector.broadcast %ge3A_1748 : f32 to vector<1000x16xf32>
    %ge3A_1750 = arith.cmpf oge, %add3A_1731, %ge3A_1749 : vector<1000x16xf32>
    %lt3A_1751 = arith.constant -2.000000e+00 : f32
    %lt3A_1752 = vector.broadcast %lt3A_1751 : f32 to vector<1000x16xf32>
    %lt3A_1753 = arith.cmpf olt, %add3A_1731, %lt3A_1752 : vector<1000x16xf32>
    %and3A_1754 = arith.andi %ge3A_1750, %lt3A_1753 : vector<1000x16xi1>
    %convert_element_type3A_1755 = arith.extui %and3A_1754 : vector<1000x16xi1> to vector<1000x16xi32>
    %convert_element_type3A_1756 = arith.sitofp %convert_element_type3A_1755 : vector<1000x16xi32> to vector<1000x16xf32>
    %ge3A_1757 = arith.constant -2.000000e+00 : f32
    %ge3A_1758 = vector.broadcast %ge3A_1757 : f32 to vector<1000x16xf32>
    %ge3A_1759 = arith.cmpf oge, %add3A_1731, %ge3A_1758 : vector<1000x16xf32>
    %lt3A_1760 = arith.constant -1.500000e+00 : f32
    %lt3A_1761 = vector.broadcast %lt3A_1760 : f32 to vector<1000x16xf32>
    %lt3A_1762 = arith.cmpf olt, %add3A_1731, %lt3A_1761 : vector<1000x16xf32>
    %and3A_1763 = arith.andi %ge3A_1759, %lt3A_1762 : vector<1000x16xi1>
    %convert_element_type3A_1764 = arith.extui %and3A_1763 : vector<1000x16xi1> to vector<1000x16xi32>
    %convert_element_type3A_1765 = arith.sitofp %convert_element_type3A_1764 : vector<1000x16xi32> to vector<1000x16xf32>
    %ge3A_1766 = arith.constant -1.500000e+00 : f32
    %ge3A_1767 = vector.broadcast %ge3A_1766 : f32 to vector<1000x16xf32>
    %ge3A_1768 = arith.cmpf oge, %add3A_1731, %ge3A_1767 : vector<1000x16xf32>
    %lt3A_1769 = arith.constant -1.000000e+00 : f32
    %lt3A_1770 = vector.broadcast %lt3A_1769 : f32 to vector<1000x16xf32>
    %lt3A_1771 = arith.cmpf olt, %add3A_1731, %lt3A_1770 : vector<1000x16xf32>
    %and3A_1772 = arith.andi %ge3A_1768, %lt3A_1771 : vector<1000x16xi1>
    %convert_element_type3A_1773 = arith.extui %and3A_1772 : vector<1000x16xi1> to vector<1000x16xi32>
    %convert_element_type3A_1774 = arith.sitofp %convert_element_type3A_1773 : vector<1000x16xi32> to vector<1000x16xf32>
    %ge3A_1775 = arith.constant -1.000000e+00 : f32
    %ge3A_1776 = vector.broadcast %ge3A_1775 : f32 to vector<1000x16xf32>
    %ge3A_1777 = arith.cmpf oge, %add3A_1731, %ge3A_1776 : vector<1000x16xf32>
    %lt3A_1778 = arith.constant -5.000000e-01 : f32
    %lt3A_1779 = vector.broadcast %lt3A_1778 : f32 to vector<1000x16xf32>
    %lt3A_1780 = arith.cmpf olt, %add3A_1731, %lt3A_1779 : vector<1000x16xf32>
    %and3A_1781 = arith.andi %ge3A_1777, %lt3A_1780 : vector<1000x16xi1>
    %convert_element_type3A_1782 = arith.extui %and3A_1781 : vector<1000x16xi1> to vector<1000x16xi32>
    %convert_element_type3A_1783 = arith.sitofp %convert_element_type3A_1782 : vector<1000x16xi32> to vector<1000x16xf32>
    %ge3A_1784 = arith.constant -5.000000e-01 : f32
    %ge3A_1785 = vector.broadcast %ge3A_1784 : f32 to vector<1000x16xf32>
    %ge3A_1786 = arith.cmpf oge, %add3A_1731, %ge3A_1785 : vector<1000x16xf32>
    %lt3A_1787 = arith.constant 0.000000e+00 : f32
    %lt3A_1788 = vector.broadcast %lt3A_1787 : f32 to vector<1000x16xf32>
    %lt3A_1789 = arith.cmpf olt, %add3A_1731, %lt3A_1788 : vector<1000x16xf32>
    %and3A_1790 = arith.andi %ge3A_1786, %lt3A_1789 : vector<1000x16xi1>
    %convert_element_type3A_1791 = arith.extui %and3A_1790 : vector<1000x16xi1> to vector<1000x16xi32>
    %convert_element_type3A_1792 = arith.sitofp %convert_element_type3A_1791 : vector<1000x16xi32> to vector<1000x16xf32>
    %ge3A_1793 = arith.constant 0.000000e+00 : f32
    %ge3A_1794 = vector.broadcast %ge3A_1793 : f32 to vector<1000x16xf32>
    %ge3A_1795 = arith.cmpf oge, %add3A_1731, %ge3A_1794 : vector<1000x16xf32>
    %lt3A_1796 = arith.constant 5.000000e-01 : f32
    %lt3A_1797 = vector.broadcast %lt3A_1796 : f32 to vector<1000x16xf32>
    %lt3A_1798 = arith.cmpf olt, %add3A_1731, %lt3A_1797 : vector<1000x16xf32>
    %and3A_1799 = arith.andi %ge3A_1795, %lt3A_1798 : vector<1000x16xi1>
    %convert_element_type3A_1800 = arith.extui %and3A_1799 : vector<1000x16xi1> to vector<1000x16xi32>
    %convert_element_type3A_1801 = arith.sitofp %convert_element_type3A_1800 : vector<1000x16xi32> to vector<1000x16xf32>
    %ge3A_1802 = arith.constant 5.000000e-01 : f32
    %ge3A_1803 = vector.broadcast %ge3A_1802 : f32 to vector<1000x16xf32>
    %ge3A_1804 = arith.cmpf oge, %add3A_1731, %ge3A_1803 : vector<1000x16xf32>
    %lt3A_1805 = arith.constant 1.000000e+00 : f32
    %lt3A_1806 = vector.broadcast %lt3A_1805 : f32 to vector<1000x16xf32>
    %lt3A_1807 = arith.cmpf olt, %add3A_1731, %lt3A_1806 : vector<1000x16xf32>
    %and3A_1808 = arith.andi %ge3A_1804, %lt3A_1807 : vector<1000x16xi1>
    %convert_element_type3A_1809 = arith.extui %and3A_1808 : vector<1000x16xi1> to vector<1000x16xi32>
    %convert_element_type3A_1810 = arith.sitofp %convert_element_type3A_1809 : vector<1000x16xi32> to vector<1000x16xf32>
    %ge3A_1811 = arith.constant 1.000000e+00 : f32
    %ge3A_1812 = vector.broadcast %ge3A_1811 : f32 to vector<1000x16xf32>
    %ge3A_1813 = arith.cmpf oge, %add3A_1731, %ge3A_1812 : vector<1000x16xf32>
    %lt3A_1814 = arith.constant 1.500000e+00 : f32
    %lt3A_1815 = vector.broadcast %lt3A_1814 : f32 to vector<1000x16xf32>
    %lt3A_1816 = arith.cmpf olt, %add3A_1731, %lt3A_1815 : vector<1000x16xf32>
    %and3A_1817 = arith.andi %ge3A_1813, %lt3A_1816 : vector<1000x16xi1>
    %convert_element_type3A_1818 = arith.extui %and3A_1817 : vector<1000x16xi1> to vector<1000x16xi32>
    %convert_element_type3A_1819 = arith.sitofp %convert_element_type3A_1818 : vector<1000x16xi32> to vector<1000x16xf32>
    %ge3A_1820 = arith.constant 1.500000e+00 : f32
    %ge3A_1821 = vector.broadcast %ge3A_1820 : f32 to vector<1000x16xf32>
    %ge3A_1822 = arith.cmpf oge, %add3A_1731, %ge3A_1821 : vector<1000x16xf32>
    %lt3A_1823 = arith.constant 2.000000e+00 : f32
    %lt3A_1824 = vector.broadcast %lt3A_1823 : f32 to vector<1000x16xf32>
    %lt3A_1825 = arith.cmpf olt, %add3A_1731, %lt3A_1824 : vector<1000x16xf32>
    %and3A_1826 = arith.andi %ge3A_1822, %lt3A_1825 : vector<1000x16xi1>
    %convert_element_type3A_1827 = arith.extui %and3A_1826 : vector<1000x16xi1> to vector<1000x16xi32>
    %convert_element_type3A_1828 = arith.sitofp %convert_element_type3A_1827 : vector<1000x16xi32> to vector<1000x16xf32>
    %ge3A_1829 = arith.constant 2.000000e+00 : f32
    %ge3A_1830 = vector.broadcast %ge3A_1829 : f32 to vector<1000x16xf32>
    %ge3A_1831 = arith.cmpf oge, %add3A_1731, %ge3A_1830 : vector<1000x16xf32>
    %lt3A_1832 = arith.constant 2.500000e+00 : f32
    %lt3A_1833 = vector.broadcast %lt3A_1832 : f32 to vector<1000x16xf32>
    %lt3A_1834 = arith.cmpf olt, %add3A_1731, %lt3A_1833 : vector<1000x16xf32>
    %and3A_1835 = arith.andi %ge3A_1831, %lt3A_1834 : vector<1000x16xi1>
    %convert_element_type3A_1836 = arith.extui %and3A_1835 : vector<1000x16xi1> to vector<1000x16xi32>
    %convert_element_type3A_1837 = arith.sitofp %convert_element_type3A_1836 : vector<1000x16xi32> to vector<1000x16xf32>
    %sub3A_1838 = arith.constant -2.500000e+00 : f32
    %sub3A_1839 = vector.broadcast %sub3A_1838 : f32 to vector<1000x16xf32>
    %sub3A_1840 = arith.subf %add3A_1731, %sub3A_1839 : vector<1000x16xf32>
    %div3A_1841 = arith.constant 5.000000e-01 : f32
    %div3A_1842 = vector.broadcast %div3A_1841 : f32 to vector<1000x16xf32>
    %div3A_1843 = arith.divf %sub3A_1840, %div3A_1842 : vector<1000x16xf32>
    %mul3A_1844 = arith.mulf %div3A_1843, %convert_element_type3A_1756 : vector<1000x16xf32>
    %sub3A_1845 = arith.constant -1.500000e+00 : f32
    %sub3A_1846 = vector.broadcast %sub3A_1845 : f32 to vector<1000x16xf32>
    %sub3A_1847 = arith.subf %sub3A_1846, %add3A_1731 : vector<1000x16xf32>
    %div3A_1848 = arith.constant 5.000000e-01 : f32
    %div3A_1849 = vector.broadcast %div3A_1848 : f32 to vector<1000x16xf32>
    %div3A_1850 = arith.divf %sub3A_1847, %div3A_1849 : vector<1000x16xf32>
    %mul3A_1851 = arith.mulf %div3A_1850, %convert_element_type3A_1765 : vector<1000x16xf32>
    %add3A_1852 = arith.addf %mul3A_1844, %mul3A_1851 : vector<1000x16xf32>
    %sub3A_1853 = arith.constant -2.000000e+00 : f32
    %sub3A_1854 = vector.broadcast %sub3A_1853 : f32 to vector<1000x16xf32>
    %sub3A_1855 = arith.subf %add3A_1731, %sub3A_1854 : vector<1000x16xf32>
    %div3A_1856 = arith.constant 5.000000e-01 : f32
    %div3A_1857 = vector.broadcast %div3A_1856 : f32 to vector<1000x16xf32>
    %div3A_1858 = arith.divf %sub3A_1855, %div3A_1857 : vector<1000x16xf32>
    %mul3A_1859 = arith.mulf %div3A_1858, %convert_element_type3A_1765 : vector<1000x16xf32>
    %sub3A_1860 = arith.constant -1.000000e+00 : f32
    %sub3A_1861 = vector.broadcast %sub3A_1860 : f32 to vector<1000x16xf32>
    %sub3A_1862 = arith.subf %sub3A_1861, %add3A_1731 : vector<1000x16xf32>
    %div3A_1863 = arith.constant 5.000000e-01 : f32
    %div3A_1864 = vector.broadcast %div3A_1863 : f32 to vector<1000x16xf32>
    %div3A_1865 = arith.divf %sub3A_1862, %div3A_1864 : vector<1000x16xf32>
    %mul3A_1866 = arith.mulf %div3A_1865, %convert_element_type3A_1774 : vector<1000x16xf32>
    %add3A_1867 = arith.addf %mul3A_1859, %mul3A_1866 : vector<1000x16xf32>
    %sub3A_1868 = arith.constant -1.500000e+00 : f32
    %sub3A_1869 = vector.broadcast %sub3A_1868 : f32 to vector<1000x16xf32>
    %sub3A_1870 = arith.subf %add3A_1731, %sub3A_1869 : vector<1000x16xf32>
    %div3A_1871 = arith.constant 5.000000e-01 : f32
    %div3A_1872 = vector.broadcast %div3A_1871 : f32 to vector<1000x16xf32>
    %div3A_1873 = arith.divf %sub3A_1870, %div3A_1872 : vector<1000x16xf32>
    %mul3A_1874 = arith.mulf %div3A_1873, %convert_element_type3A_1774 : vector<1000x16xf32>
    %sub3A_1875 = arith.constant -5.000000e-01 : f32
    %sub3A_1876 = vector.broadcast %sub3A_1875 : f32 to vector<1000x16xf32>
    %sub3A_1877 = arith.subf %sub3A_1876, %add3A_1731 : vector<1000x16xf32>
    %div3A_1878 = arith.constant 5.000000e-01 : f32
    %div3A_1879 = vector.broadcast %div3A_1878 : f32 to vector<1000x16xf32>
    %div3A_1880 = arith.divf %sub3A_1877, %div3A_1879 : vector<1000x16xf32>
    %mul3A_1881 = arith.mulf %div3A_1880, %convert_element_type3A_1783 : vector<1000x16xf32>
    %add3A_1882 = arith.addf %mul3A_1874, %mul3A_1881 : vector<1000x16xf32>
    %sub3A_1883 = arith.constant -1.000000e+00 : f32
    %sub3A_1884 = vector.broadcast %sub3A_1883 : f32 to vector<1000x16xf32>
    %sub3A_1885 = arith.subf %add3A_1731, %sub3A_1884 : vector<1000x16xf32>
    %div3A_1886 = arith.constant 5.000000e-01 : f32
    %div3A_1887 = vector.broadcast %div3A_1886 : f32 to vector<1000x16xf32>
    %div3A_1888 = arith.divf %sub3A_1885, %div3A_1887 : vector<1000x16xf32>
    %mul3A_1889 = arith.mulf %div3A_1888, %convert_element_type3A_1783 : vector<1000x16xf32>
    %sub3A_1890 = arith.constant 0.000000e+00 : f32
    %sub3A_1891 = vector.broadcast %sub3A_1890 : f32 to vector<1000x16xf32>
    %sub3A_1892 = arith.subf %sub3A_1891, %add3A_1731 : vector<1000x16xf32>
    %div3A_1893 = arith.constant 5.000000e-01 : f32
    %div3A_1894 = vector.broadcast %div3A_1893 : f32 to vector<1000x16xf32>
    %div3A_1895 = arith.divf %sub3A_1892, %div3A_1894 : vector<1000x16xf32>
    %mul3A_1896 = arith.mulf %div3A_1895, %convert_element_type3A_1792 : vector<1000x16xf32>
    %add3A_1897 = arith.addf %mul3A_1889, %mul3A_1896 : vector<1000x16xf32>
    %sub3A_1898 = arith.constant -5.000000e-01 : f32
    %sub3A_1899 = vector.broadcast %sub3A_1898 : f32 to vector<1000x16xf32>
    %sub3A_1900 = arith.subf %add3A_1731, %sub3A_1899 : vector<1000x16xf32>
    %div3A_1901 = arith.constant 5.000000e-01 : f32
    %div3A_1902 = vector.broadcast %div3A_1901 : f32 to vector<1000x16xf32>
    %div3A_1903 = arith.divf %sub3A_1900, %div3A_1902 : vector<1000x16xf32>
    %mul3A_1904 = arith.mulf %div3A_1903, %convert_element_type3A_1792 : vector<1000x16xf32>
    %sub3A_1905 = arith.constant 5.000000e-01 : f32
    %sub3A_1906 = vector.broadcast %sub3A_1905 : f32 to vector<1000x16xf32>
    %sub3A_1907 = arith.subf %sub3A_1906, %add3A_1731 : vector<1000x16xf32>
    %div3A_1908 = arith.constant 5.000000e-01 : f32
    %div3A_1909 = vector.broadcast %div3A_1908 : f32 to vector<1000x16xf32>
    %div3A_1910 = arith.divf %sub3A_1907, %div3A_1909 : vector<1000x16xf32>
    %mul3A_1911 = arith.mulf %div3A_1910, %convert_element_type3A_1801 : vector<1000x16xf32>
    %add3A_1912 = arith.addf %mul3A_1904, %mul3A_1911 : vector<1000x16xf32>
    %sub3A_1913 = arith.constant 0.000000e+00 : f32
    %sub3A_1914 = vector.broadcast %sub3A_1913 : f32 to vector<1000x16xf32>
    %sub3A_1915 = arith.subf %add3A_1731, %sub3A_1914 : vector<1000x16xf32>
    %div3A_1916 = arith.constant 5.000000e-01 : f32
    %div3A_1917 = vector.broadcast %div3A_1916 : f32 to vector<1000x16xf32>
    %div3A_1918 = arith.divf %sub3A_1915, %div3A_1917 : vector<1000x16xf32>
    %mul3A_1919 = arith.mulf %div3A_1918, %convert_element_type3A_1801 : vector<1000x16xf32>
    %sub3A_1920 = arith.constant 1.000000e+00 : f32
    %sub3A_1921 = vector.broadcast %sub3A_1920 : f32 to vector<1000x16xf32>
    %sub3A_1922 = arith.subf %sub3A_1921, %add3A_1731 : vector<1000x16xf32>
    %div3A_1923 = arith.constant 5.000000e-01 : f32
    %div3A_1924 = vector.broadcast %div3A_1923 : f32 to vector<1000x16xf32>
    %div3A_1925 = arith.divf %sub3A_1922, %div3A_1924 : vector<1000x16xf32>
    %mul3A_1926 = arith.mulf %div3A_1925, %convert_element_type3A_1810 : vector<1000x16xf32>
    %add3A_1927 = arith.addf %mul3A_1919, %mul3A_1926 : vector<1000x16xf32>
    %sub3A_1928 = arith.constant 5.000000e-01 : f32
    %sub3A_1929 = vector.broadcast %sub3A_1928 : f32 to vector<1000x16xf32>
    %sub3A_1930 = arith.subf %add3A_1731, %sub3A_1929 : vector<1000x16xf32>
    %div3A_1931 = arith.constant 5.000000e-01 : f32
    %div3A_1932 = vector.broadcast %div3A_1931 : f32 to vector<1000x16xf32>
    %div3A_1933 = arith.divf %sub3A_1930, %div3A_1932 : vector<1000x16xf32>
    %mul3A_1934 = arith.mulf %div3A_1933, %convert_element_type3A_1810 : vector<1000x16xf32>
    %sub3A_1935 = arith.constant 1.500000e+00 : f32
    %sub3A_1936 = vector.broadcast %sub3A_1935 : f32 to vector<1000x16xf32>
    %sub3A_1937 = arith.subf %sub3A_1936, %add3A_1731 : vector<1000x16xf32>
    %div3A_1938 = arith.constant 5.000000e-01 : f32
    %div3A_1939 = vector.broadcast %div3A_1938 : f32 to vector<1000x16xf32>
    %div3A_1940 = arith.divf %sub3A_1937, %div3A_1939 : vector<1000x16xf32>
    %mul3A_1941 = arith.mulf %div3A_1940, %convert_element_type3A_1819 : vector<1000x16xf32>
    %add3A_1942 = arith.addf %mul3A_1934, %mul3A_1941 : vector<1000x16xf32>
    %sub3A_1943 = arith.constant 1.000000e+00 : f32
    %sub3A_1944 = vector.broadcast %sub3A_1943 : f32 to vector<1000x16xf32>
    %sub3A_1945 = arith.subf %add3A_1731, %sub3A_1944 : vector<1000x16xf32>
    %div3A_1946 = arith.constant 5.000000e-01 : f32
    %div3A_1947 = vector.broadcast %div3A_1946 : f32 to vector<1000x16xf32>
    %div3A_1948 = arith.divf %sub3A_1945, %div3A_1947 : vector<1000x16xf32>
    %mul3A_1949 = arith.mulf %div3A_1948, %convert_element_type3A_1819 : vector<1000x16xf32>
    %sub3A_1950 = arith.constant 2.000000e+00 : f32
    %sub3A_1951 = vector.broadcast %sub3A_1950 : f32 to vector<1000x16xf32>
    %sub3A_1952 = arith.subf %sub3A_1951, %add3A_1731 : vector<1000x16xf32>
    %div3A_1953 = arith.constant 5.000000e-01 : f32
    %div3A_1954 = vector.broadcast %div3A_1953 : f32 to vector<1000x16xf32>
    %div3A_1955 = arith.divf %sub3A_1952, %div3A_1954 : vector<1000x16xf32>
    %mul3A_1956 = arith.mulf %div3A_1955, %convert_element_type3A_1828 : vector<1000x16xf32>
    %add3A_1957 = arith.addf %mul3A_1949, %mul3A_1956 : vector<1000x16xf32>
    %sub3A_1958 = arith.constant 1.500000e+00 : f32
    %sub3A_1959 = vector.broadcast %sub3A_1958 : f32 to vector<1000x16xf32>
    %sub3A_1960 = arith.subf %add3A_1731, %sub3A_1959 : vector<1000x16xf32>
    %div3A_1961 = arith.constant 5.000000e-01 : f32
    %div3A_1962 = vector.broadcast %div3A_1961 : f32 to vector<1000x16xf32>
    %div3A_1963 = arith.divf %sub3A_1960, %div3A_1962 : vector<1000x16xf32>
    %mul3A_1964 = arith.mulf %div3A_1963, %convert_element_type3A_1828 : vector<1000x16xf32>
    %sub3A_1965 = arith.constant 2.500000e+00 : f32
    %sub3A_1966 = vector.broadcast %sub3A_1965 : f32 to vector<1000x16xf32>
    %sub3A_1967 = arith.subf %sub3A_1966, %add3A_1731 : vector<1000x16xf32>
    %div3A_1968 = arith.constant 5.000000e-01 : f32
    %div3A_1969 = vector.broadcast %div3A_1968 : f32 to vector<1000x16xf32>
    %div3A_1970 = arith.divf %sub3A_1967, %div3A_1969 : vector<1000x16xf32>
    %mul3A_1971 = arith.mulf %div3A_1970, %convert_element_type3A_1837 : vector<1000x16xf32>
    %add3A_1972 = arith.addf %mul3A_1964, %mul3A_1971 : vector<1000x16xf32>
    %sub3A_1973 = arith.constant -2.500000e+00 : f32
    %sub3A_1974 = vector.broadcast %sub3A_1973 : f32 to vector<1000x16xf32>
    %sub3A_1975 = arith.subf %add3A_1731, %sub3A_1974 : vector<1000x16xf32>
    %div3A_1976 = arith.constant 1.000000e+00 : f32
    %div3A_1977 = vector.broadcast %div3A_1976 : f32 to vector<1000x16xf32>
    %div3A_1978 = arith.divf %sub3A_1975, %div3A_1977 : vector<1000x16xf32>
    %mul3A_1979 = arith.mulf %div3A_1978, %add3A_1852 : vector<1000x16xf32>
    %sub3A_1980 = arith.constant -1.000000e+00 : f32
    %sub3A_1981 = vector.broadcast %sub3A_1980 : f32 to vector<1000x16xf32>
    %sub3A_1982 = arith.subf %sub3A_1981, %add3A_1731 : vector<1000x16xf32>
    %div3A_1983 = arith.constant 1.000000e+00 : f32
    %div3A_1984 = vector.broadcast %div3A_1983 : f32 to vector<1000x16xf32>
    %div3A_1985 = arith.divf %sub3A_1982, %div3A_1984 : vector<1000x16xf32>
    %mul3A_1986 = arith.mulf %div3A_1985, %add3A_1867 : vector<1000x16xf32>
    %add3A_1987 = arith.addf %mul3A_1979, %mul3A_1986 : vector<1000x16xf32>
    %sub3A_1988 = arith.constant -2.000000e+00 : f32
    %sub3A_1989 = vector.broadcast %sub3A_1988 : f32 to vector<1000x16xf32>
    %sub3A_1990 = arith.subf %add3A_1731, %sub3A_1989 : vector<1000x16xf32>
    %div3A_1991 = arith.constant 1.000000e+00 : f32
    %div3A_1992 = vector.broadcast %div3A_1991 : f32 to vector<1000x16xf32>
    %div3A_1993 = arith.divf %sub3A_1990, %div3A_1992 : vector<1000x16xf32>
    %mul3A_1994 = arith.mulf %div3A_1993, %add3A_1867 : vector<1000x16xf32>
    %sub3A_1995 = arith.constant -5.000000e-01 : f32
    %sub3A_1996 = vector.broadcast %sub3A_1995 : f32 to vector<1000x16xf32>
    %sub3A_1997 = arith.subf %sub3A_1996, %add3A_1731 : vector<1000x16xf32>
    %div3A_1998 = arith.constant 1.000000e+00 : f32
    %div3A_1999 = vector.broadcast %div3A_1998 : f32 to vector<1000x16xf32>
    %div3A_2000 = arith.divf %sub3A_1997, %div3A_1999 : vector<1000x16xf32>
    %mul3A_2001 = arith.mulf %div3A_2000, %add3A_1882 : vector<1000x16xf32>
    %add3A_2002 = arith.addf %mul3A_1994, %mul3A_2001 : vector<1000x16xf32>
    %sub3A_2003 = arith.constant -1.500000e+00 : f32
    %sub3A_2004 = vector.broadcast %sub3A_2003 : f32 to vector<1000x16xf32>
    %sub3A_2005 = arith.subf %add3A_1731, %sub3A_2004 : vector<1000x16xf32>
    %div3A_2006 = arith.constant 1.000000e+00 : f32
    %div3A_2007 = vector.broadcast %div3A_2006 : f32 to vector<1000x16xf32>
    %div3A_2008 = arith.divf %sub3A_2005, %div3A_2007 : vector<1000x16xf32>
    %mul3A_2009 = arith.mulf %div3A_2008, %add3A_1882 : vector<1000x16xf32>
    %sub3A_2010 = arith.constant 0.000000e+00 : f32
    %sub3A_2011 = vector.broadcast %sub3A_2010 : f32 to vector<1000x16xf32>
    %sub3A_2012 = arith.subf %sub3A_2011, %add3A_1731 : vector<1000x16xf32>
    %div3A_2013 = arith.constant 1.000000e+00 : f32
    %div3A_2014 = vector.broadcast %div3A_2013 : f32 to vector<1000x16xf32>
    %div3A_2015 = arith.divf %sub3A_2012, %div3A_2014 : vector<1000x16xf32>
    %mul3A_2016 = arith.mulf %div3A_2015, %add3A_1897 : vector<1000x16xf32>
    %add3A_2017 = arith.addf %mul3A_2009, %mul3A_2016 : vector<1000x16xf32>
    %sub3A_2018 = arith.constant -1.000000e+00 : f32
    %sub3A_2019 = vector.broadcast %sub3A_2018 : f32 to vector<1000x16xf32>
    %sub3A_2020 = arith.subf %add3A_1731, %sub3A_2019 : vector<1000x16xf32>
    %div3A_2021 = arith.constant 1.000000e+00 : f32
    %div3A_2022 = vector.broadcast %div3A_2021 : f32 to vector<1000x16xf32>
    %div3A_2023 = arith.divf %sub3A_2020, %div3A_2022 : vector<1000x16xf32>
    %mul3A_2024 = arith.mulf %div3A_2023, %add3A_1897 : vector<1000x16xf32>
    %sub3A_2025 = arith.constant 5.000000e-01 : f32
    %sub3A_2026 = vector.broadcast %sub3A_2025 : f32 to vector<1000x16xf32>
    %sub3A_2027 = arith.subf %sub3A_2026, %add3A_1731 : vector<1000x16xf32>
    %div3A_2028 = arith.constant 1.000000e+00 : f32
    %div3A_2029 = vector.broadcast %div3A_2028 : f32 to vector<1000x16xf32>
    %div3A_2030 = arith.divf %sub3A_2027, %div3A_2029 : vector<1000x16xf32>
    %mul3A_2031 = arith.mulf %div3A_2030, %add3A_1912 : vector<1000x16xf32>
    %add3A_2032 = arith.addf %mul3A_2024, %mul3A_2031 : vector<1000x16xf32>
    %sub3A_2033 = arith.constant -5.000000e-01 : f32
    %sub3A_2034 = vector.broadcast %sub3A_2033 : f32 to vector<1000x16xf32>
    %sub3A_2035 = arith.subf %add3A_1731, %sub3A_2034 : vector<1000x16xf32>
    %div3A_2036 = arith.constant 1.000000e+00 : f32
    %div3A_2037 = vector.broadcast %div3A_2036 : f32 to vector<1000x16xf32>
    %div3A_2038 = arith.divf %sub3A_2035, %div3A_2037 : vector<1000x16xf32>
    %mul3A_2039 = arith.mulf %div3A_2038, %add3A_1912 : vector<1000x16xf32>
    %sub3A_2040 = arith.constant 1.000000e+00 : f32
    %sub3A_2041 = vector.broadcast %sub3A_2040 : f32 to vector<1000x16xf32>
    %sub3A_2042 = arith.subf %sub3A_2041, %add3A_1731 : vector<1000x16xf32>
    %div3A_2043 = arith.constant 1.000000e+00 : f32
    %div3A_2044 = vector.broadcast %div3A_2043 : f32 to vector<1000x16xf32>
    %div3A_2045 = arith.divf %sub3A_2042, %div3A_2044 : vector<1000x16xf32>
    %mul3A_2046 = arith.mulf %div3A_2045, %add3A_1927 : vector<1000x16xf32>
    %add3A_2047 = arith.addf %mul3A_2039, %mul3A_2046 : vector<1000x16xf32>
    %sub3A_2048 = arith.constant 0.000000e+00 : f32
    %sub3A_2049 = vector.broadcast %sub3A_2048 : f32 to vector<1000x16xf32>
    %sub3A_2050 = arith.subf %add3A_1731, %sub3A_2049 : vector<1000x16xf32>
    %div3A_2051 = arith.constant 1.000000e+00 : f32
    %div3A_2052 = vector.broadcast %div3A_2051 : f32 to vector<1000x16xf32>
    %div3A_2053 = arith.divf %sub3A_2050, %div3A_2052 : vector<1000x16xf32>
    %mul3A_2054 = arith.mulf %div3A_2053, %add3A_1927 : vector<1000x16xf32>
    %sub3A_2055 = arith.constant 1.500000e+00 : f32
    %sub3A_2056 = vector.broadcast %sub3A_2055 : f32 to vector<1000x16xf32>
    %sub3A_2057 = arith.subf %sub3A_2056, %add3A_1731 : vector<1000x16xf32>
    %div3A_2058 = arith.constant 1.000000e+00 : f32
    %div3A_2059 = vector.broadcast %div3A_2058 : f32 to vector<1000x16xf32>
    %div3A_2060 = arith.divf %sub3A_2057, %div3A_2059 : vector<1000x16xf32>
    %mul3A_2061 = arith.mulf %div3A_2060, %add3A_1942 : vector<1000x16xf32>
    %add3A_2062 = arith.addf %mul3A_2054, %mul3A_2061 : vector<1000x16xf32>
    %sub3A_2063 = arith.constant 5.000000e-01 : f32
    %sub3A_2064 = vector.broadcast %sub3A_2063 : f32 to vector<1000x16xf32>
    %sub3A_2065 = arith.subf %add3A_1731, %sub3A_2064 : vector<1000x16xf32>
    %div3A_2066 = arith.constant 1.000000e+00 : f32
    %div3A_2067 = vector.broadcast %div3A_2066 : f32 to vector<1000x16xf32>
    %div3A_2068 = arith.divf %sub3A_2065, %div3A_2067 : vector<1000x16xf32>
    %mul3A_2069 = arith.mulf %div3A_2068, %add3A_1942 : vector<1000x16xf32>
    %sub3A_2070 = arith.constant 2.000000e+00 : f32
    %sub3A_2071 = vector.broadcast %sub3A_2070 : f32 to vector<1000x16xf32>
    %sub3A_2072 = arith.subf %sub3A_2071, %add3A_1731 : vector<1000x16xf32>
    %div3A_2073 = arith.constant 1.000000e+00 : f32
    %div3A_2074 = vector.broadcast %div3A_2073 : f32 to vector<1000x16xf32>
    %div3A_2075 = arith.divf %sub3A_2072, %div3A_2074 : vector<1000x16xf32>
    %mul3A_2076 = arith.mulf %div3A_2075, %add3A_1957 : vector<1000x16xf32>
    %add3A_2077 = arith.addf %mul3A_2069, %mul3A_2076 : vector<1000x16xf32>
    %sub3A_2078 = arith.constant 1.000000e+00 : f32
    %sub3A_2079 = vector.broadcast %sub3A_2078 : f32 to vector<1000x16xf32>
    %sub3A_2080 = arith.subf %add3A_1731, %sub3A_2079 : vector<1000x16xf32>
    %div3A_2081 = arith.constant 1.000000e+00 : f32
    %div3A_2082 = vector.broadcast %div3A_2081 : f32 to vector<1000x16xf32>
    %div3A_2083 = arith.divf %sub3A_2080, %div3A_2082 : vector<1000x16xf32>
    %mul3A_2084 = arith.mulf %div3A_2083, %add3A_1957 : vector<1000x16xf32>
    %sub3A_2085 = arith.constant 2.500000e+00 : f32
    %sub3A_2086 = vector.broadcast %sub3A_2085 : f32 to vector<1000x16xf32>
    %sub3A_2087 = arith.subf %sub3A_2086, %add3A_1731 : vector<1000x16xf32>
    %div3A_2088 = arith.constant 1.000000e+00 : f32
    %div3A_2089 = vector.broadcast %div3A_2088 : f32 to vector<1000x16xf32>
    %div3A_2090 = arith.divf %sub3A_2087, %div3A_2089 : vector<1000x16xf32>
    %mul3A_2091 = arith.mulf %div3A_2090, %add3A_1972 : vector<1000x16xf32>
    %add3A_2092 = arith.addf %mul3A_2084, %mul3A_2091 : vector<1000x16xf32>
    %sub3A_2093 = arith.constant -2.500000e+00 : f32
    %sub3A_2094 = vector.broadcast %sub3A_2093 : f32 to vector<1000x16xf32>
    %sub3A_2095 = arith.subf %add3A_1731, %sub3A_2094 : vector<1000x16xf32>
    %div3A_2096 = arith.constant 1.500000e+00 : f32
    %div3A_2097 = vector.broadcast %div3A_2096 : f32 to vector<1000x16xf32>
    %div3A_2098 = arith.divf %sub3A_2095, %div3A_2097 : vector<1000x16xf32>
    %mul3A_2099 = arith.mulf %div3A_2098, %add3A_1987 : vector<1000x16xf32>
    %sub3A_2100 = arith.constant -5.000000e-01 : f32
    %sub3A_2101 = vector.broadcast %sub3A_2100 : f32 to vector<1000x16xf32>
    %sub3A_2102 = arith.subf %sub3A_2101, %add3A_1731 : vector<1000x16xf32>
    %div3A_2103 = arith.constant 1.500000e+00 : f32
    %div3A_2104 = vector.broadcast %div3A_2103 : f32 to vector<1000x16xf32>
    %div3A_2105 = arith.divf %sub3A_2102, %div3A_2104 : vector<1000x16xf32>
    %mul3A_2106 = arith.mulf %div3A_2105, %add3A_2002 : vector<1000x16xf32>
    %add3A_2107 = arith.addf %mul3A_2099, %mul3A_2106 : vector<1000x16xf32>
    %sub3A_2108 = arith.constant -2.000000e+00 : f32
    %sub3A_2109 = vector.broadcast %sub3A_2108 : f32 to vector<1000x16xf32>
    %sub3A_2110 = arith.subf %add3A_1731, %sub3A_2109 : vector<1000x16xf32>
    %div3A_2111 = arith.constant 1.500000e+00 : f32
    %div3A_2112 = vector.broadcast %div3A_2111 : f32 to vector<1000x16xf32>
    %div3A_2113 = arith.divf %sub3A_2110, %div3A_2112 : vector<1000x16xf32>
    %mul3A_2114 = arith.mulf %div3A_2113, %add3A_2002 : vector<1000x16xf32>
    %sub3A_2115 = arith.constant 0.000000e+00 : f32
    %sub3A_2116 = vector.broadcast %sub3A_2115 : f32 to vector<1000x16xf32>
    %sub3A_2117 = arith.subf %sub3A_2116, %add3A_1731 : vector<1000x16xf32>
    %div3A_2118 = arith.constant 1.500000e+00 : f32
    %div3A_2119 = vector.broadcast %div3A_2118 : f32 to vector<1000x16xf32>
    %div3A_2120 = arith.divf %sub3A_2117, %div3A_2119 : vector<1000x16xf32>
    %mul3A_2121 = arith.mulf %div3A_2120, %add3A_2017 : vector<1000x16xf32>
    %add3A_2122 = arith.addf %mul3A_2114, %mul3A_2121 : vector<1000x16xf32>
    %sub3A_2123 = arith.constant -1.500000e+00 : f32
    %sub3A_2124 = vector.broadcast %sub3A_2123 : f32 to vector<1000x16xf32>
    %sub3A_2125 = arith.subf %add3A_1731, %sub3A_2124 : vector<1000x16xf32>
    %div3A_2126 = arith.constant 1.500000e+00 : f32
    %div3A_2127 = vector.broadcast %div3A_2126 : f32 to vector<1000x16xf32>
    %div3A_2128 = arith.divf %sub3A_2125, %div3A_2127 : vector<1000x16xf32>
    %mul3A_2129 = arith.mulf %div3A_2128, %add3A_2017 : vector<1000x16xf32>
    %sub3A_2130 = arith.constant 5.000000e-01 : f32
    %sub3A_2131 = vector.broadcast %sub3A_2130 : f32 to vector<1000x16xf32>
    %sub3A_2132 = arith.subf %sub3A_2131, %add3A_1731 : vector<1000x16xf32>
    %div3A_2133 = arith.constant 1.500000e+00 : f32
    %div3A_2134 = vector.broadcast %div3A_2133 : f32 to vector<1000x16xf32>
    %div3A_2135 = arith.divf %sub3A_2132, %div3A_2134 : vector<1000x16xf32>
    %mul3A_2136 = arith.mulf %div3A_2135, %add3A_2032 : vector<1000x16xf32>
    %add3A_2137 = arith.addf %mul3A_2129, %mul3A_2136 : vector<1000x16xf32>
    %sub3A_2138 = arith.constant -1.000000e+00 : f32
    %sub3A_2139 = vector.broadcast %sub3A_2138 : f32 to vector<1000x16xf32>
    %sub3A_2140 = arith.subf %add3A_1731, %sub3A_2139 : vector<1000x16xf32>
    %div3A_2141 = arith.constant 1.500000e+00 : f32
    %div3A_2142 = vector.broadcast %div3A_2141 : f32 to vector<1000x16xf32>
    %div3A_2143 = arith.divf %sub3A_2140, %div3A_2142 : vector<1000x16xf32>
    %mul3A_2144 = arith.mulf %div3A_2143, %add3A_2032 : vector<1000x16xf32>
    %sub3A_2145 = arith.constant 1.000000e+00 : f32
    %sub3A_2146 = vector.broadcast %sub3A_2145 : f32 to vector<1000x16xf32>
    %sub3A_2147 = arith.subf %sub3A_2146, %add3A_1731 : vector<1000x16xf32>
    %div3A_2148 = arith.constant 1.500000e+00 : f32
    %div3A_2149 = vector.broadcast %div3A_2148 : f32 to vector<1000x16xf32>
    %div3A_2150 = arith.divf %sub3A_2147, %div3A_2149 : vector<1000x16xf32>
    %mul3A_2151 = arith.mulf %div3A_2150, %add3A_2047 : vector<1000x16xf32>
    %add3A_2152 = arith.addf %mul3A_2144, %mul3A_2151 : vector<1000x16xf32>
    %sub3A_2153 = arith.constant -5.000000e-01 : f32
    %sub3A_2154 = vector.broadcast %sub3A_2153 : f32 to vector<1000x16xf32>
    %sub3A_2155 = arith.subf %add3A_1731, %sub3A_2154 : vector<1000x16xf32>
    %div3A_2156 = arith.constant 1.500000e+00 : f32
    %div3A_2157 = vector.broadcast %div3A_2156 : f32 to vector<1000x16xf32>
    %div3A_2158 = arith.divf %sub3A_2155, %div3A_2157 : vector<1000x16xf32>
    %mul3A_2159 = arith.mulf %div3A_2158, %add3A_2047 : vector<1000x16xf32>
    %sub3A_2160 = arith.constant 1.500000e+00 : f32
    %sub3A_2161 = vector.broadcast %sub3A_2160 : f32 to vector<1000x16xf32>
    %sub3A_2162 = arith.subf %sub3A_2161, %add3A_1731 : vector<1000x16xf32>
    %div3A_2163 = arith.constant 1.500000e+00 : f32
    %div3A_2164 = vector.broadcast %div3A_2163 : f32 to vector<1000x16xf32>
    %div3A_2165 = arith.divf %sub3A_2162, %div3A_2164 : vector<1000x16xf32>
    %mul3A_2166 = arith.mulf %div3A_2165, %add3A_2062 : vector<1000x16xf32>
    %add3A_2167 = arith.addf %mul3A_2159, %mul3A_2166 : vector<1000x16xf32>
    %sub3A_2168 = arith.constant 0.000000e+00 : f32
    %sub3A_2169 = vector.broadcast %sub3A_2168 : f32 to vector<1000x16xf32>
    %sub3A_2170 = arith.subf %add3A_1731, %sub3A_2169 : vector<1000x16xf32>
    %div3A_2171 = arith.constant 1.500000e+00 : f32
    %div3A_2172 = vector.broadcast %div3A_2171 : f32 to vector<1000x16xf32>
    %div3A_2173 = arith.divf %sub3A_2170, %div3A_2172 : vector<1000x16xf32>
    %mul3A_2174 = arith.mulf %div3A_2173, %add3A_2062 : vector<1000x16xf32>
    %sub3A_2175 = arith.constant 2.000000e+00 : f32
    %sub3A_2176 = vector.broadcast %sub3A_2175 : f32 to vector<1000x16xf32>
    %sub3A_2177 = arith.subf %sub3A_2176, %add3A_1731 : vector<1000x16xf32>
    %div3A_2178 = arith.constant 1.500000e+00 : f32
    %div3A_2179 = vector.broadcast %div3A_2178 : f32 to vector<1000x16xf32>
    %div3A_2180 = arith.divf %sub3A_2177, %div3A_2179 : vector<1000x16xf32>
    %mul3A_2181 = arith.mulf %div3A_2180, %add3A_2077 : vector<1000x16xf32>
    %add3A_2182 = arith.addf %mul3A_2174, %mul3A_2181 : vector<1000x16xf32>
    %sub3A_2183 = arith.constant 5.000000e-01 : f32
    %sub3A_2184 = vector.broadcast %sub3A_2183 : f32 to vector<1000x16xf32>
    %sub3A_2185 = arith.subf %add3A_1731, %sub3A_2184 : vector<1000x16xf32>
    %div3A_2186 = arith.constant 1.500000e+00 : f32
    %div3A_2187 = vector.broadcast %div3A_2186 : f32 to vector<1000x16xf32>
    %div3A_2188 = arith.divf %sub3A_2185, %div3A_2187 : vector<1000x16xf32>
    %mul3A_2189 = arith.mulf %div3A_2188, %add3A_2077 : vector<1000x16xf32>
    %sub3A_2190 = arith.constant 2.500000e+00 : f32
    %sub3A_2191 = vector.broadcast %sub3A_2190 : f32 to vector<1000x16xf32>
    %sub3A_2192 = arith.subf %sub3A_2191, %add3A_1731 : vector<1000x16xf32>
    %div3A_2193 = arith.constant 1.500000e+00 : f32
    %div3A_2194 = vector.broadcast %div3A_2193 : f32 to vector<1000x16xf32>
    %div3A_2195 = arith.divf %sub3A_2192, %div3A_2194 : vector<1000x16xf32>
    %mul3A_2196 = arith.mulf %div3A_2195, %add3A_2092 : vector<1000x16xf32>
    %add3A_2197 = arith.addf %mul3A_2189, %mul3A_2196 : vector<1000x16xf32>
    %get3A_2198 = arith.constant 0 : index
    %get3A_2199 = arith.constant 0 : index
    %get3A_2200 = arith.constant 0 : index
    %get3A_2201 = vector.load %arg14[%get3A_2198, %get3A_2199, %get3A_2200] : memref<7x16x128xf32, #tpu.memory_space<vmem>>, vector<1x16x128xf32>
    %get3A_2202 = vector.shape_cast %get3A_2201 : vector<1x16x128xf32> to vector<16x128xf32>
    %dot_general3A_2203 = arith.constant dense<0.000000e+00> : vector<1000x128xf32>
    %dot_general3A_2204 = tpu.matmul %add3A_2107, %get3A_2202, %dot_general3A_2203 {dimension_numbers = #tpu.dot_dimension_numbers<[1], [0], [0], [1], [0, 0, 1, 1], [], []>, precision = #tpu.contract_precision<fp32>, transpose_lhs_hint = false} : vector<1000x16xf32>, vector<16x128xf32>, vector<1000x128xf32> -> vector<1000x128xf32>
    %add3A_2205 = arith.addf %dot_general3A_1747, %dot_general3A_2204 : vector<1000x128xf32>
    %get3A_2206 = arith.constant 1 : index
    %get3A_2207 = arith.constant 0 : index
    %get3A_2208 = arith.constant 0 : index
    %get3A_2209 = vector.load %arg14[%get3A_2206, %get3A_2207, %get3A_2208] : memref<7x16x128xf32, #tpu.memory_space<vmem>>, vector<1x16x128xf32>
    %get3A_2210 = vector.shape_cast %get3A_2209 : vector<1x16x128xf32> to vector<16x128xf32>
    %dot_general3A_2211 = arith.constant dense<0.000000e+00> : vector<1000x128xf32>
    %dot_general3A_2212 = tpu.matmul %add3A_2122, %get3A_2210, %dot_general3A_2211 {dimension_numbers = #tpu.dot_dimension_numbers<[1], [0], [0], [1], [0, 0, 1, 1], [], []>, precision = #tpu.contract_precision<fp32>, transpose_lhs_hint = false} : vector<1000x16xf32>, vector<16x128xf32>, vector<1000x128xf32> -> vector<1000x128xf32>
    %add3A_2213 = arith.addf %add3A_2205, %dot_general3A_2212 : vector<1000x128xf32>
    %get3A_2214 = arith.constant 2 : index
    %get3A_2215 = arith.constant 0 : index
    %get3A_2216 = arith.constant 0 : index
    %get3A_2217 = vector.load %arg14[%get3A_2214, %get3A_2215, %get3A_2216] : memref<7x16x128xf32, #tpu.memory_space<vmem>>, vector<1x16x128xf32>
    %get3A_2218 = vector.shape_cast %get3A_2217 : vector<1x16x128xf32> to vector<16x128xf32>
    %dot_general3A_2219 = arith.constant dense<0.000000e+00> : vector<1000x128xf32>
    %dot_general3A_2220 = tpu.matmul %add3A_2137, %get3A_2218, %dot_general3A_2219 {dimension_numbers = #tpu.dot_dimension_numbers<[1], [0], [0], [1], [0, 0, 1, 1], [], []>, precision = #tpu.contract_precision<fp32>, transpose_lhs_hint = false} : vector<1000x16xf32>, vector<16x128xf32>, vector<1000x128xf32> -> vector<1000x128xf32>
    %add3A_2221 = arith.addf %add3A_2213, %dot_general3A_2220 : vector<1000x128xf32>
    %get3A_2222 = arith.constant 3 : index
    %get3A_2223 = arith.constant 0 : index
    %get3A_2224 = arith.constant 0 : index
    %get3A_2225 = vector.load %arg14[%get3A_2222, %get3A_2223, %get3A_2224] : memref<7x16x128xf32, #tpu.memory_space<vmem>>, vector<1x16x128xf32>
    %get3A_2226 = vector.shape_cast %get3A_2225 : vector<1x16x128xf32> to vector<16x128xf32>
    %dot_general3A_2227 = arith.constant dense<0.000000e+00> : vector<1000x128xf32>
    %dot_general3A_2228 = tpu.matmul %add3A_2152, %get3A_2226, %dot_general3A_2227 {dimension_numbers = #tpu.dot_dimension_numbers<[1], [0], [0], [1], [0, 0, 1, 1], [], []>, precision = #tpu.contract_precision<fp32>, transpose_lhs_hint = false} : vector<1000x16xf32>, vector<16x128xf32>, vector<1000x128xf32> -> vector<1000x128xf32>
    %add3A_2229 = arith.addf %add3A_2221, %dot_general3A_2228 : vector<1000x128xf32>
    %get3A_2230 = arith.constant 4 : index
    %get3A_2231 = arith.constant 0 : index
    %get3A_2232 = arith.constant 0 : index
    %get3A_2233 = vector.load %arg14[%get3A_2230, %get3A_2231, %get3A_2232] : memref<7x16x128xf32, #tpu.memory_space<vmem>>, vector<1x16x128xf32>
    %get3A_2234 = vector.shape_cast %get3A_2233 : vector<1x16x128xf32> to vector<16x128xf32>
    %dot_general3A_2235 = arith.constant dense<0.000000e+00> : vector<1000x128xf32>
    %dot_general3A_2236 = tpu.matmul %add3A_2167, %get3A_2234, %dot_general3A_2235 {dimension_numbers = #tpu.dot_dimension_numbers<[1], [0], [0], [1], [0, 0, 1, 1], [], []>, precision = #tpu.contract_precision<fp32>, transpose_lhs_hint = false} : vector<1000x16xf32>, vector<16x128xf32>, vector<1000x128xf32> -> vector<1000x128xf32>
    %add3A_2237 = arith.addf %add3A_2229, %dot_general3A_2236 : vector<1000x128xf32>
    %get3A_2238 = arith.constant 5 : index
    %get3A_2239 = arith.constant 0 : index
    %get3A_2240 = arith.constant 0 : index
    %get3A_2241 = vector.load %arg14[%get3A_2238, %get3A_2239, %get3A_2240] : memref<7x16x128xf32, #tpu.memory_space<vmem>>, vector<1x16x128xf32>
    %get3A_2242 = vector.shape_cast %get3A_2241 : vector<1x16x128xf32> to vector<16x128xf32>
    %dot_general3A_2243 = arith.constant dense<0.000000e+00> : vector<1000x128xf32>
    %dot_general3A_2244 = tpu.matmul %add3A_2182, %get3A_2242, %dot_general3A_2243 {dimension_numbers = #tpu.dot_dimension_numbers<[1], [0], [0], [1], [0, 0, 1, 1], [], []>, precision = #tpu.contract_precision<fp32>, transpose_lhs_hint = false} : vector<1000x16xf32>, vector<16x128xf32>, vector<1000x128xf32> -> vector<1000x128xf32>
    %add3A_2245 = arith.addf %add3A_2237, %dot_general3A_2244 : vector<1000x128xf32>
    %get3A_2246 = arith.constant 6 : index
    %get3A_2247 = arith.constant 0 : index
    %get3A_2248 = arith.constant 0 : index
    %get3A_2249 = vector.load %arg14[%get3A_2246, %get3A_2247, %get3A_2248] : memref<7x16x128xf32, #tpu.memory_space<vmem>>, vector<1x16x128xf32>
    %get3A_2250 = vector.shape_cast %get3A_2249 : vector<1x16x128xf32> to vector<16x128xf32>
    %dot_general3A_2251 = arith.constant dense<0.000000e+00> : vector<1000x128xf32>
    %dot_general3A_2252 = tpu.matmul %add3A_2197, %get3A_2250, %dot_general3A_2251 {dimension_numbers = #tpu.dot_dimension_numbers<[1], [0], [0], [1], [0, 0, 1, 1], [], []>, precision = #tpu.contract_precision<fp32>, transpose_lhs_hint = false} : vector<1000x16xf32>, vector<16x128xf32>, vector<1000x128xf32> -> vector<1000x128xf32>
    %add3A_2253 = arith.addf %add3A_2245, %dot_general3A_2252 : vector<1000x128xf32>
    %add3A_2254 = arith.addf %add3A_1209, %add3A_2253 : vector<1000x128xf32>
    %reduce_sum3A_2255 = arith.constant dense<0.000000e+00> : vector<1000xf32>
    %reduce_sum3A_2256 = vector.multi_reduction <add>, %add3A_2254, %reduce_sum3A_2255 [1] : vector<1000x128xf32> to vector<1000xf32>
    %broadcast_in_dim3A_2257 = vector.shape_cast %reduce_sum3A_2256 : vector<1000xf32> to vector<1000x1xf32>
    %div3A_2258 = arith.constant 1.280000e+02 : f32
    %div3A_2259 = vector.broadcast %div3A_2258 : f32 to vector<1000x1xf32>
    %div3A_2260 = arith.divf %broadcast_in_dim3A_2257, %div3A_2259 : vector<1000x1xf32>
    %sub3A_2261 = vector.broadcast %div3A_2260 : vector<1000x1xf32> to vector<1000x128xf32>
    %sub3A_2262 = arith.subf %add3A_2254, %sub3A_2261 : vector<1000x128xf32>
    %mul3A_2263 = arith.mulf %sub3A_2262, %sub3A_2262 : vector<1000x128xf32>
    %reduce_sum3A_2264 = arith.constant dense<0.000000e+00> : vector<1000xf32>
    %reduce_sum3A_2265 = vector.multi_reduction <add>, %mul3A_2263, %reduce_sum3A_2264 [1] : vector<1000x128xf32> to vector<1000xf32>
    %broadcast_in_dim3A_2266 = vector.shape_cast %reduce_sum3A_2265 : vector<1000xf32> to vector<1000x1xf32>
    %div3A_2267 = arith.constant 1.280000e+02 : f32
    %div3A_2268 = vector.broadcast %div3A_2267 : f32 to vector<1000x1xf32>
    %div3A_2269 = arith.divf %broadcast_in_dim3A_2266, %div3A_2268 : vector<1000x1xf32>
    %add3A_2270 = arith.constant 9.99999974E-6 : f32
    %add3A_2271 = vector.broadcast %add3A_2270 : f32 to vector<1000x1xf32>
    %add3A_2272 = arith.addf %div3A_2269, %add3A_2271 : vector<1000x1xf32>
    %sqrt3A_2273 = math.sqrt %add3A_2272 : vector<1000x1xf32>
    %div3A_2274 = vector.broadcast %sqrt3A_2273 : vector<1000x1xf32> to vector<1000x128xf32>
    %div3A_2275 = arith.divf %sub3A_2262, %div3A_2274 : vector<1000x128xf32>
    %swap3A = arith.constant 0 : index
    %swap3A_2276 = arith.constant 0 : index
    %swap3A_2277 = vector.load %arg15[%swap3A, %swap3A_2276] : memref<1000x128xf32, #tpu.memory_space<vmem>>, vector<1000x128xf32>
    tpu.vector_store %arg15[%swap3A, %swap3A_2276], %div3A_2275 {strides = array<i32>} : memref<1000x128xf32, #tpu.memory_space<vmem>>, vector<1000x128xf32>,
    return
  }
  func.func @transform_0(%arg0: i32) -> (i32, i32) {
    %c0_i32 = arith.constant 0 : i32
    %c0_i32_0 = arith.constant 0 : i32
    return %arg0, %c0_i32 : i32, i32
  }
  func.func @transform_1(%arg0: i32) -> (i32, i32, i32) {
    %c0_i32 = arith.constant 0 : i32
    %c0_i32_0 = arith.constant 0 : i32
    %c0_i32_1 = arith.constant 0 : i32
    return %c0_i32, %arg0, %c0_i32_0 : i32, i32, i32
  }
  func.func @transform_2(%arg0: i32) -> (i32, i32) {
    %c0_i32 = arith.constant 0 : i32
    %c0_i32_0 = arith.constant 0 : i32
    return %arg0, %c0_i32 : i32, i32
  }
  func.func @transform_3(%arg0: i32) -> (i32, i32) {
    %c0_i32 = arith.constant 0 : i32
    %c0_i32_0 = arith.constant 0 : i32
    return %arg0, %c0_i32 : i32, i32
  }
  func.func @transform_4(%arg0: i32) -> (i32, i32) {
    %c0_i32 = arith.constant 0 : i32
    %c0_i32_0 = arith.constant 0 : i32
    %c0_i32_1 = arith.constant 0 : i32
    return %c0_i32, %c0_i32_0 : i32, i32
  }
  func.func @transform_5(%arg0: i32) -> (i32, i32, i32) {
    %c0_i32 = arith.constant 0 : i32
    %c0_i32_0 = arith.constant 0 : i32
    %c0_i32_1 = arith.constant 0 : i32
    %c0_i32_2 = arith.constant 0 : i32
    return %c0_i32, %c0_i32_0, %c0_i32_1 : i32, i32, i32
  }
  func.func @transform_6(%arg0: i32) -> (i32, i32) {
    %c0_i32 = arith.constant 0 : i32
    %c0_i32_0 = arith.constant 0 : i32
    %c0_i32_1 = arith.constant 0 : i32
    return %c0_i32, %c0_i32_0 : i32, i32
  }
  func.func @transform_7(%arg0: i32) -> (i32, i32, i32) {
    %c0_i32 = arith.constant 0 : i32
    %c0_i32_0 = arith.constant 0 : i32
    %c0_i32_1 = arith.constant 0 : i32
    %c0_i32_2 = arith.constant 0 : i32
    return %c0_i32, %c0_i32_0, %c0_i32_1 : i32, i32, i32
  }
  func.func @transform_8(%arg0: i32) -> (i32, i32) {
    %c0_i32 = arith.constant 0 : i32
    %c0_i32_0 = arith.constant 0 : i32
    %c0_i32_1 = arith.constant 0 : i32
    return %c0_i32, %c0_i32_0 : i32, i32
  }
  func.func @transform_9(%arg0: i32) -> (i32, i32, i32) {
    %c0_i32 = arith.constant 0 : i32
    %c0_i32_0 = arith.constant 0 : i32
    %c0_i32_1 = arith.constant 0 : i32
    %c0_i32_2 = arith.constant 0 : i32
    return %c0_i32, %c0_i32_0, %c0_i32_1 : i32, i32, i32
  }
  func.func @transform_10(%arg0: i32) -> (i32, i32) {
    %c0_i32 = arith.constant 0 : i32
    %c0_i32_0 = arith.constant 0 : i32
    %c0_i32_1 = arith.constant 0 : i32
    return %c0_i32, %c0_i32_0 : i32, i32
  }
  func.func @transform_11(%arg0: i32) -> (i32, i32, i32) {
    %c0_i32 = arith.constant 0 : i32
    %c0_i32_0 = arith.constant 0 : i32
    %c0_i32_1 = arith.constant 0 : i32
    %c0_i32_2 = arith.constant 0 : i32
    return %c0_i32, %c0_i32_0, %c0_i32_1 : i32, i32, i32
  }
  func.func @transform_12(%arg0: i32) -> (i32, i32) {
    %c0_i32 = arith.constant 0 : i32
    %c0_i32_0 = arith.constant 0 : i32
    %c0_i32_1 = arith.constant 0 : i32
    return %c0_i32, %c0_i32_0 : i32, i32
  }
  func.func @transform_13(%arg0: i32) -> (i32, i32, i32) {
    %c0_i32 = arith.constant 0 : i32
    %c0_i32_0 = arith.constant 0 : i32
    %c0_i32_1 = arith.constant 0 : i32
    %c0_i32_2 = arith.constant 0 : i32
    return %c0_i32, %c0_i32_0, %c0_i32_1 : i32, i32, i32
  }
  func.func @transform_14(%arg0: i32) -> (i32, i32) {
    %c0_i32 = arith.constant 0 : i32
    %c0_i32_0 = arith.constant 0 : i32
    return %arg0, %c0_i32 : i32, i32
  }
}

</mosaic_0001>

<sc_bundles>
// kernel: kernel.11.cloned.1.call-start
scs
__scs_entry_jumppad:
0x0: {  	(pc) =	sbr.rel $0x88, $3  }
0x1: {  	(tag) =	ssettag $0x0;
	lr =	simm.s32 $0x1  }
0x2: {  	[smem:$0x3F8F] =	sst lr;
	_ =	strace $0xD0000000  }
0x3: {  	_ = 	snop  }
0x4: {  	_ = 	snop  }
0x5: {  	_ = 	snop  }
0x6: {  	_ = 	snop  }
0x7: {  	_ = 	snop  }
__scs_overlays_trampoline_lowered:
0x8: {  	[smem:$0x3F9E] =	sst s0  }
0x9: {  	[smem:$0x3F9F] =	sst s1  }
0xa: {  	[smem:$0x3FA0] =	sst s2  }
0xb: {  	[smem:$0x3FA1] =	sst s3  }
0xc: {  	[smem:$0x3FA2] =	sst s4  }
0xd: {  	[smem:$0x3FA3] =	sst s5  }
0xe: {  	[smem:$0x3FA4] =	sst s6  }
0xf: {  	[smem:$0x3FA5] =	sst s7  }
0x10: {  	[smem:$0x3FA6] =	sst s8  }
0x11: {  	[smem:$0x3FA7] =	sst s9;
	s0 =	simm.s32 @!p0 $0x0  }
0x12: {  	s1 =	sld [smem:$0x3F8D];
	s0 =	simm.s32 @p0 $0x1  }
0x13: {  	[smem:$0x3FA8] =	sst s0;
	s0 =	simm.s32 @!p1 $0x0  }
0x14: {  	s2 =	sld [smem:$0x3F8C];
	s0 =	simm.s32 @p1 $0x1  }
0x15: {  	[smem:$0x3FA9] =	sst s0;
	s0 =	simm.s32 @!p2 $0x0  }
0x16: {  	s3 =	sld [smem:$0x3FDB];
	s0 =	simm.s32 @p2 $0x1  }
0x17: {  	s4 =	simm.s32 $0x1BF5;
	[smem:$0x3FAB] =	sst s0  }
0x18: {  	s0 =	sld [smem:$0x3F8E];
	_ =	swait.ge [sflag:s4], $0x0  }
0x19: {  	s7 =	sld [smem:$0x3F8F]  }
0x1a: {  	s8 =	sadd.s32 $0xFFFFE003, lr  }
0x1b: {  	s9 =	sadd.s32 $0xFFFFFEF7, lr;
	s5 =	simm.s32 $0xFFFFFFFF;
	p2 =	slt.u32 s8, $0xFFFFF086  }
0x1c: {  	p1 =	slt.u32 s9, $0xF7A;
	s5 =	simm.s32 @!p2 $0x0  }
0x1d: {  	s5 =	simm.s32 @p1 $0x1;
	p0 =	seq.s32 s7, s2  }
0x1e: {  	s7 =	smul.u32 @!p0 $0xF7A, s2;
	p2 =	seq.s32 @!p0 s5, $0x0  }
0x1f: {  	s9 =	smul.u32 $0xF7A, s1;
	s8 =	simm.s32 @!p0 $0x1BF5;
	p2 =	por !p2, p0  }
0x20: {  	[sflag:s8] =	ssyncset.s32 @!p0 $0xFFFFF086;
	s6 =	sadd.s32 @!p0 s3, s7;
	s7 =	simm.s32 @!p0 $0x108  }
0x21: {  	s3 =	sadd.s32 s3, s9;
	s6 =	sadd.s32 @!p0 $0x88, s6;
	s7 =	simm.s32 @p2 $0x1082  }
0x22: {  	[simem:s7], [sflag:s8] =	dma.local @!p0 [hbm:s6], $0xF7A  }
0x23: {  	s9 =	sor.u32 $0xD0000000, s2;
	s6 =	simm.s32 $0x108;
	_ =	swait.ge @!p0 [sflag:s8], $0x0  }
0x24: {  	s3 =	sadd.s32 $0x88, s3;
	s6 =	simm.s32 @!p1 $0x1082;
	[sflag:s4] =	ssyncset.s32 $0xFFFFF086  }
0x25: {  	[simem:s6], [sflag:s4] =	dma.local [hbm:s3], $0xF7A  }
0x26: {  	[smem:$0x3F8F] =	sst s1;
	(tag) =	ssettag s2;
	_ =	strace s9  }
0x27: {  	s1 =	sld [smem:$0x3F9F]  }
0x28: {  	s2 =	sld [smem:$0x3FA0]  }
0x29: {  	s4 =	sld [smem:$0x3FA2]  }
0x2a: {  	p0 =	seq.s32 s5, $0x0;
	s5 =	sld [smem:$0x3FA3]  }
0x2b: {  	s6 =	sld [smem:$0x3FA4]  }
0x2c: {  	s7 =	sld [smem:$0x3FA5]  }
0x2d: {  	s3 =	simm.s32 $0x108;
	s8 =	sld [smem:$0x3FA6]  }
0x2e: {  	s3 =	simm.s32 @!p0 $0x1082;
	s9 =	sld [smem:$0x3FA7]  }
0x2f: {  	lr =	sadd.s32 s0, s3;
	s0 =	sld [smem:$0x3F9E]  }
0x30: {  	s3 =	sld [smem:$0x3FA1]  }
0x31: {  	[smem:$0x3FAA] =	sst s10  }
0x32: {  	s10 =	sld [smem:$0x3FA8];
	_ =	sdelay $0x3  }
0x33: {  	p0 =	seq.s32 s10, $0x1;
	s10 =	sld [smem:$0x3FAA];
	_ =	sdelay $0x3  }
0x34: {  	[smem:$0x3FAA] =	sst s10  }
0x35: {  	s10 =	sld [smem:$0x3FA9];
	_ =	sdelay $0x3  }
0x36: {  	p1 =	seq.s32 s10, $0x1;
	s10 =	sld [smem:$0x3FAA];
	_ =	sdelay $0x3  }
0x37: {  	[smem:$0x3FAA] =	sst s10  }
0x38: {  	s10 =	sld [smem:$0x3FAB]  }
0x39: {  	_ = 	snop;
	(pc) =	sbr.ind lr, $3  }
0x3a: {  	_ = 	snop  }
0x3b: {  	_ = 	snop  }
0x3c: {  	p2 =	seq.s32 s10, $0x1;
	s10 =	sld [smem:$0x3FAA]  }
0x3d: {  	_ =	shalt  }
0x3e: {  	_ =	shalt  }
0x3f: {  	_ =	shalt  }
0x40: {  	_ =	shalt  }
0x41: {  	_ =	shalt  }
0x42: {  	_ =	shalt  }
0x43: {  	_ =	shalt  }
0x44: {  	_ =	shalt  }
0x45: {  	_ =	shalt  }
0x46: {  	_ =	shalt  }
0x47: {  	_ =	shalt  }
0x48: {  	_ =	shalt  }
0x49: {  	_ =	shalt  }
0x4a: {  	_ =	shalt  }
0x4b: {  	_ =	shalt  }
0x4c: {  	_ =	shalt  }
0x4d: {  	_ =	shalt  }
0x4e: {  	_ =	shalt  }
0x4f: {  	_ =	shalt  }
0x50: {  	_ =	shalt  }
0x51: {  	_ =	shalt  }
0x52: {  	_ =	shalt  }
0x53: {  	_ =	shalt  }
0x54: {  	_ =	shalt  }
0x55: {  	_ =	shalt  }
0x56: {  	_ =	shalt  }
0x57: {  	_ =	shalt  }
0x58: {  	_ =	shalt  }
0x59: {  	_ =	shalt  }
0x5a: {  	_ =	shalt  }
0x5b: {  	_ =	shalt  }
0x5c: {  	_ =	shalt  }
0x5d: {  	_ =	shalt  }
0x5e: {  	_ =	shalt  }
0x5f: {  	_ =	shalt  }
0x60: {  	_ =	shalt  }
0x61: {  	_ =	shalt  }
0x62: {  	_ =	shalt  }
0x63: {  	_ =	shalt  }
0x64: {  	_ =	shalt  }
0x65: {  	_ =	shalt  }
0x66: {  	_ =	shalt  }
0x67: {  	_ =	shalt  }
0x68: {  	_ =	shalt  }
0x69: {  	_ =	shalt  }
0x6a: {  	_ =	shalt  }
0x6b: {  	_ =	shalt  }
0x6c: {  	_ =	shalt  }
0x6d: {  	_ =	shalt  }
0x6e: {  	_ =	shalt  }
0x6f: {  	_ =	shalt  }
0x70: {  	_ =	shalt  }
0x71: {  	_ =	shalt  }
0x72: {  	_ =	shalt  }
0x73: {  	_ =	shalt  }
0x74: {  	_ =	shalt  }
0x75: {  	_ =	shalt  }
0x76: {  	_ =	shalt  }
0x77: {  	_ =	shalt  }
0x78: {  	_ =	shalt  }
0x79: {  	_ =	shalt  }
0x7a: {  	_ =	shalt  }
0x7b: {  	_ =	shalt  }
0x7c: {  	_ =	shalt  }
0x7d: {  	_ =	shalt  }
0x7e: {  	_ =	shalt  }
0x7f: {  	_ =	shalt  }
0x80: {  	_ =	shalt  }
0x81: {  	_ =	shalt  }
0x82: {  	_ =	shalt  }
0x83: {  	_ =	shalt  }
0x84: {  	_ =	shalt  }
0x85: {  	_ =	shalt  }
0x86: {  	_ =	shalt  }
0x87: {  	_ =	shalt  }
.Lfunc_end0:
.L_simem_size_0:
called_computation.1_lowered:
.L_overlay_start_0:
0x88: {  	s2 =	sld [smem:$0x3FD9]  }
0x89: {  	s3 =	sld [smem:$0x3FFE];
	_ =	sdelay $0x1  }
0x8a: {  	s1 =	srdreg.scid  }
0x8b: {  	s0 =	sand.u32 $0x1, s1  }
0x8c: {  	s17 =	sshll.u32 s0, $0xA;
	s2 =	sadd.s32 s3, s2  }
0x8d: {  	s2 =	sadd.s32 s2, s17  }
0x8e: {  	[smem:$0x3FB6] =	sst s2  }
0x8f: {  	_ = 	snop  }
0x90: {  	s2 =	sld [smem:$0x3FD0];
	(tm) =	ssettm $0x1  }
0x91: {  	s18 =	sld [smem:$0x3FFB];
	_ =	sdelay $0x3  }
0x92: {  	_ =	strace s18  }
0x93: {  	s3 =	sld [smem:$0x3FFC];
	_ =	sdelay $0x3  }
0x94: {  	_ =	strace s3  }
0x95: {  	s3 =	sld [smem:$0x3FFD];
	_ =	sdelay $0x3  }
0x96: {  	_ =	strace s3  }
0x97: {  	_ =	strace $0x8FFFFFFF  }
0x98: {  	s19 =	sld [smem:$0x3FDB];
	_ =	sdelay $0x1  }
0x99: {  	s4 =	simm.s32 $_scs_section_size  }
0x9a: {  	s5 =	simm.s32 $_size__tile_overlayer_lowered;
	s6 =	simm.s32 $_tile_overlayer_lowered  }
0x9b: {  	s22 =	simm.s32 $0x1BFF;
	s21 =	sshll.u32 s6, $0x1;
	s3 =	sadd.s32 s4, s19  }
0x9c: {  	s7 =	simm.s32 $0x0;
	s20 =	sshll.u32 s5, $0x1;
	s5 =	sadd.s32 s21, s3  }
0x9d: {  	[timem:s7], [sflag:s22] =	dma.local [hbm:s5], s20  }
0x9e: {  	_ =	swait.ge [sflag:s22], s20  }
0x9f: {  	s4 =	ssub.s32 $0x0, s20;
	[sflag:s22] =	ssyncset.done $0x0  }
0xa0: {  	[sflag:s22] =	ssyncadd.s32 s4;
	_ =	sdelay $0x1  }
0xa1: {  	s23 =	simm.s32 $0x1B8B  }
0xa2: {  	_ =	swait.ge [sflag:s23], $0x1  }
0xa3: {  	[sflag:s23] =	ssyncset.done $0x0  }
0xa4: {  	s25 =	simm.s32 $0x1B8E;
	s24 =	sld [smem:$0x3FFE];
	[sflag:s23] =	ssyncadd.s32 $0xFFFFFFFF  }
0xa5: {  	s26 =	simm.s32 $execute0_lowered;
	[smem:$0x3FD2] =	sst s25  }
0xa6: {  	s5 =	sshll.u32 s26, $0x1;
	_ =	strace $0x80000049;
	[dreg:$0x1] =	wrdreg $0xFFFFFFFF  }
0xa7: {  	s28 =	simm.s32 $_size_execute0_lowered;
	s3 =	sadd.s32 s3, s5;
	[dreg:$0x0] =	wrdreg $0x0  }
0xa8: {  	s5 =	sshll.u32 s28, $0x1;
	[dreg:$0x2] =	wrdreg s3  }
0xa9: {  	[dreg:$0x3] =	wrdreg s5  }
0xaa: {  	[dreg:$0x4] =	wrdreg $0xC0  }
0xab: {  	_ =	task [dreg:s7], $0x5FFFF  }
0xac: {  	[dreg:$0x1] =	wrdreg $0xFFFFFFFF  }
0xad: {  	[dreg:$0x0] =	wrdreg $0x60  }
0xae: {  	[dreg:$0x2] =	wrdreg s2  }
0xaf: {  	[dreg:$0x3] =	wrdreg s24  }
0xb0: {  	[dreg:$0x4] =	wrdreg $0x98000  }
0xb1: {  	[dreg:$0x5] =	wrdreg $0x9  }
0xb2: {  	_ =	task.clear_ibuf [dreg:s7], $0x6FFFF;
	_ =	strace $0x90000049  }
0xb3: {  	s29 =	simm.s32 $0x9;
	_ =	strace $0x8000004B  }
0xb4: {  	_ =	swait.ge [sflag:s29], $0x1  }
0xb5: {  	[sflag:s29] =	ssyncadd.s32 $0xFFFFFFFF  }
0xb6: {  	_ =	strace $0x9000004B  }
0xb7: {  	_ =	sfence  }
0xb8: {  	s30 =	sld [smem:$0x0];
	_ =	sdelay $0x2  }
0xb9: {  	s31 =	sshll.u32 s1, $0xD;
	s1 =	sshrl.u32 s1, $0x2  }
0xba: {  	s3 =	sand.u32 $0x4000, s31;
	s1 =	sadd.s32 s1, s30  }
0xbb: {  	s0 =	sor.u32 s3, s0;
	s1 =	sshll.u32 s1, $0x11  }
0xbc: {  	s0 =	sor.u32 s1, s0  }
0xbd: {  	s0 =	sadd.s32 $0x8F2B, s0  }
0xbe: {  	[sflag:s0] =	ssyncadd.remote.s32 $0x1  }
0xbf: {  	_ =	sfence.sel $0xFFFF  }
0xc0: {  	[dreg:$0x0] =	wrdreg $0xFFFFFFFF;
	(pc) =	sbr.abs _section_cstart, $3  }
0xc1: {  	[dreg:$0x1] =	wrdreg $0xFFFFFFFF  }
0xc2: {  	_ =	task.clear_ibuf [dreg:s7], $0x2FFFF;
	_ =	strace $0x9FFFFFFF  }
0xc3: {  	(tm) =	ssettm $0x7FFFFFFF  }
tec
execute0_lowered:
.L_overlay_start_1:
0x0: {  	(tag) =	ssettag $0x1  }
0x1: {  	s0 =	rddreg [dreg:$0x0]  }
0x2: {  	s1 =	srdreg.scid;
	s5 =	rddreg [dreg:$0x1]  }
0x3: {  	s9 =	stileid.u32;
	s2 =	rddreg [dreg:$0x2]  }
0x4: {  	s3 =	simm.s32 $0x0;
	s12 =	simm.s32 $0x64;
	s13 =	simm.s32 $0x6400  }
0x5: {  	s14 =	simm.s32 $0x1;
	s15 =	simm.s32 $0x0;
	s4 =	sand.u32 $0x1, s1  }
0x6: {  	[smem:$0x7FF] =	sst s3;
	p0 =	sne.s32 s9, $0x0;
	s1 =	sshll.u32 s4, $0x4  }
0x7: {  	s7 =	smul.u32 $0x27100, s4;
	s8 =	ssub.s32 $0x2, s4;
	s4 =	sadd.s32 $0x1BE00, s5  }
0x8: {  	s11 =	sshrl.u32 @!p0 s2, $0x3;
	s6 =	sor.u32 s9, s1;
	s1 =	rddreg [dreg:$0x3]  }
0x9: {  	_ =	strace $0x8000004A;
	s10 =	sshrl.u32 s8, $0x1;
	s6 =	smul.u32 $0x640, s6  }
0xa: {  	s9 =	simm.s32 $0x2;
	s7 =	sadd.s32 s7, s5;
	s8 =	ssub.s32 s8, s10  }
0xb: {  	s10 =	simm.s32 $0x3200;
	s7 =	sadd.s32 $0x43000, s7;
	s6 =	sadd.s32 s6, s5  }
0xc: {  	s8 =	smax.u32 s8, $0x1;
	s5 =	sadd.s32 $0x2800, s6;
	s6 =	sadd.s32 $0xF600, s6  }
.LBB2_1:
0xd: {  	[tilespmem:s3], [sflag:$0x2] =	stream.linear.gather [hbm4b:s5+s3], $0x3200, $0x38;
	[tilespmem:$0x1D080] =	vst v63  }
0xe: {  	_ =	swait.ge [sflag:s9], $0x3200  }
0xf: {  	[sflag:s9] =	ssyncset.done $0x0  }
0x10: {  	[sflag:s9] =	ssyncadd.s32 $0xFFFFCE00  }
0x11: {  	[tilespmem:s10], [sflag:$0x2] =	stream.linear.gather [hbm4b:s6+s3], $0x3200, $0x38;
	[tilespmem:$0x1D080] =	vst v63  }
0x12: {  	_ =	swait.ge [sflag:s9], $0x3200  }
0x13: {  	[sflag:s9] =	ssyncset.done $0x0  }
0x14: {  	s16 =	simm.s32 @!p0 $0x1C02;
	[sflag:s9] =	ssyncadd.s32 $0xFFFFCE00  }
0x15: {  	[spmem:s11], [sflag:s16] =	dma.local @!p0 [hbm:s4], $0x27100  }
0x16: {  	s16 =	simm.s32 @!p0 $0x2  }
0x17: {  	_ =	swait.ge @!p0 [sflag:s16], $0x27100  }
0x18: {  	[sflag:s16] =	ssyncset.done @!p0 $0x0  }
0x19: {  	[sflag:s16] =	ssyncadd.s32 @!p0 $0xFFFD8F00  }
0x1a: {  	s30 =	simm.s32 $0x0;
	[bflag:$0x0] =	sbarrier.arrive $0xFFFF  }
0x1b: {  	[tilespmem:s13], [sflag:$0x1] =	stream.indirect.gather [hbm4b:s0+s12], $0x80, s30, s12, $0xb8;
	[tilespmem:$0x1D080] =	vst v63  }
0x1c: {  	_ =	swait.ge [sflag:s14], $0x3200  }
0x1d: {  	[sflag:s14] =	ssyncset.done $0x0  }
0x1e: {  	s31 =	simm.s32 $0x3200;
	[sflag:s14] =	ssyncadd.s32 $0xFFFFCE00  }
0x1f: {  	[spmem:s2] =	stream.indirect.scatter.add.f32 [tilespmem:s13], [sflag:$0x2], $0x80, s31, s12, $0xb8;
	[tilespmem:$0x1D080] =	vst v63  }
0x20: {  	_ =	swait.ge [sflag:s9], $0x3200  }
0x21: {  	s17 =	simm.s32 $0x400;
	s16 =	simm.s32 $0x200;
	[sflag:s9] =	ssyncset.done $0x0  }
.LBB2_2:
0x22: {  	s18 =	sshra.s32 s16, $0x2  }
0x23: {  	[sflag:s9] =	ssyncadd.s32 $0xFFFFCE00;
	s16 =	smov.u32 s17;
	s19 =	sadd.s32 $0x200, s17  }
0x24: {  	[tilespmem:s13], [sflag:$0x1] =	stream.indirect.gather [hbm4b:s0+s12], $0x80, s18, s12, $0xb8;
	[tilespmem:$0x1D080] =	vst v63  }
0x25: {  	p1 =	sne.s32 s17, $0xC600;
	_ =	swait.ge [sflag:s14], $0x3200  }
.Ltmp0:
0x26: {  	[sflag:s14] =	ssyncset.done $0x0;
	(pc) =	sbr.rel @p1 .LBB2_2-.Ltmp0, $4  }
0x27: {  	s17 =	sadd.s32 $0x3200, s18;
	[sflag:s14] =	ssyncadd.s32 $0xFFFFCE00  }
0x28: {  	[spmem:s2] =	stream.indirect.scatter.add.f32 [tilespmem:s13], [sflag:$0x2], $0x80, s17, s12, $0xb8;
	[tilespmem:$0x1D080] =	vst v63  }
0x29: {  	_ =	swait.ge [sflag:s9], $0x3200  }
0x2a: {  	s17 =	smov.u32 s19;
	[sflag:s9] =	ssyncset.done $0x0  }
0x2b: {  	s16 =	sshra.s32 s16, $0x2;
	[sflag:s9] =	ssyncadd.s32 $0xFFFFCE00  }
0x2c: {  	[tilespmem:s13], [sflag:$0x1] =	stream.indirect.gather [hbm4b:s0+s12], $0x80, s16, s12, $0xb8;
	[tilespmem:$0x1D080] =	vst v63  }
0x2d: {  	_ =	swait.ge [sflag:s14], $0x3200  }
0x2e: {  	[sflag:s14] =	ssyncset.done $0x0  }
0x2f: {  	s16 =	sadd.s32 $0x3200, s16;
	[sflag:s14] =	ssyncadd.s32 $0xFFFFCE00  }
0x30: {  	[spmem:s2] =	stream.indirect.scatter.add.f32 [tilespmem:s13], [sflag:$0x2], $0x80, s16, s12, $0xb8;
	[tilespmem:$0x1D080] =	vst v63  }
0x31: {  	_ =	swait.ge [sflag:s9], $0x3200  }
0x32: {  	[sflag:s9] =	ssyncset.done $0x0  }
0x33: {  	s15 =	sadd.s32 $0x1, s15;
	[sflag:s9] =	ssyncadd.s32 $0xFFFFCE00  }
0x34: {  	p1 =	sne.s32 s15, s8;
	s16 =	simm.s32 @!p0 $0x1C02;
	[bflag:$0x0] =	sbarrier.arrive $0xFFFF  }
0x35: {  	[hbm:s7], [sflag:s16] =	dma.local @!p0 [spmem:s11], $0x27100  }
.Ltmp1:
0x36: {  	_ = 	snop;
	(pc) =	sbr.rel @p1 .LBB2_1-.Ltmp1, $4  }
0x37: {  	s16 =	simm.s32 @!p0 $0x2  }
0x38: {  	_ =	swait.ge @!p0 [sflag:s16], $0x27100  }
0x39: {  	[sflag:s16] =	ssyncset.done @!p0 $0x0  }
0x3a: {  	[sflag:s16] =	ssyncadd.s32 @!p0 $0xFFFD8F00  }
0x3b: {  	_ =	sfence.sel $0x180000  }
0x3c: {  	[bflag:$0x0] =	sbarrier.arrive $0xFFFF  }
0x3d: {  	_ =	strace $0x9000004A  }
0x3e: {  	s0 =	sadd.s32 @!p0 $0x100000, s1;
	[bflag:$0x2] =	sbarrier.arrive $0xFFFF  }
0x3f: {  	[sflag:s0] =	ssyncadd.tile.s32 @!p0 $0x1;
	_ =	shalt  }
.Lfunc_end2:
_tile_overlayer_lowered:
.L_overlay_start_2:
0x40: {  	(tag) =	ssettag $0x2  }
0x41: {  	s0 =	rddreg [dreg:$0x0];
	s2 =	stileid.u32  }
0x42: {  	s1 =	rddreg [dreg:$0x1];
	p0 =	sne.s32 s2, $0x0  }
0x43: {  	s3 =	rddreg [dreg:$0x2];
	[bflag:$0x3] =	sbarrier.arrive $0xFFFF;
	s2 =	simm.s32 @!p0 $0x1C02  }
0x44: {  	[timem:s3], [sflag:s2] =	dma.local @!p0 [hbm:s0], s1  }
0x45: {  	s0 =	simm.s32 @!p0 $0x2  }
0x46: {  	_ =	swait.ge @!p0 [sflag:s0], s1  }
0x47: {  	s1 =	ssub.s32 @!p0 $0x0, s1;
	[sflag:s0] =	ssyncset.done @!p0 $0x0  }
0x48: {  	[sflag:s0] =	ssyncadd.s32 @!p0 s1  }
0x49: {  	[bflag:$0x3] =	sbarrier.arrive $0xFFFF  }
0x4a: {  	_ =	shalt  }

// kernel: kernel.8.cloned.1.call-start
scs
__scs_entry_jumppad:
0x0: {  	(pc) =	sbr.rel $0x88, $3  }
0x1: {  	(tag) =	ssettag $0x0;
	lr =	simm.s32 $0x1  }
0x2: {  	[smem:$0x3F8F] =	sst lr;
	_ =	strace $0xD0000000  }
0x3: {  	_ = 	snop  }
0x4: {  	_ = 	snop  }
0x5: {  	_ = 	snop  }
0x6: {  	_ = 	snop  }
0x7: {  	_ = 	snop  }
__scs_overlays_trampoline_lowered:
0x8: {  	[smem:$0x3F9E] =	sst s0  }
0x9: {  	[smem:$0x3F9F] =	sst s1  }
0xa: {  	[smem:$0x3FA0] =	sst s2  }
0xb: {  	[smem:$0x3FA1] =	sst s3  }
0xc: {  	[smem:$0x3FA2] =	sst s4  }
0xd: {  	[smem:$0x3FA3] =	sst s5  }
0xe: {  	[smem:$0x3FA4] =	sst s6  }
0xf: {  	[smem:$0x3FA5] =	sst s7  }
0x10: {  	[smem:$0x3FA6] =	sst s8  }
0x11: {  	[smem:$0x3FA7] =	sst s9;
	s0 =	simm.s32 @!p0 $0x0  }
0x12: {  	s1 =	sld [smem:$0x3F8D];
	s0 =	simm.s32 @p0 $0x1  }
0x13: {  	[smem:$0x3FA8] =	sst s0;
	s0 =	simm.s32 @!p1 $0x0  }
0x14: {  	s2 =	sld [smem:$0x3F8C];
	s0 =	simm.s32 @p1 $0x1  }
0x15: {  	[smem:$0x3FA9] =	sst s0;
	s0 =	simm.s32 @!p2 $0x0  }
0x16: {  	s3 =	sld [smem:$0x3FDB];
	s0 =	simm.s32 @p2 $0x1  }
0x17: {  	s4 =	simm.s32 $0x1BF5;
	[smem:$0x3FAB] =	sst s0  }
0x18: {  	s0 =	sld [smem:$0x3F8E];
	_ =	swait.ge [sflag:s4], $0x0  }
0x19: {  	s7 =	sld [smem:$0x3F8F]  }
0x1a: {  	s8 =	sadd.s32 $0xFFFFE003, lr  }
0x1b: {  	s9 =	sadd.s32 $0xFFFFFEF7, lr;
	s5 =	simm.s32 $0xFFFFFFFF;
	p2 =	slt.u32 s8, $0xFFFFF086  }
0x1c: {  	p1 =	slt.u32 s9, $0xF7A;
	s5 =	simm.s32 @!p2 $0x0  }
0x1d: {  	s5 =	simm.s32 @p1 $0x1;
	p0 =	seq.s32 s7, s2  }
0x1e: {  	s7 =	smul.u32 @!p0 $0xF7A, s2;
	p2 =	seq.s32 @!p0 s5, $0x0  }
0x1f: {  	s9 =	smul.u32 $0xF7A, s1;
	s8 =	simm.s32 @!p0 $0x1BF5;
	p2 =	por !p2, p0  }
0x20: {  	[sflag:s8] =	ssyncset.s32 @!p0 $0xFFFFF086;
	s6 =	sadd.s32 @!p0 s3, s7;
	s7 =	simm.s32 @!p0 $0x108  }
0x21: {  	s3 =	sadd.s32 s3, s9;
	s6 =	sadd.s32 @!p0 $0x88, s6;
	s7 =	simm.s32 @p2 $0x1082  }
0x22: {  	[simem:s7], [sflag:s8] =	dma.local @!p0 [hbm:s6], $0xF7A  }
0x23: {  	s9 =	sor.u32 $0xD0000000, s2;
	s6 =	simm.s32 $0x108;
	_ =	swait.ge @!p0 [sflag:s8], $0x0  }
0x24: {  	s3 =	sadd.s32 $0x88, s3;
	s6 =	simm.s32 @!p1 $0x1082;
	[sflag:s4] =	ssyncset.s32 $0xFFFFF086  }
0x25: {  	[simem:s6], [sflag:s4] =	dma.local [hbm:s3], $0xF7A  }
0x26: {  	[smem:$0x3F8F] =	sst s1;
	(tag) =	ssettag s2;
	_ =	strace s9  }
0x27: {  	s1 =	sld [smem:$0x3F9F]  }
0x28: {  	s2 =	sld [smem:$0x3FA0]  }
0x29: {  	s4 =	sld [smem:$0x3FA2]  }
0x2a: {  	p0 =	seq.s32 s5, $0x0;
	s5 =	sld [smem:$0x3FA3]  }
0x2b: {  	s6 =	sld [smem:$0x3FA4]  }
0x2c: {  	s7 =	sld [smem:$0x3FA5]  }
0x2d: {  	s3 =	simm.s32 $0x108;
	s8 =	sld [smem:$0x3FA6]  }
0x2e: {  	s3 =	simm.s32 @!p0 $0x1082;
	s9 =	sld [smem:$0x3FA7]  }
0x2f: {  	lr =	sadd.s32 s0, s3;
	s0 =	sld [smem:$0x3F9E]  }
0x30: {  	s3 =	sld [smem:$0x3FA1]  }
0x31: {  	[smem:$0x3FAA] =	sst s10  }
0x32: {  	s10 =	sld [smem:$0x3FA8];
	_ =	sdelay $0x3  }
0x33: {  	p0 =	seq.s32 s10, $0x1;
	s10 =	sld [smem:$0x3FAA];
	_ =	sdelay $0x3  }
0x34: {  	[smem:$0x3FAA] =	sst s10  }
0x35: {  	s10 =	sld [smem:$0x3FA9];
	_ =	sdelay $0x3  }
0x36: {  	p1 =	seq.s32 s10, $0x1;
	s10 =	sld [smem:$0x3FAA];
	_ =	sdelay $0x3  }
0x37: {  	[smem:$0x3FAA] =	sst s10  }
0x38: {  	s10 =	sld [smem:$0x3FAB]  }
0x39: {  	_ = 	snop;
	(pc) =	sbr.ind lr, $3  }
0x3a: {  	_ = 	snop  }
0x3b: {  	_ = 	snop  }
0x3c: {  	p2 =	seq.s32 s10, $0x1;
	s10 =	sld [smem:$0x3FAA]  }
0x3d: {  	_ =	shalt  }
0x3e: {  	_ =	shalt  }
0x3f: {  	_ =	shalt  }
0x40: {  	_ =	shalt  }
0x41: {  	_ =	shalt  }
0x42: {  	_ =	shalt  }
0x43: {  	_ =	shalt  }
0x44: {  	_ =	shalt  }
0x45: {  	_ =	shalt  }
0x46: {  	_ =	shalt  }
0x47: {  	_ =	shalt  }
0x48: {  	_ =	shalt  }
0x49: {  	_ =	shalt  }
0x4a: {  	_ =	shalt  }
0x4b: {  	_ =	shalt  }
0x4c: {  	_ =	shalt  }
0x4d: {  	_ =	shalt  }
0x4e: {  	_ =	shalt  }
0x4f: {  	_ =	shalt  }
0x50: {  	_ =	shalt  }
0x51: {  	_ =	shalt  }
0x52: {  	_ =	shalt  }
0x53: {  	_ =	shalt  }
0x54: {  	_ =	shalt  }
0x55: {  	_ =	shalt  }
0x56: {  	_ =	shalt  }
0x57: {  	_ =	shalt  }
0x58: {  	_ =	shalt  }
0x59: {  	_ =	shalt  }
0x5a: {  	_ =	shalt  }
0x5b: {  	_ =	shalt  }
0x5c: {  	_ =	shalt  }
0x5d: {  	_ =	shalt  }
0x5e: {  	_ =	shalt  }
0x5f: {  	_ =	shalt  }
0x60: {  	_ =	shalt  }
0x61: {  	_ =	shalt  }
0x62: {  	_ =	shalt  }
0x63: {  	_ =	shalt  }
0x64: {  	_ =	shalt  }
0x65: {  	_ =	shalt  }
0x66: {  	_ =	shalt  }
0x67: {  	_ =	shalt  }
0x68: {  	_ =	shalt  }
0x69: {  	_ =	shalt  }
0x6a: {  	_ =	shalt  }
0x6b: {  	_ =	shalt  }
0x6c: {  	_ =	shalt  }
0x6d: {  	_ =	shalt  }
0x6e: {  	_ =	shalt  }
0x6f: {  	_ =	shalt  }
0x70: {  	_ =	shalt  }
0x71: {  	_ =	shalt  }
0x72: {  	_ =	shalt  }
0x73: {  	_ =	shalt  }
0x74: {  	_ =	shalt  }
0x75: {  	_ =	shalt  }
0x76: {  	_ =	shalt  }
0x77: {  	_ =	shalt  }
0x78: {  	_ =	shalt  }
0x79: {  	_ =	shalt  }
0x7a: {  	_ =	shalt  }
0x7b: {  	_ =	shalt  }
0x7c: {  	_ =	shalt  }
0x7d: {  	_ =	shalt  }
0x7e: {  	_ =	shalt  }
0x7f: {  	_ =	shalt  }
0x80: {  	_ =	shalt  }
0x81: {  	_ =	shalt  }
0x82: {  	_ =	shalt  }
0x83: {  	_ =	shalt  }
0x84: {  	_ =	shalt  }
0x85: {  	_ =	shalt  }
0x86: {  	_ =	shalt  }
0x87: {  	_ =	shalt  }
.Lfunc_end0:
.L_simem_size_0:
called_computation_lowered:
.L_overlay_start_0:
0x88: {  	s2 =	sld [smem:$0x3FD9]  }
0x89: {  	s3 =	sld [smem:$0x3FFE];
	_ =	sdelay $0x1  }
0x8a: {  	s1 =	srdreg.scid  }
0x8b: {  	s0 =	sand.u32 $0x1, s1  }
0x8c: {  	s17 =	sshll.u32 s0, $0xA;
	s2 =	sadd.s32 s3, s2  }
0x8d: {  	s2 =	sadd.s32 s2, s17  }
0x8e: {  	[smem:$0x3FB6] =	sst s2  }
0x8f: {  	_ = 	snop  }
0x90: {  	s2 =	sld [smem:$0x3FD0];
	(tm) =	ssettm $0x1  }
0x91: {  	s18 =	sld [smem:$0x3FFB];
	_ =	sdelay $0x3  }
0x92: {  	_ =	strace s18  }
0x93: {  	s3 =	sld [smem:$0x3FFC];
	_ =	sdelay $0x3  }
0x94: {  	_ =	strace s3  }
0x95: {  	s3 =	sld [smem:$0x3FFD];
	_ =	sdelay $0x3  }
0x96: {  	_ =	strace s3  }
0x97: {  	_ =	strace $0x8FFFFFFF  }
0x98: {  	s19 =	sld [smem:$0x3FDB];
	_ =	sdelay $0x1  }
0x99: {  	s4 =	simm.s32 $_scs_section_size  }
0x9a: {  	s5 =	simm.s32 $_size__tile_overlayer_lowered;
	s6 =	simm.s32 $_tile_overlayer_lowered  }
0x9b: {  	s22 =	simm.s32 $0x1BFF;
	s21 =	sshll.u32 s6, $0x1;
	s3 =	sadd.s32 s4, s19  }
0x9c: {  	s7 =	simm.s32 $0x0;
	s20 =	sshll.u32 s5, $0x1;
	s5 =	sadd.s32 s21, s3  }
0x9d: {  	[timem:s7], [sflag:s22] =	dma.local [hbm:s5], s20  }
0x9e: {  	_ =	swait.ge [sflag:s22], s20  }
0x9f: {  	s4 =	ssub.s32 $0x0, s20;
	[sflag:s22] =	ssyncset.done $0x0  }
0xa0: {  	[sflag:s22] =	ssyncadd.s32 s4;
	_ =	sdelay $0x1  }
0xa1: {  	s23 =	simm.s32 $0x1B8B  }
0xa2: {  	_ =	swait.ge [sflag:s23], $0x1  }
0xa3: {  	[sflag:s23] =	ssyncset.done $0x0  }
0xa4: {  	s25 =	simm.s32 $0x1B8E;
	s24 =	sld [smem:$0x3FFE];
	[sflag:s23] =	ssyncadd.s32 $0xFFFFFFFF  }
0xa5: {  	s26 =	simm.s32 $execute0_lowered;
	[smem:$0x3FD2] =	sst s25  }
0xa6: {  	s5 =	sshll.u32 s26, $0x1;
	_ =	strace $0x80000046;
	[dreg:$0x1] =	wrdreg $0xFFFFFFFF  }
0xa7: {  	s28 =	simm.s32 $_size_execute0_lowered;
	s3 =	sadd.s32 s3, s5;
	[dreg:$0x0] =	wrdreg $0x0  }
0xa8: {  	s5 =	sshll.u32 s28, $0x1;
	[dreg:$0x2] =	wrdreg s3  }
0xa9: {  	[dreg:$0x3] =	wrdreg s5  }
0xaa: {  	[dreg:$0x4] =	wrdreg $0xC0  }
0xab: {  	_ =	task [dreg:s7], $0x5FFFF  }
0xac: {  	[dreg:$0x1] =	wrdreg $0xFFFFFFFF  }
0xad: {  	[dreg:$0x0] =	wrdreg $0x60  }
0xae: {  	[dreg:$0x2] =	wrdreg s24  }
0xaf: {  	[dreg:$0x3] =	wrdreg s2  }
0xb0: {  	[dreg:$0x4] =	wrdreg $0x32800  }
0xb1: {  	[dreg:$0x5] =	wrdreg $0x9  }
0xb2: {  	_ =	task.clear_ibuf [dreg:s7], $0x6FFFF;
	_ =	strace $0x90000046  }
0xb3: {  	s29 =	simm.s32 $0x9;
	_ =	strace $0x80000048  }
0xb4: {  	_ =	swait.ge [sflag:s29], $0x1  }
0xb5: {  	[sflag:s29] =	ssyncadd.s32 $0xFFFFFFFF  }
0xb6: {  	_ =	strace $0x90000048  }
0xb7: {  	_ =	sfence  }
0xb8: {  	s30 =	sld [smem:$0x0];
	_ =	sdelay $0x2  }
0xb9: {  	s31 =	sshll.u32 s1, $0xD;
	s1 =	sshrl.u32 s1, $0x2  }
0xba: {  	s3 =	sand.u32 $0x4000, s31;
	s1 =	sadd.s32 s1, s30  }
0xbb: {  	s0 =	sor.u32 s3, s0;
	s1 =	sshll.u32 s1, $0x11  }
0xbc: {  	s0 =	sor.u32 s1, s0  }
0xbd: {  	s0 =	sadd.s32 $0x8F2B, s0  }
0xbe: {  	[sflag:s0] =	ssyncadd.remote.s32 $0x1  }
0xbf: {  	_ =	sfence.sel $0xFFFF  }
0xc0: {  	[dreg:$0x0] =	wrdreg $0xFFFFFFFF;
	(pc) =	sbr.abs _section_cstart, $3  }
0xc1: {  	[dreg:$0x1] =	wrdreg $0xFFFFFFFF  }
0xc2: {  	_ =	task.clear_ibuf [dreg:s7], $0x2FFFF;
	_ =	strace $0x9FFFFFFF  }
0xc3: {  	(tm) =	ssettm $0x7FFFFFFF  }
tec
execute0_lowered:
.L_overlay_start_1:
0x0: {  	(tag) =	ssettag $0x1  }
0x1: {  	s3 =	rddreg [dreg:$0x0]  }
0x2: {  	s0 =	srdreg.scid;
	s5 =	rddreg [dreg:$0x1]  }
0x3: {  	s1 =	rddreg [dreg:$0x2];
	s7 =	stileid.u32  }
0x4: {  	s2 =	simm.s32 $0x0;
	s4 =	sand.u32 $0x1, s0;
	s0 =	rddreg [dreg:$0x3]  }
0x5: {  	s11 =	simm.s32 $0x3200;
	s12 =	simm.s32 $0x0;
	[smem:$0x7FF] =	sst s2  }
0x6: {  	p0 =	sne.s32 s7, $0x0;
	s6 =	sshll.u32 s4, $0x4;
	_ =	strace $0x80000047  }
0x7: {  	s8 =	ssub.s32 $0x2, s4;
	s10 =	smul.u32 $0x4F0, s4;
	s6 =	sor.u32 s7, s6  }
0x8: {  	s9 =	sshrl.u32 s8, $0x1;
	s7 =	simm.s32 $0x1;
	s6 =	smul.u32 $0x640, s6  }
0x9: {  	s8 =	ssub.s32 s8, s9;
	s5 =	sadd.s32 s5, s10;
	s9 =	sshrl.u32 @!p0 s1, $0x3  }
0xa: {  	s10 =	simm.s32 $0x64;
	s6 =	sadd.s32 s6, s3;
	s3 =	sadd.s32 $0xF000, s3  }
0xb: {  	v0 =	vimm.f32 $1.000000000e+00;
	s4 =	sadd.s32 $0x2800, s6;
	s6 =	smax.u32 s8, $0x1;
	s8 =	simm.s32 $0x3260  }
.LBB2_1:
0xc: {  	[tilespmem:s2], [sflag:$0x1] =	stream.linear.gather [hbm4b:s4+s2], $0x3200, $0x38;
	[tilespmem:$0x34F8] =	vst v63  }
0xd: {  	_ =	swait.ge [sflag:s7], $0x3200  }
0xe: {  	[sflag:s7] =	ssyncset.done $0x0  }
0xf: {  	[sflag:s7] =	ssyncadd.s32 $0xFFFFCE00  }
0x10: {  	[tilespmem:$0x3200] =	vst v0  }
0x11: {  	[tilespmem:$0x3210] =	vst v0  }
0x12: {  	[tilespmem:$0x3220] =	vst v0  }
0x13: {  	[tilespmem:$0x3230] =	vst v0  }
0x14: {  	[tilespmem:$0x3240] =	vst v0  }
0x15: {  	[tilespmem:$0x3250] =	vst v0  }
0x16: {  	s13 =	simm.s32 @!p0 $0x1C01;
	[tilespmem:s8+$0x0] =	vst.msk $0xf, v0  }
0x17: {  	[spmem:s9], [sflag:s13] =	dma.local @!p0 [hbm:s3], $0x4F0  }
0x18: {  	s13 =	simm.s32 @!p0 $0x1  }
0x19: {  	_ =	swait.ge @!p0 [sflag:s13], $0x4F0  }
0x1a: {  	[sflag:s13] =	ssyncset.done @!p0 $0x0  }
0x1b: {  	[sflag:s13] =	ssyncadd.s32 @!p0 $0xFFFFFB10  }
0x1c: {  	s31 =	simm.s32 $0x0;
	[bflag:$0x0] =	sbarrier.arrive $0xFFFF  }
0x1d: {  	[spmem:s1] =	stream.indirect.scatter.add.f32 [tilespmem:s11], [sflag:$0x1], $0x1, s31, s10, $0xb8;
	[tilespmem:$0x34F8] =	vst v63  }
0x1e: {  	_ =	swait.ge [sflag:s7], $0x64  }
0x1f: {  	s13 =	simm.s32 $0x200;
	[sflag:s7] =	ssyncset.done $0x0  }
.LBB2_2:
0x20: {  	s14 =	sshra.s32 s13, $0x2;
	[sflag:s7] =	ssyncadd.s32 $0xFFFFFF9C;
	p1 =	sne.s32 s13, $0xC600  }
0x21: {  	[spmem:s1] =	stream.indirect.scatter.add.f32 [tilespmem:s11], [sflag:$0x1], $0x1, s14, s10, $0xb8;
	[tilespmem:$0x34F8] =	vst v63  }
.Ltmp0:
0x22: {  	_ = 	snop;
	(pc) =	sbr.rel @p1 .LBB2_2-.Ltmp0, $4  }
0x23: {  	_ = 	snop  }
0x24: {  	s13 =	sadd.s32 $0x200, s13  }
0x25: {  	_ =	swait.ge [sflag:s7], $0x64  }
0x26: {  	[sflag:s7] =	ssyncset.done $0x0  }
0x27: {  	[sflag:s7] =	ssyncadd.s32 $0xFFFFFF9C;
	s12 =	sadd.s32 $0x1, s12  }
0x28: {  	s13 =	simm.s32 @!p0 $0x1C01;
	[bflag:$0x0] =	sbarrier.arrive $0xFFFF;
	p1 =	sne.s32 s12, s6  }
0x29: {  	[hbm:s5], [sflag:s13] =	dma.local @!p0 [spmem:s9], $0x4F0  }
.Ltmp1:
0x2a: {  	_ = 	snop;
	(pc) =	sbr.rel @p1 .LBB2_1-.Ltmp1, $4  }
0x2b: {  	s13 =	simm.s32 @!p0 $0x1  }
0x2c: {  	_ =	swait.ge @!p0 [sflag:s13], $0x4F0  }
0x2d: {  	[sflag:s13] =	ssyncset.done @!p0 $0x0  }
0x2e: {  	[sflag:s13] =	ssyncadd.s32 @!p0 $0xFFFFFB10  }
0x2f: {  	_ =	sfence.sel $0x180000  }
0x30: {  	[bflag:$0x0] =	sbarrier.arrive $0xFFFF  }
0x31: {  	_ =	strace $0x90000047  }
0x32: {  	s0 =	sadd.s32 @!p0 $0x100000, s0;
	[bflag:$0x2] =	sbarrier.arrive $0xFFFF  }
0x33: {  	[sflag:s0] =	ssyncadd.tile.s32 @!p0 $0x1;
	_ =	shalt  }
.Lfunc_end2:
_tile_overlayer_lowered:
.L_overlay_start_2:
0x34: {  	(tag) =	ssettag $0x2  }
0x35: {  	s0 =	rddreg [dreg:$0x0];
	s2 =	stileid.u32  }
0x36: {  	s1 =	rddreg [dreg:$0x1];
	p0 =	sne.s32 s2, $0x0  }
0x37: {  	s3 =	rddreg [dreg:$0x2];
	[bflag:$0x3] =	sbarrier.arrive $0xFFFF;
	s2 =	simm.s32 @!p0 $0x1C01  }
0x38: {  	[timem:s3], [sflag:s2] =	dma.local @!p0 [hbm:s0], s1  }
0x39: {  	s0 =	simm.s32 @!p0 $0x1  }
0x3a: {  	_ =	swait.ge @!p0 [sflag:s0], s1  }
0x3b: {  	s1 =	ssub.s32 @!p0 $0x0, s1;
	[sflag:s0] =	ssyncset.done @!p0 $0x0  }
0x3c: {  	[sflag:s0] =	ssyncadd.s32 @!p0 s1  }
0x3d: {  	[bflag:$0x3] =	sbarrier.arrive $0xFFFF  }
0x3e: {  	_ =	shalt  }

</sc_bundles>
